<compile_context>
chip_gen: v7x
topology: tpu7x:2x2x1
jax: 0.10.2.dev20260603
libtpu: 0.0.44.dev20260713+nightly
codegen_flags: <defaults>
</compile_context>

<pallas_src>
import functools

import jax
import jax.numpy as jnp
from jax import lax
from jax.experimental import pallas as pl
from jax.experimental.pallas import tpu as pltpu
from jax.experimental.pallas import tpu_sc as plsc

N = 10000
E = 320000
NC = 2
NS = 16
K = 64
CH = 160
SCH = 32
NST = CH // SCH
NBUF = 4
E_PAD = NC * NS * CH * K
AGG_ROWS = 10112
TROWS = AGG_ROWS // NS
BR = 2000


def _sc_aggregate(g, src_r, dst_r, feat):
    mesh = plsc.VectorSubcoreMesh(
        core_axis_name="c", subcore_axis_name="s", num_cores=NC, num_subcores=NS
    )

    @functools.partial(
        pl.kernel,
        out_type=jax.ShapeDtypeStruct((NC, AGG_ROWS, feat), jnp.float32),
        mesh=mesh,
        scratch_types=[
            pltpu.VMEM((2, SCH, K), jnp.int32),
            pltpu.VMEM((2, SCH, K), jnp.int32),
            pltpu.VMEM((NBUF, K, feat), jnp.float32),
            pltpu.VMEM_SHARED((AGG_ROWS, feat), jnp.float32),
            pltpu.SemaphoreType.DMA,
            pltpu.SemaphoreType.DMA,
        ],
    )
    def agg_kernel(
        g_hbm, src_hbm, dst_hbm, out_hbm, idx_s, idx_d, buf, acc, sem_g, sem_s
    ):
        cid = lax.axis_index("c")
        sid = lax.axis_index("s")

        pltpu.sync_copy(src_hbm.at[cid, sid, pl.ds(0, SCH)], idx_s.at[0])
        pltpu.sync_copy(dst_hbm.at[cid, sid, pl.ds(0, SCH)], idx_d.at[0])
        for b in range(NBUF - 1):
            pltpu.async_copy(g_hbm.at[idx_s.at[0, b]], buf.at[b], sem_g)

        zeros = jnp.zeros((16,), jnp.float32)

        def zero_body(i, _):
            r = i // (feat // 16)
            c = i % (feat // 16)
            buf[NBUF - 1, r, pl.ds(c * 16, 16)] = zeros
            return 0

        lax.fori_loop(0, K * (feat // 16), zero_body, 0)
        off = 0
        while off < TROWS:
            rows = min(K, TROWS - off)
            pltpu.sync_copy(
                buf.at[NBUF - 1, pl.ds(0, rows)],
                acc.at[pl.ds(sid * TROWS + off, rows)],
            )
            off += rows
        plsc.subcore_barrier()

        def chunk_body(j, _):
            st = j // SCH
            sp = st % 2
            jj = j % SCH
            p = j % NBUF
            pltpu.make_async_copy(
                g_hbm.at[idx_s.at[sp, jj]], buf.at[p], sem_g
            ).wait()
            pltpu.async_copy(buf.at[p], acc.at[idx_d.at[sp, jj]], sem_s, add=True)

            @pl.when(j >= 1)
            def _():
                jm = j - 1
                pltpu.make_async_copy(
                    buf.at[jm % NBUF],
                    acc.at[idx_d.at[(jm // SCH) % 2, jm % SCH]],
                    sem_s,
                ).wait()

            @pl.when(jnp.logical_and(jj == 8, st + 1 < NST))
            def _():
                base = pl.multiple_of((st + 1) * SCH, SCH)
                pltpu.sync_copy(
                    src_hbm.at[cid, sid, pl.ds(base, SCH)], idx_s.at[(st + 1) % 2]
                )
                pltpu.sync_copy(
                    dst_hbm.at[cid, sid, pl.ds(base, SCH)], idx_d.at[(st + 1) % 2]
                )

            @pl.when(j + NBUF - 1 < CH)
            def _():
                jn = j + NBUF - 1
                pltpu.async_copy(
                    g_hbm.at[idx_s.at[(jn // SCH) % 2, jn % SCH]],
                    buf.at[jn % NBUF],
                    sem_g,
                )

            return 0

        lax.fori_loop(0, CH, chunk_body, 0)
        jm = CH - 1
        pltpu.make_async_copy(
            buf.at[jm % NBUF],
            acc.at[idx_d.at[(jm // SCH) % 2, jm % SCH]],
            sem_s,
        ).wait()
        plsc.subcore_barrier()

        pltpu.sync_copy(
            acc.at[pl.ds(sid * TROWS, TROWS)],
            out_hbm.at[cid, pl.ds(sid * TROWS, TROWS)],
        )

    return agg_kernel(g, src_r, dst_r)


def _mm_body(x_ref, w_ref, o_ref):
    o_ref[...] = jnp.dot(
        x_ref[...].astype(jnp.bfloat16),
        w_ref[...].astype(jnp.bfloat16),
        preferred_element_type=jnp.float32,
    )


def _matmul(x, w):
    n, fin = x.shape
    fout = w.shape[1]
    return pl.pallas_call(
        _mm_body,
        grid=(n // BR,),
        in_specs=[
            pl.BlockSpec((BR, fin), lambda i: (i, 0)),
            pl.BlockSpec((fin, fout), lambda i: (0, 0)),
        ],
        out_specs=pl.BlockSpec((BR, fout), lambda i: (i, 0)),
        out_shape=jax.ShapeDtypeStruct((n, fout), jnp.float32),
    )(x, w)


def _combine_mm_body(g_ref, a0_ref, a1_ref, b_ref, w_ref, o_ref):
    h = g_ref[...] + a0_ref[0] + a1_ref[0] + b_ref[...]
    h = jnp.maximum(h, 0.0)
    o_ref[...] = jnp.dot(
        h.astype(jnp.bfloat16),
        w_ref[...].astype(jnp.bfloat16),
        preferred_element_type=jnp.float32,
    )


def _combine_matmul(g, agg, b, w):
    n, fin = g.shape
    fout = w.shape[1]
    return pl.pallas_call(
        _combine_mm_body,
        grid=(n // BR,),
        in_specs=[
            pl.BlockSpec((BR, fin), lambda i: (i, 0)),
            pl.BlockSpec((1, BR, fin), lambda i: (0, i, 0)),
            pl.BlockSpec((1, BR, fin), lambda i: (1, i, 0)),
            pl.BlockSpec((1, fin), lambda i: (0, 0)),
            pl.BlockSpec((fin, fout), lambda i: (0, 0)),
        ],
        out_specs=pl.BlockSpec((BR, fout), lambda i: (i, 0)),
        out_shape=jax.ShapeDtypeStruct((n, fout), jnp.float32),
    )(g, agg, agg, b.reshape(1, fin), w)


def _combine_relu_body(g_ref, a0_ref, a1_ref, b_ref, o_ref):
    o_ref[...] = jnp.maximum(g_ref[...] + a0_ref[0] + a1_ref[0] + b_ref[...], 0.0)


def _combine_relu(g, agg, b):
    n, f = g.shape
    return pl.pallas_call(
        _combine_relu_body,
        grid=(n // BR,),
        in_specs=[
            pl.BlockSpec((BR, f), lambda i: (i, 0)),
            pl.BlockSpec((1, BR, f), lambda i: (0, i, 0)),
            pl.BlockSpec((1, BR, f), lambda i: (1, i, 0)),
            pl.BlockSpec((1, f), lambda i: (0, 0)),
        ],
        out_specs=pl.BlockSpec((BR, f), lambda i: (i, 0)),
        out_shape=jax.ShapeDtypeStruct((n, f), jnp.float32),
    )(g, agg, agg, b.reshape(1, f))


def _final_mm_body(h_ref, a0_ref, a1_ref, w_ref, b_ref, o_ref):
    hh = h_ref[...] + a0_ref[0] + a1_ref[0]
    o_ref[...] = (
        jnp.dot(
            hh.astype(jnp.bfloat16),
            w_ref[...].astype(jnp.bfloat16),
            preferred_element_type=jnp.float32,
        )
        + b_ref[...]
    )


def _final_matmul(h, agg, w, b):
    n, fin = h.shape
    fout = w.shape[1]
    return pl.pallas_call(
        _final_mm_body,
        grid=(n // BR,),
        in_specs=[
            pl.BlockSpec((BR, fin), lambda i: (i, 0)),
            pl.BlockSpec((1, BR, fin), lambda i: (0, i, 0)),
            pl.BlockSpec((1, BR, fin), lambda i: (1, i, 0)),
            pl.BlockSpec((fin, fout), lambda i: (0, 0)),
            pl.BlockSpec((1, fout), lambda i: (0, 0)),
        ],
        out_specs=pl.BlockSpec((BR, fout), lambda i: (i, 0)),
        out_shape=jax.ShapeDtypeStruct((n, fout), jnp.float32),
    )(h, agg, agg, w, b.reshape(1, fout))


def kernel(x, edge_index, W1, b1, W2, b2, W3, b3, W4, b4):
    src = edge_index[0]
    dst = edge_index[1]
    pad = E_PAD - E
    pad_src = (jnp.arange(pad, dtype=jnp.int32) * 997) % N
    pad_dst = N + jnp.arange(pad, dtype=jnp.int32) % (AGG_ROWS - N)
    src_r = jnp.concatenate([src, pad_src]).reshape(NC, NS, CH, K)
    dst_r = jnp.concatenate([dst, pad_dst]).reshape(NC, NS, CH, K)

    g = _matmul(x, W1)
    agg = _sc_aggregate(g, src_r, dst_r, 128)
    g = _combine_matmul(g, agg, b1, W2)
    agg = _sc_aggregate(g, src_r, dst_r, 128)
    g = _combine_matmul(g, agg, b2, W3)
    agg = _sc_aggregate(g, src_r, dst_r, 128)
    h = _combine_relu(g, agg, b3)
    agg = _sc_aggregate(h, src_r, dst_r, 128)
    return _final_matmul(h, agg, W4, b4)

# --- scband reference (transcript-rebuilt; emitter-appended) ---
"""Pipeline reference for scband-gin-38560216383777 (READ-ONLY COPY).

The authoritative reference and input builder live on the scoring server;
editing this copy changes nothing except your own understanding.
"""

import jax, jax.numpy as jnp
import numpy as np

N_NODES = 10000
N_EDGES = 320000
F_IN = 128
H = 128
C = 64


def setup_inputs(seed: int = 0) -> dict:
    key = jax.random.key(seed)
    ks = jax.random.split(key, 12)
    x = jax.random.normal(ks[0], (N_NODES, F_IN), dtype=jnp.float32)
    edge_index = jax.random.randint(ks[1], (2, N_EDGES), 0, N_NODES, dtype=jnp.int32)
    def lin(k, fin, fout):
        return jax.random.normal(k, (fin, fout), dtype=jnp.float32) * (1.0 / np.sqrt(fin))
    W1 = lin(ks[2], F_IN, H)
    b1 = jnp.zeros((H,), dtype=jnp.float32)
    W2 = lin(ks[3], H, H)
    b2 = jnp.zeros((H,), dtype=jnp.float32)
    W3 = lin(ks[4], H, H)
    b3 = jnp.zeros((H,), dtype=jnp.float32)
    W4 = lin(ks[5], H, C)
    b4 = jnp.zeros((C,), dtype=jnp.float32)
    return {"x": x, "edge_index": edge_index, "W1": W1, "b1": b1, "W2": W2, "b2": b2, "W3": W3, "b3": b3, "W4": W4, "b4": b4}


def _gin_conv(h, edge_index, W, b, eps=0.0):
    src = edge_index[0]
    dst = edge_index[1]
    msgs = jnp.take(h, src, axis=0)
    agg = jnp.zeros((h.shape[0], h.shape[1]), dtype=h.dtype).at[dst].add(msgs)
    out = (1.0 + eps) * h + agg
    return out @ W + b


def reference(x, edge_index, W1, b1, W2, b2, W3, b3, W4, b4):
    h = _gin_conv(x, edge_index, W1, b1)
    h = jax.nn.relu(h)
    h = _gin_conv(h, edge_index, W2, b2)
    h = jax.nn.relu(h)
    h = _gin_conv(h, edge_index, W3, b3)
    h = jax.nn.relu(h)
    h = _gin_conv(h, edge_index, W4, b4)
    return h

if __name__ == "__main__":
    import jax
    _d = setup_inputs()
    print(jax.jit(kernel)(*tuple(_d.values())))

</pallas_src>

<mosaic_0001>
#map = affine_map<(d0, d1) -> (0, 0)>
#map1 = affine_map<(d0, d1) -> (0, 0, 0, 0)>
#map2 = affine_map<(d0, d1) -> (0, 0, 0)>
module attributes {stable_mosaic.version = 14 : i64} {
  func.func @agg_kernel(%arg0: i32, %arg1: i32, %arg2: memref<10000x128xf32, #tpu.memory_space<hbm>>, %arg3: memref<2x16x160x64xi32, #tpu.memory_space<hbm>>, %arg4: memref<2x16x160x64xi32, #tpu.memory_space<hbm>>, %arg5: memref<2x10112x128xf32, #tpu.memory_space<hbm>>, %arg6: memref<2x32x64xi32, #tpu.memory_space<vmem>>, %arg7: memref<2x32x64xi32, #tpu.memory_space<vmem>>, %arg8: memref<4x64x128xf32, #tpu.memory_space<vmem>>, %arg9: memref<10112x128xf32, #tpu.memory_space<vmem_shared>>, %arg10: memref<!tpu.dma_semaphore, #tpu.memory_space<semaphore_mem>>, %arg11: memref<!tpu.dma_semaphore, #tpu.memory_space<semaphore_mem>>) attributes {dimension_semantics = [#tpu.dimension_semantics<core_parallel>, #tpu.dimension_semantics<subcore_parallel>], iteration_bounds = array<i64: 2, 16>, scalar_prefetch = 0 : i64, scratch_operands = 6 : i64, tpu.core_type = #tpu.core_type<sc_vector_subcore>, window_params = [{transform_indices = #map}, {transform_indices = #map1}, {transform_indices = #map1}, {transform_indices = #map2}]} {
    %run_scoped3A = arith.constant 0 : i32
    "tpu.region"() ({
      %run_scoped3A_118 = tpu.sem_alloc : memref<!tpu.dma_semaphore, #tpu.memory_space<semaphore_mem>>
      %dma_start3A_119 = arith.constant 0 : i32
      %dma_start3A_120 = arith.constant 0 : i32
      %dma_start3A_121 = tpu.memref_slice %arg6[%run_scoped3A, %dma_start3A_119, %dma_start3A_120] : memref<2x32x64xi32, #tpu.memory_space<vmem>> -> memref<1x32x64xi32, #tpu.memory_space<vmem>>
      %dma_start3A_122 = tpu.memref_squeeze %dma_start3A_121 : memref<1x32x64xi32, #tpu.memory_space<vmem>> -> memref<32x64xi32, #tpu.memory_space<vmem>>
      %dma_start3A_123 = arith.constant 0 : i32
      %dma_start3A_124 = arith.constant 0 : i32
      %dma_start3A_125 = tpu.memref_slice %arg3[%arg0, %arg1, %dma_start3A_123, %dma_start3A_124] : memref<2x16x160x64xi32, #tpu.memory_space<hbm>> -> memref<1x1x32x64xi32, #tpu.memory_space<hbm>>
      %dma_start3A_126 = tpu.memref_squeeze %dma_start3A_125 : memref<1x1x32x64xi32, #tpu.memory_space<hbm>> -> memref<32x64xi32, #tpu.memory_space<hbm>>
      %dma_start3A_127 = arith.constant 0 : i32
      %dma_start3A_128 = arith.constant 0 : i32
      %dma_start3A_129 = tpu.memref_slice %arg6[%run_scoped3A, %dma_start3A_127, %dma_start3A_128] : memref<2x32x64xi32, #tpu.memory_space<vmem>> -> memref<1x32x64xi32, #tpu.memory_space<vmem>>
      %dma_start3A_130 = tpu.memref_squeeze %dma_start3A_129 : memref<1x32x64xi32, #tpu.memory_space<vmem>> -> memref<32x64xi32, #tpu.memory_space<vmem>>
      %dma_start3A_131 = arith.constant 0 : i32
      %dma_start3A_132 = arith.constant 0 : i32
      %dma_start3A_133 = tpu.memref_slice %arg3[%arg0, %arg1, %dma_start3A_131, %dma_start3A_132] : memref<2x16x160x64xi32, #tpu.memory_space<hbm>> -> memref<1x1x32x64xi32, #tpu.memory_space<hbm>>
      %dma_start3A_134 = tpu.memref_squeeze %dma_start3A_133 : memref<1x1x32x64xi32, #tpu.memory_space<hbm>> -> memref<32x64xi32, #tpu.memory_space<hbm>>
      tpu.enqueue_dma source(%dma_start3A_134 : memref<32x64xi32, #tpu.memory_space<hbm>>) target(%dma_start3A_130 : memref<32x64xi32, #tpu.memory_space<vmem>>) target_semaphore(%run_scoped3A_118 : memref<!tpu.dma_semaphore, #tpu.memory_space<semaphore_mem>>)
      %dma_wait3A_135 = arith.constant 0 : i32
      %dma_wait3A_136 = arith.constant 0 : i32
      %dma_wait3A_137 = tpu.memref_slice %arg6[%run_scoped3A, %dma_wait3A_135, %dma_wait3A_136] : memref<2x32x64xi32, #tpu.memory_space<vmem>> -> memref<1x32x64xi32, #tpu.memory_space<vmem>>
      %dma_wait3A_138 = tpu.memref_squeeze %dma_wait3A_137 : memref<1x32x64xi32, #tpu.memory_space<vmem>> -> memref<32x64xi32, #tpu.memory_space<vmem>>
      %dma_wait3A_139 = arith.constant 0 : i32
      %dma_wait3A_140 = arith.constant 0 : i32
      %dma_wait3A_141 = tpu.memref_slice %arg3[%arg0, %arg1, %dma_wait3A_139, %dma_wait3A_140] : memref<2x16x160x64xi32, #tpu.memory_space<hbm>> -> memref<1x1x32x64xi32, #tpu.memory_space<hbm>>
      %dma_wait3A_142 = tpu.memref_squeeze %dma_wait3A_141 : memref<1x1x32x64xi32, #tpu.memory_space<hbm>> -> memref<32x64xi32, #tpu.memory_space<hbm>>
      %dma_wait3A_143 = arith.constant 0 : i32
      %dma_wait3A_144 = arith.constant 0 : i32
      %dma_wait3A_145 = tpu.memref_slice %arg6[%run_scoped3A, %dma_wait3A_143, %dma_wait3A_144] : memref<2x32x64xi32, #tpu.memory_space<vmem>> -> memref<1x32x64xi32, #tpu.memory_space<vmem>>
      %dma_wait3A_146 = tpu.memref_squeeze %dma_wait3A_145 : memref<1x32x64xi32, #tpu.memory_space<vmem>> -> memref<32x64xi32, #tpu.memory_space<vmem>>
      %dma_wait3A_147 = arith.constant 0 : i32
      %dma_wait3A_148 = arith.constant 0 : i32
      %dma_wait3A_149 = tpu.memref_slice %arg3[%arg0, %arg1, %dma_wait3A_147, %dma_wait3A_148] : memref<2x16x160x64xi32, #tpu.memory_space<hbm>> -> memref<1x1x32x64xi32, #tpu.memory_space<hbm>>
      %dma_wait3A_150 = tpu.memref_squeeze %dma_wait3A_149 : memref<1x1x32x64xi32, #tpu.memory_space<hbm>> -> memref<32x64xi32, #tpu.memory_space<hbm>>
      tpu.wait_dma2 semaphore(%run_scoped3A_118 : memref<!tpu.dma_semaphore, #tpu.memory_space<semaphore_mem>>) src(%dma_wait3A_150 : memref<32x64xi32, #tpu.memory_space<hbm>>) dst(%dma_wait3A_146 : memref<32x64xi32, #tpu.memory_space<vmem>>)
      tpu.yield
    }) : () -> ()
    %run_scoped3A_0 = arith.constant 0 : i32
    "tpu.region"() ({
      %run_scoped3A_118 = tpu.sem_alloc : memref<!tpu.dma_semaphore, #tpu.memory_space<semaphore_mem>>
      %dma_start3A_119 = arith.constant 0 : i32
      %dma_start3A_120 = arith.constant 0 : i32
      %dma_start3A_121 = tpu.memref_slice %arg7[%run_scoped3A_0, %dma_start3A_119, %dma_start3A_120] : memref<2x32x64xi32, #tpu.memory_space<vmem>> -> memref<1x32x64xi32, #tpu.memory_space<vmem>>
      %dma_start3A_122 = tpu.memref_squeeze %dma_start3A_121 : memref<1x32x64xi32, #tpu.memory_space<vmem>> -> memref<32x64xi32, #tpu.memory_space<vmem>>
      %dma_start3A_123 = arith.constant 0 : i32
      %dma_start3A_124 = arith.constant 0 : i32
      %dma_start3A_125 = tpu.memref_slice %arg4[%arg0, %arg1, %dma_start3A_123, %dma_start3A_124] : memref<2x16x160x64xi32, #tpu.memory_space<hbm>> -> memref<1x1x32x64xi32, #tpu.memory_space<hbm>>
      %dma_start3A_126 = tpu.memref_squeeze %dma_start3A_125 : memref<1x1x32x64xi32, #tpu.memory_space<hbm>> -> memref<32x64xi32, #tpu.memory_space<hbm>>
      %dma_start3A_127 = arith.constant 0 : i32
      %dma_start3A_128 = arith.constant 0 : i32
      %dma_start3A_129 = tpu.memref_slice %arg7[%run_scoped3A_0, %dma_start3A_127, %dma_start3A_128] : memref<2x32x64xi32, #tpu.memory_space<vmem>> -> memref<1x32x64xi32, #tpu.memory_space<vmem>>
      %dma_start3A_130 = tpu.memref_squeeze %dma_start3A_129 : memref<1x32x64xi32, #tpu.memory_space<vmem>> -> memref<32x64xi32, #tpu.memory_space<vmem>>
      %dma_start3A_131 = arith.constant 0 : i32
      %dma_start3A_132 = arith.constant 0 : i32
      %dma_start3A_133 = tpu.memref_slice %arg4[%arg0, %arg1, %dma_start3A_131, %dma_start3A_132] : memref<2x16x160x64xi32, #tpu.memory_space<hbm>> -> memref<1x1x32x64xi32, #tpu.memory_space<hbm>>
      %dma_start3A_134 = tpu.memref_squeeze %dma_start3A_133 : memref<1x1x32x64xi32, #tpu.memory_space<hbm>> -> memref<32x64xi32, #tpu.memory_space<hbm>>
      tpu.enqueue_dma source(%dma_start3A_134 : memref<32x64xi32, #tpu.memory_space<hbm>>) target(%dma_start3A_130 : memref<32x64xi32, #tpu.memory_space<vmem>>) target_semaphore(%run_scoped3A_118 : memref<!tpu.dma_semaphore, #tpu.memory_space<semaphore_mem>>)
      %dma_wait3A_135 = arith.constant 0 : i32
      %dma_wait3A_136 = arith.constant 0 : i32
      %dma_wait3A_137 = tpu.memref_slice %arg7[%run_scoped3A_0, %dma_wait3A_135, %dma_wait3A_136] : memref<2x32x64xi32, #tpu.memory_space<vmem>> -> memref<1x32x64xi32, #tpu.memory_space<vmem>>
      %dma_wait3A_138 = tpu.memref_squeeze %dma_wait3A_137 : memref<1x32x64xi32, #tpu.memory_space<vmem>> -> memref<32x64xi32, #tpu.memory_space<vmem>>
      %dma_wait3A_139 = arith.constant 0 : i32
      %dma_wait3A_140 = arith.constant 0 : i32
      %dma_wait3A_141 = tpu.memref_slice %arg4[%arg0, %arg1, %dma_wait3A_139, %dma_wait3A_140] : memref<2x16x160x64xi32, #tpu.memory_space<hbm>> -> memref<1x1x32x64xi32, #tpu.memory_space<hbm>>
      %dma_wait3A_142 = tpu.memref_squeeze %dma_wait3A_141 : memref<1x1x32x64xi32, #tpu.memory_space<hbm>> -> memref<32x64xi32, #tpu.memory_space<hbm>>
      %dma_wait3A_143 = arith.constant 0 : i32
      %dma_wait3A_144 = arith.constant 0 : i32
      %dma_wait3A_145 = tpu.memref_slice %arg7[%run_scoped3A_0, %dma_wait3A_143, %dma_wait3A_144] : memref<2x32x64xi32, #tpu.memory_space<vmem>> -> memref<1x32x64xi32, #tpu.memory_space<vmem>>
      %dma_wait3A_146 = tpu.memref_squeeze %dma_wait3A_145 : memref<1x32x64xi32, #tpu.memory_space<vmem>> -> memref<32x64xi32, #tpu.memory_space<vmem>>
      %dma_wait3A_147 = arith.constant 0 : i32
      %dma_wait3A_148 = arith.constant 0 : i32
      %dma_wait3A_149 = tpu.memref_slice %arg4[%arg0, %arg1, %dma_wait3A_147, %dma_wait3A_148] : memref<2x16x160x64xi32, #tpu.memory_space<hbm>> -> memref<1x1x32x64xi32, #tpu.memory_space<hbm>>
      %dma_wait3A_150 = tpu.memref_squeeze %dma_wait3A_149 : memref<1x1x32x64xi32, #tpu.memory_space<hbm>> -> memref<32x64xi32, #tpu.memory_space<hbm>>
      tpu.wait_dma2 semaphore(%run_scoped3A_118 : memref<!tpu.dma_semaphore, #tpu.memory_space<semaphore_mem>>) src(%dma_wait3A_150 : memref<32x64xi32, #tpu.memory_space<hbm>>) dst(%dma_wait3A_146 : memref<32x64xi32, #tpu.memory_space<vmem>>)
      tpu.yield
    }) : () -> ()
    %dma_start3A = arith.constant 0 : i32
    %dma_start3A_1 = arith.constant 0 : i32
    %dma_start3A_2 = arith.constant 0 : i32
    %dma_start3A_3 = arith.constant 0 : i32
    %dma_start3A_4 = arith.constant 0 : i32
    %dma_start3A_5 = tpu.memref_slice %arg8[%dma_start3A_2, %dma_start3A_3, %dma_start3A_4] : memref<4x64x128xf32, #tpu.memory_space<vmem>> -> memref<1x64x128xf32, #tpu.memory_space<vmem>>
    %dma_start3A_6 = tpu.memref_squeeze %dma_start3A_5 : memref<1x64x128xf32, #tpu.memory_space<vmem>> -> memref<64x128xf32, #tpu.memory_space<vmem>>
    %dma_start3A_7 = arith.constant 0 : i32
    %dma_start3A_8 = tpu.memref_slice %arg6[%dma_start3A, %dma_start3A_1, %dma_start3A_7] : memref<2x32x64xi32, #tpu.memory_space<vmem>> -> memref<1x1x64xi32, #tpu.memory_space<vmem>>
    %dma_start3A_9 = tpu.memref_squeeze %dma_start3A_8 : memref<1x1x64xi32, #tpu.memory_space<vmem>> -> memref<64xi32, #tpu.memory_space<vmem>>
    %dma_start3A_10 = arith.constant 0 : i32
    %dma_start3A_11 = arith.constant 0 : i32
    %dma_start3A_12 = tpu.memref_slice %arg2[%dma_start3A_10, %dma_start3A_11] : memref<10000x128xf32, #tpu.memory_space<hbm>> -> memref<10000x128xf32, #tpu.memory_space<hbm>>
    tpu.enqueue_indirect_dma source(%dma_start3A_12 : memref<10000x128xf32, #tpu.memory_space<hbm>>) target(%dma_start3A_6 : memref<64x128xf32, #tpu.memory_space<vmem>>) offsets(%dma_start3A_9 : memref<64xi32, #tpu.memory_space<vmem>>) semaphore(%arg10 : memref<!tpu.dma_semaphore, #tpu.memory_space<semaphore_mem>>)
    %dma_start3A_13 = arith.constant 0 : i32
    %dma_start3A_14 = arith.constant 1 : i32
    %dma_start3A_15 = arith.constant 1 : i32
    %dma_start3A_16 = arith.constant 0 : i32
    %dma_start3A_17 = arith.constant 0 : i32
    %dma_start3A_18 = tpu.memref_slice %arg8[%dma_start3A_15, %dma_start3A_16, %dma_start3A_17] : memref<4x64x128xf32, #tpu.memory_space<vmem>> -> memref<1x64x128xf32, #tpu.memory_space<vmem>>
    %dma_start3A_19 = tpu.memref_squeeze %dma_start3A_18 : memref<1x64x128xf32, #tpu.memory_space<vmem>> -> memref<64x128xf32, #tpu.memory_space<vmem>>
    %dma_start3A_20 = arith.constant 0 : i32
    %dma_start3A_21 = tpu.memref_slice %arg6[%dma_start3A_13, %dma_start3A_14, %dma_start3A_20] : memref<2x32x64xi32, #tpu.memory_space<vmem>> -> memref<1x1x64xi32, #tpu.memory_space<vmem>>
    %dma_start3A_22 = tpu.memref_squeeze %dma_start3A_21 : memref<1x1x64xi32, #tpu.memory_space<vmem>> -> memref<64xi32, #tpu.memory_space<vmem>>
    %dma_start3A_23 = arith.constant 0 : i32
    %dma_start3A_24 = arith.constant 0 : i32
    %dma_start3A_25 = tpu.memref_slice %arg2[%dma_start3A_23, %dma_start3A_24] : memref<10000x128xf32, #tpu.memory_space<hbm>> -> memref<10000x128xf32, #tpu.memory_space<hbm>>
    tpu.enqueue_indirect_dma source(%dma_start3A_25 : memref<10000x128xf32, #tpu.memory_space<hbm>>) target(%dma_start3A_19 : memref<64x128xf32, #tpu.memory_space<vmem>>) offsets(%dma_start3A_22 : memref<64xi32, #tpu.memory_space<vmem>>) semaphore(%arg10 : memref<!tpu.dma_semaphore, #tpu.memory_space<semaphore_mem>>)
    %dma_start3A_26 = arith.constant 0 : i32
    %dma_start3A_27 = arith.constant 2 : i32
    %dma_start3A_28 = arith.constant 2 : i32
    %dma_start3A_29 = arith.constant 0 : i32
    %dma_start3A_30 = arith.constant 0 : i32
    %dma_start3A_31 = tpu.memref_slice %arg8[%dma_start3A_28, %dma_start3A_29, %dma_start3A_30] : memref<4x64x128xf32, #tpu.memory_space<vmem>> -> memref<1x64x128xf32, #tpu.memory_space<vmem>>
    %dma_start3A_32 = tpu.memref_squeeze %dma_start3A_31 : memref<1x64x128xf32, #tpu.memory_space<vmem>> -> memref<64x128xf32, #tpu.memory_space<vmem>>
    %dma_start3A_33 = arith.constant 0 : i32
    %dma_start3A_34 = tpu.memref_slice %arg6[%dma_start3A_26, %dma_start3A_27, %dma_start3A_33] : memref<2x32x64xi32, #tpu.memory_space<vmem>> -> memref<1x1x64xi32, #tpu.memory_space<vmem>>
    %dma_start3A_35 = tpu.memref_squeeze %dma_start3A_34 : memref<1x1x64xi32, #tpu.memory_space<vmem>> -> memref<64xi32, #tpu.memory_space<vmem>>
    %dma_start3A_36 = arith.constant 0 : i32
    %dma_start3A_37 = arith.constant 0 : i32
    %dma_start3A_38 = tpu.memref_slice %arg2[%dma_start3A_36, %dma_start3A_37] : memref<10000x128xf32, #tpu.memory_space<hbm>> -> memref<10000x128xf32, #tpu.memory_space<hbm>>
    tpu.enqueue_indirect_dma source(%dma_start3A_38 : memref<10000x128xf32, #tpu.memory_space<hbm>>) target(%dma_start3A_32 : memref<64x128xf32, #tpu.memory_space<vmem>>) offsets(%dma_start3A_35 : memref<64xi32, #tpu.memory_space<vmem>>) semaphore(%arg10 : memref<!tpu.dma_semaphore, #tpu.memory_space<semaphore_mem>>)
    %broadcast_in_dim3A = arith.constant 0.000000e+00 : f32
    %broadcast_in_dim3A_39 = vector.broadcast %broadcast_in_dim3A : f32 to vector<16xf32>
    %scan3A = arith.constant 0 : i32
    %scan3A_40 = arith.constant 0 : i32
    %scan3A_41 = arith.constant 512 : i32
    %scan3A_42 = arith.addi %scan3A_40, %scan3A_41 : i32
    %scan3A_43 = arith.constant 1 : i32
    %scan3A_44 = scf.for %scan3A_118 = %scan3A_40 to %scan3A_42 step %scan3A_43 iter_args(%scan3A_119 = %scan3A) -> (i32)  : i32 {
      %jit3A = arith.constant 8 : i32
      %div3A = arith.divsi %scan3A_118, %jit3A : i32
      %sign3A = arith.constant 0 : i32
      %sign3A_120 = arith.cmpi sgt, %scan3A_118, %sign3A : i32
      %sign3A_121 = arith.extui %sign3A_120 : i1 to i32
      %sign3A_122 = arith.constant 0 : i32
      %sign3A_123 = arith.cmpi slt, %scan3A_118, %sign3A_122 : i32
      %sign3A_124 = arith.extui %sign3A_123 : i1 to i32
      %sign3A_125 = arith.subi %sign3A_121, %sign3A_124 : i32
      %sign3A_126 = arith.constant 0 : i32
      %sign3A_127 = arith.cmpi sgt, %jit3A, %sign3A_126 : i32
      %sign3A_128 = arith.extui %sign3A_127 : i1 to i32
      %sign3A_129 = arith.constant 0 : i32
      %sign3A_130 = arith.cmpi slt, %jit3A, %sign3A_129 : i32
      %sign3A_131 = arith.extui %sign3A_130 : i1 to i32
      %sign3A_132 = arith.subi %sign3A_128, %sign3A_131 : i32
      %ne3A = arith.cmpi ne, %sign3A_125, %sign3A_132 : i32
      %rem3A = arith.remsi %scan3A_118, %jit3A : i32
      %ne3A_133 = arith.constant 0 : i32
      %ne3A_134 = arith.cmpi ne, %rem3A, %ne3A_133 : i32
      %and3A = arith.andi %ne3A, %ne3A_134 : i1
      %sub3A = arith.constant 1 : i32
      %sub3A_135 = arith.subi %div3A, %sub3A : i32
      %select_n3A = arith.select %and3A, %sub3A_135, %div3A : i32
      %jit3A_136 = arith.constant 8 : i32
      %eq3A = arith.constant 0 : i32
      %eq3A_137 = arith.cmpi eq, %jit3A_136, %eq3A : i32
      %jit3A_138 = arith.constant 1 : i32
      %select_n3A_139 = arith.select %eq3A_137, %jit3A_138, %jit3A_136 : i32
      %rem3A_140 = arith.remsi %scan3A_118, %select_n3A_139 : i32
      %ne3A_141 = arith.constant 0 : i32
      %ne3A_142 = arith.cmpi ne, %rem3A_140, %ne3A_141 : i32
      %lt3A = arith.constant 0 : i32
      %lt3A_143 = arith.cmpi slt, %rem3A_140, %lt3A : i32
      %lt3A_144 = arith.constant 0 : i32
      %lt3A_145 = arith.cmpi slt, %select_n3A_139, %lt3A_144 : i32
      %ne3A_146 = arith.xori %lt3A_143, %lt3A_145 : i1
      %and3A_147 = arith.andi %ne3A_146, %ne3A_142 : i1
      %add3A_148 = arith.addi %rem3A_140, %select_n3A_139 : i32
      %select_n3A_149 = arith.select %and3A_147, %add3A_148, %rem3A_140 : i32
      %mul3A_150 = arith.constant 16 : i32
      %mul3A_151 = arith.muli %select_n3A_149, %mul3A_150 : i32
      %swap3A = arith.constant 3 : i32
      %swap3A_152 = arith.index_cast %swap3A : i32 to index
      %swap3A_153 = arith.index_cast %select_n3A : i32 to index
      %swap3A_154 = arith.index_cast %mul3A_151 : i32 to index
      %swap3A_155 = tpu.vector_load %arg8[%swap3A_152, %swap3A_153, %swap3A_154] {strides = array<i32>} : memref<4x64x128xf32, #tpu.memory_space<vmem>>, vector<1x1x16xf32>,
      %swap3A_156 = vector.shape_cast %swap3A_155 : vector<1x1x16xf32> to vector<16xf32>
      %swap3A_157 = vector.shape_cast %broadcast_in_dim3A_39 : vector<16xf32> to vector<1x1x16xf32>
      tpu.vector_store %arg8[%swap3A_152, %swap3A_153, %swap3A_154], %swap3A_157 {strides = array<i32>} : memref<4x64x128xf32, #tpu.memory_space<vmem>>, vector<1x1x16xf32>,
      %scan3A_158 = arith.constant 0 : i32
      scf.yield %scan3A_158 : i32
    }
    %scan3A_45 = arith.constant 512 : i32
    %mul3A = arith.constant 632 : i32
    %mul3A_46 = arith.muli %arg1, %mul3A : i32
    %add3A = arith.constant 0 : i32
    %add3A_47 = arith.addi %mul3A_46, %add3A : i32
    %run_scoped3A_48 = arith.constant 3 : i32
    "tpu.region"() ({
      %run_scoped3A_118 = tpu.sem_alloc : memref<!tpu.dma_semaphore, #tpu.memory_space<semaphore_mem>>
      %dma_start3A_119 = arith.constant 0 : i32
      %dma_start3A_120 = arith.constant 0 : i32
      %dma_start3A_121 = tpu.memref_slice %arg8[%run_scoped3A_48, %dma_start3A_119, %dma_start3A_120] : memref<4x64x128xf32, #tpu.memory_space<vmem>> -> memref<1x64x128xf32, #tpu.memory_space<vmem>>
      %dma_start3A_122 = tpu.memref_squeeze %dma_start3A_121 : memref<1x64x128xf32, #tpu.memory_space<vmem>> -> memref<64x128xf32, #tpu.memory_space<vmem>>
      %dma_start3A_123 = arith.constant 0 : i32
      %dma_start3A_124 = tpu.memref_slice %arg9[%add3A_47, %dma_start3A_123] : memref<10112x128xf32, #tpu.memory_space<vmem_shared>> -> memref<64x128xf32, #tpu.memory_space<vmem_shared>>
      %dma_start3A_125 = arith.constant 0 : i32
      %dma_start3A_126 = tpu.memref_slice %arg9[%add3A_47, %dma_start3A_125] : memref<10112x128xf32, #tpu.memory_space<vmem_shared>> -> memref<64x128xf32, #tpu.memory_space<vmem_shared>>
      %dma_start3A_127 = arith.constant 0 : i32
      %dma_start3A_128 = arith.constant 0 : i32
      %dma_start3A_129 = tpu.memref_slice %arg8[%run_scoped3A_48, %dma_start3A_127, %dma_start3A_128] : memref<4x64x128xf32, #tpu.memory_space<vmem>> -> memref<1x64x128xf32, #tpu.memory_space<vmem>>
      %dma_start3A_130 = tpu.memref_squeeze %dma_start3A_129 : memref<1x64x128xf32, #tpu.memory_space<vmem>> -> memref<64x128xf32, #tpu.memory_space<vmem>>
      tpu.enqueue_dma source(%dma_start3A_130 : memref<64x128xf32, #tpu.memory_space<vmem>>) target(%dma_start3A_126 : memref<64x128xf32, #tpu.memory_space<vmem_shared>>) target_semaphore(%run_scoped3A_118 : memref<!tpu.dma_semaphore, #tpu.memory_space<semaphore_mem>>)
      %dma_wait3A_131 = arith.constant 0 : i32
      %dma_wait3A_132 = arith.constant 0 : i32
      %dma_wait3A_133 = tpu.memref_slice %arg8[%run_scoped3A_48, %dma_wait3A_131, %dma_wait3A_132] : memref<4x64x128xf32, #tpu.memory_space<vmem>> -> memref<1x64x128xf32, #tpu.memory_space<vmem>>
      %dma_wait3A_134 = tpu.memref_squeeze %dma_wait3A_133 : memref<1x64x128xf32, #tpu.memory_space<vmem>> -> memref<64x128xf32, #tpu.memory_space<vmem>>
      %dma_wait3A_135 = arith.constant 0 : i32
      %dma_wait3A_136 = tpu.memref_slice %arg9[%add3A_47, %dma_wait3A_135] : memref<10112x128xf32, #tpu.memory_space<vmem_shared>> -> memref<64x128xf32, #tpu.memory_space<vmem_shared>>
      %dma_wait3A_137 = arith.constant 0 : i32
      %dma_wait3A_138 = tpu.memref_slice %arg9[%add3A_47, %dma_wait3A_137] : memref<10112x128xf32, #tpu.memory_space<vmem_shared>> -> memref<64x128xf32, #tpu.memory_space<vmem_shared>>
      %dma_wait3A_139 = arith.constant 0 : i32
      %dma_wait3A_140 = arith.constant 0 : i32
      %dma_wait3A_141 = tpu.memref_slice %arg8[%run_scoped3A_48, %dma_wait3A_139, %dma_wait3A_140] : memref<4x64x128xf32, #tpu.memory_space<vmem>> -> memref<1x64x128xf32, #tpu.memory_space<vmem>>
      %dma_wait3A_142 = tpu.memref_squeeze %dma_wait3A_141 : memref<1x64x128xf32, #tpu.memory_space<vmem>> -> memref<64x128xf32, #tpu.memory_space<vmem>>
      tpu.wait_dma2 semaphore(%run_scoped3A_118 : memref<!tpu.dma_semaphore, #tpu.memory_space<semaphore_mem>>) src(%dma_wait3A_142 : memref<64x128xf32, #tpu.memory_space<vmem>>) dst(%dma_wait3A_138 : memref<64x128xf32, #tpu.memory_space<vmem_shared>>)
      tpu.yield
    }) : () -> ()
    %mul3A_49 = arith.constant 632 : i32
    %mul3A_50 = arith.muli %arg1, %mul3A_49 : i32
    %add3A_51 = arith.constant 64 : i32
    %add3A_52 = arith.addi %mul3A_50, %add3A_51 : i32
    %run_scoped3A_53 = arith.constant 3 : i32
    "tpu.region"() ({
      %run_scoped3A_118 = tpu.sem_alloc : memref<!tpu.dma_semaphore, #tpu.memory_space<semaphore_mem>>
      %dma_start3A_119 = arith.constant 0 : i32
      %dma_start3A_120 = arith.constant 0 : i32
      %dma_start3A_121 = tpu.memref_slice %arg8[%run_scoped3A_53, %dma_start3A_119, %dma_start3A_120] : memref<4x64x128xf32, #tpu.memory_space<vmem>> -> memref<1x64x128xf32, #tpu.memory_space<vmem>>
      %dma_start3A_122 = tpu.memref_squeeze %dma_start3A_121 : memref<1x64x128xf32, #tpu.memory_space<vmem>> -> memref<64x128xf32, #tpu.memory_space<vmem>>
      %dma_start3A_123 = arith.constant 0 : i32
      %dma_start3A_124 = tpu.memref_slice %arg9[%add3A_52, %dma_start3A_123] : memref<10112x128xf32, #tpu.memory_space<vmem_shared>> -> memref<64x128xf32, #tpu.memory_space<vmem_shared>>
      %dma_start3A_125 = arith.constant 0 : i32
      %dma_start3A_126 = tpu.memref_slice %arg9[%add3A_52, %dma_start3A_125] : memref<10112x128xf32, #tpu.memory_space<vmem_shared>> -> memref<64x128xf32, #tpu.memory_space<vmem_shared>>
      %dma_start3A_127 = arith.constant 0 : i32
      %dma_start3A_128 = arith.constant 0 : i32
      %dma_start3A_129 = tpu.memref_slice %arg8[%run_scoped3A_53, %dma_start3A_127, %dma_start3A_128] : memref<4x64x128xf32, #tpu.memory_space<vmem>> -> memref<1x64x128xf32, #tpu.memory_space<vmem>>
      %dma_start3A_130 = tpu.memref_squeeze %dma_start3A_129 : memref<1x64x128xf32, #tpu.memory_space<vmem>> -> memref<64x128xf32, #tpu.memory_space<vmem>>
      tpu.enqueue_dma source(%dma_start3A_130 : memref<64x128xf32, #tpu.memory_space<vmem>>) target(%dma_start3A_126 : memref<64x128xf32, #tpu.memory_space<vmem_shared>>) target_semaphore(%run_scoped3A_118 : memref<!tpu.dma_semaphore, #tpu.memory_space<semaphore_mem>>)
      %dma_wait3A_131 = arith.constant 0 : i32
      %dma_wait3A_132 = arith.constant 0 : i32
      %dma_wait3A_133 = tpu.memref_slice %arg8[%run_scoped3A_53, %dma_wait3A_131, %dma_wait3A_132] : memref<4x64x128xf32, #tpu.memory_space<vmem>> -> memref<1x64x128xf32, #tpu.memory_space<vmem>>
      %dma_wait3A_134 = tpu.memref_squeeze %dma_wait3A_133 : memref<1x64x128xf32, #tpu.memory_space<vmem>> -> memref<64x128xf32, #tpu.memory_space<vmem>>
      %dma_wait3A_135 = arith.constant 0 : i32
      %dma_wait3A_136 = tpu.memref_slice %arg9[%add3A_52, %dma_wait3A_135] : memref<10112x128xf32, #tpu.memory_space<vmem_shared>> -> memref<64x128xf32, #tpu.memory_space<vmem_shared>>
      %dma_wait3A_137 = arith.constant 0 : i32
      %dma_wait3A_138 = tpu.memref_slice %arg9[%add3A_52, %dma_wait3A_137] : memref<10112x128xf32, #tpu.memory_space<vmem_shared>> -> memref<64x128xf32, #tpu.memory_space<vmem_shared>>
      %dma_wait3A_139 = arith.constant 0 : i32
      %dma_wait3A_140 = arith.constant 0 : i32
      %dma_wait3A_141 = tpu.memref_slice %arg8[%run_scoped3A_53, %dma_wait3A_139, %dma_wait3A_140] : memref<4x64x128xf32, #tpu.memory_space<vmem>> -> memref<1x64x128xf32, #tpu.memory_space<vmem>>
      %dma_wait3A_142 = tpu.memref_squeeze %dma_wait3A_141 : memref<1x64x128xf32, #tpu.memory_space<vmem>> -> memref<64x128xf32, #tpu.memory_space<vmem>>
      tpu.wait_dma2 semaphore(%run_scoped3A_118 : memref<!tpu.dma_semaphore, #tpu.memory_space<semaphore_mem>>) src(%dma_wait3A_142 : memref<64x128xf32, #tpu.memory_space<vmem>>) dst(%dma_wait3A_138 : memref<64x128xf32, #tpu.memory_space<vmem_shared>>)
      tpu.yield
    }) : () -> ()
    %mul3A_54 = arith.constant 632 : i32
    %mul3A_55 = arith.muli %arg1, %mul3A_54 : i32
    %add3A_56 = arith.constant 128 : i32
    %add3A_57 = arith.addi %mul3A_55, %add3A_56 : i32
    %run_scoped3A_58 = arith.constant 3 : i32
    "tpu.region"() ({
      %run_scoped3A_118 = tpu.sem_alloc : memref<!tpu.dma_semaphore, #tpu.memory_space<semaphore_mem>>
      %dma_start3A_119 = arith.constant 0 : i32
      %dma_start3A_120 = arith.constant 0 : i32
      %dma_start3A_121 = tpu.memref_slice %arg8[%run_scoped3A_58, %dma_start3A_119, %dma_start3A_120] : memref<4x64x128xf32, #tpu.memory_space<vmem>> -> memref<1x64x128xf32, #tpu.memory_space<vmem>>
      %dma_start3A_122 = tpu.memref_squeeze %dma_start3A_121 : memref<1x64x128xf32, #tpu.memory_space<vmem>> -> memref<64x128xf32, #tpu.memory_space<vmem>>
      %dma_start3A_123 = arith.constant 0 : i32
      %dma_start3A_124 = tpu.memref_slice %arg9[%add3A_57, %dma_start3A_123] : memref<10112x128xf32, #tpu.memory_space<vmem_shared>> -> memref<64x128xf32, #tpu.memory_space<vmem_shared>>
      %dma_start3A_125 = arith.constant 0 : i32
      %dma_start3A_126 = tpu.memref_slice %arg9[%add3A_57, %dma_start3A_125] : memref<10112x128xf32, #tpu.memory_space<vmem_shared>> -> memref<64x128xf32, #tpu.memory_space<vmem_shared>>
      %dma_start3A_127 = arith.constant 0 : i32
      %dma_start3A_128 = arith.constant 0 : i32
      %dma_start3A_129 = tpu.memref_slice %arg8[%run_scoped3A_58, %dma_start3A_127, %dma_start3A_128] : memref<4x64x128xf32, #tpu.memory_space<vmem>> -> memref<1x64x128xf32, #tpu.memory_space<vmem>>
      %dma_start3A_130 = tpu.memref_squeeze %dma_start3A_129 : memref<1x64x128xf32, #tpu.memory_space<vmem>> -> memref<64x128xf32, #tpu.memory_space<vmem>>
      tpu.enqueue_dma source(%dma_start3A_130 : memref<64x128xf32, #tpu.memory_space<vmem>>) target(%dma_start3A_126 : memref<64x128xf32, #tpu.memory_space<vmem_shared>>) target_semaphore(%run_scoped3A_118 : memref<!tpu.dma_semaphore, #tpu.memory_space<semaphore_mem>>)
      %dma_wait3A_131 = arith.constant 0 : i32
      %dma_wait3A_132 = arith.constant 0 : i32
      %dma_wait3A_133 = tpu.memref_slice %arg8[%run_scoped3A_58, %dma_wait3A_131, %dma_wait3A_132] : memref<4x64x128xf32, #tpu.memory_space<vmem>> -> memref<1x64x128xf32, #tpu.memory_space<vmem>>
      %dma_wait3A_134 = tpu.memref_squeeze %dma_wait3A_133 : memref<1x64x128xf32, #tpu.memory_space<vmem>> -> memref<64x128xf32, #tpu.memory_space<vmem>>
      %dma_wait3A_135 = arith.constant 0 : i32
      %dma_wait3A_136 = tpu.memref_slice %arg9[%add3A_57, %dma_wait3A_135] : memref<10112x128xf32, #tpu.memory_space<vmem_shared>> -> memref<64x128xf32, #tpu.memory_space<vmem_shared>>
      %dma_wait3A_137 = arith.constant 0 : i32
      %dma_wait3A_138 = tpu.memref_slice %arg9[%add3A_57, %dma_wait3A_137] : memref<10112x128xf32, #tpu.memory_space<vmem_shared>> -> memref<64x128xf32, #tpu.memory_space<vmem_shared>>
      %dma_wait3A_139 = arith.constant 0 : i32
      %dma_wait3A_140 = arith.constant 0 : i32
      %dma_wait3A_141 = tpu.memref_slice %arg8[%run_scoped3A_58, %dma_wait3A_139, %dma_wait3A_140] : memref<4x64x128xf32, #tpu.memory_space<vmem>> -> memref<1x64x128xf32, #tpu.memory_space<vmem>>
      %dma_wait3A_142 = tpu.memref_squeeze %dma_wait3A_141 : memref<1x64x128xf32, #tpu.memory_space<vmem>> -> memref<64x128xf32, #tpu.memory_space<vmem>>
      tpu.wait_dma2 semaphore(%run_scoped3A_118 : memref<!tpu.dma_semaphore, #tpu.memory_space<semaphore_mem>>) src(%dma_wait3A_142 : memref<64x128xf32, #tpu.memory_space<vmem>>) dst(%dma_wait3A_138 : memref<64x128xf32, #tpu.memory_space<vmem_shared>>)
      tpu.yield
    }) : () -> ()
    %mul3A_59 = arith.constant 632 : i32
    %mul3A_60 = arith.muli %arg1, %mul3A_59 : i32
    %add3A_61 = arith.constant 192 : i32
    %add3A_62 = arith.addi %mul3A_60, %add3A_61 : i32
    %run_scoped3A_63 = arith.constant 3 : i32
    "tpu.region"() ({
      %run_scoped3A_118 = tpu.sem_alloc : memref<!tpu.dma_semaphore, #tpu.memory_space<semaphore_mem>>
      %dma_start3A_119 = arith.constant 0 : i32
      %dma_start3A_120 = arith.constant 0 : i32
      %dma_start3A_121 = tpu.memref_slice %arg8[%run_scoped3A_63, %dma_start3A_119, %dma_start3A_120] : memref<4x64x128xf32, #tpu.memory_space<vmem>> -> memref<1x64x128xf32, #tpu.memory_space<vmem>>
      %dma_start3A_122 = tpu.memref_squeeze %dma_start3A_121 : memref<1x64x128xf32, #tpu.memory_space<vmem>> -> memref<64x128xf32, #tpu.memory_space<vmem>>
      %dma_start3A_123 = arith.constant 0 : i32
      %dma_start3A_124 = tpu.memref_slice %arg9[%add3A_62, %dma_start3A_123] : memref<10112x128xf32, #tpu.memory_space<vmem_shared>> -> memref<64x128xf32, #tpu.memory_space<vmem_shared>>
      %dma_start3A_125 = arith.constant 0 : i32
      %dma_start3A_126 = tpu.memref_slice %arg9[%add3A_62, %dma_start3A_125] : memref<10112x128xf32, #tpu.memory_space<vmem_shared>> -> memref<64x128xf32, #tpu.memory_space<vmem_shared>>
      %dma_start3A_127 = arith.constant 0 : i32
      %dma_start3A_128 = arith.constant 0 : i32
      %dma_start3A_129 = tpu.memref_slice %arg8[%run_scoped3A_63, %dma_start3A_127, %dma_start3A_128] : memref<4x64x128xf32, #tpu.memory_space<vmem>> -> memref<1x64x128xf32, #tpu.memory_space<vmem>>
      %dma_start3A_130 = tpu.memref_squeeze %dma_start3A_129 : memref<1x64x128xf32, #tpu.memory_space<vmem>> -> memref<64x128xf32, #tpu.memory_space<vmem>>
      tpu.enqueue_dma source(%dma_start3A_130 : memref<64x128xf32, #tpu.memory_space<vmem>>) target(%dma_start3A_126 : memref<64x128xf32, #tpu.memory_space<vmem_shared>>) target_semaphore(%run_scoped3A_118 : memref<!tpu.dma_semaphore, #tpu.memory_space<semaphore_mem>>)
      %dma_wait3A_131 = arith.constant 0 : i32
      %dma_wait3A_132 = arith.constant 0 : i32
      %dma_wait3A_133 = tpu.memref_slice %arg8[%run_scoped3A_63, %dma_wait3A_131, %dma_wait3A_132] : memref<4x64x128xf32, #tpu.memory_space<vmem>> -> memref<1x64x128xf32, #tpu.memory_space<vmem>>
      %dma_wait3A_134 = tpu.memref_squeeze %dma_wait3A_133 : memref<1x64x128xf32, #tpu.memory_space<vmem>> -> memref<64x128xf32, #tpu.memory_space<vmem>>
      %dma_wait3A_135 = arith.constant 0 : i32
      %dma_wait3A_136 = tpu.memref_slice %arg9[%add3A_62, %dma_wait3A_135] : memref<10112x128xf32, #tpu.memory_space<vmem_shared>> -> memref<64x128xf32, #tpu.memory_space<vmem_shared>>
      %dma_wait3A_137 = arith.constant 0 : i32
      %dma_wait3A_138 = tpu.memref_slice %arg9[%add3A_62, %dma_wait3A_137] : memref<10112x128xf32, #tpu.memory_space<vmem_shared>> -> memref<64x128xf32, #tpu.memory_space<vmem_shared>>
      %dma_wait3A_139 = arith.constant 0 : i32
      %dma_wait3A_140 = arith.constant 0 : i32
      %dma_wait3A_141 = tpu.memref_slice %arg8[%run_scoped3A_63, %dma_wait3A_139, %dma_wait3A_140] : memref<4x64x128xf32, #tpu.memory_space<vmem>> -> memref<1x64x128xf32, #tpu.memory_space<vmem>>
      %dma_wait3A_142 = tpu.memref_squeeze %dma_wait3A_141 : memref<1x64x128xf32, #tpu.memory_space<vmem>> -> memref<64x128xf32, #tpu.memory_space<vmem>>
      tpu.wait_dma2 semaphore(%run_scoped3A_118 : memref<!tpu.dma_semaphore, #tpu.memory_space<semaphore_mem>>) src(%dma_wait3A_142 : memref<64x128xf32, #tpu.memory_space<vmem>>) dst(%dma_wait3A_138 : memref<64x128xf32, #tpu.memory_space<vmem_shared>>)
      tpu.yield
    }) : () -> ()
    %mul3A_64 = arith.constant 632 : i32
    %mul3A_65 = arith.muli %arg1, %mul3A_64 : i32
    %add3A_66 = arith.constant 256 : i32
    %add3A_67 = arith.addi %mul3A_65, %add3A_66 : i32
    %run_scoped3A_68 = arith.constant 3 : i32
    "tpu.region"() ({
      %run_scoped3A_118 = tpu.sem_alloc : memref<!tpu.dma_semaphore, #tpu.memory_space<semaphore_mem>>
      %dma_start3A_119 = arith.constant 0 : i32
      %dma_start3A_120 = arith.constant 0 : i32
      %dma_start3A_121 = tpu.memref_slice %arg8[%run_scoped3A_68, %dma_start3A_119, %dma_start3A_120] : memref<4x64x128xf32, #tpu.memory_space<vmem>> -> memref<1x64x128xf32, #tpu.memory_space<vmem>>
      %dma_start3A_122 = tpu.memref_squeeze %dma_start3A_121 : memref<1x64x128xf32, #tpu.memory_space<vmem>> -> memref<64x128xf32, #tpu.memory_space<vmem>>
      %dma_start3A_123 = arith.constant 0 : i32
      %dma_start3A_124 = tpu.memref_slice %arg9[%add3A_67, %dma_start3A_123] : memref<10112x128xf32, #tpu.memory_space<vmem_shared>> -> memref<64x128xf32, #tpu.memory_space<vmem_shared>>
      %dma_start3A_125 = arith.constant 0 : i32
      %dma_start3A_126 = tpu.memref_slice %arg9[%add3A_67, %dma_start3A_125] : memref<10112x128xf32, #tpu.memory_space<vmem_shared>> -> memref<64x128xf32, #tpu.memory_space<vmem_shared>>
      %dma_start3A_127 = arith.constant 0 : i32
      %dma_start3A_128 = arith.constant 0 : i32
      %dma_start3A_129 = tpu.memref_slice %arg8[%run_scoped3A_68, %dma_start3A_127, %dma_start3A_128] : memref<4x64x128xf32, #tpu.memory_space<vmem>> -> memref<1x64x128xf32, #tpu.memory_space<vmem>>
      %dma_start3A_130 = tpu.memref_squeeze %dma_start3A_129 : memref<1x64x128xf32, #tpu.memory_space<vmem>> -> memref<64x128xf32, #tpu.memory_space<vmem>>
      tpu.enqueue_dma source(%dma_start3A_130 : memref<64x128xf32, #tpu.memory_space<vmem>>) target(%dma_start3A_126 : memref<64x128xf32, #tpu.memory_space<vmem_shared>>) target_semaphore(%run_scoped3A_118 : memref<!tpu.dma_semaphore, #tpu.memory_space<semaphore_mem>>)
      %dma_wait3A_131 = arith.constant 0 : i32
      %dma_wait3A_132 = arith.constant 0 : i32
      %dma_wait3A_133 = tpu.memref_slice %arg8[%run_scoped3A_68, %dma_wait3A_131, %dma_wait3A_132] : memref<4x64x128xf32, #tpu.memory_space<vmem>> -> memref<1x64x128xf32, #tpu.memory_space<vmem>>
      %dma_wait3A_134 = tpu.memref_squeeze %dma_wait3A_133 : memref<1x64x128xf32, #tpu.memory_space<vmem>> -> memref<64x128xf32, #tpu.memory_space<vmem>>
      %dma_wait3A_135 = arith.constant 0 : i32
      %dma_wait3A_136 = tpu.memref_slice %arg9[%add3A_67, %dma_wait3A_135] : memref<10112x128xf32, #tpu.memory_space<vmem_shared>> -> memref<64x128xf32, #tpu.memory_space<vmem_shared>>
      %dma_wait3A_137 = arith.constant 0 : i32
      %dma_wait3A_138 = tpu.memref_slice %arg9[%add3A_67, %dma_wait3A_137] : memref<10112x128xf32, #tpu.memory_space<vmem_shared>> -> memref<64x128xf32, #tpu.memory_space<vmem_shared>>
      %dma_wait3A_139 = arith.constant 0 : i32
      %dma_wait3A_140 = arith.constant 0 : i32
      %dma_wait3A_141 = tpu.memref_slice %arg8[%run_scoped3A_68, %dma_wait3A_139, %dma_wait3A_140] : memref<4x64x128xf32, #tpu.memory_space<vmem>> -> memref<1x64x128xf32, #tpu.memory_space<vmem>>
      %dma_wait3A_142 = tpu.memref_squeeze %dma_wait3A_141 : memref<1x64x128xf32, #tpu.memory_space<vmem>> -> memref<64x128xf32, #tpu.memory_space<vmem>>
      tpu.wait_dma2 semaphore(%run_scoped3A_118 : memref<!tpu.dma_semaphore, #tpu.memory_space<semaphore_mem>>) src(%dma_wait3A_142 : memref<64x128xf32, #tpu.memory_space<vmem>>) dst(%dma_wait3A_138 : memref<64x128xf32, #tpu.memory_space<vmem_shared>>)
      tpu.yield
    }) : () -> ()
    %mul3A_69 = arith.constant 632 : i32
    %mul3A_70 = arith.muli %arg1, %mul3A_69 : i32
    %add3A_71 = arith.constant 320 : i32
    %add3A_72 = arith.addi %mul3A_70, %add3A_71 : i32
    %run_scoped3A_73 = arith.constant 3 : i32
    "tpu.region"() ({
      %run_scoped3A_118 = tpu.sem_alloc : memref<!tpu.dma_semaphore, #tpu.memory_space<semaphore_mem>>
      %dma_start3A_119 = arith.constant 0 : i32
      %dma_start3A_120 = arith.constant 0 : i32
      %dma_start3A_121 = tpu.memref_slice %arg8[%run_scoped3A_73, %dma_start3A_119, %dma_start3A_120] : memref<4x64x128xf32, #tpu.memory_space<vmem>> -> memref<1x64x128xf32, #tpu.memory_space<vmem>>
      %dma_start3A_122 = tpu.memref_squeeze %dma_start3A_121 : memref<1x64x128xf32, #tpu.memory_space<vmem>> -> memref<64x128xf32, #tpu.memory_space<vmem>>
      %dma_start3A_123 = arith.constant 0 : i32
      %dma_start3A_124 = tpu.memref_slice %arg9[%add3A_72, %dma_start3A_123] : memref<10112x128xf32, #tpu.memory_space<vmem_shared>> -> memref<64x128xf32, #tpu.memory_space<vmem_shared>>
      %dma_start3A_125 = arith.constant 0 : i32
      %dma_start3A_126 = tpu.memref_slice %arg9[%add3A_72, %dma_start3A_125] : memref<10112x128xf32, #tpu.memory_space<vmem_shared>> -> memref<64x128xf32, #tpu.memory_space<vmem_shared>>
      %dma_start3A_127 = arith.constant 0 : i32
      %dma_start3A_128 = arith.constant 0 : i32
      %dma_start3A_129 = tpu.memref_slice %arg8[%run_scoped3A_73, %dma_start3A_127, %dma_start3A_128] : memref<4x64x128xf32, #tpu.memory_space<vmem>> -> memref<1x64x128xf32, #tpu.memory_space<vmem>>
      %dma_start3A_130 = tpu.memref_squeeze %dma_start3A_129 : memref<1x64x128xf32, #tpu.memory_space<vmem>> -> memref<64x128xf32, #tpu.memory_space<vmem>>
      tpu.enqueue_dma source(%dma_start3A_130 : memref<64x128xf32, #tpu.memory_space<vmem>>) target(%dma_start3A_126 : memref<64x128xf32, #tpu.memory_space<vmem_shared>>) target_semaphore(%run_scoped3A_118 : memref<!tpu.dma_semaphore, #tpu.memory_space<semaphore_mem>>)
      %dma_wait3A_131 = arith.constant 0 : i32
      %dma_wait3A_132 = arith.constant 0 : i32
      %dma_wait3A_133 = tpu.memref_slice %arg8[%run_scoped3A_73, %dma_wait3A_131, %dma_wait3A_132] : memref<4x64x128xf32, #tpu.memory_space<vmem>> -> memref<1x64x128xf32, #tpu.memory_space<vmem>>
      %dma_wait3A_134 = tpu.memref_squeeze %dma_wait3A_133 : memref<1x64x128xf32, #tpu.memory_space<vmem>> -> memref<64x128xf32, #tpu.memory_space<vmem>>
      %dma_wait3A_135 = arith.constant 0 : i32
      %dma_wait3A_136 = tpu.memref_slice %arg9[%add3A_72, %dma_wait3A_135] : memref<10112x128xf32, #tpu.memory_space<vmem_shared>> -> memref<64x128xf32, #tpu.memory_space<vmem_shared>>
      %dma_wait3A_137 = arith.constant 0 : i32
      %dma_wait3A_138 = tpu.memref_slice %arg9[%add3A_72, %dma_wait3A_137] : memref<10112x128xf32, #tpu.memory_space<vmem_shared>> -> memref<64x128xf32, #tpu.memory_space<vmem_shared>>
      %dma_wait3A_139 = arith.constant 0 : i32
      %dma_wait3A_140 = arith.constant 0 : i32
      %dma_wait3A_141 = tpu.memref_slice %arg8[%run_scoped3A_73, %dma_wait3A_139, %dma_wait3A_140] : memref<4x64x128xf32, #tpu.memory_space<vmem>> -> memref<1x64x128xf32, #tpu.memory_space<vmem>>
      %dma_wait3A_142 = tpu.memref_squeeze %dma_wait3A_141 : memref<1x64x128xf32, #tpu.memory_space<vmem>> -> memref<64x128xf32, #tpu.memory_space<vmem>>
      tpu.wait_dma2 semaphore(%run_scoped3A_118 : memref<!tpu.dma_semaphore, #tpu.memory_space<semaphore_mem>>) src(%dma_wait3A_142 : memref<64x128xf32, #tpu.memory_space<vmem>>) dst(%dma_wait3A_138 : memref<64x128xf32, #tpu.memory_space<vmem_shared>>)
      tpu.yield
    }) : () -> ()
    %mul3A_74 = arith.constant 632 : i32
    %mul3A_75 = arith.muli %arg1, %mul3A_74 : i32
    %add3A_76 = arith.constant 384 : i32
    %add3A_77 = arith.addi %mul3A_75, %add3A_76 : i32
    %run_scoped3A_78 = arith.constant 3 : i32
    "tpu.region"() ({
      %run_scoped3A_118 = tpu.sem_alloc : memref<!tpu.dma_semaphore, #tpu.memory_space<semaphore_mem>>
      %dma_start3A_119 = arith.constant 0 : i32
      %dma_start3A_120 = arith.constant 0 : i32
      %dma_start3A_121 = tpu.memref_slice %arg8[%run_scoped3A_78, %dma_start3A_119, %dma_start3A_120] : memref<4x64x128xf32, #tpu.memory_space<vmem>> -> memref<1x64x128xf32, #tpu.memory_space<vmem>>
      %dma_start3A_122 = tpu.memref_squeeze %dma_start3A_121 : memref<1x64x128xf32, #tpu.memory_space<vmem>> -> memref<64x128xf32, #tpu.memory_space<vmem>>
      %dma_start3A_123 = arith.constant 0 : i32
      %dma_start3A_124 = tpu.memref_slice %arg9[%add3A_77, %dma_start3A_123] : memref<10112x128xf32, #tpu.memory_space<vmem_shared>> -> memref<64x128xf32, #tpu.memory_space<vmem_shared>>
      %dma_start3A_125 = arith.constant 0 : i32
      %dma_start3A_126 = tpu.memref_slice %arg9[%add3A_77, %dma_start3A_125] : memref<10112x128xf32, #tpu.memory_space<vmem_shared>> -> memref<64x128xf32, #tpu.memory_space<vmem_shared>>
      %dma_start3A_127 = arith.constant 0 : i32
      %dma_start3A_128 = arith.constant 0 : i32
      %dma_start3A_129 = tpu.memref_slice %arg8[%run_scoped3A_78, %dma_start3A_127, %dma_start3A_128] : memref<4x64x128xf32, #tpu.memory_space<vmem>> -> memref<1x64x128xf32, #tpu.memory_space<vmem>>
      %dma_start3A_130 = tpu.memref_squeeze %dma_start3A_129 : memref<1x64x128xf32, #tpu.memory_space<vmem>> -> memref<64x128xf32, #tpu.memory_space<vmem>>
      tpu.enqueue_dma source(%dma_start3A_130 : memref<64x128xf32, #tpu.memory_space<vmem>>) target(%dma_start3A_126 : memref<64x128xf32, #tpu.memory_space<vmem_shared>>) target_semaphore(%run_scoped3A_118 : memref<!tpu.dma_semaphore, #tpu.memory_space<semaphore_mem>>)
      %dma_wait3A_131 = arith.constant 0 : i32
      %dma_wait3A_132 = arith.constant 0 : i32
      %dma_wait3A_133 = tpu.memref_slice %arg8[%run_scoped3A_78, %dma_wait3A_131, %dma_wait3A_132] : memref<4x64x128xf32, #tpu.memory_space<vmem>> -> memref<1x64x128xf32, #tpu.memory_space<vmem>>
      %dma_wait3A_134 = tpu.memref_squeeze %dma_wait3A_133 : memref<1x64x128xf32, #tpu.memory_space<vmem>> -> memref<64x128xf32, #tpu.memory_space<vmem>>
      %dma_wait3A_135 = arith.constant 0 : i32
      %dma_wait3A_136 = tpu.memref_slice %arg9[%add3A_77, %dma_wait3A_135] : memref<10112x128xf32, #tpu.memory_space<vmem_shared>> -> memref<64x128xf32, #tpu.memory_space<vmem_shared>>
      %dma_wait3A_137 = arith.constant 0 : i32
      %dma_wait3A_138 = tpu.memref_slice %arg9[%add3A_77, %dma_wait3A_137] : memref<10112x128xf32, #tpu.memory_space<vmem_shared>> -> memref<64x128xf32, #tpu.memory_space<vmem_shared>>
      %dma_wait3A_139 = arith.constant 0 : i32
      %dma_wait3A_140 = arith.constant 0 : i32
      %dma_wait3A_141 = tpu.memref_slice %arg8[%run_scoped3A_78, %dma_wait3A_139, %dma_wait3A_140] : memref<4x64x128xf32, #tpu.memory_space<vmem>> -> memref<1x64x128xf32, #tpu.memory_space<vmem>>
      %dma_wait3A_142 = tpu.memref_squeeze %dma_wait3A_141 : memref<1x64x128xf32, #tpu.memory_space<vmem>> -> memref<64x128xf32, #tpu.memory_space<vmem>>
      tpu.wait_dma2 semaphore(%run_scoped3A_118 : memref<!tpu.dma_semaphore, #tpu.memory_space<semaphore_mem>>) src(%dma_wait3A_142 : memref<64x128xf32, #tpu.memory_space<vmem>>) dst(%dma_wait3A_138 : memref<64x128xf32, #tpu.memory_space<vmem_shared>>)
      tpu.yield
    }) : () -> ()
    %mul3A_79 = arith.constant 632 : i32
    %mul3A_80 = arith.muli %arg1, %mul3A_79 : i32
    %add3A_81 = arith.constant 448 : i32
    %add3A_82 = arith.addi %mul3A_80, %add3A_81 : i32
    %run_scoped3A_83 = arith.constant 3 : i32
    "tpu.region"() ({
      %run_scoped3A_118 = tpu.sem_alloc : memref<!tpu.dma_semaphore, #tpu.memory_space<semaphore_mem>>
      %dma_start3A_119 = arith.constant 0 : i32
      %dma_start3A_120 = arith.constant 0 : i32
      %dma_start3A_121 = tpu.memref_slice %arg8[%run_scoped3A_83, %dma_start3A_119, %dma_start3A_120] : memref<4x64x128xf32, #tpu.memory_space<vmem>> -> memref<1x64x128xf32, #tpu.memory_space<vmem>>
      %dma_start3A_122 = tpu.memref_squeeze %dma_start3A_121 : memref<1x64x128xf32, #tpu.memory_space<vmem>> -> memref<64x128xf32, #tpu.memory_space<vmem>>
      %dma_start3A_123 = arith.constant 0 : i32
      %dma_start3A_124 = tpu.memref_slice %arg9[%add3A_82, %dma_start3A_123] : memref<10112x128xf32, #tpu.memory_space<vmem_shared>> -> memref<64x128xf32, #tpu.memory_space<vmem_shared>>
      %dma_start3A_125 = arith.constant 0 : i32
      %dma_start3A_126 = tpu.memref_slice %arg9[%add3A_82, %dma_start3A_125] : memref<10112x128xf32, #tpu.memory_space<vmem_shared>> -> memref<64x128xf32, #tpu.memory_space<vmem_shared>>
      %dma_start3A_127 = arith.constant 0 : i32
      %dma_start3A_128 = arith.constant 0 : i32
      %dma_start3A_129 = tpu.memref_slice %arg8[%run_scoped3A_83, %dma_start3A_127, %dma_start3A_128] : memref<4x64x128xf32, #tpu.memory_space<vmem>> -> memref<1x64x128xf32, #tpu.memory_space<vmem>>
      %dma_start3A_130 = tpu.memref_squeeze %dma_start3A_129 : memref<1x64x128xf32, #tpu.memory_space<vmem>> -> memref<64x128xf32, #tpu.memory_space<vmem>>
      tpu.enqueue_dma source(%dma_start3A_130 : memref<64x128xf32, #tpu.memory_space<vmem>>) target(%dma_start3A_126 : memref<64x128xf32, #tpu.memory_space<vmem_shared>>) target_semaphore(%run_scoped3A_118 : memref<!tpu.dma_semaphore, #tpu.memory_space<semaphore_mem>>)
      %dma_wait3A_131 = arith.constant 0 : i32
      %dma_wait3A_132 = arith.constant 0 : i32
      %dma_wait3A_133 = tpu.memref_slice %arg8[%run_scoped3A_83, %dma_wait3A_131, %dma_wait3A_132] : memref<4x64x128xf32, #tpu.memory_space<vmem>> -> memref<1x64x128xf32, #tpu.memory_space<vmem>>
      %dma_wait3A_134 = tpu.memref_squeeze %dma_wait3A_133 : memref<1x64x128xf32, #tpu.memory_space<vmem>> -> memref<64x128xf32, #tpu.memory_space<vmem>>
      %dma_wait3A_135 = arith.constant 0 : i32
      %dma_wait3A_136 = tpu.memref_slice %arg9[%add3A_82, %dma_wait3A_135] : memref<10112x128xf32, #tpu.memory_space<vmem_shared>> -> memref<64x128xf32, #tpu.memory_space<vmem_shared>>
      %dma_wait3A_137 = arith.constant 0 : i32
      %dma_wait3A_138 = tpu.memref_slice %arg9[%add3A_82, %dma_wait3A_137] : memref<10112x128xf32, #tpu.memory_space<vmem_shared>> -> memref<64x128xf32, #tpu.memory_space<vmem_shared>>
      %dma_wait3A_139 = arith.constant 0 : i32
      %dma_wait3A_140 = arith.constant 0 : i32
      %dma_wait3A_141 = tpu.memref_slice %arg8[%run_scoped3A_83, %dma_wait3A_139, %dma_wait3A_140] : memref<4x64x128xf32, #tpu.memory_space<vmem>> -> memref<1x64x128xf32, #tpu.memory_space<vmem>>
      %dma_wait3A_142 = tpu.memref_squeeze %dma_wait3A_141 : memref<1x64x128xf32, #tpu.memory_space<vmem>> -> memref<64x128xf32, #tpu.memory_space<vmem>>
      tpu.wait_dma2 semaphore(%run_scoped3A_118 : memref<!tpu.dma_semaphore, #tpu.memory_space<semaphore_mem>>) src(%dma_wait3A_142 : memref<64x128xf32, #tpu.memory_space<vmem>>) dst(%dma_wait3A_138 : memref<64x128xf32, #tpu.memory_space<vmem_shared>>)
      tpu.yield
    }) : () -> ()
    %mul3A_84 = arith.constant 632 : i32
    %mul3A_85 = arith.muli %arg1, %mul3A_84 : i32
    %add3A_86 = arith.constant 512 : i32
    %add3A_87 = arith.addi %mul3A_85, %add3A_86 : i32
    %run_scoped3A_88 = arith.constant 3 : i32
    "tpu.region"() ({
      %run_scoped3A_118 = tpu.sem_alloc : memref<!tpu.dma_semaphore, #tpu.memory_space<semaphore_mem>>
      %dma_start3A_119 = arith.constant 0 : i32
      %dma_start3A_120 = arith.constant 0 : i32
      %dma_start3A_121 = tpu.memref_slice %arg8[%run_scoped3A_88, %dma_start3A_119, %dma_start3A_120] : memref<4x64x128xf32, #tpu.memory_space<vmem>> -> memref<1x64x128xf32, #tpu.memory_space<vmem>>
      %dma_start3A_122 = tpu.memref_squeeze %dma_start3A_121 : memref<1x64x128xf32, #tpu.memory_space<vmem>> -> memref<64x128xf32, #tpu.memory_space<vmem>>
      %dma_start3A_123 = arith.constant 0 : i32
      %dma_start3A_124 = tpu.memref_slice %arg9[%add3A_87, %dma_start3A_123] : memref<10112x128xf32, #tpu.memory_space<vmem_shared>> -> memref<64x128xf32, #tpu.memory_space<vmem_shared>>
      %dma_start3A_125 = arith.constant 0 : i32
      %dma_start3A_126 = tpu.memref_slice %arg9[%add3A_87, %dma_start3A_125] : memref<10112x128xf32, #tpu.memory_space<vmem_shared>> -> memref<64x128xf32, #tpu.memory_space<vmem_shared>>
      %dma_start3A_127 = arith.constant 0 : i32
      %dma_start3A_128 = arith.constant 0 : i32
      %dma_start3A_129 = tpu.memref_slice %arg8[%run_scoped3A_88, %dma_start3A_127, %dma_start3A_128] : memref<4x64x128xf32, #tpu.memory_space<vmem>> -> memref<1x64x128xf32, #tpu.memory_space<vmem>>
      %dma_start3A_130 = tpu.memref_squeeze %dma_start3A_129 : memref<1x64x128xf32, #tpu.memory_space<vmem>> -> memref<64x128xf32, #tpu.memory_space<vmem>>
      tpu.enqueue_dma source(%dma_start3A_130 : memref<64x128xf32, #tpu.memory_space<vmem>>) target(%dma_start3A_126 : memref<64x128xf32, #tpu.memory_space<vmem_shared>>) target_semaphore(%run_scoped3A_118 : memref<!tpu.dma_semaphore, #tpu.memory_space<semaphore_mem>>)
      %dma_wait3A_131 = arith.constant 0 : i32
      %dma_wait3A_132 = arith.constant 0 : i32
      %dma_wait3A_133 = tpu.memref_slice %arg8[%run_scoped3A_88, %dma_wait3A_131, %dma_wait3A_132] : memref<4x64x128xf32, #tpu.memory_space<vmem>> -> memref<1x64x128xf32, #tpu.memory_space<vmem>>
      %dma_wait3A_134 = tpu.memref_squeeze %dma_wait3A_133 : memref<1x64x128xf32, #tpu.memory_space<vmem>> -> memref<64x128xf32, #tpu.memory_space<vmem>>
      %dma_wait3A_135 = arith.constant 0 : i32
      %dma_wait3A_136 = tpu.memref_slice %arg9[%add3A_87, %dma_wait3A_135] : memref<10112x128xf32, #tpu.memory_space<vmem_shared>> -> memref<64x128xf32, #tpu.memory_space<vmem_shared>>
      %dma_wait3A_137 = arith.constant 0 : i32
      %dma_wait3A_138 = tpu.memref_slice %arg9[%add3A_87, %dma_wait3A_137] : memref<10112x128xf32, #tpu.memory_space<vmem_shared>> -> memref<64x128xf32, #tpu.memory_space<vmem_shared>>
      %dma_wait3A_139 = arith.constant 0 : i32
      %dma_wait3A_140 = arith.constant 0 : i32
      %dma_wait3A_141 = tpu.memref_slice %arg8[%run_scoped3A_88, %dma_wait3A_139, %dma_wait3A_140] : memref<4x64x128xf32, #tpu.memory_space<vmem>> -> memref<1x64x128xf32, #tpu.memory_space<vmem>>
      %dma_wait3A_142 = tpu.memref_squeeze %dma_wait3A_141 : memref<1x64x128xf32, #tpu.memory_space<vmem>> -> memref<64x128xf32, #tpu.memory_space<vmem>>
      tpu.wait_dma2 semaphore(%run_scoped3A_118 : memref<!tpu.dma_semaphore, #tpu.memory_space<semaphore_mem>>) src(%dma_wait3A_142 : memref<64x128xf32, #tpu.memory_space<vmem>>) dst(%dma_wait3A_138 : memref<64x128xf32, #tpu.memory_space<vmem_shared>>)
      tpu.yield
    }) : () -> ()
    %mul3A_89 = arith.constant 632 : i32
    %mul3A_90 = arith.muli %arg1, %mul3A_89 : i32
    %add3A_91 = arith.constant 576 : i32
    %add3A_92 = arith.addi %mul3A_90, %add3A_91 : i32
    %run_scoped3A_93 = arith.constant 3 : i32
    "tpu.region"() ({
      %run_scoped3A_118 = tpu.sem_alloc : memref<!tpu.dma_semaphore, #tpu.memory_space<semaphore_mem>>
      %dma_start3A_119 = arith.constant 0 : i32
      %dma_start3A_120 = arith.constant 0 : i32
      %dma_start3A_121 = tpu.memref_slice %arg8[%run_scoped3A_93, %dma_start3A_119, %dma_start3A_120] : memref<4x64x128xf32, #tpu.memory_space<vmem>> -> memref<1x56x128xf32, #tpu.memory_space<vmem>>
      %dma_start3A_122 = tpu.memref_squeeze %dma_start3A_121 : memref<1x56x128xf32, #tpu.memory_space<vmem>> -> memref<56x128xf32, #tpu.memory_space<vmem>>
      %dma_start3A_123 = arith.constant 0 : i32
      %dma_start3A_124 = tpu.memref_slice %arg9[%add3A_92, %dma_start3A_123] : memref<10112x128xf32, #tpu.memory_space<vmem_shared>> -> memref<56x128xf32, #tpu.memory_space<vmem_shared>>
      %dma_start3A_125 = arith.constant 0 : i32
      %dma_start3A_126 = tpu.memref_slice %arg9[%add3A_92, %dma_start3A_125] : memref<10112x128xf32, #tpu.memory_space<vmem_shared>> -> memref<56x128xf32, #tpu.memory_space<vmem_shared>>
      %dma_start3A_127 = arith.constant 0 : i32
      %dma_start3A_128 = arith.constant 0 : i32
      %dma_start3A_129 = tpu.memref_slice %arg8[%run_scoped3A_93, %dma_start3A_127, %dma_start3A_128] : memref<4x64x128xf32, #tpu.memory_space<vmem>> -> memref<1x56x128xf32, #tpu.memory_space<vmem>>
      %dma_start3A_130 = tpu.memref_squeeze %dma_start3A_129 : memref<1x56x128xf32, #tpu.memory_space<vmem>> -> memref<56x128xf32, #tpu.memory_space<vmem>>
      tpu.enqueue_dma source(%dma_start3A_130 : memref<56x128xf32, #tpu.memory_space<vmem>>) target(%dma_start3A_126 : memref<56x128xf32, #tpu.memory_space<vmem_shared>>) target_semaphore(%run_scoped3A_118 : memref<!tpu.dma_semaphore, #tpu.memory_space<semaphore_mem>>)
      %dma_wait3A_131 = arith.constant 0 : i32
      %dma_wait3A_132 = arith.constant 0 : i32
      %dma_wait3A_133 = tpu.memref_slice %arg8[%run_scoped3A_93, %dma_wait3A_131, %dma_wait3A_132] : memref<4x64x128xf32, #tpu.memory_space<vmem>> -> memref<1x56x128xf32, #tpu.memory_space<vmem>>
      %dma_wait3A_134 = tpu.memref_squeeze %dma_wait3A_133 : memref<1x56x128xf32, #tpu.memory_space<vmem>> -> memref<56x128xf32, #tpu.memory_space<vmem>>
      %dma_wait3A_135 = arith.constant 0 : i32
      %dma_wait3A_136 = tpu.memref_slice %arg9[%add3A_92, %dma_wait3A_135] : memref<10112x128xf32, #tpu.memory_space<vmem_shared>> -> memref<56x128xf32, #tpu.memory_space<vmem_shared>>
      %dma_wait3A_137 = arith.constant 0 : i32
      %dma_wait3A_138 = tpu.memref_slice %arg9[%add3A_92, %dma_wait3A_137] : memref<10112x128xf32, #tpu.memory_space<vmem_shared>> -> memref<56x128xf32, #tpu.memory_space<vmem_shared>>
      %dma_wait3A_139 = arith.constant 0 : i32
      %dma_wait3A_140 = arith.constant 0 : i32
      %dma_wait3A_141 = tpu.memref_slice %arg8[%run_scoped3A_93, %dma_wait3A_139, %dma_wait3A_140] : memref<4x64x128xf32, #tpu.memory_space<vmem>> -> memref<1x56x128xf32, #tpu.memory_space<vmem>>
      %dma_wait3A_142 = tpu.memref_squeeze %dma_wait3A_141 : memref<1x56x128xf32, #tpu.memory_space<vmem>> -> memref<56x128xf32, #tpu.memory_space<vmem>>
      tpu.wait_dma2 semaphore(%run_scoped3A_118 : memref<!tpu.dma_semaphore, #tpu.memory_space<semaphore_mem>>) src(%dma_wait3A_142 : memref<56x128xf32, #tpu.memory_space<vmem>>) dst(%dma_wait3A_138 : memref<56x128xf32, #tpu.memory_space<vmem_shared>>)
      tpu.yield
    }) : () -> ()
    %barrier3A = arith.constant 0 : index
    tpu.barrier barrier_id(%barrier3A)
    %scan3A_94 = arith.constant 0 : i32
    %scan3A_95 = arith.constant 0 : i32
    %scan3A_96 = arith.constant 160 : i32
    %scan3A_97 = arith.addi %scan3A_95, %scan3A_96 : i32
    %scan3A_98 = arith.constant 1 : i32
    %scan3A_99 = scf.for %scan3A_118 = %scan3A_95 to %scan3A_97 step %scan3A_98 iter_args(%scan3A_119 = %scan3A_94) -> (i32)  : i32 {
      %jit3A = arith.constant 32 : i32
      %div3A = arith.divsi %scan3A_118, %jit3A : i32
      %sign3A = arith.constant 0 : i32
      %sign3A_120 = arith.cmpi sgt, %scan3A_118, %sign3A : i32
      %sign3A_121 = arith.extui %sign3A_120 : i1 to i32
      %sign3A_122 = arith.constant 0 : i32
      %sign3A_123 = arith.cmpi slt, %scan3A_118, %sign3A_122 : i32
      %sign3A_124 = arith.extui %sign3A_123 : i1 to i32
      %sign3A_125 = arith.subi %sign3A_121, %sign3A_124 : i32
      %sign3A_126 = arith.constant 0 : i32
      %sign3A_127 = arith.cmpi sgt, %jit3A, %sign3A_126 : i32
      %sign3A_128 = arith.extui %sign3A_127 : i1 to i32
      %sign3A_129 = arith.constant 0 : i32
      %sign3A_130 = arith.cmpi slt, %jit3A, %sign3A_129 : i32
      %sign3A_131 = arith.extui %sign3A_130 : i1 to i32
      %sign3A_132 = arith.subi %sign3A_128, %sign3A_131 : i32
      %ne3A = arith.cmpi ne, %sign3A_125, %sign3A_132 : i32
      %rem3A = arith.remsi %scan3A_118, %jit3A : i32
      %ne3A_133 = arith.constant 0 : i32
      %ne3A_134 = arith.cmpi ne, %rem3A, %ne3A_133 : i32
      %and3A = arith.andi %ne3A, %ne3A_134 : i1
      %sub3A = arith.constant 1 : i32
      %sub3A_135 = arith.subi %div3A, %sub3A : i32
      %select_n3A = arith.select %and3A, %sub3A_135, %div3A : i32
      %jit3A_136 = arith.constant 2 : i32
      %eq3A = arith.constant 0 : i32
      %eq3A_137 = arith.cmpi eq, %jit3A_136, %eq3A : i32
      %jit3A_138 = arith.constant 1 : i32
      %select_n3A_139 = arith.select %eq3A_137, %jit3A_138, %jit3A_136 : i32
      %rem3A_140 = arith.remsi %select_n3A, %select_n3A_139 : i32
      %ne3A_141 = arith.constant 0 : i32
      %ne3A_142 = arith.cmpi ne, %rem3A_140, %ne3A_141 : i32
      %lt3A = arith.constant 0 : i32
      %lt3A_143 = arith.cmpi slt, %rem3A_140, %lt3A : i32
      %lt3A_144 = arith.constant 0 : i32
      %lt3A_145 = arith.cmpi slt, %select_n3A_139, %lt3A_144 : i32
      %ne3A_146 = arith.xori %lt3A_143, %lt3A_145 : i1
      %and3A_147 = arith.andi %ne3A_146, %ne3A_142 : i1
      %add3A_148 = arith.addi %rem3A_140, %select_n3A_139 : i32
      %select_n3A_149 = arith.select %and3A_147, %add3A_148, %rem3A_140 : i32
      %jit3A_150 = arith.constant 32 : i32
      %eq3A_151 = arith.constant 0 : i32
      %eq3A_152 = arith.cmpi eq, %jit3A_150, %eq3A_151 : i32
      %jit3A_153 = arith.constant 1 : i32
      %select_n3A_154 = arith.select %eq3A_152, %jit3A_153, %jit3A_150 : i32
      %rem3A_155 = arith.remsi %scan3A_118, %select_n3A_154 : i32
      %ne3A_156 = arith.constant 0 : i32
      %ne3A_157 = arith.cmpi ne, %rem3A_155, %ne3A_156 : i32
      %lt3A_158 = arith.constant 0 : i32
      %lt3A_159 = arith.cmpi slt, %rem3A_155, %lt3A_158 : i32
      %lt3A_160 = arith.constant 0 : i32
      %lt3A_161 = arith.cmpi slt, %select_n3A_154, %lt3A_160 : i32
      %ne3A_162 = arith.xori %lt3A_159, %lt3A_161 : i1
      %and3A_163 = arith.andi %ne3A_162, %ne3A_157 : i1
      %add3A_164 = arith.addi %rem3A_155, %select_n3A_154 : i32
      %select_n3A_165 = arith.select %and3A_163, %add3A_164, %rem3A_155 : i32
      %jit3A_166 = arith.constant 4 : i32
      %eq3A_167 = arith.constant 0 : i32
      %eq3A_168 = arith.cmpi eq, %jit3A_166, %eq3A_167 : i32
      %jit3A_169 = arith.constant 1 : i32
      %select_n3A_170 = arith.select %eq3A_168, %jit3A_169, %jit3A_166 : i32
      %rem3A_171 = arith.remsi %scan3A_118, %select_n3A_170 : i32
      %ne3A_172 = arith.constant 0 : i32
      %ne3A_173 = arith.cmpi ne, %rem3A_171, %ne3A_172 : i32
      %lt3A_174 = arith.constant 0 : i32
      %lt3A_175 = arith.cmpi slt, %rem3A_171, %lt3A_174 : i32
      %lt3A_176 = arith.constant 0 : i32
      %lt3A_177 = arith.cmpi slt, %select_n3A_170, %lt3A_176 : i32
      %ne3A_178 = arith.xori %lt3A_175, %lt3A_177 : i1
      %and3A_179 = arith.andi %ne3A_178, %ne3A_173 : i1
      %add3A_180 = arith.addi %rem3A_171, %select_n3A_170 : i32
      %select_n3A_181 = arith.select %and3A_179, %add3A_180, %rem3A_171 : i32
      %dma_wait3A_182 = arith.constant 0 : i32
      %dma_wait3A_183 = arith.constant 0 : i32
      %dma_wait3A_184 = tpu.memref_slice %arg8[%select_n3A_181, %dma_wait3A_182, %dma_wait3A_183] : memref<4x64x128xf32, #tpu.memory_space<vmem>> -> memref<1x64x128xf32, #tpu.memory_space<vmem>>
      %dma_wait3A_185 = tpu.memref_squeeze %dma_wait3A_184 : memref<1x64x128xf32, #tpu.memory_space<vmem>> -> memref<64x128xf32, #tpu.memory_space<vmem>>
      %dma_wait3A_186 = arith.constant 0 : i32
      %dma_wait3A_187 = tpu.memref_slice %arg6[%select_n3A_149, %select_n3A_165, %dma_wait3A_186] : memref<2x32x64xi32, #tpu.memory_space<vmem>> -> memref<1x1x64xi32, #tpu.memory_space<vmem>>
      %dma_wait3A_188 = tpu.memref_squeeze %dma_wait3A_187 : memref<1x1x64xi32, #tpu.memory_space<vmem>> -> memref<64xi32, #tpu.memory_space<vmem>>
      %dma_wait3A_189 = arith.constant 0 : i32
      %dma_wait3A_190 = arith.constant 0 : i32
      %dma_wait3A_191 = tpu.memref_slice %arg2[%dma_wait3A_189, %dma_wait3A_190] : memref<10000x128xf32, #tpu.memory_space<hbm>> -> memref<10000x128xf32, #tpu.memory_space<hbm>>
      tpu.wait_indirect_dma semaphore(%arg10 : memref<!tpu.dma_semaphore, #tpu.memory_space<semaphore_mem>>) src(%dma_wait3A_191 : memref<10000x128xf32, #tpu.memory_space<hbm>>) dst(%dma_wait3A_185 : memref<64x128xf32, #tpu.memory_space<vmem>>)
      %dma_start3A_192 = arith.constant 0 : i32
      %dma_start3A_193 = arith.constant 0 : i32
      %dma_start3A_194 = tpu.memref_slice %arg8[%select_n3A_181, %dma_start3A_192, %dma_start3A_193] : memref<4x64x128xf32, #tpu.memory_space<vmem>> -> memref<1x64x128xf32, #tpu.memory_space<vmem>>
      %dma_start3A_195 = tpu.memref_squeeze %dma_start3A_194 : memref<1x64x128xf32, #tpu.memory_space<vmem>> -> memref<64x128xf32, #tpu.memory_space<vmem>>
      %dma_start3A_196 = arith.constant 0 : i32
      %dma_start3A_197 = tpu.memref_slice %arg7[%select_n3A_149, %select_n3A_165, %dma_start3A_196] : memref<2x32x64xi32, #tpu.memory_space<vmem>> -> memref<1x1x64xi32, #tpu.memory_space<vmem>>
      %dma_start3A_198 = tpu.memref_squeeze %dma_start3A_197 : memref<1x1x64xi32, #tpu.memory_space<vmem>> -> memref<64xi32, #tpu.memory_space<vmem>>
      %dma_start3A_199 = arith.constant 0 : i32
      %dma_start3A_200 = arith.constant 0 : i32
      %dma_start3A_201 = tpu.memref_slice %arg9[%dma_start3A_199, %dma_start3A_200] : memref<10112x128xf32, #tpu.memory_space<vmem_shared>> -> memref<10112x128xf32, #tpu.memory_space<vmem_shared>>
      tpu.enqueue_indirect_dma source(%dma_start3A_195 : memref<64x128xf32, #tpu.memory_space<vmem>>) target(%dma_start3A_201 : memref<10112x128xf32, #tpu.memory_space<vmem_shared>>) offsets(%dma_start3A_198 : memref<64xi32, #tpu.memory_space<vmem>>) semaphore(%arg11 : memref<!tpu.dma_semaphore, #tpu.memory_space<semaphore_mem>>) {add = true}
      %ge3A = arith.constant 1 : i32
      %ge3A_202 = arith.cmpi sge, %scan3A_118, %ge3A : i32
      %convert_element_type3A = arith.extui %ge3A_202 : i1 to i32
      %cond3A = arith.constant 0 : i32
      %cond3A_203 = arith.cmpi ne, %convert_element_type3A, %cond3A : i32
      scf.if %cond3A_203 {
        %sub3A_224 = arith.constant 1 : i32
        %sub3A_225 = arith.subi %scan3A_118, %sub3A_224 : i32
        %jit3A_226 = arith.constant 4 : i32
        %eq3A_227 = arith.constant 0 : i32
        %eq3A_228 = arith.cmpi eq, %jit3A_226, %eq3A_227 : i32
        %jit3A_229 = arith.constant 1 : i32
        %select_n3A_230 = arith.select %eq3A_228, %jit3A_229, %jit3A_226 : i32
        %rem3A_231 = arith.remsi %sub3A_225, %select_n3A_230 : i32
        %ne3A_232 = arith.constant 0 : i32
        %ne3A_233 = arith.cmpi ne, %rem3A_231, %ne3A_232 : i32
        %lt3A_234 = arith.constant 0 : i32
        %lt3A_235 = arith.cmpi slt, %rem3A_231, %lt3A_234 : i32
        %lt3A_236 = arith.constant 0 : i32
        %lt3A_237 = arith.cmpi slt, %select_n3A_230, %lt3A_236 : i32
        %ne3A_238 = arith.xori %lt3A_235, %lt3A_237 : i1
        %and3A_239 = arith.andi %ne3A_238, %ne3A_233 : i1
        %add3A_240 = arith.addi %rem3A_231, %select_n3A_230 : i32
        %select_n3A_241 = arith.select %and3A_239, %add3A_240, %rem3A_231 : i32
        %jit3A_242 = arith.constant 32 : i32
        %div3A_243 = arith.divsi %sub3A_225, %jit3A_242 : i32
        %sign3A_244 = arith.constant 0 : i32
        %sign3A_245 = arith.cmpi sgt, %sub3A_225, %sign3A_244 : i32
        %sign3A_246 = arith.extui %sign3A_245 : i1 to i32
        %sign3A_247 = arith.constant 0 : i32
        %sign3A_248 = arith.cmpi slt, %sub3A_225, %sign3A_247 : i32
        %sign3A_249 = arith.extui %sign3A_248 : i1 to i32
        %sign3A_250 = arith.subi %sign3A_246, %sign3A_249 : i32
        %sign3A_251 = arith.constant 0 : i32
        %sign3A_252 = arith.cmpi sgt, %jit3A_242, %sign3A_251 : i32
        %sign3A_253 = arith.extui %sign3A_252 : i1 to i32
        %sign3A_254 = arith.constant 0 : i32
        %sign3A_255 = arith.cmpi slt, %jit3A_242, %sign3A_254 : i32
        %sign3A_256 = arith.extui %sign3A_255 : i1 to i32
        %sign3A_257 = arith.subi %sign3A_253, %sign3A_256 : i32
        %ne3A_258 = arith.cmpi ne, %sign3A_250, %sign3A_257 : i32
        %rem3A_259 = arith.remsi %sub3A_225, %jit3A_242 : i32
        %ne3A_260 = arith.constant 0 : i32
        %ne3A_261 = arith.cmpi ne, %rem3A_259, %ne3A_260 : i32
        %and3A_262 = arith.andi %ne3A_258, %ne3A_261 : i1
        %sub3A_263 = arith.constant 1 : i32
        %sub3A_264 = arith.subi %div3A_243, %sub3A_263 : i32
        %select_n3A_265 = arith.select %and3A_262, %sub3A_264, %div3A_243 : i32
        %jit3A_266 = arith.constant 2 : i32
        %eq3A_267 = arith.constant 0 : i32
        %eq3A_268 = arith.cmpi eq, %jit3A_266, %eq3A_267 : i32
        %jit3A_269 = arith.constant 1 : i32
        %select_n3A_270 = arith.select %eq3A_268, %jit3A_269, %jit3A_266 : i32
        %rem3A_271 = arith.remsi %select_n3A_265, %select_n3A_270 : i32
        %ne3A_272 = arith.constant 0 : i32
        %ne3A_273 = arith.cmpi ne, %rem3A_271, %ne3A_272 : i32
        %lt3A_274 = arith.constant 0 : i32
        %lt3A_275 = arith.cmpi slt, %rem3A_271, %lt3A_274 : i32
        %lt3A_276 = arith.constant 0 : i32
        %lt3A_277 = arith.cmpi slt, %select_n3A_270, %lt3A_276 : i32
        %ne3A_278 = arith.xori %lt3A_275, %lt3A_277 : i1
        %and3A_279 = arith.andi %ne3A_278, %ne3A_273 : i1
        %add3A_280 = arith.addi %rem3A_271, %select_n3A_270 : i32
        %select_n3A_281 = arith.select %and3A_279, %add3A_280, %rem3A_271 : i32
        %jit3A_282 = arith.constant 32 : i32
        %eq3A_283 = arith.constant 0 : i32
        %eq3A_284 = arith.cmpi eq, %jit3A_282, %eq3A_283 : i32
        %jit3A_285 = arith.constant 1 : i32
        %select_n3A_286 = arith.select %eq3A_284, %jit3A_285, %jit3A_282 : i32
        %rem3A_287 = arith.remsi %sub3A_225, %select_n3A_286 : i32
        %ne3A_288 = arith.constant 0 : i32
        %ne3A_289 = arith.cmpi ne, %rem3A_287, %ne3A_288 : i32
        %lt3A_290 = arith.constant 0 : i32
        %lt3A_291 = arith.cmpi slt, %rem3A_287, %lt3A_290 : i32
        %lt3A_292 = arith.constant 0 : i32
        %lt3A_293 = arith.cmpi slt, %select_n3A_286, %lt3A_292 : i32
        %ne3A_294 = arith.xori %lt3A_291, %lt3A_293 : i1
        %and3A_295 = arith.andi %ne3A_294, %ne3A_289 : i1
        %add3A_296 = arith.addi %rem3A_287, %select_n3A_286 : i32
        %select_n3A_297 = arith.select %and3A_295, %add3A_296, %rem3A_287 : i32
        %dma_wait3A_298 = arith.constant 0 : i32
        %dma_wait3A_299 = arith.constant 0 : i32
        %dma_wait3A_300 = tpu.memref_slice %arg8[%select_n3A_241, %dma_wait3A_298, %dma_wait3A_299] : memref<4x64x128xf32, #tpu.memory_space<vmem>> -> memref<1x64x128xf32, #tpu.memory_space<vmem>>
        %dma_wait3A_301 = tpu.memref_squeeze %dma_wait3A_300 : memref<1x64x128xf32, #tpu.memory_space<vmem>> -> memref<64x128xf32, #tpu.memory_space<vmem>>
        %dma_wait3A_302 = arith.constant 0 : i32
        %dma_wait3A_303 = tpu.memref_slice %arg7[%select_n3A_281, %select_n3A_297, %dma_wait3A_302] : memref<2x32x64xi32, #tpu.memory_space<vmem>> -> memref<1x1x64xi32, #tpu.memory_space<vmem>>
        %dma_wait3A_304 = tpu.memref_squeeze %dma_wait3A_303 : memref<1x1x64xi32, #tpu.memory_space<vmem>> -> memref<64xi32, #tpu.memory_space<vmem>>
        %dma_wait3A_305 = arith.constant 0 : i32
        %dma_wait3A_306 = arith.constant 0 : i32
        %dma_wait3A_307 = tpu.memref_slice %arg9[%dma_wait3A_305, %dma_wait3A_306] : memref<10112x128xf32, #tpu.memory_space<vmem_shared>> -> memref<10112x128xf32, #tpu.memory_space<vmem_shared>>
        tpu.wait_indirect_dma semaphore(%arg11 : memref<!tpu.dma_semaphore, #tpu.memory_space<semaphore_mem>>) src(%dma_wait3A_301 : memref<64x128xf32, #tpu.memory_space<vmem>>) dst(%dma_wait3A_307 : memref<10112x128xf32, #tpu.memory_space<vmem_shared>>)
      } else {
      }
      %eq3A_204 = arith.constant 8 : i32
      %eq3A_205 = arith.cmpi eq, %select_n3A_165, %eq3A_204 : i32
      %add3A_206 = arith.constant 1 : i32
      %add3A_207 = arith.addi %select_n3A, %add3A_206 : i32
      %lt3A_208 = arith.constant 5 : i32
      %lt3A_209 = arith.cmpi slt, %add3A_207, %lt3A_208 : i32
      %and3A_210 = arith.andi %eq3A_205, %lt3A_209 : i1
      %convert_element_type3A_211 = arith.extui %and3A_210 : i1 to i32
      %cond3A_212 = arith.constant 0 : i32
      %cond3A_213 = arith.cmpi ne, %convert_element_type3A_211, %cond3A_212 : i32
      scf.if %cond3A_213 {
        %add3A_224 = arith.constant 1 : i32
        %add3A_225 = arith.addi %select_n3A, %add3A_224 : i32
        %mul3A_226 = arith.constant 32 : i32
        %mul3A_227 = arith.muli %add3A_225, %mul3A_226 : i32
        %multiple_of3A = tpu.assume_multiple %mul3A_227, 32 : i32
        %add3A_228 = arith.constant 1 : i32
        %add3A_229 = arith.addi %select_n3A, %add3A_228 : i32
        %jit3A_230 = arith.constant 2 : i32
        %eq3A_231 = arith.constant 0 : i32
        %eq3A_232 = arith.cmpi eq, %jit3A_230, %eq3A_231 : i32
        %jit3A_233 = arith.constant 1 : i32
        %select_n3A_234 = arith.select %eq3A_232, %jit3A_233, %jit3A_230 : i32
        %rem3A_235 = arith.remsi %add3A_229, %select_n3A_234 : i32
        %ne3A_236 = arith.constant 0 : i32
        %ne3A_237 = arith.cmpi ne, %rem3A_235, %ne3A_236 : i32
        %lt3A_238 = arith.constant 0 : i32
        %lt3A_239 = arith.cmpi slt, %rem3A_235, %lt3A_238 : i32
        %lt3A_240 = arith.constant 0 : i32
        %lt3A_241 = arith.cmpi slt, %select_n3A_234, %lt3A_240 : i32
        %ne3A_242 = arith.xori %lt3A_239, %lt3A_241 : i1
        %and3A_243 = arith.andi %ne3A_242, %ne3A_237 : i1
        %add3A_244 = arith.addi %rem3A_235, %select_n3A_234 : i32
        %select_n3A_245 = arith.select %and3A_243, %add3A_244, %rem3A_235 : i32
        "tpu.region"() ({
          %run_scoped3A_264 = tpu.sem_alloc : memref<!tpu.dma_semaphore, #tpu.memory_space<semaphore_mem>>
          %dma_start3A_265 = arith.constant 0 : i32
          %dma_start3A_266 = arith.constant 0 : i32
          %dma_start3A_267 = tpu.memref_slice %arg6[%select_n3A_245, %dma_start3A_265, %dma_start3A_266] : memref<2x32x64xi32, #tpu.memory_space<vmem>> -> memref<1x32x64xi32, #tpu.memory_space<vmem>>
          %dma_start3A_268 = tpu.memref_squeeze %dma_start3A_267 : memref<1x32x64xi32, #tpu.memory_space<vmem>> -> memref<32x64xi32, #tpu.memory_space<vmem>>
          %dma_start3A_269 = arith.constant 0 : i32
          %dma_start3A_270 = tpu.memref_slice %arg3[%arg0, %arg1, %multiple_of3A, %dma_start3A_269] : memref<2x16x160x64xi32, #tpu.memory_space<hbm>> -> memref<1x1x32x64xi32, #tpu.memory_space<hbm>>
          %dma_start3A_271 = tpu.memref_squeeze %dma_start3A_270 : memref<1x1x32x64xi32, #tpu.memory_space<hbm>> -> memref<32x64xi32, #tpu.memory_space<hbm>>
          %dma_start3A_272 = arith.constant 0 : i32
          %dma_start3A_273 = arith.constant 0 : i32
          %dma_start3A_274 = tpu.memref_slice %arg6[%select_n3A_245, %dma_start3A_272, %dma_start3A_273] : memref<2x32x64xi32, #tpu.memory_space<vmem>> -> memref<1x32x64xi32, #tpu.memory_space<vmem>>
          %dma_start3A_275 = tpu.memref_squeeze %dma_start3A_274 : memref<1x32x64xi32, #tpu.memory_space<vmem>> -> memref<32x64xi32, #tpu.memory_space<vmem>>
          %dma_start3A_276 = arith.constant 0 : i32
          %dma_start3A_277 = tpu.memref_slice %arg3[%arg0, %arg1, %multiple_of3A, %dma_start3A_276] : memref<2x16x160x64xi32, #tpu.memory_space<hbm>> -> memref<1x1x32x64xi32, #tpu.memory_space<hbm>>
          %dma_start3A_278 = tpu.memref_squeeze %dma_start3A_277 : memref<1x1x32x64xi32, #tpu.memory_space<hbm>> -> memref<32x64xi32, #tpu.memory_space<hbm>>
          tpu.enqueue_dma source(%dma_start3A_278 : memref<32x64xi32, #tpu.memory_space<hbm>>) target(%dma_start3A_275 : memref<32x64xi32, #tpu.memory_space<vmem>>) target_semaphore(%run_scoped3A_264 : memref<!tpu.dma_semaphore, #tpu.memory_space<semaphore_mem>>)
          %dma_wait3A_279 = arith.constant 0 : i32
          %dma_wait3A_280 = arith.constant 0 : i32
          %dma_wait3A_281 = tpu.memref_slice %arg6[%select_n3A_245, %dma_wait3A_279, %dma_wait3A_280] : memref<2x32x64xi32, #tpu.memory_space<vmem>> -> memref<1x32x64xi32, #tpu.memory_space<vmem>>
          %dma_wait3A_282 = tpu.memref_squeeze %dma_wait3A_281 : memref<1x32x64xi32, #tpu.memory_space<vmem>> -> memref<32x64xi32, #tpu.memory_space<vmem>>
          %dma_wait3A_283 = arith.constant 0 : i32
          %dma_wait3A_284 = tpu.memref_slice %arg3[%arg0, %arg1, %multiple_of3A, %dma_wait3A_283] : memref<2x16x160x64xi32, #tpu.memory_space<hbm>> -> memref<1x1x32x64xi32, #tpu.memory_space<hbm>>
          %dma_wait3A_285 = tpu.memref_squeeze %dma_wait3A_284 : memref<1x1x32x64xi32, #tpu.memory_space<hbm>> -> memref<32x64xi32, #tpu.memory_space<hbm>>
          %dma_wait3A_286 = arith.constant 0 : i32
          %dma_wait3A_287 = arith.constant 0 : i32
          %dma_wait3A_288 = tpu.memref_slice %arg6[%select_n3A_245, %dma_wait3A_286, %dma_wait3A_287] : memref<2x32x64xi32, #tpu.memory_space<vmem>> -> memref<1x32x64xi32, #tpu.memory_space<vmem>>
          %dma_wait3A_289 = tpu.memref_squeeze %dma_wait3A_288 : memref<1x32x64xi32, #tpu.memory_space<vmem>> -> memref<32x64xi32, #tpu.memory_space<vmem>>
          %dma_wait3A_290 = arith.constant 0 : i32
          %dma_wait3A_291 = tpu.memref_slice %arg3[%arg0, %arg1, %multiple_of3A, %dma_wait3A_290] : memref<2x16x160x64xi32, #tpu.memory_space<hbm>> -> memref<1x1x32x64xi32, #tpu.memory_space<hbm>>
          %dma_wait3A_292 = tpu.memref_squeeze %dma_wait3A_291 : memref<1x1x32x64xi32, #tpu.memory_space<hbm>> -> memref<32x64xi32, #tpu.memory_space<hbm>>
          tpu.wait_dma2 semaphore(%run_scoped3A_264 : memref<!tpu.dma_semaphore, #tpu.memory_space<semaphore_mem>>) src(%dma_wait3A_292 : memref<32x64xi32, #tpu.memory_space<hbm>>) dst(%dma_wait3A_289 : memref<32x64xi32, #tpu.memory_space<vmem>>)
          tpu.yield
        }) : () -> ()
        %add3A_246 = arith.constant 1 : i32
        %add3A_247 = arith.addi %select_n3A, %add3A_246 : i32
        %jit3A_248 = arith.constant 2 : i32
        %eq3A_249 = arith.constant 0 : i32
        %eq3A_250 = arith.cmpi eq, %jit3A_248, %eq3A_249 : i32
        %jit3A_251 = arith.constant 1 : i32
        %select_n3A_252 = arith.select %eq3A_250, %jit3A_251, %jit3A_248 : i32
        %rem3A_253 = arith.remsi %add3A_247, %select_n3A_252 : i32
        %ne3A_254 = arith.constant 0 : i32
        %ne3A_255 = arith.cmpi ne, %rem3A_253, %ne3A_254 : i32
        %lt3A_256 = arith.constant 0 : i32
        %lt3A_257 = arith.cmpi slt, %rem3A_253, %lt3A_256 : i32
        %lt3A_258 = arith.constant 0 : i32
        %lt3A_259 = arith.cmpi slt, %select_n3A_252, %lt3A_258 : i32
        %ne3A_260 = arith.xori %lt3A_257, %lt3A_259 : i1
        %and3A_261 = arith.andi %ne3A_260, %ne3A_255 : i1
        %add3A_262 = arith.addi %rem3A_253, %select_n3A_252 : i32
        %select_n3A_263 = arith.select %and3A_261, %add3A_262, %rem3A_253 : i32
        "tpu.region"() ({
          %run_scoped3A_264 = tpu.sem_alloc : memref<!tpu.dma_semaphore, #tpu.memory_space<semaphore_mem>>
          %dma_start3A_265 = arith.constant 0 : i32
          %dma_start3A_266 = arith.constant 0 : i32
          %dma_start3A_267 = tpu.memref_slice %arg7[%select_n3A_263, %dma_start3A_265, %dma_start3A_266] : memref<2x32x64xi32, #tpu.memory_space<vmem>> -> memref<1x32x64xi32, #tpu.memory_space<vmem>>
          %dma_start3A_268 = tpu.memref_squeeze %dma_start3A_267 : memref<1x32x64xi32, #tpu.memory_space<vmem>> -> memref<32x64xi32, #tpu.memory_space<vmem>>
          %dma_start3A_269 = arith.constant 0 : i32
          %dma_start3A_270 = tpu.memref_slice %arg4[%arg0, %arg1, %multiple_of3A, %dma_start3A_269] : memref<2x16x160x64xi32, #tpu.memory_space<hbm>> -> memref<1x1x32x64xi32, #tpu.memory_space<hbm>>
          %dma_start3A_271 = tpu.memref_squeeze %dma_start3A_270 : memref<1x1x32x64xi32, #tpu.memory_space<hbm>> -> memref<32x64xi32, #tpu.memory_space<hbm>>
          %dma_start3A_272 = arith.constant 0 : i32
          %dma_start3A_273 = arith.constant 0 : i32
          %dma_start3A_274 = tpu.memref_slice %arg7[%select_n3A_263, %dma_start3A_272, %dma_start3A_273] : memref<2x32x64xi32, #tpu.memory_space<vmem>> -> memref<1x32x64xi32, #tpu.memory_space<vmem>>
          %dma_start3A_275 = tpu.memref_squeeze %dma_start3A_274 : memref<1x32x64xi32, #tpu.memory_space<vmem>> -> memref<32x64xi32, #tpu.memory_space<vmem>>
          %dma_start3A_276 = arith.constant 0 : i32
          %dma_start3A_277 = tpu.memref_slice %arg4[%arg0, %arg1, %multiple_of3A, %dma_start3A_276] : memref<2x16x160x64xi32, #tpu.memory_space<hbm>> -> memref<1x1x32x64xi32, #tpu.memory_space<hbm>>
          %dma_start3A_278 = tpu.memref_squeeze %dma_start3A_277 : memref<1x1x32x64xi32, #tpu.memory_space<hbm>> -> memref<32x64xi32, #tpu.memory_space<hbm>>
          tpu.enqueue_dma source(%dma_start3A_278 : memref<32x64xi32, #tpu.memory_space<hbm>>) target(%dma_start3A_275 : memref<32x64xi32, #tpu.memory_space<vmem>>) target_semaphore(%run_scoped3A_264 : memref<!tpu.dma_semaphore, #tpu.memory_space<semaphore_mem>>)
          %dma_wait3A_279 = arith.constant 0 : i32
          %dma_wait3A_280 = arith.constant 0 : i32
          %dma_wait3A_281 = tpu.memref_slice %arg7[%select_n3A_263, %dma_wait3A_279, %dma_wait3A_280] : memref<2x32x64xi32, #tpu.memory_space<vmem>> -> memref<1x32x64xi32, #tpu.memory_space<vmem>>
          %dma_wait3A_282 = tpu.memref_squeeze %dma_wait3A_281 : memref<1x32x64xi32, #tpu.memory_space<vmem>> -> memref<32x64xi32, #tpu.memory_space<vmem>>
          %dma_wait3A_283 = arith.constant 0 : i32
          %dma_wait3A_284 = tpu.memref_slice %arg4[%arg0, %arg1, %multiple_of3A, %dma_wait3A_283] : memref<2x16x160x64xi32, #tpu.memory_space<hbm>> -> memref<1x1x32x64xi32, #tpu.memory_space<hbm>>
          %dma_wait3A_285 = tpu.memref_squeeze %dma_wait3A_284 : memref<1x1x32x64xi32, #tpu.memory_space<hbm>> -> memref<32x64xi32, #tpu.memory_space<hbm>>
          %dma_wait3A_286 = arith.constant 0 : i32
          %dma_wait3A_287 = arith.constant 0 : i32
          %dma_wait3A_288 = tpu.memref_slice %arg7[%select_n3A_263, %dma_wait3A_286, %dma_wait3A_287] : memref<2x32x64xi32, #tpu.memory_space<vmem>> -> memref<1x32x64xi32, #tpu.memory_space<vmem>>
          %dma_wait3A_289 = tpu.memref_squeeze %dma_wait3A_288 : memref<1x32x64xi32, #tpu.memory_space<vmem>> -> memref<32x64xi32, #tpu.memory_space<vmem>>
          %dma_wait3A_290 = arith.constant 0 : i32
          %dma_wait3A_291 = tpu.memref_slice %arg4[%arg0, %arg1, %multiple_of3A, %dma_wait3A_290] : memref<2x16x160x64xi32, #tpu.memory_space<hbm>> -> memref<1x1x32x64xi32, #tpu.memory_space<hbm>>
          %dma_wait3A_292 = tpu.memref_squeeze %dma_wait3A_291 : memref<1x1x32x64xi32, #tpu.memory_space<hbm>> -> memref<32x64xi32, #tpu.memory_space<hbm>>
          tpu.wait_dma2 semaphore(%run_scoped3A_264 : memref<!tpu.dma_semaphore, #tpu.memory_space<semaphore_mem>>) src(%dma_wait3A_292 : memref<32x64xi32, #tpu.memory_space<hbm>>) dst(%dma_wait3A_289 : memref<32x64xi32, #tpu.memory_space<vmem>>)
          tpu.yield
        }) : () -> ()
      } else {
      }
      %add3A_214 = arith.constant 4 : i32
      %add3A_215 = arith.addi %scan3A_118, %add3A_214 : i32
      %sub3A_216 = arith.constant 1 : i32
      %sub3A_217 = arith.subi %add3A_215, %sub3A_216 : i32
      %lt3A_218 = arith.constant 160 : i32
      %lt3A_219 = arith.cmpi slt, %sub3A_217, %lt3A_218 : i32
      %convert_element_type3A_220 = arith.extui %lt3A_219 : i1 to i32
      %cond3A_221 = arith.constant 0 : i32
      %cond3A_222 = arith.cmpi ne, %convert_element_type3A_220, %cond3A_221 : i32
      scf.if %cond3A_222 {
        %add3A_224 = arith.constant 4 : i32
        %add3A_225 = arith.addi %scan3A_118, %add3A_224 : i32
        %sub3A_226 = arith.constant 1 : i32
        %sub3A_227 = arith.subi %add3A_225, %sub3A_226 : i32
        %jit3A_228 = arith.constant 32 : i32
        %div3A_229 = arith.divsi %sub3A_227, %jit3A_228 : i32
        %sign3A_230 = arith.constant 0 : i32
        %sign3A_231 = arith.cmpi sgt, %sub3A_227, %sign3A_230 : i32
        %sign3A_232 = arith.extui %sign3A_231 : i1 to i32
        %sign3A_233 = arith.constant 0 : i32
        %sign3A_234 = arith.cmpi slt, %sub3A_227, %sign3A_233 : i32
        %sign3A_235 = arith.extui %sign3A_234 : i1 to i32
        %sign3A_236 = arith.subi %sign3A_232, %sign3A_235 : i32
        %sign3A_237 = arith.constant 0 : i32
        %sign3A_238 = arith.cmpi sgt, %jit3A_228, %sign3A_237 : i32
        %sign3A_239 = arith.extui %sign3A_238 : i1 to i32
        %sign3A_240 = arith.constant 0 : i32
        %sign3A_241 = arith.cmpi slt, %jit3A_228, %sign3A_240 : i32
        %sign3A_242 = arith.extui %sign3A_241 : i1 to i32
        %sign3A_243 = arith.subi %sign3A_239, %sign3A_242 : i32
        %ne3A_244 = arith.cmpi ne, %sign3A_236, %sign3A_243 : i32
        %rem3A_245 = arith.remsi %sub3A_227, %jit3A_228 : i32
        %ne3A_246 = arith.constant 0 : i32
        %ne3A_247 = arith.cmpi ne, %rem3A_245, %ne3A_246 : i32
        %and3A_248 = arith.andi %ne3A_244, %ne3A_247 : i1
        %sub3A_249 = arith.constant 1 : i32
        %sub3A_250 = arith.subi %div3A_229, %sub3A_249 : i32
        %select_n3A_251 = arith.select %and3A_248, %sub3A_250, %div3A_229 : i32
        %jit3A_252 = arith.constant 2 : i32
        %eq3A_253 = arith.constant 0 : i32
        %eq3A_254 = arith.cmpi eq, %jit3A_252, %eq3A_253 : i32
        %jit3A_255 = arith.constant 1 : i32
        %select_n3A_256 = arith.select %eq3A_254, %jit3A_255, %jit3A_252 : i32
        %rem3A_257 = arith.remsi %select_n3A_251, %select_n3A_256 : i32
        %ne3A_258 = arith.constant 0 : i32
        %ne3A_259 = arith.cmpi ne, %rem3A_257, %ne3A_258 : i32
        %lt3A_260 = arith.constant 0 : i32
        %lt3A_261 = arith.cmpi slt, %rem3A_257, %lt3A_260 : i32
        %lt3A_262 = arith.constant 0 : i32
        %lt3A_263 = arith.cmpi slt, %select_n3A_256, %lt3A_262 : i32
        %ne3A_264 = arith.xori %lt3A_261, %lt3A_263 : i1
        %and3A_265 = arith.andi %ne3A_264, %ne3A_259 : i1
        %add3A_266 = arith.addi %rem3A_257, %select_n3A_256 : i32
        %select_n3A_267 = arith.select %and3A_265, %add3A_266, %rem3A_257 : i32
        %jit3A_268 = arith.constant 32 : i32
        %eq3A_269 = arith.constant 0 : i32
        %eq3A_270 = arith.cmpi eq, %jit3A_268, %eq3A_269 : i32
        %jit3A_271 = arith.constant 1 : i32
        %select_n3A_272 = arith.select %eq3A_270, %jit3A_271, %jit3A_268 : i32
        %rem3A_273 = arith.remsi %sub3A_227, %select_n3A_272 : i32
        %ne3A_274 = arith.constant 0 : i32
        %ne3A_275 = arith.cmpi ne, %rem3A_273, %ne3A_274 : i32
        %lt3A_276 = arith.constant 0 : i32
        %lt3A_277 = arith.cmpi slt, %rem3A_273, %lt3A_276 : i32
        %lt3A_278 = arith.constant 0 : i32
        %lt3A_279 = arith.cmpi slt, %select_n3A_272, %lt3A_278 : i32
        %ne3A_280 = arith.xori %lt3A_277, %lt3A_279 : i1
        %and3A_281 = arith.andi %ne3A_280, %ne3A_275 : i1
        %add3A_282 = arith.addi %rem3A_273, %select_n3A_272 : i32
        %select_n3A_283 = arith.select %and3A_281, %add3A_282, %rem3A_273 : i32
        %jit3A_284 = arith.constant 4 : i32
        %eq3A_285 = arith.constant 0 : i32
        %eq3A_286 = arith.cmpi eq, %jit3A_284, %eq3A_285 : i32
        %jit3A_287 = arith.constant 1 : i32
        %select_n3A_288 = arith.select %eq3A_286, %jit3A_287, %jit3A_284 : i32
        %rem3A_289 = arith.remsi %sub3A_227, %select_n3A_288 : i32
        %ne3A_290 = arith.constant 0 : i32
        %ne3A_291 = arith.cmpi ne, %rem3A_289, %ne3A_290 : i32
        %lt3A_292 = arith.constant 0 : i32
        %lt3A_293 = arith.cmpi slt, %rem3A_289, %lt3A_292 : i32
        %lt3A_294 = arith.constant 0 : i32
        %lt3A_295 = arith.cmpi slt, %select_n3A_288, %lt3A_294 : i32
        %ne3A_296 = arith.xori %lt3A_293, %lt3A_295 : i1
        %and3A_297 = arith.andi %ne3A_296, %ne3A_291 : i1
        %add3A_298 = arith.addi %rem3A_289, %select_n3A_288 : i32
        %select_n3A_299 = arith.select %and3A_297, %add3A_298, %rem3A_289 : i32
        %dma_start3A_300 = arith.constant 0 : i32
        %dma_start3A_301 = arith.constant 0 : i32
        %dma_start3A_302 = tpu.memref_slice %arg8[%select_n3A_299, %dma_start3A_300, %dma_start3A_301] : memref<4x64x128xf32, #tpu.memory_space<vmem>> -> memref<1x64x128xf32, #tpu.memory_space<vmem>>
        %dma_start3A_303 = tpu.memref_squeeze %dma_start3A_302 : memref<1x64x128xf32, #tpu.memory_space<vmem>> -> memref<64x128xf32, #tpu.memory_space<vmem>>
        %dma_start3A_304 = arith.constant 0 : i32
        %dma_start3A_305 = tpu.memref_slice %arg6[%select_n3A_267, %select_n3A_283, %dma_start3A_304] : memref<2x32x64xi32, #tpu.memory_space<vmem>> -> memref<1x1x64xi32, #tpu.memory_space<vmem>>
        %dma_start3A_306 = tpu.memref_squeeze %dma_start3A_305 : memref<1x1x64xi32, #tpu.memory_space<vmem>> -> memref<64xi32, #tpu.memory_space<vmem>>
        %dma_start3A_307 = arith.constant 0 : i32
        %dma_start3A_308 = arith.constant 0 : i32
        %dma_start3A_309 = tpu.memref_slice %arg2[%dma_start3A_307, %dma_start3A_308] : memref<10000x128xf32, #tpu.memory_space<hbm>> -> memref<10000x128xf32, #tpu.memory_space<hbm>>
        tpu.enqueue_indirect_dma source(%dma_start3A_309 : memref<10000x128xf32, #tpu.memory_space<hbm>>) target(%dma_start3A_303 : memref<64x128xf32, #tpu.memory_space<vmem>>) offsets(%dma_start3A_306 : memref<64xi32, #tpu.memory_space<vmem>>) semaphore(%arg10 : memref<!tpu.dma_semaphore, #tpu.memory_space<semaphore_mem>>)
      } else {
      }
      %scan3A_223 = arith.constant 0 : i32
      scf.yield %scan3A_223 : i32
    }
    %scan3A_100 = arith.constant 160 : i32
    %dma_wait3A = arith.constant 3 : i32
    %dma_wait3A_101 = arith.constant 0 : i32
    %dma_wait3A_102 = arith.constant 31 : i32
    %dma_wait3A_103 = arith.constant 0 : i32
    %dma_wait3A_104 = arith.constant 0 : i32
    %dma_wait3A_105 = tpu.memref_slice %arg8[%dma_wait3A, %dma_wait3A_103, %dma_wait3A_104] : memref<4x64x128xf32, #tpu.memory_space<vmem>> -> memref<1x64x128xf32, #tpu.memory_space<vmem>>
    %dma_wait3A_106 = tpu.memref_squeeze %dma_wait3A_105 : memref<1x64x128xf32, #tpu.memory_space<vmem>> -> memref<64x128xf32, #tpu.memory_space<vmem>>
    %dma_wait3A_107 = arith.constant 0 : i32
    %dma_wait3A_108 = tpu.memref_slice %arg7[%dma_wait3A_101, %dma_wait3A_102, %dma_wait3A_107] : memref<2x32x64xi32, #tpu.memory_space<vmem>> -> memref<1x1x64xi32, #tpu.memory_space<vmem>>
    %dma_wait3A_109 = tpu.memref_squeeze %dma_wait3A_108 : memref<1x1x64xi32, #tpu.memory_space<vmem>> -> memref<64xi32, #tpu.memory_space<vmem>>
    %dma_wait3A_110 = arith.constant 0 : i32
    %dma_wait3A_111 = arith.constant 0 : i32
    %dma_wait3A_112 = tpu.memref_slice %arg9[%dma_wait3A_110, %dma_wait3A_111] : memref<10112x128xf32, #tpu.memory_space<vmem_shared>> -> memref<10112x128xf32, #tpu.memory_space<vmem_shared>>
    tpu.wait_indirect_dma semaphore(%arg11 : memref<!tpu.dma_semaphore, #tpu.memory_space<semaphore_mem>>) src(%dma_wait3A_106 : memref<64x128xf32, #tpu.memory_space<vmem>>) dst(%dma_wait3A_112 : memref<10112x128xf32, #tpu.memory_space<vmem_shared>>)
    %barrier3A_113 = arith.constant 0 : index
    tpu.barrier barrier_id(%barrier3A_113)
    %mul3A_114 = arith.constant 632 : i32
    %mul3A_115 = arith.muli %arg1, %mul3A_114 : i32
    %mul3A_116 = arith.constant 632 : i32
    %mul3A_117 = arith.muli %arg1, %mul3A_116 : i32
    "tpu.region"() ({
      %run_scoped3A_118 = tpu.sem_alloc : memref<!tpu.dma_semaphore, #tpu.memory_space<semaphore_mem>>
      %dma_start3A_119 = arith.constant 0 : i32
      %dma_start3A_120 = tpu.memref_slice %arg5[%arg0, %mul3A_117, %dma_start3A_119] : memref<2x10112x128xf32, #tpu.memory_space<hbm>> -> memref<1x632x128xf32, #tpu.memory_space<hbm>>
      %dma_start3A_121 = tpu.memref_squeeze %dma_start3A_120 : memref<1x632x128xf32, #tpu.memory_space<hbm>> -> memref<632x128xf32, #tpu.memory_space<hbm>>
      %dma_start3A_122 = arith.constant 0 : i32
      %dma_start3A_123 = tpu.memref_slice %arg9[%mul3A_115, %dma_start3A_122] : memref<10112x128xf32, #tpu.memory_space<vmem_shared>> -> memref<632x128xf32, #tpu.memory_space<vmem_shared>>
      tpu.enqueue_dma source(%dma_start3A_123 : memref<632x128xf32, #tpu.memory_space<vmem_shared>>) target(%dma_start3A_121 : memref<632x128xf32, #tpu.memory_space<hbm>>) target_semaphore(%run_scoped3A_118 : memref<!tpu.dma_semaphore, #tpu.memory_space<semaphore_mem>>)
      %dma_wait3A_124 = arith.constant 0 : i32
      %dma_wait3A_125 = tpu.memref_slice %arg5[%arg0, %mul3A_117, %dma_wait3A_124] : memref<2x10112x128xf32, #tpu.memory_space<hbm>> -> memref<1x632x128xf32, #tpu.memory_space<hbm>>
      %dma_wait3A_126 = tpu.memref_squeeze %dma_wait3A_125 : memref<1x632x128xf32, #tpu.memory_space<hbm>> -> memref<632x128xf32, #tpu.memory_space<hbm>>
      %dma_wait3A_127 = arith.constant 0 : i32
      %dma_wait3A_128 = tpu.memref_slice %arg9[%mul3A_115, %dma_wait3A_127] : memref<10112x128xf32, #tpu.memory_space<vmem_shared>> -> memref<632x128xf32, #tpu.memory_space<vmem_shared>>
      tpu.wait_dma2 semaphore(%run_scoped3A_118 : memref<!tpu.dma_semaphore, #tpu.memory_space<semaphore_mem>>) src(%dma_wait3A_128 : memref<632x128xf32, #tpu.memory_space<vmem_shared>>) dst(%dma_wait3A_126 : memref<632x128xf32, #tpu.memory_space<hbm>>)
      tpu.yield
    }) : () -> ()
    return
  }
}

#map = affine_map<(d0, d1) -> (0, 0)>
#map1 = affine_map<(d0, d1) -> (0, 0, 0, 0)>
#map2 = affine_map<(d0, d1) -> (0, 0, 0)>
module attributes {stable_mosaic.version = 14 : i64} {
  func.func @agg_kernel(%arg0: i32, %arg1: i32, %arg2: memref<10000x128xf32, #tpu.memory_space<hbm>>, %arg3: memref<2x16x160x64xi32, #tpu.memory_space<hbm>>, %arg4: memref<2x16x160x64xi32, #tpu.memory_space<hbm>>, %arg5: memref<2x10112x128xf32, #tpu.memory_space<hbm>>, %arg6: memref<2x32x64xi32, #tpu.memory_space<vmem>>, %arg7: memref<2x32x64xi32, #tpu.memory_space<vmem>>, %arg8: memref<4x64x128xf32, #tpu.memory_space<vmem>>, %arg9: memref<10112x128xf32, #tpu.memory_space<vmem_shared>>, %arg10: memref<!tpu.dma_semaphore, #tpu.memory_space<semaphore_mem>>, %arg11: memref<!tpu.dma_semaphore, #tpu.memory_space<semaphore_mem>>) attributes {dimension_semantics = [#tpu.dimension_semantics<core_parallel>, #tpu.dimension_semantics<subcore_parallel>], iteration_bounds = array<i64: 2, 16>, scalar_prefetch = 0 : i64, scratch_operands = 6 : i64, tpu.core_type = #tpu.core_type<sc_vector_subcore>, window_params = [{transform_indices = #map}, {transform_indices = #map1}, {transform_indices = #map1}, {transform_indices = #map2}]} {
    %run_scoped3A = arith.constant 0 : i32
    "tpu.region"() ({
      %run_scoped3A_118 = tpu.sem_alloc : memref<!tpu.dma_semaphore, #tpu.memory_space<semaphore_mem>>
      %dma_start3A_119 = arith.constant 0 : i32
      %dma_start3A_120 = arith.constant 0 : i32
      %dma_start3A_121 = tpu.memref_slice %arg6[%run_scoped3A, %dma_start3A_119, %dma_start3A_120] : memref<2x32x64xi32, #tpu.memory_space<vmem>> -> memref<1x32x64xi32, #tpu.memory_space<vmem>>
      %dma_start3A_122 = tpu.memref_squeeze %dma_start3A_121 : memref<1x32x64xi32, #tpu.memory_space<vmem>> -> memref<32x64xi32, #tpu.memory_space<vmem>>
      %dma_start3A_123 = arith.constant 0 : i32
      %dma_start3A_124 = arith.constant 0 : i32
      %dma_start3A_125 = tpu.memref_slice %arg3[%arg0, %arg1, %dma_start3A_123, %dma_start3A_124] : memref<2x16x160x64xi32, #tpu.memory_space<hbm>> -> memref<1x1x32x64xi32, #tpu.memory_space<hbm>>
      %dma_start3A_126 = tpu.memref_squeeze %dma_start3A_125 : memref<1x1x32x64xi32, #tpu.memory_space<hbm>> -> memref<32x64xi32, #tpu.memory_space<hbm>>
      %dma_start3A_127 = arith.constant 0 : i32
      %dma_start3A_128 = arith.constant 0 : i32
      %dma_start3A_129 = tpu.memref_slice %arg6[%run_scoped3A, %dma_start3A_127, %dma_start3A_128] : memref<2x32x64xi32, #tpu.memory_space<vmem>> -> memref<1x32x64xi32, #tpu.memory_space<vmem>>
      %dma_start3A_130 = tpu.memref_squeeze %dma_start3A_129 : memref<1x32x64xi32, #tpu.memory_space<vmem>> -> memref<32x64xi32, #tpu.memory_space<vmem>>
      %dma_start3A_131 = arith.constant 0 : i32
      %dma_start3A_132 = arith.constant 0 : i32
      %dma_start3A_133 = tpu.memref_slice %arg3[%arg0, %arg1, %dma_start3A_131, %dma_start3A_132] : memref<2x16x160x64xi32, #tpu.memory_space<hbm>> -> memref<1x1x32x64xi32, #tpu.memory_space<hbm>>
      %dma_start3A_134 = tpu.memref_squeeze %dma_start3A_133 : memref<1x1x32x64xi32, #tpu.memory_space<hbm>> -> memref<32x64xi32, #tpu.memory_space<hbm>>
      tpu.enqueue_dma source(%dma_start3A_134 : memref<32x64xi32, #tpu.memory_space<hbm>>) target(%dma_start3A_130 : memref<32x64xi32, #tpu.memory_space<vmem>>) target_semaphore(%run_scoped3A_118 : memref<!tpu.dma_semaphore, #tpu.memory_space<semaphore_mem>>)
      %dma_wait3A_135 = arith.constant 0 : i32
      %dma_wait3A_136 = arith.constant 0 : i32
      %dma_wait3A_137 = tpu.memref_slice %arg6[%run_scoped3A, %dma_wait3A_135, %dma_wait3A_136] : memref<2x32x64xi32, #tpu.memory_space<vmem>> -> memref<1x32x64xi32, #tpu.memory_space<vmem>>
      %dma_wait3A_138 = tpu.memref_squeeze %dma_wait3A_137 : memref<1x32x64xi32, #tpu.memory_space<vmem>> -> memref<32x64xi32, #tpu.memory_space<vmem>>
      %dma_wait3A_139 = arith.constant 0 : i32
      %dma_wait3A_140 = arith.constant 0 : i32
      %dma_wait3A_141 = tpu.memref_slice %arg3[%arg0, %arg1, %dma_wait3A_139, %dma_wait3A_140] : memref<2x16x160x64xi32, #tpu.memory_space<hbm>> -> memref<1x1x32x64xi32, #tpu.memory_space<hbm>>
      %dma_wait3A_142 = tpu.memref_squeeze %dma_wait3A_141 : memref<1x1x32x64xi32, #tpu.memory_space<hbm>> -> memref<32x64xi32, #tpu.memory_space<hbm>>
      %dma_wait3A_143 = arith.constant 0 : i32
      %dma_wait3A_144 = arith.constant 0 : i32
      %dma_wait3A_145 = tpu.memref_slice %arg6[%run_scoped3A, %dma_wait3A_143, %dma_wait3A_144] : memref<2x32x64xi32, #tpu.memory_space<vmem>> -> memref<1x32x64xi32, #tpu.memory_space<vmem>>
      %dma_wait3A_146 = tpu.memref_squeeze %dma_wait3A_145 : memref<1x32x64xi32, #tpu.memory_space<vmem>> -> memref<32x64xi32, #tpu.memory_space<vmem>>
      %dma_wait3A_147 = arith.constant 0 : i32
      %dma_wait3A_148 = arith.constant 0 : i32
      %dma_wait3A_149 = tpu.memref_slice %arg3[%arg0, %arg1, %dma_wait3A_147, %dma_wait3A_148] : memref<2x16x160x64xi32, #tpu.memory_space<hbm>> -> memref<1x1x32x64xi32, #tpu.memory_space<hbm>>
      %dma_wait3A_150 = tpu.memref_squeeze %dma_wait3A_149 : memref<1x1x32x64xi32, #tpu.memory_space<hbm>> -> memref<32x64xi32, #tpu.memory_space<hbm>>
      tpu.wait_dma2 semaphore(%run_scoped3A_118 : memref<!tpu.dma_semaphore, #tpu.memory_space<semaphore_mem>>) src(%dma_wait3A_150 : memref<32x64xi32, #tpu.memory_space<hbm>>) dst(%dma_wait3A_146 : memref<32x64xi32, #tpu.memory_space<vmem>>)
      tpu.yield
    }) : () -> ()
    %run_scoped3A_0 = arith.constant 0 : i32
    "tpu.region"() ({
      %run_scoped3A_118 = tpu.sem_alloc : memref<!tpu.dma_semaphore, #tpu.memory_space<semaphore_mem>>
      %dma_start3A_119 = arith.constant 0 : i32
      %dma_start3A_120 = arith.constant 0 : i32
      %dma_start3A_121 = tpu.memref_slice %arg7[%run_scoped3A_0, %dma_start3A_119, %dma_start3A_120] : memref<2x32x64xi32, #tpu.memory_space<vmem>> -> memref<1x32x64xi32, #tpu.memory_space<vmem>>
      %dma_start3A_122 = tpu.memref_squeeze %dma_start3A_121 : memref<1x32x64xi32, #tpu.memory_space<vmem>> -> memref<32x64xi32, #tpu.memory_space<vmem>>
      %dma_start3A_123 = arith.constant 0 : i32
      %dma_start3A_124 = arith.constant 0 : i32
      %dma_start3A_125 = tpu.memref_slice %arg4[%arg0, %arg1, %dma_start3A_123, %dma_start3A_124] : memref<2x16x160x64xi32, #tpu.memory_space<hbm>> -> memref<1x1x32x64xi32, #tpu.memory_space<hbm>>
      %dma_start3A_126 = tpu.memref_squeeze %dma_start3A_125 : memref<1x1x32x64xi32, #tpu.memory_space<hbm>> -> memref<32x64xi32, #tpu.memory_space<hbm>>
      %dma_start3A_127 = arith.constant 0 : i32
      %dma_start3A_128 = arith.constant 0 : i32
      %dma_start3A_129 = tpu.memref_slice %arg7[%run_scoped3A_0, %dma_start3A_127, %dma_start3A_128] : memref<2x32x64xi32, #tpu.memory_space<vmem>> -> memref<1x32x64xi32, #tpu.memory_space<vmem>>
      %dma_start3A_130 = tpu.memref_squeeze %dma_start3A_129 : memref<1x32x64xi32, #tpu.memory_space<vmem>> -> memref<32x64xi32, #tpu.memory_space<vmem>>
      %dma_start3A_131 = arith.constant 0 : i32
      %dma_start3A_132 = arith.constant 0 : i32
      %dma_start3A_133 = tpu.memref_slice %arg4[%arg0, %arg1, %dma_start3A_131, %dma_start3A_132] : memref<2x16x160x64xi32, #tpu.memory_space<hbm>> -> memref<1x1x32x64xi32, #tpu.memory_space<hbm>>
      %dma_start3A_134 = tpu.memref_squeeze %dma_start3A_133 : memref<1x1x32x64xi32, #tpu.memory_space<hbm>> -> memref<32x64xi32, #tpu.memory_space<hbm>>
      tpu.enqueue_dma source(%dma_start3A_134 : memref<32x64xi32, #tpu.memory_space<hbm>>) target(%dma_start3A_130 : memref<32x64xi32, #tpu.memory_space<vmem>>) target_semaphore(%run_scoped3A_118 : memref<!tpu.dma_semaphore, #tpu.memory_space<semaphore_mem>>)
      %dma_wait3A_135 = arith.constant 0 : i32
      %dma_wait3A_136 = arith.constant 0 : i32
      %dma_wait3A_137 = tpu.memref_slice %arg7[%run_scoped3A_0, %dma_wait3A_135, %dma_wait3A_136] : memref<2x32x64xi32, #tpu.memory_space<vmem>> -> memref<1x32x64xi32, #tpu.memory_space<vmem>>
      %dma_wait3A_138 = tpu.memref_squeeze %dma_wait3A_137 : memref<1x32x64xi32, #tpu.memory_space<vmem>> -> memref<32x64xi32, #tpu.memory_space<vmem>>
      %dma_wait3A_139 = arith.constant 0 : i32
      %dma_wait3A_140 = arith.constant 0 : i32
      %dma_wait3A_141 = tpu.memref_slice %arg4[%arg0, %arg1, %dma_wait3A_139, %dma_wait3A_140] : memref<2x16x160x64xi32, #tpu.memory_space<hbm>> -> memref<1x1x32x64xi32, #tpu.memory_space<hbm>>
      %dma_wait3A_142 = tpu.memref_squeeze %dma_wait3A_141 : memref<1x1x32x64xi32, #tpu.memory_space<hbm>> -> memref<32x64xi32, #tpu.memory_space<hbm>>
      %dma_wait3A_143 = arith.constant 0 : i32
      %dma_wait3A_144 = arith.constant 0 : i32
      %dma_wait3A_145 = tpu.memref_slice %arg7[%run_scoped3A_0, %dma_wait3A_143, %dma_wait3A_144] : memref<2x32x64xi32, #tpu.memory_space<vmem>> -> memref<1x32x64xi32, #tpu.memory_space<vmem>>
      %dma_wait3A_146 = tpu.memref_squeeze %dma_wait3A_145 : memref<1x32x64xi32, #tpu.memory_space<vmem>> -> memref<32x64xi32, #tpu.memory_space<vmem>>
      %dma_wait3A_147 = arith.constant 0 : i32
      %dma_wait3A_148 = arith.constant 0 : i32
      %dma_wait3A_149 = tpu.memref_slice %arg4[%arg0, %arg1, %dma_wait3A_147, %dma_wait3A_148] : memref<2x16x160x64xi32, #tpu.memory_space<hbm>> -> memref<1x1x32x64xi32, #tpu.memory_space<hbm>>
      %dma_wait3A_150 = tpu.memref_squeeze %dma_wait3A_149 : memref<1x1x32x64xi32, #tpu.memory_space<hbm>> -> memref<32x64xi32, #tpu.memory_space<hbm>>
      tpu.wait_dma2 semaphore(%run_scoped3A_118 : memref<!tpu.dma_semaphore, #tpu.memory_space<semaphore_mem>>) src(%dma_wait3A_150 : memref<32x64xi32, #tpu.memory_space<hbm>>) dst(%dma_wait3A_146 : memref<32x64xi32, #tpu.memory_space<vmem>>)
      tpu.yield
    }) : () -> ()
    %dma_start3A = arith.constant 0 : i32
    %dma_start3A_1 = arith.constant 0 : i32
    %dma_start3A_2 = arith.constant 0 : i32
    %dma_start3A_3 = arith.constant 0 : i32
    %dma_start3A_4 = arith.constant 0 : i32
    %dma_start3A_5 = tpu.memref_slice %arg8[%dma_start3A_2, %dma_start3A_3, %dma_start3A_4] : memref<4x64x128xf32, #tpu.memory_space<vmem>> -> memref<1x64x128xf32, #tpu.memory_space<vmem>>
    %dma_start3A_6 = tpu.memref_squeeze %dma_start3A_5 : memref<1x64x128xf32, #tpu.memory_space<vmem>> -> memref<64x128xf32, #tpu.memory_space<vmem>>
    %dma_start3A_7 = arith.constant 0 : i32
    %dma_start3A_8 = tpu.memref_slice %arg6[%dma_start3A, %dma_start3A_1, %dma_start3A_7] : memref<2x32x64xi32, #tpu.memory_space<vmem>> -> memref<1x1x64xi32, #tpu.memory_space<vmem>>
    %dma_start3A_9 = tpu.memref_squeeze %dma_start3A_8 : memref<1x1x64xi32, #tpu.memory_space<vmem>> -> memref<64xi32, #tpu.memory_space<vmem>>
    %dma_start3A_10 = arith.constant 0 : i32
    %dma_start3A_11 = arith.constant 0 : i32
    %dma_start3A_12 = tpu.memref_slice %arg2[%dma_start3A_10, %dma_start3A_11] : memref<10000x128xf32, #tpu.memory_space<hbm>> -> memref<10000x128xf32, #tpu.memory_space<hbm>>
    tpu.enqueue_indirect_dma source(%dma_start3A_12 : memref<10000x128xf32, #tpu.memory_space<hbm>>) target(%dma_start3A_6 : memref<64x128xf32, #tpu.memory_space<vmem>>) offsets(%dma_start3A_9 : memref<64xi32, #tpu.memory_space<vmem>>) semaphore(%arg10 : memref<!tpu.dma_semaphore, #tpu.memory_space<semaphore_mem>>)
    %dma_start3A_13 = arith.constant 0 : i32
    %dma_start3A_14 = arith.constant 1 : i32
    %dma_start3A_15 = arith.constant 1 : i32
    %dma_start3A_16 = arith.constant 0 : i32
    %dma_start3A_17 = arith.constant 0 : i32
    %dma_start3A_18 = tpu.memref_slice %arg8[%dma_start3A_15, %dma_start3A_16, %dma_start3A_17] : memref<4x64x128xf32, #tpu.memory_space<vmem>> -> memref<1x64x128xf32, #tpu.memory_space<vmem>>
    %dma_start3A_19 = tpu.memref_squeeze %dma_start3A_18 : memref<1x64x128xf32, #tpu.memory_space<vmem>> -> memref<64x128xf32, #tpu.memory_space<vmem>>
    %dma_start3A_20 = arith.constant 0 : i32
    %dma_start3A_21 = tpu.memref_slice %arg6[%dma_start3A_13, %dma_start3A_14, %dma_start3A_20] : memref<2x32x64xi32, #tpu.memory_space<vmem>> -> memref<1x1x64xi32, #tpu.memory_space<vmem>>
    %dma_start3A_22 = tpu.memref_squeeze %dma_start3A_21 : memref<1x1x64xi32, #tpu.memory_space<vmem>> -> memref<64xi32, #tpu.memory_space<vmem>>
    %dma_start3A_23 = arith.constant 0 : i32
    %dma_start3A_24 = arith.constant 0 : i32
    %dma_start3A_25 = tpu.memref_slice %arg2[%dma_start3A_23, %dma_start3A_24] : memref<10000x128xf32, #tpu.memory_space<hbm>> -> memref<10000x128xf32, #tpu.memory_space<hbm>>
    tpu.enqueue_indirect_dma source(%dma_start3A_25 : memref<10000x128xf32, #tpu.memory_space<hbm>>) target(%dma_start3A_19 : memref<64x128xf32, #tpu.memory_space<vmem>>) offsets(%dma_start3A_22 : memref<64xi32, #tpu.memory_space<vmem>>) semaphore(%arg10 : memref<!tpu.dma_semaphore, #tpu.memory_space<semaphore_mem>>)
    %dma_start3A_26 = arith.constant 0 : i32
    %dma_start3A_27 = arith.constant 2 : i32
    %dma_start3A_28 = arith.constant 2 : i32
    %dma_start3A_29 = arith.constant 0 : i32
    %dma_start3A_30 = arith.constant 0 : i32
    %dma_start3A_31 = tpu.memref_slice %arg8[%dma_start3A_28, %dma_start3A_29, %dma_start3A_30] : memref<4x64x128xf32, #tpu.memory_space<vmem>> -> memref<1x64x128xf32, #tpu.memory_space<vmem>>
    %dma_start3A_32 = tpu.memref_squeeze %dma_start3A_31 : memref<1x64x128xf32, #tpu.memory_space<vmem>> -> memref<64x128xf32, #tpu.memory_space<vmem>>
    %dma_start3A_33 = arith.constant 0 : i32
    %dma_start3A_34 = tpu.memref_slice %arg6[%dma_start3A_26, %dma_start3A_27, %dma_start3A_33] : memref<2x32x64xi32, #tpu.memory_space<vmem>> -> memref<1x1x64xi32, #tpu.memory_space<vmem>>
    %dma_start3A_35 = tpu.memref_squeeze %dma_start3A_34 : memref<1x1x64xi32, #tpu.memory_space<vmem>> -> memref<64xi32, #tpu.memory_space<vmem>>
    %dma_start3A_36 = arith.constant 0 : i32
    %dma_start3A_37 = arith.constant 0 : i32
    %dma_start3A_38 = tpu.memref_slice %arg2[%dma_start3A_36, %dma_start3A_37] : memref<10000x128xf32, #tpu.memory_space<hbm>> -> memref<10000x128xf32, #tpu.memory_space<hbm>>
    tpu.enqueue_indirect_dma source(%dma_start3A_38 : memref<10000x128xf32, #tpu.memory_space<hbm>>) target(%dma_start3A_32 : memref<64x128xf32, #tpu.memory_space<vmem>>) offsets(%dma_start3A_35 : memref<64xi32, #tpu.memory_space<vmem>>) semaphore(%arg10 : memref<!tpu.dma_semaphore, #tpu.memory_space<semaphore_mem>>)
    %broadcast_in_dim3A = arith.constant 0.000000e+00 : f32
    %broadcast_in_dim3A_39 = vector.broadcast %broadcast_in_dim3A : f32 to vector<16xf32>
    %scan3A = arith.constant 0 : i32
    %scan3A_40 = arith.constant 0 : i32
    %scan3A_41 = arith.constant 512 : i32
    %scan3A_42 = arith.addi %scan3A_40, %scan3A_41 : i32
    %scan3A_43 = arith.constant 1 : i32
    %scan3A_44 = scf.for %scan3A_118 = %scan3A_40 to %scan3A_42 step %scan3A_43 iter_args(%scan3A_119 = %scan3A) -> (i32)  : i32 {
      %jit3A = arith.constant 8 : i32
      %div3A = arith.divsi %scan3A_118, %jit3A : i32
      %sign3A = arith.constant 0 : i32
      %sign3A_120 = arith.cmpi sgt, %scan3A_118, %sign3A : i32
      %sign3A_121 = arith.extui %sign3A_120 : i1 to i32
      %sign3A_122 = arith.constant 0 : i32
      %sign3A_123 = arith.cmpi slt, %scan3A_118, %sign3A_122 : i32
      %sign3A_124 = arith.extui %sign3A_123 : i1 to i32
      %sign3A_125 = arith.subi %sign3A_121, %sign3A_124 : i32
      %sign3A_126 = arith.constant 0 : i32
      %sign3A_127 = arith.cmpi sgt, %jit3A, %sign3A_126 : i32
      %sign3A_128 = arith.extui %sign3A_127 : i1 to i32
      %sign3A_129 = arith.constant 0 : i32
      %sign3A_130 = arith.cmpi slt, %jit3A, %sign3A_129 : i32
      %sign3A_131 = arith.extui %sign3A_130 : i1 to i32
      %sign3A_132 = arith.subi %sign3A_128, %sign3A_131 : i32
      %ne3A = arith.cmpi ne, %sign3A_125, %sign3A_132 : i32
      %rem3A = arith.remsi %scan3A_118, %jit3A : i32
      %ne3A_133 = arith.constant 0 : i32
      %ne3A_134 = arith.cmpi ne, %rem3A, %ne3A_133 : i32
      %and3A = arith.andi %ne3A, %ne3A_134 : i1
      %sub3A = arith.constant 1 : i32
      %sub3A_135 = arith.subi %div3A, %sub3A : i32
      %select_n3A = arith.select %and3A, %sub3A_135, %div3A : i32
      %jit3A_136 = arith.constant 8 : i32
      %eq3A = arith.constant 0 : i32
      %eq3A_137 = arith.cmpi eq, %jit3A_136, %eq3A : i32
      %jit3A_138 = arith.constant 1 : i32
      %select_n3A_139 = arith.select %eq3A_137, %jit3A_138, %jit3A_136 : i32
      %rem3A_140 = arith.remsi %scan3A_118, %select_n3A_139 : i32
      %ne3A_141 = arith.constant 0 : i32
      %ne3A_142 = arith.cmpi ne, %rem3A_140, %ne3A_141 : i32
      %lt3A = arith.constant 0 : i32
      %lt3A_143 = arith.cmpi slt, %rem3A_140, %lt3A : i32
      %lt3A_144 = arith.constant 0 : i32
      %lt3A_145 = arith.cmpi slt, %select_n3A_139, %lt3A_144 : i32
      %ne3A_146 = arith.xori %lt3A_143, %lt3A_145 : i1
      %and3A_147 = arith.andi %ne3A_146, %ne3A_142 : i1
      %add3A_148 = arith.addi %rem3A_140, %select_n3A_139 : i32
      %select_n3A_149 = arith.select %and3A_147, %add3A_148, %rem3A_140 : i32
      %mul3A_150 = arith.constant 16 : i32
      %mul3A_151 = arith.muli %select_n3A_149, %mul3A_150 : i32
      %swap3A = arith.constant 3 : i32
      %swap3A_152 = arith.index_cast %swap3A : i32 to index
      %swap3A_153 = arith.index_cast %select_n3A : i32 to index
      %swap3A_154 = arith.index_cast %mul3A_151 : i32 to index
      %swap3A_155 = tpu.vector_load %arg8[%swap3A_152, %swap3A_153, %swap3A_154] {strides = array<i32>} : memref<4x64x128xf32, #tpu.memory_space<vmem>>, vector<1x1x16xf32>,
      %swap3A_156 = vector.shape_cast %swap3A_155 : vector<1x1x16xf32> to vector<16xf32>
      %swap3A_157 = vector.shape_cast %broadcast_in_dim3A_39 : vector<16xf32> to vector<1x1x16xf32>
      tpu.vector_store %arg8[%swap3A_152, %swap3A_153, %swap3A_154], %swap3A_157 {strides = array<i32>} : memref<4x64x128xf32, #tpu.memory_space<vmem>>, vector<1x1x16xf32>,
      %scan3A_158 = arith.constant 0 : i32
      scf.yield %scan3A_158 : i32
    }
    %scan3A_45 = arith.constant 512 : i32
    %mul3A = arith.constant 632 : i32
    %mul3A_46 = arith.muli %arg1, %mul3A : i32
    %add3A = arith.constant 0 : i32
    %add3A_47 = arith.addi %mul3A_46, %add3A : i32
    %run_scoped3A_48 = arith.constant 3 : i32
    "tpu.region"() ({
      %run_scoped3A_118 = tpu.sem_alloc : memref<!tpu.dma_semaphore, #tpu.memory_space<semaphore_mem>>
      %dma_start3A_119 = arith.constant 0 : i32
      %dma_start3A_120 = arith.constant 0 : i32
      %dma_start3A_121 = tpu.memref_slice %arg8[%run_scoped3A_48, %dma_start3A_119, %dma_start3A_120] : memref<4x64x128xf32, #tpu.memory_space<vmem>> -> memref<1x64x128xf32, #tpu.memory_space<vmem>>
      %dma_start3A_122 = tpu.memref_squeeze %dma_start3A_121 : memref<1x64x128xf32, #tpu.memory_space<vmem>> -> memref<64x128xf32, #tpu.memory_space<vmem>>
      %dma_start3A_123 = arith.constant 0 : i32
      %dma_start3A_124 = tpu.memref_slice %arg9[%add3A_47, %dma_start3A_123] : memref<10112x128xf32, #tpu.memory_space<vmem_shared>> -> memref<64x128xf32, #tpu.memory_space<vmem_shared>>
      %dma_start3A_125 = arith.constant 0 : i32
      %dma_start3A_126 = tpu.memref_slice %arg9[%add3A_47, %dma_start3A_125] : memref<10112x128xf32, #tpu.memory_space<vmem_shared>> -> memref<64x128xf32, #tpu.memory_space<vmem_shared>>
      %dma_start3A_127 = arith.constant 0 : i32
      %dma_start3A_128 = arith.constant 0 : i32
      %dma_start3A_129 = tpu.memref_slice %arg8[%run_scoped3A_48, %dma_start3A_127, %dma_start3A_128] : memref<4x64x128xf32, #tpu.memory_space<vmem>> -> memref<1x64x128xf32, #tpu.memory_space<vmem>>
      %dma_start3A_130 = tpu.memref_squeeze %dma_start3A_129 : memref<1x64x128xf32, #tpu.memory_space<vmem>> -> memref<64x128xf32, #tpu.memory_space<vmem>>
      tpu.enqueue_dma source(%dma_start3A_130 : memref<64x128xf32, #tpu.memory_space<vmem>>) target(%dma_start3A_126 : memref<64x128xf32, #tpu.memory_space<vmem_shared>>) target_semaphore(%run_scoped3A_118 : memref<!tpu.dma_semaphore, #tpu.memory_space<semaphore_mem>>)
      %dma_wait3A_131 = arith.constant 0 : i32
      %dma_wait3A_132 = arith.constant 0 : i32
      %dma_wait3A_133 = tpu.memref_slice %arg8[%run_scoped3A_48, %dma_wait3A_131, %dma_wait3A_132] : memref<4x64x128xf32, #tpu.memory_space<vmem>> -> memref<1x64x128xf32, #tpu.memory_space<vmem>>
      %dma_wait3A_134 = tpu.memref_squeeze %dma_wait3A_133 : memref<1x64x128xf32, #tpu.memory_space<vmem>> -> memref<64x128xf32, #tpu.memory_space<vmem>>
      %dma_wait3A_135 = arith.constant 0 : i32
      %dma_wait3A_136 = tpu.memref_slice %arg9[%add3A_47, %dma_wait3A_135] : memref<10112x128xf32, #tpu.memory_space<vmem_shared>> -> memref<64x128xf32, #tpu.memory_space<vmem_shared>>
      %dma_wait3A_137 = arith.constant 0 : i32
      %dma_wait3A_138 = tpu.memref_slice %arg9[%add3A_47, %dma_wait3A_137] : memref<10112x128xf32, #tpu.memory_space<vmem_shared>> -> memref<64x128xf32, #tpu.memory_space<vmem_shared>>
      %dma_wait3A_139 = arith.constant 0 : i32
      %dma_wait3A_140 = arith.constant 0 : i32
      %dma_wait3A_141 = tpu.memref_slice %arg8[%run_scoped3A_48, %dma_wait3A_139, %dma_wait3A_140] : memref<4x64x128xf32, #tpu.memory_space<vmem>> -> memref<1x64x128xf32, #tpu.memory_space<vmem>>
      %dma_wait3A_142 = tpu.memref_squeeze %dma_wait3A_141 : memref<1x64x128xf32, #tpu.memory_space<vmem>> -> memref<64x128xf32, #tpu.memory_space<vmem>>
      tpu.wait_dma2 semaphore(%run_scoped3A_118 : memref<!tpu.dma_semaphore, #tpu.memory_space<semaphore_mem>>) src(%dma_wait3A_142 : memref<64x128xf32, #tpu.memory_space<vmem>>) dst(%dma_wait3A_138 : memref<64x128xf32, #tpu.memory_space<vmem_shared>>)
      tpu.yield
    }) : () -> ()
    %mul3A_49 = arith.constant 632 : i32
    %mul3A_50 = arith.muli %arg1, %mul3A_49 : i32
    %add3A_51 = arith.constant 64 : i32
    %add3A_52 = arith.addi %mul3A_50, %add3A_51 : i32
    %run_scoped3A_53 = arith.constant 3 : i32
    "tpu.region"() ({
      %run_scoped3A_118 = tpu.sem_alloc : memref<!tpu.dma_semaphore, #tpu.memory_space<semaphore_mem>>
      %dma_start3A_119 = arith.constant 0 : i32
      %dma_start3A_120 = arith.constant 0 : i32
      %dma_start3A_121 = tpu.memref_slice %arg8[%run_scoped3A_53, %dma_start3A_119, %dma_start3A_120] : memref<4x64x128xf32, #tpu.memory_space<vmem>> -> memref<1x64x128xf32, #tpu.memory_space<vmem>>
      %dma_start3A_122 = tpu.memref_squeeze %dma_start3A_121 : memref<1x64x128xf32, #tpu.memory_space<vmem>> -> memref<64x128xf32, #tpu.memory_space<vmem>>
      %dma_start3A_123 = arith.constant 0 : i32
      %dma_start3A_124 = tpu.memref_slice %arg9[%add3A_52, %dma_start3A_123] : memref<10112x128xf32, #tpu.memory_space<vmem_shared>> -> memref<64x128xf32, #tpu.memory_space<vmem_shared>>
      %dma_start3A_125 = arith.constant 0 : i32
      %dma_start3A_126 = tpu.memref_slice %arg9[%add3A_52, %dma_start3A_125] : memref<10112x128xf32, #tpu.memory_space<vmem_shared>> -> memref<64x128xf32, #tpu.memory_space<vmem_shared>>
      %dma_start3A_127 = arith.constant 0 : i32
      %dma_start3A_128 = arith.constant 0 : i32
      %dma_start3A_129 = tpu.memref_slice %arg8[%run_scoped3A_53, %dma_start3A_127, %dma_start3A_128] : memref<4x64x128xf32, #tpu.memory_space<vmem>> -> memref<1x64x128xf32, #tpu.memory_space<vmem>>
      %dma_start3A_130 = tpu.memref_squeeze %dma_start3A_129 : memref<1x64x128xf32, #tpu.memory_space<vmem>> -> memref<64x128xf32, #tpu.memory_space<vmem>>
      tpu.enqueue_dma source(%dma_start3A_130 : memref<64x128xf32, #tpu.memory_space<vmem>>) target(%dma_start3A_126 : memref<64x128xf32, #tpu.memory_space<vmem_shared>>) target_semaphore(%run_scoped3A_118 : memref<!tpu.dma_semaphore, #tpu.memory_space<semaphore_mem>>)
      %dma_wait3A_131 = arith.constant 0 : i32
      %dma_wait3A_132 = arith.constant 0 : i32
      %dma_wait3A_133 = tpu.memref_slice %arg8[%run_scoped3A_53, %dma_wait3A_131, %dma_wait3A_132] : memref<4x64x128xf32, #tpu.memory_space<vmem>> -> memref<1x64x128xf32, #tpu.memory_space<vmem>>
      %dma_wait3A_134 = tpu.memref_squeeze %dma_wait3A_133 : memref<1x64x128xf32, #tpu.memory_space<vmem>> -> memref<64x128xf32, #tpu.memory_space<vmem>>
      %dma_wait3A_135 = arith.constant 0 : i32
      %dma_wait3A_136 = tpu.memref_slice %arg9[%add3A_52, %dma_wait3A_135] : memref<10112x128xf32, #tpu.memory_space<vmem_shared>> -> memref<64x128xf32, #tpu.memory_space<vmem_shared>>
      %dma_wait3A_137 = arith.constant 0 : i32
      %dma_wait3A_138 = tpu.memref_slice %arg9[%add3A_52, %dma_wait3A_137] : memref<10112x128xf32, #tpu.memory_space<vmem_shared>> -> memref<64x128xf32, #tpu.memory_space<vmem_shared>>
      %dma_wait3A_139 = arith.constant 0 : i32
      %dma_wait3A_140 = arith.constant 0 : i32
      %dma_wait3A_141 = tpu.memref_slice %arg8[%run_scoped3A_53, %dma_wait3A_139, %dma_wait3A_140] : memref<4x64x128xf32, #tpu.memory_space<vmem>> -> memref<1x64x128xf32, #tpu.memory_space<vmem>>
      %dma_wait3A_142 = tpu.memref_squeeze %dma_wait3A_141 : memref<1x64x128xf32, #tpu.memory_space<vmem>> -> memref<64x128xf32, #tpu.memory_space<vmem>>
      tpu.wait_dma2 semaphore(%run_scoped3A_118 : memref<!tpu.dma_semaphore, #tpu.memory_space<semaphore_mem>>) src(%dma_wait3A_142 : memref<64x128xf32, #tpu.memory_space<vmem>>) dst(%dma_wait3A_138 : memref<64x128xf32, #tpu.memory_space<vmem_shared>>)
      tpu.yield
    }) : () -> ()
    %mul3A_54 = arith.constant 632 : i32
    %mul3A_55 = arith.muli %arg1, %mul3A_54 : i32
    %add3A_56 = arith.constant 128 : i32
    %add3A_57 = arith.addi %mul3A_55, %add3A_56 : i32
    %run_scoped3A_58 = arith.constant 3 : i32
    "tpu.region"() ({
      %run_scoped3A_118 = tpu.sem_alloc : memref<!tpu.dma_semaphore, #tpu.memory_space<semaphore_mem>>
      %dma_start3A_119 = arith.constant 0 : i32
      %dma_start3A_120 = arith.constant 0 : i32
      %dma_start3A_121 = tpu.memref_slice %arg8[%run_scoped3A_58, %dma_start3A_119, %dma_start3A_120] : memref<4x64x128xf32, #tpu.memory_space<vmem>> -> memref<1x64x128xf32, #tpu.memory_space<vmem>>
      %dma_start3A_122 = tpu.memref_squeeze %dma_start3A_121 : memref<1x64x128xf32, #tpu.memory_space<vmem>> -> memref<64x128xf32, #tpu.memory_space<vmem>>
      %dma_start3A_123 = arith.constant 0 : i32
      %dma_start3A_124 = tpu.memref_slice %arg9[%add3A_57, %dma_start3A_123] : memref<10112x128xf32, #tpu.memory_space<vmem_shared>> -> memref<64x128xf32, #tpu.memory_space<vmem_shared>>
      %dma_start3A_125 = arith.constant 0 : i32
      %dma_start3A_126 = tpu.memref_slice %arg9[%add3A_57, %dma_start3A_125] : memref<10112x128xf32, #tpu.memory_space<vmem_shared>> -> memref<64x128xf32, #tpu.memory_space<vmem_shared>>
      %dma_start3A_127 = arith.constant 0 : i32
      %dma_start3A_128 = arith.constant 0 : i32
      %dma_start3A_129 = tpu.memref_slice %arg8[%run_scoped3A_58, %dma_start3A_127, %dma_start3A_128] : memref<4x64x128xf32, #tpu.memory_space<vmem>> -> memref<1x64x128xf32, #tpu.memory_space<vmem>>
      %dma_start3A_130 = tpu.memref_squeeze %dma_start3A_129 : memref<1x64x128xf32, #tpu.memory_space<vmem>> -> memref<64x128xf32, #tpu.memory_space<vmem>>
      tpu.enqueue_dma source(%dma_start3A_130 : memref<64x128xf32, #tpu.memory_space<vmem>>) target(%dma_start3A_126 : memref<64x128xf32, #tpu.memory_space<vmem_shared>>) target_semaphore(%run_scoped3A_118 : memref<!tpu.dma_semaphore, #tpu.memory_space<semaphore_mem>>)
      %dma_wait3A_131 = arith.constant 0 : i32
      %dma_wait3A_132 = arith.constant 0 : i32
      %dma_wait3A_133 = tpu.memref_slice %arg8[%run_scoped3A_58, %dma_wait3A_131, %dma_wait3A_132] : memref<4x64x128xf32, #tpu.memory_space<vmem>> -> memref<1x64x128xf32, #tpu.memory_space<vmem>>
      %dma_wait3A_134 = tpu.memref_squeeze %dma_wait3A_133 : memref<1x64x128xf32, #tpu.memory_space<vmem>> -> memref<64x128xf32, #tpu.memory_space<vmem>>
      %dma_wait3A_135 = arith.constant 0 : i32
      %dma_wait3A_136 = tpu.memref_slice %arg9[%add3A_57, %dma_wait3A_135] : memref<10112x128xf32, #tpu.memory_space<vmem_shared>> -> memref<64x128xf32, #tpu.memory_space<vmem_shared>>
      %dma_wait3A_137 = arith.constant 0 : i32
      %dma_wait3A_138 = tpu.memref_slice %arg9[%add3A_57, %dma_wait3A_137] : memref<10112x128xf32, #tpu.memory_space<vmem_shared>> -> memref<64x128xf32, #tpu.memory_space<vmem_shared>>
      %dma_wait3A_139 = arith.constant 0 : i32
      %dma_wait3A_140 = arith.constant 0 : i32
      %dma_wait3A_141 = tpu.memref_slice %arg8[%run_scoped3A_58, %dma_wait3A_139, %dma_wait3A_140] : memref<4x64x128xf32, #tpu.memory_space<vmem>> -> memref<1x64x128xf32, #tpu.memory_space<vmem>>
      %dma_wait3A_142 = tpu.memref_squeeze %dma_wait3A_141 : memref<1x64x128xf32, #tpu.memory_space<vmem>> -> memref<64x128xf32, #tpu.memory_space<vmem>>
      tpu.wait_dma2 semaphore(%run_scoped3A_118 : memref<!tpu.dma_semaphore, #tpu.memory_space<semaphore_mem>>) src(%dma_wait3A_142 : memref<64x128xf32, #tpu.memory_space<vmem>>) dst(%dma_wait3A_138 : memref<64x128xf32, #tpu.memory_space<vmem_shared>>)
      tpu.yield
    }) : () -> ()
    %mul3A_59 = arith.constant 632 : i32
    %mul3A_60 = arith.muli %arg1, %mul3A_59 : i32
    %add3A_61 = arith.constant 192 : i32
    %add3A_62 = arith.addi %mul3A_60, %add3A_61 : i32
    %run_scoped3A_63 = arith.constant 3 : i32
    "tpu.region"() ({
      %run_scoped3A_118 = tpu.sem_alloc : memref<!tpu.dma_semaphore, #tpu.memory_space<semaphore_mem>>
      %dma_start3A_119 = arith.constant 0 : i32
      %dma_start3A_120 = arith.constant 0 : i32
      %dma_start3A_121 = tpu.memref_slice %arg8[%run_scoped3A_63, %dma_start3A_119, %dma_start3A_120] : memref<4x64x128xf32, #tpu.memory_space<vmem>> -> memref<1x64x128xf32, #tpu.memory_space<vmem>>
      %dma_start3A_122 = tpu.memref_squeeze %dma_start3A_121 : memref<1x64x128xf32, #tpu.memory_space<vmem>> -> memref<64x128xf32, #tpu.memory_space<vmem>>
      %dma_start3A_123 = arith.constant 0 : i32
      %dma_start3A_124 = tpu.memref_slice %arg9[%add3A_62, %dma_start3A_123] : memref<10112x128xf32, #tpu.memory_space<vmem_shared>> -> memref<64x128xf32, #tpu.memory_space<vmem_shared>>
      %dma_start3A_125 = arith.constant 0 : i32
      %dma_start3A_126 = tpu.memref_slice %arg9[%add3A_62, %dma_start3A_125] : memref<10112x128xf32, #tpu.memory_space<vmem_shared>> -> memref<64x128xf32, #tpu.memory_space<vmem_shared>>
      %dma_start3A_127 = arith.constant 0 : i32
      %dma_start3A_128 = arith.constant 0 : i32
      %dma_start3A_129 = tpu.memref_slice %arg8[%run_scoped3A_63, %dma_start3A_127, %dma_start3A_128] : memref<4x64x128xf32, #tpu.memory_space<vmem>> -> memref<1x64x128xf32, #tpu.memory_space<vmem>>
      %dma_start3A_130 = tpu.memref_squeeze %dma_start3A_129 : memref<1x64x128xf32, #tpu.memory_space<vmem>> -> memref<64x128xf32, #tpu.memory_space<vmem>>
      tpu.enqueue_dma source(%dma_start3A_130 : memref<64x128xf32, #tpu.memory_space<vmem>>) target(%dma_start3A_126 : memref<64x128xf32, #tpu.memory_space<vmem_shared>>) target_semaphore(%run_scoped3A_118 : memref<!tpu.dma_semaphore, #tpu.memory_space<semaphore_mem>>)
      %dma_wait3A_131 = arith.constant 0 : i32
      %dma_wait3A_132 = arith.constant 0 : i32
      %dma_wait3A_133 = tpu.memref_slice %arg8[%run_scoped3A_63, %dma_wait3A_131, %dma_wait3A_132] : memref<4x64x128xf32, #tpu.memory_space<vmem>> -> memref<1x64x128xf32, #tpu.memory_space<vmem>>
      %dma_wait3A_134 = tpu.memref_squeeze %dma_wait3A_133 : memref<1x64x128xf32, #tpu.memory_space<vmem>> -> memref<64x128xf32, #tpu.memory_space<vmem>>
      %dma_wait3A_135 = arith.constant 0 : i32
      %dma_wait3A_136 = tpu.memref_slice %arg9[%add3A_62, %dma_wait3A_135] : memref<10112x128xf32, #tpu.memory_space<vmem_shared>> -> memref<64x128xf32, #tpu.memory_space<vmem_shared>>
      %dma_wait3A_137 = arith.constant 0 : i32
      %dma_wait3A_138 = tpu.memref_slice %arg9[%add3A_62, %dma_wait3A_137] : memref<10112x128xf32, #tpu.memory_space<vmem_shared>> -> memref<64x128xf32, #tpu.memory_space<vmem_shared>>
      %dma_wait3A_139 = arith.constant 0 : i32
      %dma_wait3A_140 = arith.constant 0 : i32
      %dma_wait3A_141 = tpu.memref_slice %arg8[%run_scoped3A_63, %dma_wait3A_139, %dma_wait3A_140] : memref<4x64x128xf32, #tpu.memory_space<vmem>> -> memref<1x64x128xf32, #tpu.memory_space<vmem>>
      %dma_wait3A_142 = tpu.memref_squeeze %dma_wait3A_141 : memref<1x64x128xf32, #tpu.memory_space<vmem>> -> memref<64x128xf32, #tpu.memory_space<vmem>>
      tpu.wait_dma2 semaphore(%run_scoped3A_118 : memref<!tpu.dma_semaphore, #tpu.memory_space<semaphore_mem>>) src(%dma_wait3A_142 : memref<64x128xf32, #tpu.memory_space<vmem>>) dst(%dma_wait3A_138 : memref<64x128xf32, #tpu.memory_space<vmem_shared>>)
      tpu.yield
    }) : () -> ()
    %mul3A_64 = arith.constant 632 : i32
    %mul3A_65 = arith.muli %arg1, %mul3A_64 : i32
    %add3A_66 = arith.constant 256 : i32
    %add3A_67 = arith.addi %mul3A_65, %add3A_66 : i32
    %run_scoped3A_68 = arith.constant 3 : i32
    "tpu.region"() ({
      %run_scoped3A_118 = tpu.sem_alloc : memref<!tpu.dma_semaphore, #tpu.memory_space<semaphore_mem>>
      %dma_start3A_119 = arith.constant 0 : i32
      %dma_start3A_120 = arith.constant 0 : i32
      %dma_start3A_121 = tpu.memref_slice %arg8[%run_scoped3A_68, %dma_start3A_119, %dma_start3A_120] : memref<4x64x128xf32, #tpu.memory_space<vmem>> -> memref<1x64x128xf32, #tpu.memory_space<vmem>>
      %dma_start3A_122 = tpu.memref_squeeze %dma_start3A_121 : memref<1x64x128xf32, #tpu.memory_space<vmem>> -> memref<64x128xf32, #tpu.memory_space<vmem>>
      %dma_start3A_123 = arith.constant 0 : i32
      %dma_start3A_124 = tpu.memref_slice %arg9[%add3A_67, %dma_start3A_123] : memref<10112x128xf32, #tpu.memory_space<vmem_shared>> -> memref<64x128xf32, #tpu.memory_space<vmem_shared>>
      %dma_start3A_125 = arith.constant 0 : i32
      %dma_start3A_126 = tpu.memref_slice %arg9[%add3A_67, %dma_start3A_125] : memref<10112x128xf32, #tpu.memory_space<vmem_shared>> -> memref<64x128xf32, #tpu.memory_space<vmem_shared>>
      %dma_start3A_127 = arith.constant 0 : i32
      %dma_start3A_128 = arith.constant 0 : i32
      %dma_start3A_129 = tpu.memref_slice %arg8[%run_scoped3A_68, %dma_start3A_127, %dma_start3A_128] : memref<4x64x128xf32, #tpu.memory_space<vmem>> -> memref<1x64x128xf32, #tpu.memory_space<vmem>>
      %dma_start3A_130 = tpu.memref_squeeze %dma_start3A_129 : memref<1x64x128xf32, #tpu.memory_space<vmem>> -> memref<64x128xf32, #tpu.memory_space<vmem>>
      tpu.enqueue_dma source(%dma_start3A_130 : memref<64x128xf32, #tpu.memory_space<vmem>>) target(%dma_start3A_126 : memref<64x128xf32, #tpu.memory_space<vmem_shared>>) target_semaphore(%run_scoped3A_118 : memref<!tpu.dma_semaphore, #tpu.memory_space<semaphore_mem>>)
      %dma_wait3A_131 = arith.constant 0 : i32
      %dma_wait3A_132 = arith.constant 0 : i32
      %dma_wait3A_133 = tpu.memref_slice %arg8[%run_scoped3A_68, %dma_wait3A_131, %dma_wait3A_132] : memref<4x64x128xf32, #tpu.memory_space<vmem>> -> memref<1x64x128xf32, #tpu.memory_space<vmem>>
      %dma_wait3A_134 = tpu.memref_squeeze %dma_wait3A_133 : memref<1x64x128xf32, #tpu.memory_space<vmem>> -> memref<64x128xf32, #tpu.memory_space<vmem>>
      %dma_wait3A_135 = arith.constant 0 : i32
      %dma_wait3A_136 = tpu.memref_slice %arg9[%add3A_67, %dma_wait3A_135] : memref<10112x128xf32, #tpu.memory_space<vmem_shared>> -> memref<64x128xf32, #tpu.memory_space<vmem_shared>>
      %dma_wait3A_137 = arith.constant 0 : i32
      %dma_wait3A_138 = tpu.memref_slice %arg9[%add3A_67, %dma_wait3A_137] : memref<10112x128xf32, #tpu.memory_space<vmem_shared>> -> memref<64x128xf32, #tpu.memory_space<vmem_shared>>
      %dma_wait3A_139 = arith.constant 0 : i32
      %dma_wait3A_140 = arith.constant 0 : i32
      %dma_wait3A_141 = tpu.memref_slice %arg8[%run_scoped3A_68, %dma_wait3A_139, %dma_wait3A_140] : memref<4x64x128xf32, #tpu.memory_space<vmem>> -> memref<1x64x128xf32, #tpu.memory_space<vmem>>
      %dma_wait3A_142 = tpu.memref_squeeze %dma_wait3A_141 : memref<1x64x128xf32, #tpu.memory_space<vmem>> -> memref<64x128xf32, #tpu.memory_space<vmem>>
      tpu.wait_dma2 semaphore(%run_scoped3A_118 : memref<!tpu.dma_semaphore, #tpu.memory_space<semaphore_mem>>) src(%dma_wait3A_142 : memref<64x128xf32, #tpu.memory_space<vmem>>) dst(%dma_wait3A_138 : memref<64x128xf32, #tpu.memory_space<vmem_shared>>)
      tpu.yield
    }) : () -> ()
    %mul3A_69 = arith.constant 632 : i32
    %mul3A_70 = arith.muli %arg1, %mul3A_69 : i32
    %add3A_71 = arith.constant 320 : i32
    %add3A_72 = arith.addi %mul3A_70, %add3A_71 : i32
    %run_scoped3A_73 = arith.constant 3 : i32
    "tpu.region"() ({
      %run_scoped3A_118 = tpu.sem_alloc : memref<!tpu.dma_semaphore, #tpu.memory_space<semaphore_mem>>
      %dma_start3A_119 = arith.constant 0 : i32
      %dma_start3A_120 = arith.constant 0 : i32
      %dma_start3A_121 = tpu.memref_slice %arg8[%run_scoped3A_73, %dma_start3A_119, %dma_start3A_120] : memref<4x64x128xf32, #tpu.memory_space<vmem>> -> memref<1x64x128xf32, #tpu.memory_space<vmem>>
      %dma_start3A_122 = tpu.memref_squeeze %dma_start3A_121 : memref<1x64x128xf32, #tpu.memory_space<vmem>> -> memref<64x128xf32, #tpu.memory_space<vmem>>
      %dma_start3A_123 = arith.constant 0 : i32
      %dma_start3A_124 = tpu.memref_slice %arg9[%add3A_72, %dma_start3A_123] : memref<10112x128xf32, #tpu.memory_space<vmem_shared>> -> memref<64x128xf32, #tpu.memory_space<vmem_shared>>
      %dma_start3A_125 = arith.constant 0 : i32
      %dma_start3A_126 = tpu.memref_slice %arg9[%add3A_72, %dma_start3A_125] : memref<10112x128xf32, #tpu.memory_space<vmem_shared>> -> memref<64x128xf32, #tpu.memory_space<vmem_shared>>
      %dma_start3A_127 = arith.constant 0 : i32
      %dma_start3A_128 = arith.constant 0 : i32
      %dma_start3A_129 = tpu.memref_slice %arg8[%run_scoped3A_73, %dma_start3A_127, %dma_start3A_128] : memref<4x64x128xf32, #tpu.memory_space<vmem>> -> memref<1x64x128xf32, #tpu.memory_space<vmem>>
      %dma_start3A_130 = tpu.memref_squeeze %dma_start3A_129 : memref<1x64x128xf32, #tpu.memory_space<vmem>> -> memref<64x128xf32, #tpu.memory_space<vmem>>
      tpu.enqueue_dma source(%dma_start3A_130 : memref<64x128xf32, #tpu.memory_space<vmem>>) target(%dma_start3A_126 : memref<64x128xf32, #tpu.memory_space<vmem_shared>>) target_semaphore(%run_scoped3A_118 : memref<!tpu.dma_semaphore, #tpu.memory_space<semaphore_mem>>)
      %dma_wait3A_131 = arith.constant 0 : i32
      %dma_wait3A_132 = arith.constant 0 : i32
      %dma_wait3A_133 = tpu.memref_slice %arg8[%run_scoped3A_73, %dma_wait3A_131, %dma_wait3A_132] : memref<4x64x128xf32, #tpu.memory_space<vmem>> -> memref<1x64x128xf32, #tpu.memory_space<vmem>>
      %dma_wait3A_134 = tpu.memref_squeeze %dma_wait3A_133 : memref<1x64x128xf32, #tpu.memory_space<vmem>> -> memref<64x128xf32, #tpu.memory_space<vmem>>
      %dma_wait3A_135 = arith.constant 0 : i32
      %dma_wait3A_136 = tpu.memref_slice %arg9[%add3A_72, %dma_wait3A_135] : memref<10112x128xf32, #tpu.memory_space<vmem_shared>> -> memref<64x128xf32, #tpu.memory_space<vmem_shared>>
      %dma_wait3A_137 = arith.constant 0 : i32
      %dma_wait3A_138 = tpu.memref_slice %arg9[%add3A_72, %dma_wait3A_137] : memref<10112x128xf32, #tpu.memory_space<vmem_shared>> -> memref<64x128xf32, #tpu.memory_space<vmem_shared>>
      %dma_wait3A_139 = arith.constant 0 : i32
      %dma_wait3A_140 = arith.constant 0 : i32
      %dma_wait3A_141 = tpu.memref_slice %arg8[%run_scoped3A_73, %dma_wait3A_139, %dma_wait3A_140] : memref<4x64x128xf32, #tpu.memory_space<vmem>> -> memref<1x64x128xf32, #tpu.memory_space<vmem>>
      %dma_wait3A_142 = tpu.memref_squeeze %dma_wait3A_141 : memref<1x64x128xf32, #tpu.memory_space<vmem>> -> memref<64x128xf32, #tpu.memory_space<vmem>>
      tpu.wait_dma2 semaphore(%run_scoped3A_118 : memref<!tpu.dma_semaphore, #tpu.memory_space<semaphore_mem>>) src(%dma_wait3A_142 : memref<64x128xf32, #tpu.memory_space<vmem>>) dst(%dma_wait3A_138 : memref<64x128xf32, #tpu.memory_space<vmem_shared>>)
      tpu.yield
    }) : () -> ()
    %mul3A_74 = arith.constant 632 : i32
    %mul3A_75 = arith.muli %arg1, %mul3A_74 : i32
    %add3A_76 = arith.constant 384 : i32
    %add3A_77 = arith.addi %mul3A_75, %add3A_76 : i32
    %run_scoped3A_78 = arith.constant 3 : i32
    "tpu.region"() ({
      %run_scoped3A_118 = tpu.sem_alloc : memref<!tpu.dma_semaphore, #tpu.memory_space<semaphore_mem>>
      %dma_start3A_119 = arith.constant 0 : i32
      %dma_start3A_120 = arith.constant 0 : i32
      %dma_start3A_121 = tpu.memref_slice %arg8[%run_scoped3A_78, %dma_start3A_119, %dma_start3A_120] : memref<4x64x128xf32, #tpu.memory_space<vmem>> -> memref<1x64x128xf32, #tpu.memory_space<vmem>>
      %dma_start3A_122 = tpu.memref_squeeze %dma_start3A_121 : memref<1x64x128xf32, #tpu.memory_space<vmem>> -> memref<64x128xf32, #tpu.memory_space<vmem>>
      %dma_start3A_123 = arith.constant 0 : i32
      %dma_start3A_124 = tpu.memref_slice %arg9[%add3A_77, %dma_start3A_123] : memref<10112x128xf32, #tpu.memory_space<vmem_shared>> -> memref<64x128xf32, #tpu.memory_space<vmem_shared>>
      %dma_start3A_125 = arith.constant 0 : i32
      %dma_start3A_126 = tpu.memref_slice %arg9[%add3A_77, %dma_start3A_125] : memref<10112x128xf32, #tpu.memory_space<vmem_shared>> -> memref<64x128xf32, #tpu.memory_space<vmem_shared>>
      %dma_start3A_127 = arith.constant 0 : i32
      %dma_start3A_128 = arith.constant 0 : i32
      %dma_start3A_129 = tpu.memref_slice %arg8[%run_scoped3A_78, %dma_start3A_127, %dma_start3A_128] : memref<4x64x128xf32, #tpu.memory_space<vmem>> -> memref<1x64x128xf32, #tpu.memory_space<vmem>>
      %dma_start3A_130 = tpu.memref_squeeze %dma_start3A_129 : memref<1x64x128xf32, #tpu.memory_space<vmem>> -> memref<64x128xf32, #tpu.memory_space<vmem>>
      tpu.enqueue_dma source(%dma_start3A_130 : memref<64x128xf32, #tpu.memory_space<vmem>>) target(%dma_start3A_126 : memref<64x128xf32, #tpu.memory_space<vmem_shared>>) target_semaphore(%run_scoped3A_118 : memref<!tpu.dma_semaphore, #tpu.memory_space<semaphore_mem>>)
      %dma_wait3A_131 = arith.constant 0 : i32
      %dma_wait3A_132 = arith.constant 0 : i32
      %dma_wait3A_133 = tpu.memref_slice %arg8[%run_scoped3A_78, %dma_wait3A_131, %dma_wait3A_132] : memref<4x64x128xf32, #tpu.memory_space<vmem>> -> memref<1x64x128xf32, #tpu.memory_space<vmem>>
      %dma_wait3A_134 = tpu.memref_squeeze %dma_wait3A_133 : memref<1x64x128xf32, #tpu.memory_space<vmem>> -> memref<64x128xf32, #tpu.memory_space<vmem>>
      %dma_wait3A_135 = arith.constant 0 : i32
      %dma_wait3A_136 = tpu.memref_slice %arg9[%add3A_77, %dma_wait3A_135] : memref<10112x128xf32, #tpu.memory_space<vmem_shared>> -> memref<64x128xf32, #tpu.memory_space<vmem_shared>>
      %dma_wait3A_137 = arith.constant 0 : i32
      %dma_wait3A_138 = tpu.memref_slice %arg9[%add3A_77, %dma_wait3A_137] : memref<10112x128xf32, #tpu.memory_space<vmem_shared>> -> memref<64x128xf32, #tpu.memory_space<vmem_shared>>
      %dma_wait3A_139 = arith.constant 0 : i32
      %dma_wait3A_140 = arith.constant 0 : i32
      %dma_wait3A_141 = tpu.memref_slice %arg8[%run_scoped3A_78, %dma_wait3A_139, %dma_wait3A_140] : memref<4x64x128xf32, #tpu.memory_space<vmem>> -> memref<1x64x128xf32, #tpu.memory_space<vmem>>
      %dma_wait3A_142 = tpu.memref_squeeze %dma_wait3A_141 : memref<1x64x128xf32, #tpu.memory_space<vmem>> -> memref<64x128xf32, #tpu.memory_space<vmem>>
      tpu.wait_dma2 semaphore(%run_scoped3A_118 : memref<!tpu.dma_semaphore, #tpu.memory_space<semaphore_mem>>) src(%dma_wait3A_142 : memref<64x128xf32, #tpu.memory_space<vmem>>) dst(%dma_wait3A_138 : memref<64x128xf32, #tpu.memory_space<vmem_shared>>)
      tpu.yield
    }) : () -> ()
    %mul3A_79 = arith.constant 632 : i32
    %mul3A_80 = arith.muli %arg1, %mul3A_79 : i32
    %add3A_81 = arith.constant 448 : i32
    %add3A_82 = arith.addi %mul3A_80, %add3A_81 : i32
    %run_scoped3A_83 = arith.constant 3 : i32
    "tpu.region"() ({
      %run_scoped3A_118 = tpu.sem_alloc : memref<!tpu.dma_semaphore, #tpu.memory_space<semaphore_mem>>
      %dma_start3A_119 = arith.constant 0 : i32
      %dma_start3A_120 = arith.constant 0 : i32
      %dma_start3A_121 = tpu.memref_slice %arg8[%run_scoped3A_83, %dma_start3A_119, %dma_start3A_120] : memref<4x64x128xf32, #tpu.memory_space<vmem>> -> memref<1x64x128xf32, #tpu.memory_space<vmem>>
      %dma_start3A_122 = tpu.memref_squeeze %dma_start3A_121 : memref<1x64x128xf32, #tpu.memory_space<vmem>> -> memref<64x128xf32, #tpu.memory_space<vmem>>
      %dma_start3A_123 = arith.constant 0 : i32
      %dma_start3A_124 = tpu.memref_slice %arg9[%add3A_82, %dma_start3A_123] : memref<10112x128xf32, #tpu.memory_space<vmem_shared>> -> memref<64x128xf32, #tpu.memory_space<vmem_shared>>
      %dma_start3A_125 = arith.constant 0 : i32
      %dma_start3A_126 = tpu.memref_slice %arg9[%add3A_82, %dma_start3A_125] : memref<10112x128xf32, #tpu.memory_space<vmem_shared>> -> memref<64x128xf32, #tpu.memory_space<vmem_shared>>
      %dma_start3A_127 = arith.constant 0 : i32
      %dma_start3A_128 = arith.constant 0 : i32
      %dma_start3A_129 = tpu.memref_slice %arg8[%run_scoped3A_83, %dma_start3A_127, %dma_start3A_128] : memref<4x64x128xf32, #tpu.memory_space<vmem>> -> memref<1x64x128xf32, #tpu.memory_space<vmem>>
      %dma_start3A_130 = tpu.memref_squeeze %dma_start3A_129 : memref<1x64x128xf32, #tpu.memory_space<vmem>> -> memref<64x128xf32, #tpu.memory_space<vmem>>
      tpu.enqueue_dma source(%dma_start3A_130 : memref<64x128xf32, #tpu.memory_space<vmem>>) target(%dma_start3A_126 : memref<64x128xf32, #tpu.memory_space<vmem_shared>>) target_semaphore(%run_scoped3A_118 : memref<!tpu.dma_semaphore, #tpu.memory_space<semaphore_mem>>)
      %dma_wait3A_131 = arith.constant 0 : i32
      %dma_wait3A_132 = arith.constant 0 : i32
      %dma_wait3A_133 = tpu.memref_slice %arg8[%run_scoped3A_83, %dma_wait3A_131, %dma_wait3A_132] : memref<4x64x128xf32, #tpu.memory_space<vmem>> -> memref<1x64x128xf32, #tpu.memory_space<vmem>>
      %dma_wait3A_134 = tpu.memref_squeeze %dma_wait3A_133 : memref<1x64x128xf32, #tpu.memory_space<vmem>> -> memref<64x128xf32, #tpu.memory_space<vmem>>
      %dma_wait3A_135 = arith.constant 0 : i32
      %dma_wait3A_136 = tpu.memref_slice %arg9[%add3A_82, %dma_wait3A_135] : memref<10112x128xf32, #tpu.memory_space<vmem_shared>> -> memref<64x128xf32, #tpu.memory_space<vmem_shared>>
      %dma_wait3A_137 = arith.constant 0 : i32
      %dma_wait3A_138 = tpu.memref_slice %arg9[%add3A_82, %dma_wait3A_137] : memref<10112x128xf32, #tpu.memory_space<vmem_shared>> -> memref<64x128xf32, #tpu.memory_space<vmem_shared>>
      %dma_wait3A_139 = arith.constant 0 : i32
      %dma_wait3A_140 = arith.constant 0 : i32
      %dma_wait3A_141 = tpu.memref_slice %arg8[%run_scoped3A_83, %dma_wait3A_139, %dma_wait3A_140] : memref<4x64x128xf32, #tpu.memory_space<vmem>> -> memref<1x64x128xf32, #tpu.memory_space<vmem>>
      %dma_wait3A_142 = tpu.memref_squeeze %dma_wait3A_141 : memref<1x64x128xf32, #tpu.memory_space<vmem>> -> memref<64x128xf32, #tpu.memory_space<vmem>>
      tpu.wait_dma2 semaphore(%run_scoped3A_118 : memref<!tpu.dma_semaphore, #tpu.memory_space<semaphore_mem>>) src(%dma_wait3A_142 : memref<64x128xf32, #tpu.memory_space<vmem>>) dst(%dma_wait3A_138 : memref<64x128xf32, #tpu.memory_space<vmem_shared>>)
      tpu.yield
    }) : () -> ()
    %mul3A_84 = arith.constant 632 : i32
    %mul3A_85 = arith.muli %arg1, %mul3A_84 : i32
    %add3A_86 = arith.constant 512 : i32
    %add3A_87 = arith.addi %mul3A_85, %add3A_86 : i32
    %run_scoped3A_88 = arith.constant 3 : i32
    "tpu.region"() ({
      %run_scoped3A_118 = tpu.sem_alloc : memref<!tpu.dma_semaphore, #tpu.memory_space<semaphore_mem>>
      %dma_start3A_119 = arith.constant 0 : i32
      %dma_start3A_120 = arith.constant 0 : i32
      %dma_start3A_121 = tpu.memref_slice %arg8[%run_scoped3A_88, %dma_start3A_119, %dma_start3A_120] : memref<4x64x128xf32, #tpu.memory_space<vmem>> -> memref<1x64x128xf32, #tpu.memory_space<vmem>>
      %dma_start3A_122 = tpu.memref_squeeze %dma_start3A_121 : memref<1x64x128xf32, #tpu.memory_space<vmem>> -> memref<64x128xf32, #tpu.memory_space<vmem>>
      %dma_start3A_123 = arith.constant 0 : i32
      %dma_start3A_124 = tpu.memref_slice %arg9[%add3A_87, %dma_start3A_123] : memref<10112x128xf32, #tpu.memory_space<vmem_shared>> -> memref<64x128xf32, #tpu.memory_space<vmem_shared>>
      %dma_start3A_125 = arith.constant 0 : i32
      %dma_start3A_126 = tpu.memref_slice %arg9[%add3A_87, %dma_start3A_125] : memref<10112x128xf32, #tpu.memory_space<vmem_shared>> -> memref<64x128xf32, #tpu.memory_space<vmem_shared>>
      %dma_start3A_127 = arith.constant 0 : i32
      %dma_start3A_128 = arith.constant 0 : i32
      %dma_start3A_129 = tpu.memref_slice %arg8[%run_scoped3A_88, %dma_start3A_127, %dma_start3A_128] : memref<4x64x128xf32, #tpu.memory_space<vmem>> -> memref<1x64x128xf32, #tpu.memory_space<vmem>>
      %dma_start3A_130 = tpu.memref_squeeze %dma_start3A_129 : memref<1x64x128xf32, #tpu.memory_space<vmem>> -> memref<64x128xf32, #tpu.memory_space<vmem>>
      tpu.enqueue_dma source(%dma_start3A_130 : memref<64x128xf32, #tpu.memory_space<vmem>>) target(%dma_start3A_126 : memref<64x128xf32, #tpu.memory_space<vmem_shared>>) target_semaphore(%run_scoped3A_118 : memref<!tpu.dma_semaphore, #tpu.memory_space<semaphore_mem>>)
      %dma_wait3A_131 = arith.constant 0 : i32
      %dma_wait3A_132 = arith.constant 0 : i32
      %dma_wait3A_133 = tpu.memref_slice %arg8[%run_scoped3A_88, %dma_wait3A_131, %dma_wait3A_132] : memref<4x64x128xf32, #tpu.memory_space<vmem>> -> memref<1x64x128xf32, #tpu.memory_space<vmem>>
      %dma_wait3A_134 = tpu.memref_squeeze %dma_wait3A_133 : memref<1x64x128xf32, #tpu.memory_space<vmem>> -> memref<64x128xf32, #tpu.memory_space<vmem>>
      %dma_wait3A_135 = arith.constant 0 : i32
      %dma_wait3A_136 = tpu.memref_slice %arg9[%add3A_87, %dma_wait3A_135] : memref<10112x128xf32, #tpu.memory_space<vmem_shared>> -> memref<64x128xf32, #tpu.memory_space<vmem_shared>>
      %dma_wait3A_137 = arith.constant 0 : i32
      %dma_wait3A_138 = tpu.memref_slice %arg9[%add3A_87, %dma_wait3A_137] : memref<10112x128xf32, #tpu.memory_space<vmem_shared>> -> memref<64x128xf32, #tpu.memory_space<vmem_shared>>
      %dma_wait3A_139 = arith.constant 0 : i32
      %dma_wait3A_140 = arith.constant 0 : i32
      %dma_wait3A_141 = tpu.memref_slice %arg8[%run_scoped3A_88, %dma_wait3A_139, %dma_wait3A_140] : memref<4x64x128xf32, #tpu.memory_space<vmem>> -> memref<1x64x128xf32, #tpu.memory_space<vmem>>
      %dma_wait3A_142 = tpu.memref_squeeze %dma_wait3A_141 : memref<1x64x128xf32, #tpu.memory_space<vmem>> -> memref<64x128xf32, #tpu.memory_space<vmem>>
      tpu.wait_dma2 semaphore(%run_scoped3A_118 : memref<!tpu.dma_semaphore, #tpu.memory_space<semaphore_mem>>) src(%dma_wait3A_142 : memref<64x128xf32, #tpu.memory_space<vmem>>) dst(%dma_wait3A_138 : memref<64x128xf32, #tpu.memory_space<vmem_shared>>)
      tpu.yield
    }) : () -> ()
    %mul3A_89 = arith.constant 632 : i32
    %mul3A_90 = arith.muli %arg1, %mul3A_89 : i32
    %add3A_91 = arith.constant 576 : i32
    %add3A_92 = arith.addi %mul3A_90, %add3A_91 : i32
    %run_scoped3A_93 = arith.constant 3 : i32
    "tpu.region"() ({
      %run_scoped3A_118 = tpu.sem_alloc : memref<!tpu.dma_semaphore, #tpu.memory_space<semaphore_mem>>
      %dma_start3A_119 = arith.constant 0 : i32
      %dma_start3A_120 = arith.constant 0 : i32
      %dma_start3A_121 = tpu.memref_slice %arg8[%run_scoped3A_93, %dma_start3A_119, %dma_start3A_120] : memref<4x64x128xf32, #tpu.memory_space<vmem>> -> memref<1x56x128xf32, #tpu.memory_space<vmem>>
      %dma_start3A_122 = tpu.memref_squeeze %dma_start3A_121 : memref<1x56x128xf32, #tpu.memory_space<vmem>> -> memref<56x128xf32, #tpu.memory_space<vmem>>
      %dma_start3A_123 = arith.constant 0 : i32
      %dma_start3A_124 = tpu.memref_slice %arg9[%add3A_92, %dma_start3A_123] : memref<10112x128xf32, #tpu.memory_space<vmem_shared>> -> memref<56x128xf32, #tpu.memory_space<vmem_shared>>
      %dma_start3A_125 = arith.constant 0 : i32
      %dma_start3A_126 = tpu.memref_slice %arg9[%add3A_92, %dma_start3A_125] : memref<10112x128xf32, #tpu.memory_space<vmem_shared>> -> memref<56x128xf32, #tpu.memory_space<vmem_shared>>
      %dma_start3A_127 = arith.constant 0 : i32
      %dma_start3A_128 = arith.constant 0 : i32
      %dma_start3A_129 = tpu.memref_slice %arg8[%run_scoped3A_93, %dma_start3A_127, %dma_start3A_128] : memref<4x64x128xf32, #tpu.memory_space<vmem>> -> memref<1x56x128xf32, #tpu.memory_space<vmem>>
      %dma_start3A_130 = tpu.memref_squeeze %dma_start3A_129 : memref<1x56x128xf32, #tpu.memory_space<vmem>> -> memref<56x128xf32, #tpu.memory_space<vmem>>
      tpu.enqueue_dma source(%dma_start3A_130 : memref<56x128xf32, #tpu.memory_space<vmem>>) target(%dma_start3A_126 : memref<56x128xf32, #tpu.memory_space<vmem_shared>>) target_semaphore(%run_scoped3A_118 : memref<!tpu.dma_semaphore, #tpu.memory_space<semaphore_mem>>)
      %dma_wait3A_131 = arith.constant 0 : i32
      %dma_wait3A_132 = arith.constant 0 : i32
      %dma_wait3A_133 = tpu.memref_slice %arg8[%run_scoped3A_93, %dma_wait3A_131, %dma_wait3A_132] : memref<4x64x128xf32, #tpu.memory_space<vmem>> -> memref<1x56x128xf32, #tpu.memory_space<vmem>>
      %dma_wait3A_134 = tpu.memref_squeeze %dma_wait3A_133 : memref<1x56x128xf32, #tpu.memory_space<vmem>> -> memref<56x128xf32, #tpu.memory_space<vmem>>
      %dma_wait3A_135 = arith.constant 0 : i32
      %dma_wait3A_136 = tpu.memref_slice %arg9[%add3A_92, %dma_wait3A_135] : memref<10112x128xf32, #tpu.memory_space<vmem_shared>> -> memref<56x128xf32, #tpu.memory_space<vmem_shared>>
      %dma_wait3A_137 = arith.constant 0 : i32
      %dma_wait3A_138 = tpu.memref_slice %arg9[%add3A_92, %dma_wait3A_137] : memref<10112x128xf32, #tpu.memory_space<vmem_shared>> -> memref<56x128xf32, #tpu.memory_space<vmem_shared>>
      %dma_wait3A_139 = arith.constant 0 : i32
      %dma_wait3A_140 = arith.constant 0 : i32
      %dma_wait3A_141 = tpu.memref_slice %arg8[%run_scoped3A_93, %dma_wait3A_139, %dma_wait3A_140] : memref<4x64x128xf32, #tpu.memory_space<vmem>> -> memref<1x56x128xf32, #tpu.memory_space<vmem>>
      %dma_wait3A_142 = tpu.memref_squeeze %dma_wait3A_141 : memref<1x56x128xf32, #tpu.memory_space<vmem>> -> memref<56x128xf32, #tpu.memory_space<vmem>>
      tpu.wait_dma2 semaphore(%run_scoped3A_118 : memref<!tpu.dma_semaphore, #tpu.memory_space<semaphore_mem>>) src(%dma_wait3A_142 : memref<56x128xf32, #tpu.memory_space<vmem>>) dst(%dma_wait3A_138 : memref<56x128xf32, #tpu.memory_space<vmem_shared>>)
      tpu.yield
    }) : () -> ()
    %barrier3A = arith.constant 0 : index
    tpu.barrier barrier_id(%barrier3A)
    %scan3A_94 = arith.constant 0 : i32
    %scan3A_95 = arith.constant 0 : i32
    %scan3A_96 = arith.constant 160 : i32
    %scan3A_97 = arith.addi %scan3A_95, %scan3A_96 : i32
    %scan3A_98 = arith.constant 1 : i32
    %scan3A_99 = scf.for %scan3A_118 = %scan3A_95 to %scan3A_97 step %scan3A_98 iter_args(%scan3A_119 = %scan3A_94) -> (i32)  : i32 {
      %jit3A = arith.constant 32 : i32
      %div3A = arith.divsi %scan3A_118, %jit3A : i32
      %sign3A = arith.constant 0 : i32
      %sign3A_120 = arith.cmpi sgt, %scan3A_118, %sign3A : i32
      %sign3A_121 = arith.extui %sign3A_120 : i1 to i32
      %sign3A_122 = arith.constant 0 : i32
      %sign3A_123 = arith.cmpi slt, %scan3A_118, %sign3A_122 : i32
      %sign3A_124 = arith.extui %sign3A_123 : i1 to i32
      %sign3A_125 = arith.subi %sign3A_121, %sign3A_124 : i32
      %sign3A_126 = arith.constant 0 : i32
      %sign3A_127 = arith.cmpi sgt, %jit3A, %sign3A_126 : i32
      %sign3A_128 = arith.extui %sign3A_127 : i1 to i32
      %sign3A_129 = arith.constant 0 : i32
      %sign3A_130 = arith.cmpi slt, %jit3A, %sign3A_129 : i32
      %sign3A_131 = arith.extui %sign3A_130 : i1 to i32
      %sign3A_132 = arith.subi %sign3A_128, %sign3A_131 : i32
      %ne3A = arith.cmpi ne, %sign3A_125, %sign3A_132 : i32
      %rem3A = arith.remsi %scan3A_118, %jit3A : i32
      %ne3A_133 = arith.constant 0 : i32
      %ne3A_134 = arith.cmpi ne, %rem3A, %ne3A_133 : i32
      %and3A = arith.andi %ne3A, %ne3A_134 : i1
      %sub3A = arith.constant 1 : i32
      %sub3A_135 = arith.subi %div3A, %sub3A : i32
      %select_n3A = arith.select %and3A, %sub3A_135, %div3A : i32
      %jit3A_136 = arith.constant 2 : i32
      %eq3A = arith.constant 0 : i32
      %eq3A_137 = arith.cmpi eq, %jit3A_136, %eq3A : i32
      %jit3A_138 = arith.constant 1 : i32
      %select_n3A_139 = arith.select %eq3A_137, %jit3A_138, %jit3A_136 : i32
      %rem3A_140 = arith.remsi %select_n3A, %select_n3A_139 : i32
      %ne3A_141 = arith.constant 0 : i32
      %ne3A_142 = arith.cmpi ne, %rem3A_140, %ne3A_141 : i32
      %lt3A = arith.constant 0 : i32
      %lt3A_143 = arith.cmpi slt, %rem3A_140, %lt3A : i32
      %lt3A_144 = arith.constant 0 : i32
      %lt3A_145 = arith.cmpi slt, %select_n3A_139, %lt3A_144 : i32
      %ne3A_146 = arith.xori %lt3A_143, %lt3A_145 : i1
      %and3A_147 = arith.andi %ne3A_146, %ne3A_142 : i1
      %add3A_148 = arith.addi %rem3A_140, %select_n3A_139 : i32
      %select_n3A_149 = arith.select %and3A_147, %add3A_148, %rem3A_140 : i32
      %jit3A_150 = arith.constant 32 : i32
      %eq3A_151 = arith.constant 0 : i32
      %eq3A_152 = arith.cmpi eq, %jit3A_150, %eq3A_151 : i32
      %jit3A_153 = arith.constant 1 : i32
      %select_n3A_154 = arith.select %eq3A_152, %jit3A_153, %jit3A_150 : i32
      %rem3A_155 = arith.remsi %scan3A_118, %select_n3A_154 : i32
      %ne3A_156 = arith.constant 0 : i32
      %ne3A_157 = arith.cmpi ne, %rem3A_155, %ne3A_156 : i32
      %lt3A_158 = arith.constant 0 : i32
      %lt3A_159 = arith.cmpi slt, %rem3A_155, %lt3A_158 : i32
      %lt3A_160 = arith.constant 0 : i32
      %lt3A_161 = arith.cmpi slt, %select_n3A_154, %lt3A_160 : i32
      %ne3A_162 = arith.xori %lt3A_159, %lt3A_161 : i1
      %and3A_163 = arith.andi %ne3A_162, %ne3A_157 : i1
      %add3A_164 = arith.addi %rem3A_155, %select_n3A_154 : i32
      %select_n3A_165 = arith.select %and3A_163, %add3A_164, %rem3A_155 : i32
      %jit3A_166 = arith.constant 4 : i32
      %eq3A_167 = arith.constant 0 : i32
      %eq3A_168 = arith.cmpi eq, %jit3A_166, %eq3A_167 : i32
      %jit3A_169 = arith.constant 1 : i32
      %select_n3A_170 = arith.select %eq3A_168, %jit3A_169, %jit3A_166 : i32
      %rem3A_171 = arith.remsi %scan3A_118, %select_n3A_170 : i32
      %ne3A_172 = arith.constant 0 : i32
      %ne3A_173 = arith.cmpi ne, %rem3A_171, %ne3A_172 : i32
      %lt3A_174 = arith.constant 0 : i32
      %lt3A_175 = arith.cmpi slt, %rem3A_171, %lt3A_174 : i32
      %lt3A_176 = arith.constant 0 : i32
      %lt3A_177 = arith.cmpi slt, %select_n3A_170, %lt3A_176 : i32
      %ne3A_178 = arith.xori %lt3A_175, %lt3A_177 : i1
      %and3A_179 = arith.andi %ne3A_178, %ne3A_173 : i1
      %add3A_180 = arith.addi %rem3A_171, %select_n3A_170 : i32
      %select_n3A_181 = arith.select %and3A_179, %add3A_180, %rem3A_171 : i32
      %dma_wait3A_182 = arith.constant 0 : i32
      %dma_wait3A_183 = arith.constant 0 : i32
      %dma_wait3A_184 = tpu.memref_slice %arg8[%select_n3A_181, %dma_wait3A_182, %dma_wait3A_183] : memref<4x64x128xf32, #tpu.memory_space<vmem>> -> memref<1x64x128xf32, #tpu.memory_space<vmem>>
      %dma_wait3A_185 = tpu.memref_squeeze %dma_wait3A_184 : memref<1x64x128xf32, #tpu.memory_space<vmem>> -> memref<64x128xf32, #tpu.memory_space<vmem>>
      %dma_wait3A_186 = arith.constant 0 : i32
      %dma_wait3A_187 = tpu.memref_slice %arg6[%select_n3A_149, %select_n3A_165, %dma_wait3A_186] : memref<2x32x64xi32, #tpu.memory_space<vmem>> -> memref<1x1x64xi32, #tpu.memory_space<vmem>>
      %dma_wait3A_188 = tpu.memref_squeeze %dma_wait3A_187 : memref<1x1x64xi32, #tpu.memory_space<vmem>> -> memref<64xi32, #tpu.memory_space<vmem>>
      %dma_wait3A_189 = arith.constant 0 : i32
      %dma_wait3A_190 = arith.constant 0 : i32
      %dma_wait3A_191 = tpu.memref_slice %arg2[%dma_wait3A_189, %dma_wait3A_190] : memref<10000x128xf32, #tpu.memory_space<hbm>> -> memref<10000x128xf32, #tpu.memory_space<hbm>>
      tpu.wait_indirect_dma semaphore(%arg10 : memref<!tpu.dma_semaphore, #tpu.memory_space<semaphore_mem>>) src(%dma_wait3A_191 : memref<10000x128xf32, #tpu.memory_space<hbm>>) dst(%dma_wait3A_185 : memref<64x128xf32, #tpu.memory_space<vmem>>)
      %dma_start3A_192 = arith.constant 0 : i32
      %dma_start3A_193 = arith.constant 0 : i32
      %dma_start3A_194 = tpu.memref_slice %arg8[%select_n3A_181, %dma_start3A_192, %dma_start3A_193] : memref<4x64x128xf32, #tpu.memory_space<vmem>> -> memref<1x64x128xf32, #tpu.memory_space<vmem>>
      %dma_start3A_195 = tpu.memref_squeeze %dma_start3A_194 : memref<1x64x128xf32, #tpu.memory_space<vmem>> -> memref<64x128xf32, #tpu.memory_space<vmem>>
      %dma_start3A_196 = arith.constant 0 : i32
      %dma_start3A_197 = tpu.memref_slice %arg7[%select_n3A_149, %select_n3A_165, %dma_start3A_196] : memref<2x32x64xi32, #tpu.memory_space<vmem>> -> memref<1x1x64xi32, #tpu.memory_space<vmem>>
      %dma_start3A_198 = tpu.memref_squeeze %dma_start3A_197 : memref<1x1x64xi32, #tpu.memory_space<vmem>> -> memref<64xi32, #tpu.memory_space<vmem>>
      %dma_start3A_199 = arith.constant 0 : i32
      %dma_start3A_200 = arith.constant 0 : i32
      %dma_start3A_201 = tpu.memref_slice %arg9[%dma_start3A_199, %dma_start3A_200] : memref<10112x128xf32, #tpu.memory_space<vmem_shared>> -> memref<10112x128xf32, #tpu.memory_space<vmem_shared>>
      tpu.enqueue_indirect_dma source(%dma_start3A_195 : memref<64x128xf32, #tpu.memory_space<vmem>>) target(%dma_start3A_201 : memref<10112x128xf32, #tpu.memory_space<vmem_shared>>) offsets(%dma_start3A_198 : memref<64xi32, #tpu.memory_space<vmem>>) semaphore(%arg11 : memref<!tpu.dma_semaphore, #tpu.memory_space<semaphore_mem>>) {add = true}
      %ge3A = arith.constant 1 : i32
      %ge3A_202 = arith.cmpi sge, %scan3A_118, %ge3A : i32
      %convert_element_type3A = arith.extui %ge3A_202 : i1 to i32
      %cond3A = arith.constant 0 : i32
      %cond3A_203 = arith.cmpi ne, %convert_element_type3A, %cond3A : i32
      scf.if %cond3A_203 {
        %sub3A_224 = arith.constant 1 : i32
        %sub3A_225 = arith.subi %scan3A_118, %sub3A_224 : i32
        %jit3A_226 = arith.constant 4 : i32
        %eq3A_227 = arith.constant 0 : i32
        %eq3A_228 = arith.cmpi eq, %jit3A_226, %eq3A_227 : i32
        %jit3A_229 = arith.constant 1 : i32
        %select_n3A_230 = arith.select %eq3A_228, %jit3A_229, %jit3A_226 : i32
        %rem3A_231 = arith.remsi %sub3A_225, %select_n3A_230 : i32
        %ne3A_232 = arith.constant 0 : i32
        %ne3A_233 = arith.cmpi ne, %rem3A_231, %ne3A_232 : i32
        %lt3A_234 = arith.constant 0 : i32
        %lt3A_235 = arith.cmpi slt, %rem3A_231, %lt3A_234 : i32
        %lt3A_236 = arith.constant 0 : i32
        %lt3A_237 = arith.cmpi slt, %select_n3A_230, %lt3A_236 : i32
        %ne3A_238 = arith.xori %lt3A_235, %lt3A_237 : i1
        %and3A_239 = arith.andi %ne3A_238, %ne3A_233 : i1
        %add3A_240 = arith.addi %rem3A_231, %select_n3A_230 : i32
        %select_n3A_241 = arith.select %and3A_239, %add3A_240, %rem3A_231 : i32
        %jit3A_242 = arith.constant 32 : i32
        %div3A_243 = arith.divsi %sub3A_225, %jit3A_242 : i32
        %sign3A_244 = arith.constant 0 : i32
        %sign3A_245 = arith.cmpi sgt, %sub3A_225, %sign3A_244 : i32
        %sign3A_246 = arith.extui %sign3A_245 : i1 to i32
        %sign3A_247 = arith.constant 0 : i32
        %sign3A_248 = arith.cmpi slt, %sub3A_225, %sign3A_247 : i32
        %sign3A_249 = arith.extui %sign3A_248 : i1 to i32
        %sign3A_250 = arith.subi %sign3A_246, %sign3A_249 : i32
        %sign3A_251 = arith.constant 0 : i32
        %sign3A_252 = arith.cmpi sgt, %jit3A_242, %sign3A_251 : i32
        %sign3A_253 = arith.extui %sign3A_252 : i1 to i32
        %sign3A_254 = arith.constant 0 : i32
        %sign3A_255 = arith.cmpi slt, %jit3A_242, %sign3A_254 : i32
        %sign3A_256 = arith.extui %sign3A_255 : i1 to i32
        %sign3A_257 = arith.subi %sign3A_253, %sign3A_256 : i32
        %ne3A_258 = arith.cmpi ne, %sign3A_250, %sign3A_257 : i32
        %rem3A_259 = arith.remsi %sub3A_225, %jit3A_242 : i32
        %ne3A_260 = arith.constant 0 : i32
        %ne3A_261 = arith.cmpi ne, %rem3A_259, %ne3A_260 : i32
        %and3A_262 = arith.andi %ne3A_258, %ne3A_261 : i1
        %sub3A_263 = arith.constant 1 : i32
        %sub3A_264 = arith.subi %div3A_243, %sub3A_263 : i32
        %select_n3A_265 = arith.select %and3A_262, %sub3A_264, %div3A_243 : i32
        %jit3A_266 = arith.constant 2 : i32
        %eq3A_267 = arith.constant 0 : i32
        %eq3A_268 = arith.cmpi eq, %jit3A_266, %eq3A_267 : i32
        %jit3A_269 = arith.constant 1 : i32
        %select_n3A_270 = arith.select %eq3A_268, %jit3A_269, %jit3A_266 : i32
        %rem3A_271 = arith.remsi %select_n3A_265, %select_n3A_270 : i32
        %ne3A_272 = arith.constant 0 : i32
        %ne3A_273 = arith.cmpi ne, %rem3A_271, %ne3A_272 : i32
        %lt3A_274 = arith.constant 0 : i32
        %lt3A_275 = arith.cmpi slt, %rem3A_271, %lt3A_274 : i32
        %lt3A_276 = arith.constant 0 : i32
        %lt3A_277 = arith.cmpi slt, %select_n3A_270, %lt3A_276 : i32
        %ne3A_278 = arith.xori %lt3A_275, %lt3A_277 : i1
        %and3A_279 = arith.andi %ne3A_278, %ne3A_273 : i1
        %add3A_280 = arith.addi %rem3A_271, %select_n3A_270 : i32
        %select_n3A_281 = arith.select %and3A_279, %add3A_280, %rem3A_271 : i32
        %jit3A_282 = arith.constant 32 : i32
        %eq3A_283 = arith.constant 0 : i32
        %eq3A_284 = arith.cmpi eq, %jit3A_282, %eq3A_283 : i32
        %jit3A_285 = arith.constant 1 : i32
        %select_n3A_286 = arith.select %eq3A_284, %jit3A_285, %jit3A_282 : i32
        %rem3A_287 = arith.remsi %sub3A_225, %select_n3A_286 : i32
        %ne3A_288 = arith.constant 0 : i32
        %ne3A_289 = arith.cmpi ne, %rem3A_287, %ne3A_288 : i32
        %lt3A_290 = arith.constant 0 : i32
        %lt3A_291 = arith.cmpi slt, %rem3A_287, %lt3A_290 : i32
        %lt3A_292 = arith.constant 0 : i32
        %lt3A_293 = arith.cmpi slt, %select_n3A_286, %lt3A_292 : i32
        %ne3A_294 = arith.xori %lt3A_291, %lt3A_293 : i1
        %and3A_295 = arith.andi %ne3A_294, %ne3A_289 : i1
        %add3A_296 = arith.addi %rem3A_287, %select_n3A_286 : i32
        %select_n3A_297 = arith.select %and3A_295, %add3A_296, %rem3A_287 : i32
        %dma_wait3A_298 = arith.constant 0 : i32
        %dma_wait3A_299 = arith.constant 0 : i32
        %dma_wait3A_300 = tpu.memref_slice %arg8[%select_n3A_241, %dma_wait3A_298, %dma_wait3A_299] : memref<4x64x128xf32, #tpu.memory_space<vmem>> -> memref<1x64x128xf32, #tpu.memory_space<vmem>>
        %dma_wait3A_301 = tpu.memref_squeeze %dma_wait3A_300 : memref<1x64x128xf32, #tpu.memory_space<vmem>> -> memref<64x128xf32, #tpu.memory_space<vmem>>
        %dma_wait3A_302 = arith.constant 0 : i32
        %dma_wait3A_303 = tpu.memref_slice %arg7[%select_n3A_281, %select_n3A_297, %dma_wait3A_302] : memref<2x32x64xi32, #tpu.memory_space<vmem>> -> memref<1x1x64xi32, #tpu.memory_space<vmem>>
        %dma_wait3A_304 = tpu.memref_squeeze %dma_wait3A_303 : memref<1x1x64xi32, #tpu.memory_space<vmem>> -> memref<64xi32, #tpu.memory_space<vmem>>
        %dma_wait3A_305 = arith.constant 0 : i32
        %dma_wait3A_306 = arith.constant 0 : i32
        %dma_wait3A_307 = tpu.memref_slice %arg9[%dma_wait3A_305, %dma_wait3A_306] : memref<10112x128xf32, #tpu.memory_space<vmem_shared>> -> memref<10112x128xf32, #tpu.memory_space<vmem_shared>>
        tpu.wait_indirect_dma semaphore(%arg11 : memref<!tpu.dma_semaphore, #tpu.memory_space<semaphore_mem>>) src(%dma_wait3A_301 : memref<64x128xf32, #tpu.memory_space<vmem>>) dst(%dma_wait3A_307 : memref<10112x128xf32, #tpu.memory_space<vmem_shared>>)
      } else {
      }
      %eq3A_204 = arith.constant 8 : i32
      %eq3A_205 = arith.cmpi eq, %select_n3A_165, %eq3A_204 : i32
      %add3A_206 = arith.constant 1 : i32
      %add3A_207 = arith.addi %select_n3A, %add3A_206 : i32
      %lt3A_208 = arith.constant 5 : i32
      %lt3A_209 = arith.cmpi slt, %add3A_207, %lt3A_208 : i32
      %and3A_210 = arith.andi %eq3A_205, %lt3A_209 : i1
      %convert_element_type3A_211 = arith.extui %and3A_210 : i1 to i32
      %cond3A_212 = arith.constant 0 : i32
      %cond3A_213 = arith.cmpi ne, %convert_element_type3A_211, %cond3A_212 : i32
      scf.if %cond3A_213 {
        %add3A_224 = arith.constant 1 : i32
        %add3A_225 = arith.addi %select_n3A, %add3A_224 : i32
        %mul3A_226 = arith.constant 32 : i32
        %mul3A_227 = arith.muli %add3A_225, %mul3A_226 : i32
        %multiple_of3A = tpu.assume_multiple %mul3A_227, 32 : i32
        %add3A_228 = arith.constant 1 : i32
        %add3A_229 = arith.addi %select_n3A, %add3A_228 : i32
        %jit3A_230 = arith.constant 2 : i32
        %eq3A_231 = arith.constant 0 : i32
        %eq3A_232 = arith.cmpi eq, %jit3A_230, %eq3A_231 : i32
        %jit3A_233 = arith.constant 1 : i32
        %select_n3A_234 = arith.select %eq3A_232, %jit3A_233, %jit3A_230 : i32
        %rem3A_235 = arith.remsi %add3A_229, %select_n3A_234 : i32
        %ne3A_236 = arith.constant 0 : i32
        %ne3A_237 = arith.cmpi ne, %rem3A_235, %ne3A_236 : i32
        %lt3A_238 = arith.constant 0 : i32
        %lt3A_239 = arith.cmpi slt, %rem3A_235, %lt3A_238 : i32
        %lt3A_240 = arith.constant 0 : i32
        %lt3A_241 = arith.cmpi slt, %select_n3A_234, %lt3A_240 : i32
        %ne3A_242 = arith.xori %lt3A_239, %lt3A_241 : i1
        %and3A_243 = arith.andi %ne3A_242, %ne3A_237 : i1
        %add3A_244 = arith.addi %rem3A_235, %select_n3A_234 : i32
        %select_n3A_245 = arith.select %and3A_243, %add3A_244, %rem3A_235 : i32
        "tpu.region"() ({
          %run_scoped3A_264 = tpu.sem_alloc : memref<!tpu.dma_semaphore, #tpu.memory_space<semaphore_mem>>
          %dma_start3A_265 = arith.constant 0 : i32
          %dma_start3A_266 = arith.constant 0 : i32
          %dma_start3A_267 = tpu.memref_slice %arg6[%select_n3A_245, %dma_start3A_265, %dma_start3A_266] : memref<2x32x64xi32, #tpu.memory_space<vmem>> -> memref<1x32x64xi32, #tpu.memory_space<vmem>>
          %dma_start3A_268 = tpu.memref_squeeze %dma_start3A_267 : memref<1x32x64xi32, #tpu.memory_space<vmem>> -> memref<32x64xi32, #tpu.memory_space<vmem>>
          %dma_start3A_269 = arith.constant 0 : i32
          %dma_start3A_270 = tpu.memref_slice %arg3[%arg0, %arg1, %multiple_of3A, %dma_start3A_269] : memref<2x16x160x64xi32, #tpu.memory_space<hbm>> -> memref<1x1x32x64xi32, #tpu.memory_space<hbm>>
          %dma_start3A_271 = tpu.memref_squeeze %dma_start3A_270 : memref<1x1x32x64xi32, #tpu.memory_space<hbm>> -> memref<32x64xi32, #tpu.memory_space<hbm>>
          %dma_start3A_272 = arith.constant 0 : i32
          %dma_start3A_273 = arith.constant 0 : i32
          %dma_start3A_274 = tpu.memref_slice %arg6[%select_n3A_245, %dma_start3A_272, %dma_start3A_273] : memref<2x32x64xi32, #tpu.memory_space<vmem>> -> memref<1x32x64xi32, #tpu.memory_space<vmem>>
          %dma_start3A_275 = tpu.memref_squeeze %dma_start3A_274 : memref<1x32x64xi32, #tpu.memory_space<vmem>> -> memref<32x64xi32, #tpu.memory_space<vmem>>
          %dma_start3A_276 = arith.constant 0 : i32
          %dma_start3A_277 = tpu.memref_slice %arg3[%arg0, %arg1, %multiple_of3A, %dma_start3A_276] : memref<2x16x160x64xi32, #tpu.memory_space<hbm>> -> memref<1x1x32x64xi32, #tpu.memory_space<hbm>>
          %dma_start3A_278 = tpu.memref_squeeze %dma_start3A_277 : memref<1x1x32x64xi32, #tpu.memory_space<hbm>> -> memref<32x64xi32, #tpu.memory_space<hbm>>
          tpu.enqueue_dma source(%dma_start3A_278 : memref<32x64xi32, #tpu.memory_space<hbm>>) target(%dma_start3A_275 : memref<32x64xi32, #tpu.memory_space<vmem>>) target_semaphore(%run_scoped3A_264 : memref<!tpu.dma_semaphore, #tpu.memory_space<semaphore_mem>>)
          %dma_wait3A_279 = arith.constant 0 : i32
          %dma_wait3A_280 = arith.constant 0 : i32
          %dma_wait3A_281 = tpu.memref_slice %arg6[%select_n3A_245, %dma_wait3A_279, %dma_wait3A_280] : memref<2x32x64xi32, #tpu.memory_space<vmem>> -> memref<1x32x64xi32, #tpu.memory_space<vmem>>
          %dma_wait3A_282 = tpu.memref_squeeze %dma_wait3A_281 : memref<1x32x64xi32, #tpu.memory_space<vmem>> -> memref<32x64xi32, #tpu.memory_space<vmem>>
          %dma_wait3A_283 = arith.constant 0 : i32
          %dma_wait3A_284 = tpu.memref_slice %arg3[%arg0, %arg1, %multiple_of3A, %dma_wait3A_283] : memref<2x16x160x64xi32, #tpu.memory_space<hbm>> -> memref<1x1x32x64xi32, #tpu.memory_space<hbm>>
          %dma_wait3A_285 = tpu.memref_squeeze %dma_wait3A_284 : memref<1x1x32x64xi32, #tpu.memory_space<hbm>> -> memref<32x64xi32, #tpu.memory_space<hbm>>
          %dma_wait3A_286 = arith.constant 0 : i32
          %dma_wait3A_287 = arith.constant 0 : i32
          %dma_wait3A_288 = tpu.memref_slice %arg6[%select_n3A_245, %dma_wait3A_286, %dma_wait3A_287] : memref<2x32x64xi32, #tpu.memory_space<vmem>> -> memref<1x32x64xi32, #tpu.memory_space<vmem>>
          %dma_wait3A_289 = tpu.memref_squeeze %dma_wait3A_288 : memref<1x32x64xi32, #tpu.memory_space<vmem>> -> memref<32x64xi32, #tpu.memory_space<vmem>>
          %dma_wait3A_290 = arith.constant 0 : i32
          %dma_wait3A_291 = tpu.memref_slice %arg3[%arg0, %arg1, %multiple_of3A, %dma_wait3A_290] : memref<2x16x160x64xi32, #tpu.memory_space<hbm>> -> memref<1x1x32x64xi32, #tpu.memory_space<hbm>>
          %dma_wait3A_292 = tpu.memref_squeeze %dma_wait3A_291 : memref<1x1x32x64xi32, #tpu.memory_space<hbm>> -> memref<32x64xi32, #tpu.memory_space<hbm>>
          tpu.wait_dma2 semaphore(%run_scoped3A_264 : memref<!tpu.dma_semaphore, #tpu.memory_space<semaphore_mem>>) src(%dma_wait3A_292 : memref<32x64xi32, #tpu.memory_space<hbm>>) dst(%dma_wait3A_289 : memref<32x64xi32, #tpu.memory_space<vmem>>)
          tpu.yield
        }) : () -> ()
        %add3A_246 = arith.constant 1 : i32
        %add3A_247 = arith.addi %select_n3A, %add3A_246 : i32
        %jit3A_248 = arith.constant 2 : i32
        %eq3A_249 = arith.constant 0 : i32
        %eq3A_250 = arith.cmpi eq, %jit3A_248, %eq3A_249 : i32
        %jit3A_251 = arith.constant 1 : i32
        %select_n3A_252 = arith.select %eq3A_250, %jit3A_251, %jit3A_248 : i32
        %rem3A_253 = arith.remsi %add3A_247, %select_n3A_252 : i32
        %ne3A_254 = arith.constant 0 : i32
        %ne3A_255 = arith.cmpi ne, %rem3A_253, %ne3A_254 : i32
        %lt3A_256 = arith.constant 0 : i32
        %lt3A_257 = arith.cmpi slt, %rem3A_253, %lt3A_256 : i32
        %lt3A_258 = arith.constant 0 : i32
        %lt3A_259 = arith.cmpi slt, %select_n3A_252, %lt3A_258 : i32
        %ne3A_260 = arith.xori %lt3A_257, %lt3A_259 : i1
        %and3A_261 = arith.andi %ne3A_260, %ne3A_255 : i1
        %add3A_262 = arith.addi %rem3A_253, %select_n3A_252 : i32
        %select_n3A_263 = arith.select %and3A_261, %add3A_262, %rem3A_253 : i32
        "tpu.region"() ({
          %run_scoped3A_264 = tpu.sem_alloc : memref<!tpu.dma_semaphore, #tpu.memory_space<semaphore_mem>>
          %dma_start3A_265 = arith.constant 0 : i32
          %dma_start3A_266 = arith.constant 0 : i32
          %dma_start3A_267 = tpu.memref_slice %arg7[%select_n3A_263, %dma_start3A_265, %dma_start3A_266] : memref<2x32x64xi32, #tpu.memory_space<vmem>> -> memref<1x32x64xi32, #tpu.memory_space<vmem>>
          %dma_start3A_268 = tpu.memref_squeeze %dma_start3A_267 : memref<1x32x64xi32, #tpu.memory_space<vmem>> -> memref<32x64xi32, #tpu.memory_space<vmem>>
          %dma_start3A_269 = arith.constant 0 : i32
          %dma_start3A_270 = tpu.memref_slice %arg4[%arg0, %arg1, %multiple_of3A, %dma_start3A_269] : memref<2x16x160x64xi32, #tpu.memory_space<hbm>> -> memref<1x1x32x64xi32, #tpu.memory_space<hbm>>
          %dma_start3A_271 = tpu.memref_squeeze %dma_start3A_270 : memref<1x1x32x64xi32, #tpu.memory_space<hbm>> -> memref<32x64xi32, #tpu.memory_space<hbm>>
          %dma_start3A_272 = arith.constant 0 : i32
          %dma_start3A_273 = arith.constant 0 : i32
          %dma_start3A_274 = tpu.memref_slice %arg7[%select_n3A_263, %dma_start3A_272, %dma_start3A_273] : memref<2x32x64xi32, #tpu.memory_space<vmem>> -> memref<1x32x64xi32, #tpu.memory_space<vmem>>
          %dma_start3A_275 = tpu.memref_squeeze %dma_start3A_274 : memref<1x32x64xi32, #tpu.memory_space<vmem>> -> memref<32x64xi32, #tpu.memory_space<vmem>>
          %dma_start3A_276 = arith.constant 0 : i32
          %dma_start3A_277 = tpu.memref_slice %arg4[%arg0, %arg1, %multiple_of3A, %dma_start3A_276] : memref<2x16x160x64xi32, #tpu.memory_space<hbm>> -> memref<1x1x32x64xi32, #tpu.memory_space<hbm>>
          %dma_start3A_278 = tpu.memref_squeeze %dma_start3A_277 : memref<1x1x32x64xi32, #tpu.memory_space<hbm>> -> memref<32x64xi32, #tpu.memory_space<hbm>>
          tpu.enqueue_dma source(%dma_start3A_278 : memref<32x64xi32, #tpu.memory_space<hbm>>) target(%dma_start3A_275 : memref<32x64xi32, #tpu.memory_space<vmem>>) target_semaphore(%run_scoped3A_264 : memref<!tpu.dma_semaphore, #tpu.memory_space<semaphore_mem>>)
          %dma_wait3A_279 = arith.constant 0 : i32
          %dma_wait3A_280 = arith.constant 0 : i32
          %dma_wait3A_281 = tpu.memref_slice %arg7[%select_n3A_263, %dma_wait3A_279, %dma_wait3A_280] : memref<2x32x64xi32, #tpu.memory_space<vmem>> -> memref<1x32x64xi32, #tpu.memory_space<vmem>>
          %dma_wait3A_282 = tpu.memref_squeeze %dma_wait3A_281 : memref<1x32x64xi32, #tpu.memory_space<vmem>> -> memref<32x64xi32, #tpu.memory_space<vmem>>
          %dma_wait3A_283 = arith.constant 0 : i32
          %dma_wait3A_284 = tpu.memref_slice %arg4[%arg0, %arg1, %multiple_of3A, %dma_wait3A_283] : memref<2x16x160x64xi32, #tpu.memory_space<hbm>> -> memref<1x1x32x64xi32, #tpu.memory_space<hbm>>
          %dma_wait3A_285 = tpu.memref_squeeze %dma_wait3A_284 : memref<1x1x32x64xi32, #tpu.memory_space<hbm>> -> memref<32x64xi32, #tpu.memory_space<hbm>>
          %dma_wait3A_286 = arith.constant 0 : i32
          %dma_wait3A_287 = arith.constant 0 : i32
          %dma_wait3A_288 = tpu.memref_slice %arg7[%select_n3A_263, %dma_wait3A_286, %dma_wait3A_287] : memref<2x32x64xi32, #tpu.memory_space<vmem>> -> memref<1x32x64xi32, #tpu.memory_space<vmem>>
          %dma_wait3A_289 = tpu.memref_squeeze %dma_wait3A_288 : memref<1x32x64xi32, #tpu.memory_space<vmem>> -> memref<32x64xi32, #tpu.memory_space<vmem>>
          %dma_wait3A_290 = arith.constant 0 : i32
          %dma_wait3A_291 = tpu.memref_slice %arg4[%arg0, %arg1, %multiple_of3A, %dma_wait3A_290] : memref<2x16x160x64xi32, #tpu.memory_space<hbm>> -> memref<1x1x32x64xi32, #tpu.memory_space<hbm>>
          %dma_wait3A_292 = tpu.memref_squeeze %dma_wait3A_291 : memref<1x1x32x64xi32, #tpu.memory_space<hbm>> -> memref<32x64xi32, #tpu.memory_space<hbm>>
          tpu.wait_dma2 semaphore(%run_scoped3A_264 : memref<!tpu.dma_semaphore, #tpu.memory_space<semaphore_mem>>) src(%dma_wait3A_292 : memref<32x64xi32, #tpu.memory_space<hbm>>) dst(%dma_wait3A_289 : memref<32x64xi32, #tpu.memory_space<vmem>>)
          tpu.yield
        }) : () -> ()
      } else {
      }
      %add3A_214 = arith.constant 4 : i32
      %add3A_215 = arith.addi %scan3A_118, %add3A_214 : i32
      %sub3A_216 = arith.constant 1 : i32
      %sub3A_217 = arith.subi %add3A_215, %sub3A_216 : i32
      %lt3A_218 = arith.constant 160 : i32
      %lt3A_219 = arith.cmpi slt, %sub3A_217, %lt3A_218 : i32
      %convert_element_type3A_220 = arith.extui %lt3A_219 : i1 to i32
      %cond3A_221 = arith.constant 0 : i32
      %cond3A_222 = arith.cmpi ne, %convert_element_type3A_220, %cond3A_221 : i32
      scf.if %cond3A_222 {
        %add3A_224 = arith.constant 4 : i32
        %add3A_225 = arith.addi %scan3A_118, %add3A_224 : i32
        %sub3A_226 = arith.constant 1 : i32
        %sub3A_227 = arith.subi %add3A_225, %sub3A_226 : i32
        %jit3A_228 = arith.constant 32 : i32
        %div3A_229 = arith.divsi %sub3A_227, %jit3A_228 : i32
        %sign3A_230 = arith.constant 0 : i32
        %sign3A_231 = arith.cmpi sgt, %sub3A_227, %sign3A_230 : i32
        %sign3A_232 = arith.extui %sign3A_231 : i1 to i32
        %sign3A_233 = arith.constant 0 : i32
        %sign3A_234 = arith.cmpi slt, %sub3A_227, %sign3A_233 : i32
        %sign3A_235 = arith.extui %sign3A_234 : i1 to i32
        %sign3A_236 = arith.subi %sign3A_232, %sign3A_235 : i32
        %sign3A_237 = arith.constant 0 : i32
        %sign3A_238 = arith.cmpi sgt, %jit3A_228, %sign3A_237 : i32
        %sign3A_239 = arith.extui %sign3A_238 : i1 to i32
        %sign3A_240 = arith.constant 0 : i32
        %sign3A_241 = arith.cmpi slt, %jit3A_228, %sign3A_240 : i32
        %sign3A_242 = arith.extui %sign3A_241 : i1 to i32
        %sign3A_243 = arith.subi %sign3A_239, %sign3A_242 : i32
        %ne3A_244 = arith.cmpi ne, %sign3A_236, %sign3A_243 : i32
        %rem3A_245 = arith.remsi %sub3A_227, %jit3A_228 : i32
        %ne3A_246 = arith.constant 0 : i32
        %ne3A_247 = arith.cmpi ne, %rem3A_245, %ne3A_246 : i32
        %and3A_248 = arith.andi %ne3A_244, %ne3A_247 : i1
        %sub3A_249 = arith.constant 1 : i32
        %sub3A_250 = arith.subi %div3A_229, %sub3A_249 : i32
        %select_n3A_251 = arith.select %and3A_248, %sub3A_250, %div3A_229 : i32
        %jit3A_252 = arith.constant 2 : i32
        %eq3A_253 = arith.constant 0 : i32
        %eq3A_254 = arith.cmpi eq, %jit3A_252, %eq3A_253 : i32
        %jit3A_255 = arith.constant 1 : i32
        %select_n3A_256 = arith.select %eq3A_254, %jit3A_255, %jit3A_252 : i32
        %rem3A_257 = arith.remsi %select_n3A_251, %select_n3A_256 : i32
        %ne3A_258 = arith.constant 0 : i32
        %ne3A_259 = arith.cmpi ne, %rem3A_257, %ne3A_258 : i32
        %lt3A_260 = arith.constant 0 : i32
        %lt3A_261 = arith.cmpi slt, %rem3A_257, %lt3A_260 : i32
        %lt3A_262 = arith.constant 0 : i32
        %lt3A_263 = arith.cmpi slt, %select_n3A_256, %lt3A_262 : i32
        %ne3A_264 = arith.xori %lt3A_261, %lt3A_263 : i1
        %and3A_265 = arith.andi %ne3A_264, %ne3A_259 : i1
        %add3A_266 = arith.addi %rem3A_257, %select_n3A_256 : i32
        %select_n3A_267 = arith.select %and3A_265, %add3A_266, %rem3A_257 : i32
        %jit3A_268 = arith.constant 32 : i32
        %eq3A_269 = arith.constant 0 : i32
        %eq3A_270 = arith.cmpi eq, %jit3A_268, %eq3A_269 : i32
        %jit3A_271 = arith.constant 1 : i32
        %select_n3A_272 = arith.select %eq3A_270, %jit3A_271, %jit3A_268 : i32
        %rem3A_273 = arith.remsi %sub3A_227, %select_n3A_272 : i32
        %ne3A_274 = arith.constant 0 : i32
        %ne3A_275 = arith.cmpi ne, %rem3A_273, %ne3A_274 : i32
        %lt3A_276 = arith.constant 0 : i32
        %lt3A_277 = arith.cmpi slt, %rem3A_273, %lt3A_276 : i32
        %lt3A_278 = arith.constant 0 : i32
        %lt3A_279 = arith.cmpi slt, %select_n3A_272, %lt3A_278 : i32
        %ne3A_280 = arith.xori %lt3A_277, %lt3A_279 : i1
        %and3A_281 = arith.andi %ne3A_280, %ne3A_275 : i1
        %add3A_282 = arith.addi %rem3A_273, %select_n3A_272 : i32
        %select_n3A_283 = arith.select %and3A_281, %add3A_282, %rem3A_273 : i32
        %jit3A_284 = arith.constant 4 : i32
        %eq3A_285 = arith.constant 0 : i32
        %eq3A_286 = arith.cmpi eq, %jit3A_284, %eq3A_285 : i32
        %jit3A_287 = arith.constant 1 : i32
        %select_n3A_288 = arith.select %eq3A_286, %jit3A_287, %jit3A_284 : i32
        %rem3A_289 = arith.remsi %sub3A_227, %select_n3A_288 : i32
        %ne3A_290 = arith.constant 0 : i32
        %ne3A_291 = arith.cmpi ne, %rem3A_289, %ne3A_290 : i32
        %lt3A_292 = arith.constant 0 : i32
        %lt3A_293 = arith.cmpi slt, %rem3A_289, %lt3A_292 : i32
        %lt3A_294 = arith.constant 0 : i32
        %lt3A_295 = arith.cmpi slt, %select_n3A_288, %lt3A_294 : i32
        %ne3A_296 = arith.xori %lt3A_293, %lt3A_295 : i1
        %and3A_297 = arith.andi %ne3A_296, %ne3A_291 : i1
        %add3A_298 = arith.addi %rem3A_289, %select_n3A_288 : i32
        %select_n3A_299 = arith.select %and3A_297, %add3A_298, %rem3A_289 : i32
        %dma_start3A_300 = arith.constant 0 : i32
        %dma_start3A_301 = arith.constant 0 : i32
        %dma_start3A_302 = tpu.memref_slice %arg8[%select_n3A_299, %dma_start3A_300, %dma_start3A_301] : memref<4x64x128xf32, #tpu.memory_space<vmem>> -> memref<1x64x128xf32, #tpu.memory_space<vmem>>
        %dma_start3A_303 = tpu.memref_squeeze %dma_start3A_302 : memref<1x64x128xf32, #tpu.memory_space<vmem>> -> memref<64x128xf32, #tpu.memory_space<vmem>>
        %dma_start3A_304 = arith.constant 0 : i32
        %dma_start3A_305 = tpu.memref_slice %arg6[%select_n3A_267, %select_n3A_283, %dma_start3A_304] : memref<2x32x64xi32, #tpu.memory_space<vmem>> -> memref<1x1x64xi32, #tpu.memory_space<vmem>>
        %dma_start3A_306 = tpu.memref_squeeze %dma_start3A_305 : memref<1x1x64xi32, #tpu.memory_space<vmem>> -> memref<64xi32, #tpu.memory_space<vmem>>
        %dma_start3A_307 = arith.constant 0 : i32
        %dma_start3A_308 = arith.constant 0 : i32
        %dma_start3A_309 = tpu.memref_slice %arg2[%dma_start3A_307, %dma_start3A_308] : memref<10000x128xf32, #tpu.memory_space<hbm>> -> memref<10000x128xf32, #tpu.memory_space<hbm>>
        tpu.enqueue_indirect_dma source(%dma_start3A_309 : memref<10000x128xf32, #tpu.memory_space<hbm>>) target(%dma_start3A_303 : memref<64x128xf32, #tpu.memory_space<vmem>>) offsets(%dma_start3A_306 : memref<64xi32, #tpu.memory_space<vmem>>) semaphore(%arg10 : memref<!tpu.dma_semaphore, #tpu.memory_space<semaphore_mem>>)
      } else {
      }
      %scan3A_223 = arith.constant 0 : i32
      scf.yield %scan3A_223 : i32
    }
    %scan3A_100 = arith.constant 160 : i32
    %dma_wait3A = arith.constant 3 : i32
    %dma_wait3A_101 = arith.constant 0 : i32
    %dma_wait3A_102 = arith.constant 31 : i32
    %dma_wait3A_103 = arith.constant 0 : i32
    %dma_wait3A_104 = arith.constant 0 : i32
    %dma_wait3A_105 = tpu.memref_slice %arg8[%dma_wait3A, %dma_wait3A_103, %dma_wait3A_104] : memref<4x64x128xf32, #tpu.memory_space<vmem>> -> memref<1x64x128xf32, #tpu.memory_space<vmem>>
    %dma_wait3A_106 = tpu.memref_squeeze %dma_wait3A_105 : memref<1x64x128xf32, #tpu.memory_space<vmem>> -> memref<64x128xf32, #tpu.memory_space<vmem>>
    %dma_wait3A_107 = arith.constant 0 : i32
    %dma_wait3A_108 = tpu.memref_slice %arg7[%dma_wait3A_101, %dma_wait3A_102, %dma_wait3A_107] : memref<2x32x64xi32, #tpu.memory_space<vmem>> -> memref<1x1x64xi32, #tpu.memory_space<vmem>>
    %dma_wait3A_109 = tpu.memref_squeeze %dma_wait3A_108 : memref<1x1x64xi32, #tpu.memory_space<vmem>> -> memref<64xi32, #tpu.memory_space<vmem>>
    %dma_wait3A_110 = arith.constant 0 : i32
    %dma_wait3A_111 = arith.constant 0 : i32
    %dma_wait3A_112 = tpu.memref_slice %arg9[%dma_wait3A_110, %dma_wait3A_111] : memref<10112x128xf32, #tpu.memory_space<vmem_shared>> -> memref<10112x128xf32, #tpu.memory_space<vmem_shared>>
    tpu.wait_indirect_dma semaphore(%arg11 : memref<!tpu.dma_semaphore, #tpu.memory_space<semaphore_mem>>) src(%dma_wait3A_106 : memref<64x128xf32, #tpu.memory_space<vmem>>) dst(%dma_wait3A_112 : memref<10112x128xf32, #tpu.memory_space<vmem_shared>>)
    %barrier3A_113 = arith.constant 0 : index
    tpu.barrier barrier_id(%barrier3A_113)
    %mul3A_114 = arith.constant 632 : i32
    %mul3A_115 = arith.muli %arg1, %mul3A_114 : i32
    %mul3A_116 = arith.constant 632 : i32
    %mul3A_117 = arith.muli %arg1, %mul3A_116 : i32
    "tpu.region"() ({
      %run_scoped3A_118 = tpu.sem_alloc : memref<!tpu.dma_semaphore, #tpu.memory_space<semaphore_mem>>
      %dma_start3A_119 = arith.constant 0 : i32
      %dma_start3A_120 = tpu.memref_slice %arg5[%arg0, %mul3A_117, %dma_start3A_119] : memref<2x10112x128xf32, #tpu.memory_space<hbm>> -> memref<1x632x128xf32, #tpu.memory_space<hbm>>
      %dma_start3A_121 = tpu.memref_squeeze %dma_start3A_120 : memref<1x632x128xf32, #tpu.memory_space<hbm>> -> memref<632x128xf32, #tpu.memory_space<hbm>>
      %dma_start3A_122 = arith.constant 0 : i32
      %dma_start3A_123 = tpu.memref_slice %arg9[%mul3A_115, %dma_start3A_122] : memref<10112x128xf32, #tpu.memory_space<vmem_shared>> -> memref<632x128xf32, #tpu.memory_space<vmem_shared>>
      tpu.enqueue_dma source(%dma_start3A_123 : memref<632x128xf32, #tpu.memory_space<vmem_shared>>) target(%dma_start3A_121 : memref<632x128xf32, #tpu.memory_space<hbm>>) target_semaphore(%run_scoped3A_118 : memref<!tpu.dma_semaphore, #tpu.memory_space<semaphore_mem>>)
      %dma_wait3A_124 = arith.constant 0 : i32
      %dma_wait3A_125 = tpu.memref_slice %arg5[%arg0, %mul3A_117, %dma_wait3A_124] : memref<2x10112x128xf32, #tpu.memory_space<hbm>> -> memref<1x632x128xf32, #tpu.memory_space<hbm>>
      %dma_wait3A_126 = tpu.memref_squeeze %dma_wait3A_125 : memref<1x632x128xf32, #tpu.memory_space<hbm>> -> memref<632x128xf32, #tpu.memory_space<hbm>>
      %dma_wait3A_127 = arith.constant 0 : i32
      %dma_wait3A_128 = tpu.memref_slice %arg9[%mul3A_115, %dma_wait3A_127] : memref<10112x128xf32, #tpu.memory_space<vmem_shared>> -> memref<632x128xf32, #tpu.memory_space<vmem_shared>>
      tpu.wait_dma2 semaphore(%run_scoped3A_118 : memref<!tpu.dma_semaphore, #tpu.memory_space<semaphore_mem>>) src(%dma_wait3A_128 : memref<632x128xf32, #tpu.memory_space<vmem_shared>>) dst(%dma_wait3A_126 : memref<632x128xf32, #tpu.memory_space<hbm>>)
      tpu.yield
    }) : () -> ()
    return
  }
}

#map = affine_map<(d0, d1) -> (0, 0)>
#map1 = affine_map<(d0, d1) -> (0, 0, 0, 0)>
#map2 = affine_map<(d0, d1) -> (0, 0, 0)>
module attributes {stable_mosaic.version = 14 : i64} {
  func.func @agg_kernel(%arg0: i32, %arg1: i32, %arg2: memref<10000x128xf32, #tpu.memory_space<hbm>>, %arg3: memref<2x16x160x64xi32, #tpu.memory_space<hbm>>, %arg4: memref<2x16x160x64xi32, #tpu.memory_space<hbm>>, %arg5: memref<2x10112x128xf32, #tpu.memory_space<hbm>>, %arg6: memref<2x32x64xi32, #tpu.memory_space<vmem>>, %arg7: memref<2x32x64xi32, #tpu.memory_space<vmem>>, %arg8: memref<4x64x128xf32, #tpu.memory_space<vmem>>, %arg9: memref<10112x128xf32, #tpu.memory_space<vmem_shared>>, %arg10: memref<!tpu.dma_semaphore, #tpu.memory_space<semaphore_mem>>, %arg11: memref<!tpu.dma_semaphore, #tpu.memory_space<semaphore_mem>>) attributes {dimension_semantics = [#tpu.dimension_semantics<core_parallel>, #tpu.dimension_semantics<subcore_parallel>], iteration_bounds = array<i64: 2, 16>, scalar_prefetch = 0 : i64, scratch_operands = 6 : i64, tpu.core_type = #tpu.core_type<sc_vector_subcore>, window_params = [{transform_indices = #map}, {transform_indices = #map1}, {transform_indices = #map1}, {transform_indices = #map2}]} {
    %run_scoped3A = arith.constant 0 : i32
    "tpu.region"() ({
      %run_scoped3A_118 = tpu.sem_alloc : memref<!tpu.dma_semaphore, #tpu.memory_space<semaphore_mem>>
      %dma_start3A_119 = arith.constant 0 : i32
      %dma_start3A_120 = arith.constant 0 : i32
      %dma_start3A_121 = tpu.memref_slice %arg6[%run_scoped3A, %dma_start3A_119, %dma_start3A_120] : memref<2x32x64xi32, #tpu.memory_space<vmem>> -> memref<1x32x64xi32, #tpu.memory_space<vmem>>
      %dma_start3A_122 = tpu.memref_squeeze %dma_start3A_121 : memref<1x32x64xi32, #tpu.memory_space<vmem>> -> memref<32x64xi32, #tpu.memory_space<vmem>>
      %dma_start3A_123 = arith.constant 0 : i32
      %dma_start3A_124 = arith.constant 0 : i32
      %dma_start3A_125 = tpu.memref_slice %arg3[%arg0, %arg1, %dma_start3A_123, %dma_start3A_124] : memref<2x16x160x64xi32, #tpu.memory_space<hbm>> -> memref<1x1x32x64xi32, #tpu.memory_space<hbm>>
      %dma_start3A_126 = tpu.memref_squeeze %dma_start3A_125 : memref<1x1x32x64xi32, #tpu.memory_space<hbm>> -> memref<32x64xi32, #tpu.memory_space<hbm>>
      %dma_start3A_127 = arith.constant 0 : i32
      %dma_start3A_128 = arith.constant 0 : i32
      %dma_start3A_129 = tpu.memref_slice %arg6[%run_scoped3A, %dma_start3A_127, %dma_start3A_128] : memref<2x32x64xi32, #tpu.memory_space<vmem>> -> memref<1x32x64xi32, #tpu.memory_space<vmem>>
      %dma_start3A_130 = tpu.memref_squeeze %dma_start3A_129 : memref<1x32x64xi32, #tpu.memory_space<vmem>> -> memref<32x64xi32, #tpu.memory_space<vmem>>
      %dma_start3A_131 = arith.constant 0 : i32
      %dma_start3A_132 = arith.constant 0 : i32
      %dma_start3A_133 = tpu.memref_slice %arg3[%arg0, %arg1, %dma_start3A_131, %dma_start3A_132] : memref<2x16x160x64xi32, #tpu.memory_space<hbm>> -> memref<1x1x32x64xi32, #tpu.memory_space<hbm>>
      %dma_start3A_134 = tpu.memref_squeeze %dma_start3A_133 : memref<1x1x32x64xi32, #tpu.memory_space<hbm>> -> memref<32x64xi32, #tpu.memory_space<hbm>>
      tpu.enqueue_dma source(%dma_start3A_134 : memref<32x64xi32, #tpu.memory_space<hbm>>) target(%dma_start3A_130 : memref<32x64xi32, #tpu.memory_space<vmem>>) target_semaphore(%run_scoped3A_118 : memref<!tpu.dma_semaphore, #tpu.memory_space<semaphore_mem>>)
      %dma_wait3A_135 = arith.constant 0 : i32
      %dma_wait3A_136 = arith.constant 0 : i32
      %dma_wait3A_137 = tpu.memref_slice %arg6[%run_scoped3A, %dma_wait3A_135, %dma_wait3A_136] : memref<2x32x64xi32, #tpu.memory_space<vmem>> -> memref<1x32x64xi32, #tpu.memory_space<vmem>>
      %dma_wait3A_138 = tpu.memref_squeeze %dma_wait3A_137 : memref<1x32x64xi32, #tpu.memory_space<vmem>> -> memref<32x64xi32, #tpu.memory_space<vmem>>
      %dma_wait3A_139 = arith.constant 0 : i32
      %dma_wait3A_140 = arith.constant 0 : i32
      %dma_wait3A_141 = tpu.memref_slice %arg3[%arg0, %arg1, %dma_wait3A_139, %dma_wait3A_140] : memref<2x16x160x64xi32, #tpu.memory_space<hbm>> -> memref<1x1x32x64xi32, #tpu.memory_space<hbm>>
      %dma_wait3A_142 = tpu.memref_squeeze %dma_wait3A_141 : memref<1x1x32x64xi32, #tpu.memory_space<hbm>> -> memref<32x64xi32, #tpu.memory_space<hbm>>
      %dma_wait3A_143 = arith.constant 0 : i32
      %dma_wait3A_144 = arith.constant 0 : i32
      %dma_wait3A_145 = tpu.memref_slice %arg6[%run_scoped3A, %dma_wait3A_143, %dma_wait3A_144] : memref<2x32x64xi32, #tpu.memory_space<vmem>> -> memref<1x32x64xi32, #tpu.memory_space<vmem>>
      %dma_wait3A_146 = tpu.memref_squeeze %dma_wait3A_145 : memref<1x32x64xi32, #tpu.memory_space<vmem>> -> memref<32x64xi32, #tpu.memory_space<vmem>>
      %dma_wait3A_147 = arith.constant 0 : i32
      %dma_wait3A_148 = arith.constant 0 : i32
      %dma_wait3A_149 = tpu.memref_slice %arg3[%arg0, %arg1, %dma_wait3A_147, %dma_wait3A_148] : memref<2x16x160x64xi32, #tpu.memory_space<hbm>> -> memref<1x1x32x64xi32, #tpu.memory_space<hbm>>
      %dma_wait3A_150 = tpu.memref_squeeze %dma_wait3A_149 : memref<1x1x32x64xi32, #tpu.memory_space<hbm>> -> memref<32x64xi32, #tpu.memory_space<hbm>>
      tpu.wait_dma2 semaphore(%run_scoped3A_118 : memref<!tpu.dma_semaphore, #tpu.memory_space<semaphore_mem>>) src(%dma_wait3A_150 : memref<32x64xi32, #tpu.memory_space<hbm>>) dst(%dma_wait3A_146 : memref<32x64xi32, #tpu.memory_space<vmem>>)
      tpu.yield
    }) : () -> ()
    %run_scoped3A_0 = arith.constant 0 : i32
    "tpu.region"() ({
      %run_scoped3A_118 = tpu.sem_alloc : memref<!tpu.dma_semaphore, #tpu.memory_space<semaphore_mem>>
      %dma_start3A_119 = arith.constant 0 : i32
      %dma_start3A_120 = arith.constant 0 : i32
      %dma_start3A_121 = tpu.memref_slice %arg7[%run_scoped3A_0, %dma_start3A_119, %dma_start3A_120] : memref<2x32x64xi32, #tpu.memory_space<vmem>> -> memref<1x32x64xi32, #tpu.memory_space<vmem>>
      %dma_start3A_122 = tpu.memref_squeeze %dma_start3A_121 : memref<1x32x64xi32, #tpu.memory_space<vmem>> -> memref<32x64xi32, #tpu.memory_space<vmem>>
      %dma_start3A_123 = arith.constant 0 : i32
      %dma_start3A_124 = arith.constant 0 : i32
      %dma_start3A_125 = tpu.memref_slice %arg4[%arg0, %arg1, %dma_start3A_123, %dma_start3A_124] : memref<2x16x160x64xi32, #tpu.memory_space<hbm>> -> memref<1x1x32x64xi32, #tpu.memory_space<hbm>>
      %dma_start3A_126 = tpu.memref_squeeze %dma_start3A_125 : memref<1x1x32x64xi32, #tpu.memory_space<hbm>> -> memref<32x64xi32, #tpu.memory_space<hbm>>
      %dma_start3A_127 = arith.constant 0 : i32
      %dma_start3A_128 = arith.constant 0 : i32
      %dma_start3A_129 = tpu.memref_slice %arg7[%run_scoped3A_0, %dma_start3A_127, %dma_start3A_128] : memref<2x32x64xi32, #tpu.memory_space<vmem>> -> memref<1x32x64xi32, #tpu.memory_space<vmem>>
      %dma_start3A_130 = tpu.memref_squeeze %dma_start3A_129 : memref<1x32x64xi32, #tpu.memory_space<vmem>> -> memref<32x64xi32, #tpu.memory_space<vmem>>
      %dma_start3A_131 = arith.constant 0 : i32
      %dma_start3A_132 = arith.constant 0 : i32
      %dma_start3A_133 = tpu.memref_slice %arg4[%arg0, %arg1, %dma_start3A_131, %dma_start3A_132] : memref<2x16x160x64xi32, #tpu.memory_space<hbm>> -> memref<1x1x32x64xi32, #tpu.memory_space<hbm>>
      %dma_start3A_134 = tpu.memref_squeeze %dma_start3A_133 : memref<1x1x32x64xi32, #tpu.memory_space<hbm>> -> memref<32x64xi32, #tpu.memory_space<hbm>>
      tpu.enqueue_dma source(%dma_start3A_134 : memref<32x64xi32, #tpu.memory_space<hbm>>) target(%dma_start3A_130 : memref<32x64xi32, #tpu.memory_space<vmem>>) target_semaphore(%run_scoped3A_118 : memref<!tpu.dma_semaphore, #tpu.memory_space<semaphore_mem>>)
      %dma_wait3A_135 = arith.constant 0 : i32
      %dma_wait3A_136 = arith.constant 0 : i32
      %dma_wait3A_137 = tpu.memref_slice %arg7[%run_scoped3A_0, %dma_wait3A_135, %dma_wait3A_136] : memref<2x32x64xi32, #tpu.memory_space<vmem>> -> memref<1x32x64xi32, #tpu.memory_space<vmem>>
      %dma_wait3A_138 = tpu.memref_squeeze %dma_wait3A_137 : memref<1x32x64xi32, #tpu.memory_space<vmem>> -> memref<32x64xi32, #tpu.memory_space<vmem>>
      %dma_wait3A_139 = arith.constant 0 : i32
      %dma_wait3A_140 = arith.constant 0 : i32
      %dma_wait3A_141 = tpu.memref_slice %arg4[%arg0, %arg1, %dma_wait3A_139, %dma_wait3A_140] : memref<2x16x160x64xi32, #tpu.memory_space<hbm>> -> memref<1x1x32x64xi32, #tpu.memory_space<hbm>>
      %dma_wait3A_142 = tpu.memref_squeeze %dma_wait3A_141 : memref<1x1x32x64xi32, #tpu.memory_space<hbm>> -> memref<32x64xi32, #tpu.memory_space<hbm>>
      %dma_wait3A_143 = arith.constant 0 : i32
      %dma_wait3A_144 = arith.constant 0 : i32
      %dma_wait3A_145 = tpu.memref_slice %arg7[%run_scoped3A_0, %dma_wait3A_143, %dma_wait3A_144] : memref<2x32x64xi32, #tpu.memory_space<vmem>> -> memref<1x32x64xi32, #tpu.memory_space<vmem>>
      %dma_wait3A_146 = tpu.memref_squeeze %dma_wait3A_145 : memref<1x32x64xi32, #tpu.memory_space<vmem>> -> memref<32x64xi32, #tpu.memory_space<vmem>>
      %dma_wait3A_147 = arith.constant 0 : i32
      %dma_wait3A_148 = arith.constant 0 : i32
      %dma_wait3A_149 = tpu.memref_slice %arg4[%arg0, %arg1, %dma_wait3A_147, %dma_wait3A_148] : memref<2x16x160x64xi32, #tpu.memory_space<hbm>> -> memref<1x1x32x64xi32, #tpu.memory_space<hbm>>
      %dma_wait3A_150 = tpu.memref_squeeze %dma_wait3A_149 : memref<1x1x32x64xi32, #tpu.memory_space<hbm>> -> memref<32x64xi32, #tpu.memory_space<hbm>>
      tpu.wait_dma2 semaphore(%run_scoped3A_118 : memref<!tpu.dma_semaphore, #tpu.memory_space<semaphore_mem>>) src(%dma_wait3A_150 : memref<32x64xi32, #tpu.memory_space<hbm>>) dst(%dma_wait3A_146 : memref<32x64xi32, #tpu.memory_space<vmem>>)
      tpu.yield
    }) : () -> ()
    %dma_start3A = arith.constant 0 : i32
    %dma_start3A_1 = arith.constant 0 : i32
    %dma_start3A_2 = arith.constant 0 : i32
    %dma_start3A_3 = arith.constant 0 : i32
    %dma_start3A_4 = arith.constant 0 : i32
    %dma_start3A_5 = tpu.memref_slice %arg8[%dma_start3A_2, %dma_start3A_3, %dma_start3A_4] : memref<4x64x128xf32, #tpu.memory_space<vmem>> -> memref<1x64x128xf32, #tpu.memory_space<vmem>>
    %dma_start3A_6 = tpu.memref_squeeze %dma_start3A_5 : memref<1x64x128xf32, #tpu.memory_space<vmem>> -> memref<64x128xf32, #tpu.memory_space<vmem>>
    %dma_start3A_7 = arith.constant 0 : i32
    %dma_start3A_8 = tpu.memref_slice %arg6[%dma_start3A, %dma_start3A_1, %dma_start3A_7] : memref<2x32x64xi32, #tpu.memory_space<vmem>> -> memref<1x1x64xi32, #tpu.memory_space<vmem>>
    %dma_start3A_9 = tpu.memref_squeeze %dma_start3A_8 : memref<1x1x64xi32, #tpu.memory_space<vmem>> -> memref<64xi32, #tpu.memory_space<vmem>>
    %dma_start3A_10 = arith.constant 0 : i32
    %dma_start3A_11 = arith.constant 0 : i32
    %dma_start3A_12 = tpu.memref_slice %arg2[%dma_start3A_10, %dma_start3A_11] : memref<10000x128xf32, #tpu.memory_space<hbm>> -> memref<10000x128xf32, #tpu.memory_space<hbm>>
    tpu.enqueue_indirect_dma source(%dma_start3A_12 : memref<10000x128xf32, #tpu.memory_space<hbm>>) target(%dma_start3A_6 : memref<64x128xf32, #tpu.memory_space<vmem>>) offsets(%dma_start3A_9 : memref<64xi32, #tpu.memory_space<vmem>>) semaphore(%arg10 : memref<!tpu.dma_semaphore, #tpu.memory_space<semaphore_mem>>)
    %dma_start3A_13 = arith.constant 0 : i32
    %dma_start3A_14 = arith.constant 1 : i32
    %dma_start3A_15 = arith.constant 1 : i32
    %dma_start3A_16 = arith.constant 0 : i32
    %dma_start3A_17 = arith.constant 0 : i32
    %dma_start3A_18 = tpu.memref_slice %arg8[%dma_start3A_15, %dma_start3A_16, %dma_start3A_17] : memref<4x64x128xf32, #tpu.memory_space<vmem>> -> memref<1x64x128xf32, #tpu.memory_space<vmem>>
    %dma_start3A_19 = tpu.memref_squeeze %dma_start3A_18 : memref<1x64x128xf32, #tpu.memory_space<vmem>> -> memref<64x128xf32, #tpu.memory_space<vmem>>
    %dma_start3A_20 = arith.constant 0 : i32
    %dma_start3A_21 = tpu.memref_slice %arg6[%dma_start3A_13, %dma_start3A_14, %dma_start3A_20] : memref<2x32x64xi32, #tpu.memory_space<vmem>> -> memref<1x1x64xi32, #tpu.memory_space<vmem>>
    %dma_start3A_22 = tpu.memref_squeeze %dma_start3A_21 : memref<1x1x64xi32, #tpu.memory_space<vmem>> -> memref<64xi32, #tpu.memory_space<vmem>>
    %dma_start3A_23 = arith.constant 0 : i32
    %dma_start3A_24 = arith.constant 0 : i32
    %dma_start3A_25 = tpu.memref_slice %arg2[%dma_start3A_23, %dma_start3A_24] : memref<10000x128xf32, #tpu.memory_space<hbm>> -> memref<10000x128xf32, #tpu.memory_space<hbm>>
    tpu.enqueue_indirect_dma source(%dma_start3A_25 : memref<10000x128xf32, #tpu.memory_space<hbm>>) target(%dma_start3A_19 : memref<64x128xf32, #tpu.memory_space<vmem>>) offsets(%dma_start3A_22 : memref<64xi32, #tpu.memory_space<vmem>>) semaphore(%arg10 : memref<!tpu.dma_semaphore, #tpu.memory_space<semaphore_mem>>)
    %dma_start3A_26 = arith.constant 0 : i32
    %dma_start3A_27 = arith.constant 2 : i32
    %dma_start3A_28 = arith.constant 2 : i32
    %dma_start3A_29 = arith.constant 0 : i32
    %dma_start3A_30 = arith.constant 0 : i32
    %dma_start3A_31 = tpu.memref_slice %arg8[%dma_start3A_28, %dma_start3A_29, %dma_start3A_30] : memref<4x64x128xf32, #tpu.memory_space<vmem>> -> memref<1x64x128xf32, #tpu.memory_space<vmem>>
    %dma_start3A_32 = tpu.memref_squeeze %dma_start3A_31 : memref<1x64x128xf32, #tpu.memory_space<vmem>> -> memref<64x128xf32, #tpu.memory_space<vmem>>
    %dma_start3A_33 = arith.constant 0 : i32
    %dma_start3A_34 = tpu.memref_slice %arg6[%dma_start3A_26, %dma_start3A_27, %dma_start3A_33] : memref<2x32x64xi32, #tpu.memory_space<vmem>> -> memref<1x1x64xi32, #tpu.memory_space<vmem>>
    %dma_start3A_35 = tpu.memref_squeeze %dma_start3A_34 : memref<1x1x64xi32, #tpu.memory_space<vmem>> -> memref<64xi32, #tpu.memory_space<vmem>>
    %dma_start3A_36 = arith.constant 0 : i32
    %dma_start3A_37 = arith.constant 0 : i32
    %dma_start3A_38 = tpu.memref_slice %arg2[%dma_start3A_36, %dma_start3A_37] : memref<10000x128xf32, #tpu.memory_space<hbm>> -> memref<10000x128xf32, #tpu.memory_space<hbm>>
    tpu.enqueue_indirect_dma source(%dma_start3A_38 : memref<10000x128xf32, #tpu.memory_space<hbm>>) target(%dma_start3A_32 : memref<64x128xf32, #tpu.memory_space<vmem>>) offsets(%dma_start3A_35 : memref<64xi32, #tpu.memory_space<vmem>>) semaphore(%arg10 : memref<!tpu.dma_semaphore, #tpu.memory_space<semaphore_mem>>)
    %broadcast_in_dim3A = arith.constant 0.000000e+00 : f32
    %broadcast_in_dim3A_39 = vector.broadcast %broadcast_in_dim3A : f32 to vector<16xf32>
    %scan3A = arith.constant 0 : i32
    %scan3A_40 = arith.constant 0 : i32
    %scan3A_41 = arith.constant 512 : i32
    %scan3A_42 = arith.addi %scan3A_40, %scan3A_41 : i32
    %scan3A_43 = arith.constant 1 : i32
    %scan3A_44 = scf.for %scan3A_118 = %scan3A_40 to %scan3A_42 step %scan3A_43 iter_args(%scan3A_119 = %scan3A) -> (i32)  : i32 {
      %jit3A = arith.constant 8 : i32
      %div3A = arith.divsi %scan3A_118, %jit3A : i32
      %sign3A = arith.constant 0 : i32
      %sign3A_120 = arith.cmpi sgt, %scan3A_118, %sign3A : i32
      %sign3A_121 = arith.extui %sign3A_120 : i1 to i32
      %sign3A_122 = arith.constant 0 : i32
      %sign3A_123 = arith.cmpi slt, %scan3A_118, %sign3A_122 : i32
      %sign3A_124 = arith.extui %sign3A_123 : i1 to i32
      %sign3A_125 = arith.subi %sign3A_121, %sign3A_124 : i32
      %sign3A_126 = arith.constant 0 : i32
      %sign3A_127 = arith.cmpi sgt, %jit3A, %sign3A_126 : i32
      %sign3A_128 = arith.extui %sign3A_127 : i1 to i32
      %sign3A_129 = arith.constant 0 : i32
      %sign3A_130 = arith.cmpi slt, %jit3A, %sign3A_129 : i32
      %sign3A_131 = arith.extui %sign3A_130 : i1 to i32
      %sign3A_132 = arith.subi %sign3A_128, %sign3A_131 : i32
      %ne3A = arith.cmpi ne, %sign3A_125, %sign3A_132 : i32
      %rem3A = arith.remsi %scan3A_118, %jit3A : i32
      %ne3A_133 = arith.constant 0 : i32
      %ne3A_134 = arith.cmpi ne, %rem3A, %ne3A_133 : i32
      %and3A = arith.andi %ne3A, %ne3A_134 : i1
      %sub3A = arith.constant 1 : i32
      %sub3A_135 = arith.subi %div3A, %sub3A : i32
      %select_n3A = arith.select %and3A, %sub3A_135, %div3A : i32
      %jit3A_136 = arith.constant 8 : i32
      %eq3A = arith.constant 0 : i32
      %eq3A_137 = arith.cmpi eq, %jit3A_136, %eq3A : i32
      %jit3A_138 = arith.constant 1 : i32
      %select_n3A_139 = arith.select %eq3A_137, %jit3A_138, %jit3A_136 : i32
      %rem3A_140 = arith.remsi %scan3A_118, %select_n3A_139 : i32
      %ne3A_141 = arith.constant 0 : i32
      %ne3A_142 = arith.cmpi ne, %rem3A_140, %ne3A_141 : i32
      %lt3A = arith.constant 0 : i32
      %lt3A_143 = arith.cmpi slt, %rem3A_140, %lt3A : i32
      %lt3A_144 = arith.constant 0 : i32
      %lt3A_145 = arith.cmpi slt, %select_n3A_139, %lt3A_144 : i32
      %ne3A_146 = arith.xori %lt3A_143, %lt3A_145 : i1
      %and3A_147 = arith.andi %ne3A_146, %ne3A_142 : i1
      %add3A_148 = arith.addi %rem3A_140, %select_n3A_139 : i32
      %select_n3A_149 = arith.select %and3A_147, %add3A_148, %rem3A_140 : i32
      %mul3A_150 = arith.constant 16 : i32
      %mul3A_151 = arith.muli %select_n3A_149, %mul3A_150 : i32
      %swap3A = arith.constant 3 : i32
      %swap3A_152 = arith.index_cast %swap3A : i32 to index
      %swap3A_153 = arith.index_cast %select_n3A : i32 to index
      %swap3A_154 = arith.index_cast %mul3A_151 : i32 to index
      %swap3A_155 = tpu.vector_load %arg8[%swap3A_152, %swap3A_153, %swap3A_154] {strides = array<i32>} : memref<4x64x128xf32, #tpu.memory_space<vmem>>, vector<1x1x16xf32>,
      %swap3A_156 = vector.shape_cast %swap3A_155 : vector<1x1x16xf32> to vector<16xf32>
      %swap3A_157 = vector.shape_cast %broadcast_in_dim3A_39 : vector<16xf32> to vector<1x1x16xf32>
      tpu.vector_store %arg8[%swap3A_152, %swap3A_153, %swap3A_154], %swap3A_157 {strides = array<i32>} : memref<4x64x128xf32, #tpu.memory_space<vmem>>, vector<1x1x16xf32>,
      %scan3A_158 = arith.constant 0 : i32
      scf.yield %scan3A_158 : i32
    }
    %scan3A_45 = arith.constant 512 : i32
    %mul3A = arith.constant 632 : i32
    %mul3A_46 = arith.muli %arg1, %mul3A : i32
    %add3A = arith.constant 0 : i32
    %add3A_47 = arith.addi %mul3A_46, %add3A : i32
    %run_scoped3A_48 = arith.constant 3 : i32
    "tpu.region"() ({
      %run_scoped3A_118 = tpu.sem_alloc : memref<!tpu.dma_semaphore, #tpu.memory_space<semaphore_mem>>
      %dma_start3A_119 = arith.constant 0 : i32
      %dma_start3A_120 = arith.constant 0 : i32
      %dma_start3A_121 = tpu.memref_slice %arg8[%run_scoped3A_48, %dma_start3A_119, %dma_start3A_120] : memref<4x64x128xf32, #tpu.memory_space<vmem>> -> memref<1x64x128xf32, #tpu.memory_space<vmem>>
      %dma_start3A_122 = tpu.memref_squeeze %dma_start3A_121 : memref<1x64x128xf32, #tpu.memory_space<vmem>> -> memref<64x128xf32, #tpu.memory_space<vmem>>
      %dma_start3A_123 = arith.constant 0 : i32
      %dma_start3A_124 = tpu.memref_slice %arg9[%add3A_47, %dma_start3A_123] : memref<10112x128xf32, #tpu.memory_space<vmem_shared>> -> memref<64x128xf32, #tpu.memory_space<vmem_shared>>
      %dma_start3A_125 = arith.constant 0 : i32
      %dma_start3A_126 = tpu.memref_slice %arg9[%add3A_47, %dma_start3A_125] : memref<10112x128xf32, #tpu.memory_space<vmem_shared>> -> memref<64x128xf32, #tpu.memory_space<vmem_shared>>
      %dma_start3A_127 = arith.constant 0 : i32
      %dma_start3A_128 = arith.constant 0 : i32
      %dma_start3A_129 = tpu.memref_slice %arg8[%run_scoped3A_48, %dma_start3A_127, %dma_start3A_128] : memref<4x64x128xf32, #tpu.memory_space<vmem>> -> memref<1x64x128xf32, #tpu.memory_space<vmem>>
      %dma_start3A_130 = tpu.memref_squeeze %dma_start3A_129 : memref<1x64x128xf32, #tpu.memory_space<vmem>> -> memref<64x128xf32, #tpu.memory_space<vmem>>
      tpu.enqueue_dma source(%dma_start3A_130 : memref<64x128xf32, #tpu.memory_space<vmem>>) target(%dma_start3A_126 : memref<64x128xf32, #tpu.memory_space<vmem_shared>>) target_semaphore(%run_scoped3A_118 : memref<!tpu.dma_semaphore, #tpu.memory_space<semaphore_mem>>)
      %dma_wait3A_131 = arith.constant 0 : i32
      %dma_wait3A_132 = arith.constant 0 : i32
      %dma_wait3A_133 = tpu.memref_slice %arg8[%run_scoped3A_48, %dma_wait3A_131, %dma_wait3A_132] : memref<4x64x128xf32, #tpu.memory_space<vmem>> -> memref<1x64x128xf32, #tpu.memory_space<vmem>>
      %dma_wait3A_134 = tpu.memref_squeeze %dma_wait3A_133 : memref<1x64x128xf32, #tpu.memory_space<vmem>> -> memref<64x128xf32, #tpu.memory_space<vmem>>
      %dma_wait3A_135 = arith.constant 0 : i32
      %dma_wait3A_136 = tpu.memref_slice %arg9[%add3A_47, %dma_wait3A_135] : memref<10112x128xf32, #tpu.memory_space<vmem_shared>> -> memref<64x128xf32, #tpu.memory_space<vmem_shared>>
      %dma_wait3A_137 = arith.constant 0 : i32
      %dma_wait3A_138 = tpu.memref_slice %arg9[%add3A_47, %dma_wait3A_137] : memref<10112x128xf32, #tpu.memory_space<vmem_shared>> -> memref<64x128xf32, #tpu.memory_space<vmem_shared>>
      %dma_wait3A_139 = arith.constant 0 : i32
      %dma_wait3A_140 = arith.constant 0 : i32
      %dma_wait3A_141 = tpu.memref_slice %arg8[%run_scoped3A_48, %dma_wait3A_139, %dma_wait3A_140] : memref<4x64x128xf32, #tpu.memory_space<vmem>> -> memref<1x64x128xf32, #tpu.memory_space<vmem>>
      %dma_wait3A_142 = tpu.memref_squeeze %dma_wait3A_141 : memref<1x64x128xf32, #tpu.memory_space<vmem>> -> memref<64x128xf32, #tpu.memory_space<vmem>>
      tpu.wait_dma2 semaphore(%run_scoped3A_118 : memref<!tpu.dma_semaphore, #tpu.memory_space<semaphore_mem>>) src(%dma_wait3A_142 : memref<64x128xf32, #tpu.memory_space<vmem>>) dst(%dma_wait3A_138 : memref<64x128xf32, #tpu.memory_space<vmem_shared>>)
      tpu.yield
    }) : () -> ()
    %mul3A_49 = arith.constant 632 : i32
    %mul3A_50 = arith.muli %arg1, %mul3A_49 : i32
    %add3A_51 = arith.constant 64 : i32
    %add3A_52 = arith.addi %mul3A_50, %add3A_51 : i32
    %run_scoped3A_53 = arith.constant 3 : i32
    "tpu.region"() ({
      %run_scoped3A_118 = tpu.sem_alloc : memref<!tpu.dma_semaphore, #tpu.memory_space<semaphore_mem>>
      %dma_start3A_119 = arith.constant 0 : i32
      %dma_start3A_120 = arith.constant 0 : i32
      %dma_start3A_121 = tpu.memref_slice %arg8[%run_scoped3A_53, %dma_start3A_119, %dma_start3A_120] : memref<4x64x128xf32, #tpu.memory_space<vmem>> -> memref<1x64x128xf32, #tpu.memory_space<vmem>>
      %dma_start3A_122 = tpu.memref_squeeze %dma_start3A_121 : memref<1x64x128xf32, #tpu.memory_space<vmem>> -> memref<64x128xf32, #tpu.memory_space<vmem>>
      %dma_start3A_123 = arith.constant 0 : i32
      %dma_start3A_124 = tpu.memref_slice %arg9[%add3A_52, %dma_start3A_123] : memref<10112x128xf32, #tpu.memory_space<vmem_shared>> -> memref<64x128xf32, #tpu.memory_space<vmem_shared>>
      %dma_start3A_125 = arith.constant 0 : i32
      %dma_start3A_126 = tpu.memref_slice %arg9[%add3A_52, %dma_start3A_125] : memref<10112x128xf32, #tpu.memory_space<vmem_shared>> -> memref<64x128xf32, #tpu.memory_space<vmem_shared>>
      %dma_start3A_127 = arith.constant 0 : i32
      %dma_start3A_128 = arith.constant 0 : i32
      %dma_start3A_129 = tpu.memref_slice %arg8[%run_scoped3A_53, %dma_start3A_127, %dma_start3A_128] : memref<4x64x128xf32, #tpu.memory_space<vmem>> -> memref<1x64x128xf32, #tpu.memory_space<vmem>>
      %dma_start3A_130 = tpu.memref_squeeze %dma_start3A_129 : memref<1x64x128xf32, #tpu.memory_space<vmem>> -> memref<64x128xf32, #tpu.memory_space<vmem>>
      tpu.enqueue_dma source(%dma_start3A_130 : memref<64x128xf32, #tpu.memory_space<vmem>>) target(%dma_start3A_126 : memref<64x128xf32, #tpu.memory_space<vmem_shared>>) target_semaphore(%run_scoped3A_118 : memref<!tpu.dma_semaphore, #tpu.memory_space<semaphore_mem>>)
      %dma_wait3A_131 = arith.constant 0 : i32
      %dma_wait3A_132 = arith.constant 0 : i32
      %dma_wait3A_133 = tpu.memref_slice %arg8[%run_scoped3A_53, %dma_wait3A_131, %dma_wait3A_132] : memref<4x64x128xf32, #tpu.memory_space<vmem>> -> memref<1x64x128xf32, #tpu.memory_space<vmem>>
      %dma_wait3A_134 = tpu.memref_squeeze %dma_wait3A_133 : memref<1x64x128xf32, #tpu.memory_space<vmem>> -> memref<64x128xf32, #tpu.memory_space<vmem>>
      %dma_wait3A_135 = arith.constant 0 : i32
      %dma_wait3A_136 = tpu.memref_slice %arg9[%add3A_52, %dma_wait3A_135] : memref<10112x128xf32, #tpu.memory_space<vmem_shared>> -> memref<64x128xf32, #tpu.memory_space<vmem_shared>>
      %dma_wait3A_137 = arith.constant 0 : i32
      %dma_wait3A_138 = tpu.memref_slice %arg9[%add3A_52, %dma_wait3A_137] : memref<10112x128xf32, #tpu.memory_space<vmem_shared>> -> memref<64x128xf32, #tpu.memory_space<vmem_shared>>
      %dma_wait3A_139 = arith.constant 0 : i32
      %dma_wait3A_140 = arith.constant 0 : i32
      %dma_wait3A_141 = tpu.memref_slice %arg8[%run_scoped3A_53, %dma_wait3A_139, %dma_wait3A_140] : memref<4x64x128xf32, #tpu.memory_space<vmem>> -> memref<1x64x128xf32, #tpu.memory_space<vmem>>
      %dma_wait3A_142 = tpu.memref_squeeze %dma_wait3A_141 : memref<1x64x128xf32, #tpu.memory_space<vmem>> -> memref<64x128xf32, #tpu.memory_space<vmem>>
      tpu.wait_dma2 semaphore(%run_scoped3A_118 : memref<!tpu.dma_semaphore, #tpu.memory_space<semaphore_mem>>) src(%dma_wait3A_142 : memref<64x128xf32, #tpu.memory_space<vmem>>) dst(%dma_wait3A_138 : memref<64x128xf32, #tpu.memory_space<vmem_shared>>)
      tpu.yield
    }) : () -> ()
    %mul3A_54 = arith.constant 632 : i32
    %mul3A_55 = arith.muli %arg1, %mul3A_54 : i32
    %add3A_56 = arith.constant 128 : i32
    %add3A_57 = arith.addi %mul3A_55, %add3A_56 : i32
    %run_scoped3A_58 = arith.constant 3 : i32
    "tpu.region"() ({
      %run_scoped3A_118 = tpu.sem_alloc : memref<!tpu.dma_semaphore, #tpu.memory_space<semaphore_mem>>
      %dma_start3A_119 = arith.constant 0 : i32
      %dma_start3A_120 = arith.constant 0 : i32
      %dma_start3A_121 = tpu.memref_slice %arg8[%run_scoped3A_58, %dma_start3A_119, %dma_start3A_120] : memref<4x64x128xf32, #tpu.memory_space<vmem>> -> memref<1x64x128xf32, #tpu.memory_space<vmem>>
      %dma_start3A_122 = tpu.memref_squeeze %dma_start3A_121 : memref<1x64x128xf32, #tpu.memory_space<vmem>> -> memref<64x128xf32, #tpu.memory_space<vmem>>
      %dma_start3A_123 = arith.constant 0 : i32
      %dma_start3A_124 = tpu.memref_slice %arg9[%add3A_57, %dma_start3A_123] : memref<10112x128xf32, #tpu.memory_space<vmem_shared>> -> memref<64x128xf32, #tpu.memory_space<vmem_shared>>
      %dma_start3A_125 = arith.constant 0 : i32
      %dma_start3A_126 = tpu.memref_slice %arg9[%add3A_57, %dma_start3A_125] : memref<10112x128xf32, #tpu.memory_space<vmem_shared>> -> memref<64x128xf32, #tpu.memory_space<vmem_shared>>
      %dma_start3A_127 = arith.constant 0 : i32
      %dma_start3A_128 = arith.constant 0 : i32
      %dma_start3A_129 = tpu.memref_slice %arg8[%run_scoped3A_58, %dma_start3A_127, %dma_start3A_128] : memref<4x64x128xf32, #tpu.memory_space<vmem>> -> memref<1x64x128xf32, #tpu.memory_space<vmem>>
      %dma_start3A_130 = tpu.memref_squeeze %dma_start3A_129 : memref<1x64x128xf32, #tpu.memory_space<vmem>> -> memref<64x128xf32, #tpu.memory_space<vmem>>
      tpu.enqueue_dma source(%dma_start3A_130 : memref<64x128xf32, #tpu.memory_space<vmem>>) target(%dma_start3A_126 : memref<64x128xf32, #tpu.memory_space<vmem_shared>>) target_semaphore(%run_scoped3A_118 : memref<!tpu.dma_semaphore, #tpu.memory_space<semaphore_mem>>)
      %dma_wait3A_131 = arith.constant 0 : i32
      %dma_wait3A_132 = arith.constant 0 : i32
      %dma_wait3A_133 = tpu.memref_slice %arg8[%run_scoped3A_58, %dma_wait3A_131, %dma_wait3A_132] : memref<4x64x128xf32, #tpu.memory_space<vmem>> -> memref<1x64x128xf32, #tpu.memory_space<vmem>>
      %dma_wait3A_134 = tpu.memref_squeeze %dma_wait3A_133 : memref<1x64x128xf32, #tpu.memory_space<vmem>> -> memref<64x128xf32, #tpu.memory_space<vmem>>
      %dma_wait3A_135 = arith.constant 0 : i32
      %dma_wait3A_136 = tpu.memref_slice %arg9[%add3A_57, %dma_wait3A_135] : memref<10112x128xf32, #tpu.memory_space<vmem_shared>> -> memref<64x128xf32, #tpu.memory_space<vmem_shared>>
      %dma_wait3A_137 = arith.constant 0 : i32
      %dma_wait3A_138 = tpu.memref_slice %arg9[%add3A_57, %dma_wait3A_137] : memref<10112x128xf32, #tpu.memory_space<vmem_shared>> -> memref<64x128xf32, #tpu.memory_space<vmem_shared>>
      %dma_wait3A_139 = arith.constant 0 : i32
      %dma_wait3A_140 = arith.constant 0 : i32
      %dma_wait3A_141 = tpu.memref_slice %arg8[%run_scoped3A_58, %dma_wait3A_139, %dma_wait3A_140] : memref<4x64x128xf32, #tpu.memory_space<vmem>> -> memref<1x64x128xf32, #tpu.memory_space<vmem>>
      %dma_wait3A_142 = tpu.memref_squeeze %dma_wait3A_141 : memref<1x64x128xf32, #tpu.memory_space<vmem>> -> memref<64x128xf32, #tpu.memory_space<vmem>>
      tpu.wait_dma2 semaphore(%run_scoped3A_118 : memref<!tpu.dma_semaphore, #tpu.memory_space<semaphore_mem>>) src(%dma_wait3A_142 : memref<64x128xf32, #tpu.memory_space<vmem>>) dst(%dma_wait3A_138 : memref<64x128xf32, #tpu.memory_space<vmem_shared>>)
      tpu.yield
    }) : () -> ()
    %mul3A_59 = arith.constant 632 : i32
    %mul3A_60 = arith.muli %arg1, %mul3A_59 : i32
    %add3A_61 = arith.constant 192 : i32
    %add3A_62 = arith.addi %mul3A_60, %add3A_61 : i32
    %run_scoped3A_63 = arith.constant 3 : i32
    "tpu.region"() ({
      %run_scoped3A_118 = tpu.sem_alloc : memref<!tpu.dma_semaphore, #tpu.memory_space<semaphore_mem>>
      %dma_start3A_119 = arith.constant 0 : i32
      %dma_start3A_120 = arith.constant 0 : i32
      %dma_start3A_121 = tpu.memref_slice %arg8[%run_scoped3A_63, %dma_start3A_119, %dma_start3A_120] : memref<4x64x128xf32, #tpu.memory_space<vmem>> -> memref<1x64x128xf32, #tpu.memory_space<vmem>>
      %dma_start3A_122 = tpu.memref_squeeze %dma_start3A_121 : memref<1x64x128xf32, #tpu.memory_space<vmem>> -> memref<64x128xf32, #tpu.memory_space<vmem>>
      %dma_start3A_123 = arith.constant 0 : i32
      %dma_start3A_124 = tpu.memref_slice %arg9[%add3A_62, %dma_start3A_123] : memref<10112x128xf32, #tpu.memory_space<vmem_shared>> -> memref<64x128xf32, #tpu.memory_space<vmem_shared>>
      %dma_start3A_125 = arith.constant 0 : i32
      %dma_start3A_126 = tpu.memref_slice %arg9[%add3A_62, %dma_start3A_125] : memref<10112x128xf32, #tpu.memory_space<vmem_shared>> -> memref<64x128xf32, #tpu.memory_space<vmem_shared>>
      %dma_start3A_127 = arith.constant 0 : i32
      %dma_start3A_128 = arith.constant 0 : i32
      %dma_start3A_129 = tpu.memref_slice %arg8[%run_scoped3A_63, %dma_start3A_127, %dma_start3A_128] : memref<4x64x128xf32, #tpu.memory_space<vmem>> -> memref<1x64x128xf32, #tpu.memory_space<vmem>>
      %dma_start3A_130 = tpu.memref_squeeze %dma_start3A_129 : memref<1x64x128xf32, #tpu.memory_space<vmem>> -> memref<64x128xf32, #tpu.memory_space<vmem>>
      tpu.enqueue_dma source(%dma_start3A_130 : memref<64x128xf32, #tpu.memory_space<vmem>>) target(%dma_start3A_126 : memref<64x128xf32, #tpu.memory_space<vmem_shared>>) target_semaphore(%run_scoped3A_118 : memref<!tpu.dma_semaphore, #tpu.memory_space<semaphore_mem>>)
      %dma_wait3A_131 = arith.constant 0 : i32
      %dma_wait3A_132 = arith.constant 0 : i32
      %dma_wait3A_133 = tpu.memref_slice %arg8[%run_scoped3A_63, %dma_wait3A_131, %dma_wait3A_132] : memref<4x64x128xf32, #tpu.memory_space<vmem>> -> memref<1x64x128xf32, #tpu.memory_space<vmem>>
      %dma_wait3A_134 = tpu.memref_squeeze %dma_wait3A_133 : memref<1x64x128xf32, #tpu.memory_space<vmem>> -> memref<64x128xf32, #tpu.memory_space<vmem>>
      %dma_wait3A_135 = arith.constant 0 : i32
      %dma_wait3A_136 = tpu.memref_slice %arg9[%add3A_62, %dma_wait3A_135] : memref<10112x128xf32, #tpu.memory_space<vmem_shared>> -> memref<64x128xf32, #tpu.memory_space<vmem_shared>>
      %dma_wait3A_137 = arith.constant 0 : i32
      %dma_wait3A_138 = tpu.memref_slice %arg9[%add3A_62, %dma_wait3A_137] : memref<10112x128xf32, #tpu.memory_space<vmem_shared>> -> memref<64x128xf32, #tpu.memory_space<vmem_shared>>
      %dma_wait3A_139 = arith.constant 0 : i32
      %dma_wait3A_140 = arith.constant 0 : i32
      %dma_wait3A_141 = tpu.memref_slice %arg8[%run_scoped3A_63, %dma_wait3A_139, %dma_wait3A_140] : memref<4x64x128xf32, #tpu.memory_space<vmem>> -> memref<1x64x128xf32, #tpu.memory_space<vmem>>
      %dma_wait3A_142 = tpu.memref_squeeze %dma_wait3A_141 : memref<1x64x128xf32, #tpu.memory_space<vmem>> -> memref<64x128xf32, #tpu.memory_space<vmem>>
      tpu.wait_dma2 semaphore(%run_scoped3A_118 : memref<!tpu.dma_semaphore, #tpu.memory_space<semaphore_mem>>) src(%dma_wait3A_142 : memref<64x128xf32, #tpu.memory_space<vmem>>) dst(%dma_wait3A_138 : memref<64x128xf32, #tpu.memory_space<vmem_shared>>)
      tpu.yield
    }) : () -> ()
    %mul3A_64 = arith.constant 632 : i32
    %mul3A_65 = arith.muli %arg1, %mul3A_64 : i32
    %add3A_66 = arith.constant 256 : i32
    %add3A_67 = arith.addi %mul3A_65, %add3A_66 : i32
    %run_scoped3A_68 = arith.constant 3 : i32
    "tpu.region"() ({
      %run_scoped3A_118 = tpu.sem_alloc : memref<!tpu.dma_semaphore, #tpu.memory_space<semaphore_mem>>
      %dma_start3A_119 = arith.constant 0 : i32
      %dma_start3A_120 = arith.constant 0 : i32
      %dma_start3A_121 = tpu.memref_slice %arg8[%run_scoped3A_68, %dma_start3A_119, %dma_start3A_120] : memref<4x64x128xf32, #tpu.memory_space<vmem>> -> memref<1x64x128xf32, #tpu.memory_space<vmem>>
      %dma_start3A_122 = tpu.memref_squeeze %dma_start3A_121 : memref<1x64x128xf32, #tpu.memory_space<vmem>> -> memref<64x128xf32, #tpu.memory_space<vmem>>
      %dma_start3A_123 = arith.constant 0 : i32
      %dma_start3A_124 = tpu.memref_slice %arg9[%add3A_67, %dma_start3A_123] : memref<10112x128xf32, #tpu.memory_space<vmem_shared>> -> memref<64x128xf32, #tpu.memory_space<vmem_shared>>
      %dma_start3A_125 = arith.constant 0 : i32
      %dma_start3A_126 = tpu.memref_slice %arg9[%add3A_67, %dma_start3A_125] : memref<10112x128xf32, #tpu.memory_space<vmem_shared>> -> memref<64x128xf32, #tpu.memory_space<vmem_shared>>
      %dma_start3A_127 = arith.constant 0 : i32
      %dma_start3A_128 = arith.constant 0 : i32
      %dma_start3A_129 = tpu.memref_slice %arg8[%run_scoped3A_68, %dma_start3A_127, %dma_start3A_128] : memref<4x64x128xf32, #tpu.memory_space<vmem>> -> memref<1x64x128xf32, #tpu.memory_space<vmem>>
      %dma_start3A_130 = tpu.memref_squeeze %dma_start3A_129 : memref<1x64x128xf32, #tpu.memory_space<vmem>> -> memref<64x128xf32, #tpu.memory_space<vmem>>
      tpu.enqueue_dma source(%dma_start3A_130 : memref<64x128xf32, #tpu.memory_space<vmem>>) target(%dma_start3A_126 : memref<64x128xf32, #tpu.memory_space<vmem_shared>>) target_semaphore(%run_scoped3A_118 : memref<!tpu.dma_semaphore, #tpu.memory_space<semaphore_mem>>)
      %dma_wait3A_131 = arith.constant 0 : i32
      %dma_wait3A_132 = arith.constant 0 : i32
      %dma_wait3A_133 = tpu.memref_slice %arg8[%run_scoped3A_68, %dma_wait3A_131, %dma_wait3A_132] : memref<4x64x128xf32, #tpu.memory_space<vmem>> -> memref<1x64x128xf32, #tpu.memory_space<vmem>>
      %dma_wait3A_134 = tpu.memref_squeeze %dma_wait3A_133 : memref<1x64x128xf32, #tpu.memory_space<vmem>> -> memref<64x128xf32, #tpu.memory_space<vmem>>
      %dma_wait3A_135 = arith.constant 0 : i32
      %dma_wait3A_136 = tpu.memref_slice %arg9[%add3A_67, %dma_wait3A_135] : memref<10112x128xf32, #tpu.memory_space<vmem_shared>> -> memref<64x128xf32, #tpu.memory_space<vmem_shared>>
      %dma_wait3A_137 = arith.constant 0 : i32
      %dma_wait3A_138 = tpu.memref_slice %arg9[%add3A_67, %dma_wait3A_137] : memref<10112x128xf32, #tpu.memory_space<vmem_shared>> -> memref<64x128xf32, #tpu.memory_space<vmem_shared>>
      %dma_wait3A_139 = arith.constant 0 : i32
      %dma_wait3A_140 = arith.constant 0 : i32
      %dma_wait3A_141 = tpu.memref_slice %arg8[%run_scoped3A_68, %dma_wait3A_139, %dma_wait3A_140] : memref<4x64x128xf32, #tpu.memory_space<vmem>> -> memref<1x64x128xf32, #tpu.memory_space<vmem>>
      %dma_wait3A_142 = tpu.memref_squeeze %dma_wait3A_141 : memref<1x64x128xf32, #tpu.memory_space<vmem>> -> memref<64x128xf32, #tpu.memory_space<vmem>>
      tpu.wait_dma2 semaphore(%run_scoped3A_118 : memref<!tpu.dma_semaphore, #tpu.memory_space<semaphore_mem>>) src(%dma_wait3A_142 : memref<64x128xf32, #tpu.memory_space<vmem>>) dst(%dma_wait3A_138 : memref<64x128xf32, #tpu.memory_space<vmem_shared>>)
      tpu.yield
    }) : () -> ()
    %mul3A_69 = arith.constant 632 : i32
    %mul3A_70 = arith.muli %arg1, %mul3A_69 : i32
    %add3A_71 = arith.constant 320 : i32
    %add3A_72 = arith.addi %mul3A_70, %add3A_71 : i32
    %run_scoped3A_73 = arith.constant 3 : i32
    "tpu.region"() ({
      %run_scoped3A_118 = tpu.sem_alloc : memref<!tpu.dma_semaphore, #tpu.memory_space<semaphore_mem>>
      %dma_start3A_119 = arith.constant 0 : i32
      %dma_start3A_120 = arith.constant 0 : i32
      %dma_start3A_121 = tpu.memref_slice %arg8[%run_scoped3A_73, %dma_start3A_119, %dma_start3A_120] : memref<4x64x128xf32, #tpu.memory_space<vmem>> -> memref<1x64x128xf32, #tpu.memory_space<vmem>>
      %dma_start3A_122 = tpu.memref_squeeze %dma_start3A_121 : memref<1x64x128xf32, #tpu.memory_space<vmem>> -> memref<64x128xf32, #tpu.memory_space<vmem>>
      %dma_start3A_123 = arith.constant 0 : i32
      %dma_start3A_124 = tpu.memref_slice %arg9[%add3A_72, %dma_start3A_123] : memref<10112x128xf32, #tpu.memory_space<vmem_shared>> -> memref<64x128xf32, #tpu.memory_space<vmem_shared>>
      %dma_start3A_125 = arith.constant 0 : i32
      %dma_start3A_126 = tpu.memref_slice %arg9[%add3A_72, %dma_start3A_125] : memref<10112x128xf32, #tpu.memory_space<vmem_shared>> -> memref<64x128xf32, #tpu.memory_space<vmem_shared>>
      %dma_start3A_127 = arith.constant 0 : i32
      %dma_start3A_128 = arith.constant 0 : i32
      %dma_start3A_129 = tpu.memref_slice %arg8[%run_scoped3A_73, %dma_start3A_127, %dma_start3A_128] : memref<4x64x128xf32, #tpu.memory_space<vmem>> -> memref<1x64x128xf32, #tpu.memory_space<vmem>>
      %dma_start3A_130 = tpu.memref_squeeze %dma_start3A_129 : memref<1x64x128xf32, #tpu.memory_space<vmem>> -> memref<64x128xf32, #tpu.memory_space<vmem>>
      tpu.enqueue_dma source(%dma_start3A_130 : memref<64x128xf32, #tpu.memory_space<vmem>>) target(%dma_start3A_126 : memref<64x128xf32, #tpu.memory_space<vmem_shared>>) target_semaphore(%run_scoped3A_118 : memref<!tpu.dma_semaphore, #tpu.memory_space<semaphore_mem>>)
      %dma_wait3A_131 = arith.constant 0 : i32
      %dma_wait3A_132 = arith.constant 0 : i32
      %dma_wait3A_133 = tpu.memref_slice %arg8[%run_scoped3A_73, %dma_wait3A_131, %dma_wait3A_132] : memref<4x64x128xf32, #tpu.memory_space<vmem>> -> memref<1x64x128xf32, #tpu.memory_space<vmem>>
      %dma_wait3A_134 = tpu.memref_squeeze %dma_wait3A_133 : memref<1x64x128xf32, #tpu.memory_space<vmem>> -> memref<64x128xf32, #tpu.memory_space<vmem>>
      %dma_wait3A_135 = arith.constant 0 : i32
      %dma_wait3A_136 = tpu.memref_slice %arg9[%add3A_72, %dma_wait3A_135] : memref<10112x128xf32, #tpu.memory_space<vmem_shared>> -> memref<64x128xf32, #tpu.memory_space<vmem_shared>>
      %dma_wait3A_137 = arith.constant 0 : i32
      %dma_wait3A_138 = tpu.memref_slice %arg9[%add3A_72, %dma_wait3A_137] : memref<10112x128xf32, #tpu.memory_space<vmem_shared>> -> memref<64x128xf32, #tpu.memory_space<vmem_shared>>
      %dma_wait3A_139 = arith.constant 0 : i32
      %dma_wait3A_140 = arith.constant 0 : i32
      %dma_wait3A_141 = tpu.memref_slice %arg8[%run_scoped3A_73, %dma_wait3A_139, %dma_wait3A_140] : memref<4x64x128xf32, #tpu.memory_space<vmem>> -> memref<1x64x128xf32, #tpu.memory_space<vmem>>
      %dma_wait3A_142 = tpu.memref_squeeze %dma_wait3A_141 : memref<1x64x128xf32, #tpu.memory_space<vmem>> -> memref<64x128xf32, #tpu.memory_space<vmem>>
      tpu.wait_dma2 semaphore(%run_scoped3A_118 : memref<!tpu.dma_semaphore, #tpu.memory_space<semaphore_mem>>) src(%dma_wait3A_142 : memref<64x128xf32, #tpu.memory_space<vmem>>) dst(%dma_wait3A_138 : memref<64x128xf32, #tpu.memory_space<vmem_shared>>)
      tpu.yield
    }) : () -> ()
    %mul3A_74 = arith.constant 632 : i32
    %mul3A_75 = arith.muli %arg1, %mul3A_74 : i32
    %add3A_76 = arith.constant 384 : i32
    %add3A_77 = arith.addi %mul3A_75, %add3A_76 : i32
    %run_scoped3A_78 = arith.constant 3 : i32
    "tpu.region"() ({
      %run_scoped3A_118 = tpu.sem_alloc : memref<!tpu.dma_semaphore, #tpu.memory_space<semaphore_mem>>
      %dma_start3A_119 = arith.constant 0 : i32
      %dma_start3A_120 = arith.constant 0 : i32
      %dma_start3A_121 = tpu.memref_slice %arg8[%run_scoped3A_78, %dma_start3A_119, %dma_start3A_120] : memref<4x64x128xf32, #tpu.memory_space<vmem>> -> memref<1x64x128xf32, #tpu.memory_space<vmem>>
      %dma_start3A_122 = tpu.memref_squeeze %dma_start3A_121 : memref<1x64x128xf32, #tpu.memory_space<vmem>> -> memref<64x128xf32, #tpu.memory_space<vmem>>
      %dma_start3A_123 = arith.constant 0 : i32
      %dma_start3A_124 = tpu.memref_slice %arg9[%add3A_77, %dma_start3A_123] : memref<10112x128xf32, #tpu.memory_space<vmem_shared>> -> memref<64x128xf32, #tpu.memory_space<vmem_shared>>
      %dma_start3A_125 = arith.constant 0 : i32
      %dma_start3A_126 = tpu.memref_slice %arg9[%add3A_77, %dma_start3A_125] : memref<10112x128xf32, #tpu.memory_space<vmem_shared>> -> memref<64x128xf32, #tpu.memory_space<vmem_shared>>
      %dma_start3A_127 = arith.constant 0 : i32
      %dma_start3A_128 = arith.constant 0 : i32
      %dma_start3A_129 = tpu.memref_slice %arg8[%run_scoped3A_78, %dma_start3A_127, %dma_start3A_128] : memref<4x64x128xf32, #tpu.memory_space<vmem>> -> memref<1x64x128xf32, #tpu.memory_space<vmem>>
      %dma_start3A_130 = tpu.memref_squeeze %dma_start3A_129 : memref<1x64x128xf32, #tpu.memory_space<vmem>> -> memref<64x128xf32, #tpu.memory_space<vmem>>
      tpu.enqueue_dma source(%dma_start3A_130 : memref<64x128xf32, #tpu.memory_space<vmem>>) target(%dma_start3A_126 : memref<64x128xf32, #tpu.memory_space<vmem_shared>>) target_semaphore(%run_scoped3A_118 : memref<!tpu.dma_semaphore, #tpu.memory_space<semaphore_mem>>)
      %dma_wait3A_131 = arith.constant 0 : i32
      %dma_wait3A_132 = arith.constant 0 : i32
      %dma_wait3A_133 = tpu.memref_slice %arg8[%run_scoped3A_78, %dma_wait3A_131, %dma_wait3A_132] : memref<4x64x128xf32, #tpu.memory_space<vmem>> -> memref<1x64x128xf32, #tpu.memory_space<vmem>>
      %dma_wait3A_134 = tpu.memref_squeeze %dma_wait3A_133 : memref<1x64x128xf32, #tpu.memory_space<vmem>> -> memref<64x128xf32, #tpu.memory_space<vmem>>
      %dma_wait3A_135 = arith.constant 0 : i32
      %dma_wait3A_136 = tpu.memref_slice %arg9[%add3A_77, %dma_wait3A_135] : memref<10112x128xf32, #tpu.memory_space<vmem_shared>> -> memref<64x128xf32, #tpu.memory_space<vmem_shared>>
      %dma_wait3A_137 = arith.constant 0 : i32
      %dma_wait3A_138 = tpu.memref_slice %arg9[%add3A_77, %dma_wait3A_137] : memref<10112x128xf32, #tpu.memory_space<vmem_shared>> -> memref<64x128xf32, #tpu.memory_space<vmem_shared>>
      %dma_wait3A_139 = arith.constant 0 : i32
      %dma_wait3A_140 = arith.constant 0 : i32
      %dma_wait3A_141 = tpu.memref_slice %arg8[%run_scoped3A_78, %dma_wait3A_139, %dma_wait3A_140] : memref<4x64x128xf32, #tpu.memory_space<vmem>> -> memref<1x64x128xf32, #tpu.memory_space<vmem>>
      %dma_wait3A_142 = tpu.memref_squeeze %dma_wait3A_141 : memref<1x64x128xf32, #tpu.memory_space<vmem>> -> memref<64x128xf32, #tpu.memory_space<vmem>>
      tpu.wait_dma2 semaphore(%run_scoped3A_118 : memref<!tpu.dma_semaphore, #tpu.memory_space<semaphore_mem>>) src(%dma_wait3A_142 : memref<64x128xf32, #tpu.memory_space<vmem>>) dst(%dma_wait3A_138 : memref<64x128xf32, #tpu.memory_space<vmem_shared>>)
      tpu.yield
    }) : () -> ()
    %mul3A_79 = arith.constant 632 : i32
    %mul3A_80 = arith.muli %arg1, %mul3A_79 : i32
    %add3A_81 = arith.constant 448 : i32
    %add3A_82 = arith.addi %mul3A_80, %add3A_81 : i32
    %run_scoped3A_83 = arith.constant 3 : i32
    "tpu.region"() ({
      %run_scoped3A_118 = tpu.sem_alloc : memref<!tpu.dma_semaphore, #tpu.memory_space<semaphore_mem>>
      %dma_start3A_119 = arith.constant 0 : i32
      %dma_start3A_120 = arith.constant 0 : i32
      %dma_start3A_121 = tpu.memref_slice %arg8[%run_scoped3A_83, %dma_start3A_119, %dma_start3A_120] : memref<4x64x128xf32, #tpu.memory_space<vmem>> -> memref<1x64x128xf32, #tpu.memory_space<vmem>>
      %dma_start3A_122 = tpu.memref_squeeze %dma_start3A_121 : memref<1x64x128xf32, #tpu.memory_space<vmem>> -> memref<64x128xf32, #tpu.memory_space<vmem>>
      %dma_start3A_123 = arith.constant 0 : i32
      %dma_start3A_124 = tpu.memref_slice %arg9[%add3A_82, %dma_start3A_123] : memref<10112x128xf32, #tpu.memory_space<vmem_shared>> -> memref<64x128xf32, #tpu.memory_space<vmem_shared>>
      %dma_start3A_125 = arith.constant 0 : i32
      %dma_start3A_126 = tpu.memref_slice %arg9[%add3A_82, %dma_start3A_125] : memref<10112x128xf32, #tpu.memory_space<vmem_shared>> -> memref<64x128xf32, #tpu.memory_space<vmem_shared>>
      %dma_start3A_127 = arith.constant 0 : i32
      %dma_start3A_128 = arith.constant 0 : i32
      %dma_start3A_129 = tpu.memref_slice %arg8[%run_scoped3A_83, %dma_start3A_127, %dma_start3A_128] : memref<4x64x128xf32, #tpu.memory_space<vmem>> -> memref<1x64x128xf32, #tpu.memory_space<vmem>>
      %dma_start3A_130 = tpu.memref_squeeze %dma_start3A_129 : memref<1x64x128xf32, #tpu.memory_space<vmem>> -> memref<64x128xf32, #tpu.memory_space<vmem>>
      tpu.enqueue_dma source(%dma_start3A_130 : memref<64x128xf32, #tpu.memory_space<vmem>>) target(%dma_start3A_126 : memref<64x128xf32, #tpu.memory_space<vmem_shared>>) target_semaphore(%run_scoped3A_118 : memref<!tpu.dma_semaphore, #tpu.memory_space<semaphore_mem>>)
      %dma_wait3A_131 = arith.constant 0 : i32
      %dma_wait3A_132 = arith.constant 0 : i32
      %dma_wait3A_133 = tpu.memref_slice %arg8[%run_scoped3A_83, %dma_wait3A_131, %dma_wait3A_132] : memref<4x64x128xf32, #tpu.memory_space<vmem>> -> memref<1x64x128xf32, #tpu.memory_space<vmem>>
      %dma_wait3A_134 = tpu.memref_squeeze %dma_wait3A_133 : memref<1x64x128xf32, #tpu.memory_space<vmem>> -> memref<64x128xf32, #tpu.memory_space<vmem>>
      %dma_wait3A_135 = arith.constant 0 : i32
      %dma_wait3A_136 = tpu.memref_slice %arg9[%add3A_82, %dma_wait3A_135] : memref<10112x128xf32, #tpu.memory_space<vmem_shared>> -> memref<64x128xf32, #tpu.memory_space<vmem_shared>>
      %dma_wait3A_137 = arith.constant 0 : i32
      %dma_wait3A_138 = tpu.memref_slice %arg9[%add3A_82, %dma_wait3A_137] : memref<10112x128xf32, #tpu.memory_space<vmem_shared>> -> memref<64x128xf32, #tpu.memory_space<vmem_shared>>
      %dma_wait3A_139 = arith.constant 0 : i32
      %dma_wait3A_140 = arith.constant 0 : i32
      %dma_wait3A_141 = tpu.memref_slice %arg8[%run_scoped3A_83, %dma_wait3A_139, %dma_wait3A_140] : memref<4x64x128xf32, #tpu.memory_space<vmem>> -> memref<1x64x128xf32, #tpu.memory_space<vmem>>
      %dma_wait3A_142 = tpu.memref_squeeze %dma_wait3A_141 : memref<1x64x128xf32, #tpu.memory_space<vmem>> -> memref<64x128xf32, #tpu.memory_space<vmem>>
      tpu.wait_dma2 semaphore(%run_scoped3A_118 : memref<!tpu.dma_semaphore, #tpu.memory_space<semaphore_mem>>) src(%dma_wait3A_142 : memref<64x128xf32, #tpu.memory_space<vmem>>) dst(%dma_wait3A_138 : memref<64x128xf32, #tpu.memory_space<vmem_shared>>)
      tpu.yield
    }) : () -> ()
    %mul3A_84 = arith.constant 632 : i32
    %mul3A_85 = arith.muli %arg1, %mul3A_84 : i32
    %add3A_86 = arith.constant 512 : i32
    %add3A_87 = arith.addi %mul3A_85, %add3A_86 : i32
    %run_scoped3A_88 = arith.constant 3 : i32
    "tpu.region"() ({
      %run_scoped3A_118 = tpu.sem_alloc : memref<!tpu.dma_semaphore, #tpu.memory_space<semaphore_mem>>
      %dma_start3A_119 = arith.constant 0 : i32
      %dma_start3A_120 = arith.constant 0 : i32
      %dma_start3A_121 = tpu.memref_slice %arg8[%run_scoped3A_88, %dma_start3A_119, %dma_start3A_120] : memref<4x64x128xf32, #tpu.memory_space<vmem>> -> memref<1x64x128xf32, #tpu.memory_space<vmem>>
      %dma_start3A_122 = tpu.memref_squeeze %dma_start3A_121 : memref<1x64x128xf32, #tpu.memory_space<vmem>> -> memref<64x128xf32, #tpu.memory_space<vmem>>
      %dma_start3A_123 = arith.constant 0 : i32
      %dma_start3A_124 = tpu.memref_slice %arg9[%add3A_87, %dma_start3A_123] : memref<10112x128xf32, #tpu.memory_space<vmem_shared>> -> memref<64x128xf32, #tpu.memory_space<vmem_shared>>
      %dma_start3A_125 = arith.constant 0 : i32
      %dma_start3A_126 = tpu.memref_slice %arg9[%add3A_87, %dma_start3A_125] : memref<10112x128xf32, #tpu.memory_space<vmem_shared>> -> memref<64x128xf32, #tpu.memory_space<vmem_shared>>
      %dma_start3A_127 = arith.constant 0 : i32
      %dma_start3A_128 = arith.constant 0 : i32
      %dma_start3A_129 = tpu.memref_slice %arg8[%run_scoped3A_88, %dma_start3A_127, %dma_start3A_128] : memref<4x64x128xf32, #tpu.memory_space<vmem>> -> memref<1x64x128xf32, #tpu.memory_space<vmem>>
      %dma_start3A_130 = tpu.memref_squeeze %dma_start3A_129 : memref<1x64x128xf32, #tpu.memory_space<vmem>> -> memref<64x128xf32, #tpu.memory_space<vmem>>
      tpu.enqueue_dma source(%dma_start3A_130 : memref<64x128xf32, #tpu.memory_space<vmem>>) target(%dma_start3A_126 : memref<64x128xf32, #tpu.memory_space<vmem_shared>>) target_semaphore(%run_scoped3A_118 : memref<!tpu.dma_semaphore, #tpu.memory_space<semaphore_mem>>)
      %dma_wait3A_131 = arith.constant 0 : i32
      %dma_wait3A_132 = arith.constant 0 : i32
      %dma_wait3A_133 = tpu.memref_slice %arg8[%run_scoped3A_88, %dma_wait3A_131, %dma_wait3A_132] : memref<4x64x128xf32, #tpu.memory_space<vmem>> -> memref<1x64x128xf32, #tpu.memory_space<vmem>>
      %dma_wait3A_134 = tpu.memref_squeeze %dma_wait3A_133 : memref<1x64x128xf32, #tpu.memory_space<vmem>> -> memref<64x128xf32, #tpu.memory_space<vmem>>
      %dma_wait3A_135 = arith.constant 0 : i32
      %dma_wait3A_136 = tpu.memref_slice %arg9[%add3A_87, %dma_wait3A_135] : memref<10112x128xf32, #tpu.memory_space<vmem_shared>> -> memref<64x128xf32, #tpu.memory_space<vmem_shared>>
      %dma_wait3A_137 = arith.constant 0 : i32
      %dma_wait3A_138 = tpu.memref_slice %arg9[%add3A_87, %dma_wait3A_137] : memref<10112x128xf32, #tpu.memory_space<vmem_shared>> -> memref<64x128xf32, #tpu.memory_space<vmem_shared>>
      %dma_wait3A_139 = arith.constant 0 : i32
      %dma_wait3A_140 = arith.constant 0 : i32
      %dma_wait3A_141 = tpu.memref_slice %arg8[%run_scoped3A_88, %dma_wait3A_139, %dma_wait3A_140] : memref<4x64x128xf32, #tpu.memory_space<vmem>> -> memref<1x64x128xf32, #tpu.memory_space<vmem>>
      %dma_wait3A_142 = tpu.memref_squeeze %dma_wait3A_141 : memref<1x64x128xf32, #tpu.memory_space<vmem>> -> memref<64x128xf32, #tpu.memory_space<vmem>>
      tpu.wait_dma2 semaphore(%run_scoped3A_118 : memref<!tpu.dma_semaphore, #tpu.memory_space<semaphore_mem>>) src(%dma_wait3A_142 : memref<64x128xf32, #tpu.memory_space<vmem>>) dst(%dma_wait3A_138 : memref<64x128xf32, #tpu.memory_space<vmem_shared>>)
      tpu.yield
    }) : () -> ()
    %mul3A_89 = arith.constant 632 : i32
    %mul3A_90 = arith.muli %arg1, %mul3A_89 : i32
    %add3A_91 = arith.constant 576 : i32
    %add3A_92 = arith.addi %mul3A_90, %add3A_91 : i32
    %run_scoped3A_93 = arith.constant 3 : i32
    "tpu.region"() ({
      %run_scoped3A_118 = tpu.sem_alloc : memref<!tpu.dma_semaphore, #tpu.memory_space<semaphore_mem>>
      %dma_start3A_119 = arith.constant 0 : i32
      %dma_start3A_120 = arith.constant 0 : i32
      %dma_start3A_121 = tpu.memref_slice %arg8[%run_scoped3A_93, %dma_start3A_119, %dma_start3A_120] : memref<4x64x128xf32, #tpu.memory_space<vmem>> -> memref<1x56x128xf32, #tpu.memory_space<vmem>>
      %dma_start3A_122 = tpu.memref_squeeze %dma_start3A_121 : memref<1x56x128xf32, #tpu.memory_space<vmem>> -> memref<56x128xf32, #tpu.memory_space<vmem>>
      %dma_start3A_123 = arith.constant 0 : i32
      %dma_start3A_124 = tpu.memref_slice %arg9[%add3A_92, %dma_start3A_123] : memref<10112x128xf32, #tpu.memory_space<vmem_shared>> -> memref<56x128xf32, #tpu.memory_space<vmem_shared>>
      %dma_start3A_125 = arith.constant 0 : i32
      %dma_start3A_126 = tpu.memref_slice %arg9[%add3A_92, %dma_start3A_125] : memref<10112x128xf32, #tpu.memory_space<vmem_shared>> -> memref<56x128xf32, #tpu.memory_space<vmem_shared>>
      %dma_start3A_127 = arith.constant 0 : i32
      %dma_start3A_128 = arith.constant 0 : i32
      %dma_start3A_129 = tpu.memref_slice %arg8[%run_scoped3A_93, %dma_start3A_127, %dma_start3A_128] : memref<4x64x128xf32, #tpu.memory_space<vmem>> -> memref<1x56x128xf32, #tpu.memory_space<vmem>>
      %dma_start3A_130 = tpu.memref_squeeze %dma_start3A_129 : memref<1x56x128xf32, #tpu.memory_space<vmem>> -> memref<56x128xf32, #tpu.memory_space<vmem>>
      tpu.enqueue_dma source(%dma_start3A_130 : memref<56x128xf32, #tpu.memory_space<vmem>>) target(%dma_start3A_126 : memref<56x128xf32, #tpu.memory_space<vmem_shared>>) target_semaphore(%run_scoped3A_118 : memref<!tpu.dma_semaphore, #tpu.memory_space<semaphore_mem>>)
      %dma_wait3A_131 = arith.constant 0 : i32
      %dma_wait3A_132 = arith.constant 0 : i32
      %dma_wait3A_133 = tpu.memref_slice %arg8[%run_scoped3A_93, %dma_wait3A_131, %dma_wait3A_132] : memref<4x64x128xf32, #tpu.memory_space<vmem>> -> memref<1x56x128xf32, #tpu.memory_space<vmem>>
      %dma_wait3A_134 = tpu.memref_squeeze %dma_wait3A_133 : memref<1x56x128xf32, #tpu.memory_space<vmem>> -> memref<56x128xf32, #tpu.memory_space<vmem>>
      %dma_wait3A_135 = arith.constant 0 : i32
      %dma_wait3A_136 = tpu.memref_slice %arg9[%add3A_92, %dma_wait3A_135] : memref<10112x128xf32, #tpu.memory_space<vmem_shared>> -> memref<56x128xf32, #tpu.memory_space<vmem_shared>>
      %dma_wait3A_137 = arith.constant 0 : i32
      %dma_wait3A_138 = tpu.memref_slice %arg9[%add3A_92, %dma_wait3A_137] : memref<10112x128xf32, #tpu.memory_space<vmem_shared>> -> memref<56x128xf32, #tpu.memory_space<vmem_shared>>
      %dma_wait3A_139 = arith.constant 0 : i32
      %dma_wait3A_140 = arith.constant 0 : i32
      %dma_wait3A_141 = tpu.memref_slice %arg8[%run_scoped3A_93, %dma_wait3A_139, %dma_wait3A_140] : memref<4x64x128xf32, #tpu.memory_space<vmem>> -> memref<1x56x128xf32, #tpu.memory_space<vmem>>
      %dma_wait3A_142 = tpu.memref_squeeze %dma_wait3A_141 : memref<1x56x128xf32, #tpu.memory_space<vmem>> -> memref<56x128xf32, #tpu.memory_space<vmem>>
      tpu.wait_dma2 semaphore(%run_scoped3A_118 : memref<!tpu.dma_semaphore, #tpu.memory_space<semaphore_mem>>) src(%dma_wait3A_142 : memref<56x128xf32, #tpu.memory_space<vmem>>) dst(%dma_wait3A_138 : memref<56x128xf32, #tpu.memory_space<vmem_shared>>)
      tpu.yield
    }) : () -> ()
    %barrier3A = arith.constant 0 : index
    tpu.barrier barrier_id(%barrier3A)
    %scan3A_94 = arith.constant 0 : i32
    %scan3A_95 = arith.constant 0 : i32
    %scan3A_96 = arith.constant 160 : i32
    %scan3A_97 = arith.addi %scan3A_95, %scan3A_96 : i32
    %scan3A_98 = arith.constant 1 : i32
    %scan3A_99 = scf.for %scan3A_118 = %scan3A_95 to %scan3A_97 step %scan3A_98 iter_args(%scan3A_119 = %scan3A_94) -> (i32)  : i32 {
      %jit3A = arith.constant 32 : i32
      %div3A = arith.divsi %scan3A_118, %jit3A : i32
      %sign3A = arith.constant 0 : i32
      %sign3A_120 = arith.cmpi sgt, %scan3A_118, %sign3A : i32
      %sign3A_121 = arith.extui %sign3A_120 : i1 to i32
      %sign3A_122 = arith.constant 0 : i32
      %sign3A_123 = arith.cmpi slt, %scan3A_118, %sign3A_122 : i32
      %sign3A_124 = arith.extui %sign3A_123 : i1 to i32
      %sign3A_125 = arith.subi %sign3A_121, %sign3A_124 : i32
      %sign3A_126 = arith.constant 0 : i32
      %sign3A_127 = arith.cmpi sgt, %jit3A, %sign3A_126 : i32
      %sign3A_128 = arith.extui %sign3A_127 : i1 to i32
      %sign3A_129 = arith.constant 0 : i32
      %sign3A_130 = arith.cmpi slt, %jit3A, %sign3A_129 : i32
      %sign3A_131 = arith.extui %sign3A_130 : i1 to i32
      %sign3A_132 = arith.subi %sign3A_128, %sign3A_131 : i32
      %ne3A = arith.cmpi ne, %sign3A_125, %sign3A_132 : i32
      %rem3A = arith.remsi %scan3A_118, %jit3A : i32
      %ne3A_133 = arith.constant 0 : i32
      %ne3A_134 = arith.cmpi ne, %rem3A, %ne3A_133 : i32
      %and3A = arith.andi %ne3A, %ne3A_134 : i1
      %sub3A = arith.constant 1 : i32
      %sub3A_135 = arith.subi %div3A, %sub3A : i32
      %select_n3A = arith.select %and3A, %sub3A_135, %div3A : i32
      %jit3A_136 = arith.constant 2 : i32
      %eq3A = arith.constant 0 : i32
      %eq3A_137 = arith.cmpi eq, %jit3A_136, %eq3A : i32
      %jit3A_138 = arith.constant 1 : i32
      %select_n3A_139 = arith.select %eq3A_137, %jit3A_138, %jit3A_136 : i32
      %rem3A_140 = arith.remsi %select_n3A, %select_n3A_139 : i32
      %ne3A_141 = arith.constant 0 : i32
      %ne3A_142 = arith.cmpi ne, %rem3A_140, %ne3A_141 : i32
      %lt3A = arith.constant 0 : i32
      %lt3A_143 = arith.cmpi slt, %rem3A_140, %lt3A : i32
      %lt3A_144 = arith.constant 0 : i32
      %lt3A_145 = arith.cmpi slt, %select_n3A_139, %lt3A_144 : i32
      %ne3A_146 = arith.xori %lt3A_143, %lt3A_145 : i1
      %and3A_147 = arith.andi %ne3A_146, %ne3A_142 : i1
      %add3A_148 = arith.addi %rem3A_140, %select_n3A_139 : i32
      %select_n3A_149 = arith.select %and3A_147, %add3A_148, %rem3A_140 : i32
      %jit3A_150 = arith.constant 32 : i32
      %eq3A_151 = arith.constant 0 : i32
      %eq3A_152 = arith.cmpi eq, %jit3A_150, %eq3A_151 : i32
      %jit3A_153 = arith.constant 1 : i32
      %select_n3A_154 = arith.select %eq3A_152, %jit3A_153, %jit3A_150 : i32
      %rem3A_155 = arith.remsi %scan3A_118, %select_n3A_154 : i32
      %ne3A_156 = arith.constant 0 : i32
      %ne3A_157 = arith.cmpi ne, %rem3A_155, %ne3A_156 : i32
      %lt3A_158 = arith.constant 0 : i32
      %lt3A_159 = arith.cmpi slt, %rem3A_155, %lt3A_158 : i32
      %lt3A_160 = arith.constant 0 : i32
      %lt3A_161 = arith.cmpi slt, %select_n3A_154, %lt3A_160 : i32
      %ne3A_162 = arith.xori %lt3A_159, %lt3A_161 : i1
      %and3A_163 = arith.andi %ne3A_162, %ne3A_157 : i1
      %add3A_164 = arith.addi %rem3A_155, %select_n3A_154 : i32
      %select_n3A_165 = arith.select %and3A_163, %add3A_164, %rem3A_155 : i32
      %jit3A_166 = arith.constant 4 : i32
      %eq3A_167 = arith.constant 0 : i32
      %eq3A_168 = arith.cmpi eq, %jit3A_166, %eq3A_167 : i32
      %jit3A_169 = arith.constant 1 : i32
      %select_n3A_170 = arith.select %eq3A_168, %jit3A_169, %jit3A_166 : i32
      %rem3A_171 = arith.remsi %scan3A_118, %select_n3A_170 : i32
      %ne3A_172 = arith.constant 0 : i32
      %ne3A_173 = arith.cmpi ne, %rem3A_171, %ne3A_172 : i32
      %lt3A_174 = arith.constant 0 : i32
      %lt3A_175 = arith.cmpi slt, %rem3A_171, %lt3A_174 : i32
      %lt3A_176 = arith.constant 0 : i32
      %lt3A_177 = arith.cmpi slt, %select_n3A_170, %lt3A_176 : i32
      %ne3A_178 = arith.xori %lt3A_175, %lt3A_177 : i1
      %and3A_179 = arith.andi %ne3A_178, %ne3A_173 : i1
      %add3A_180 = arith.addi %rem3A_171, %select_n3A_170 : i32
      %select_n3A_181 = arith.select %and3A_179, %add3A_180, %rem3A_171 : i32
      %dma_wait3A_182 = arith.constant 0 : i32
      %dma_wait3A_183 = arith.constant 0 : i32
      %dma_wait3A_184 = tpu.memref_slice %arg8[%select_n3A_181, %dma_wait3A_182, %dma_wait3A_183] : memref<4x64x128xf32, #tpu.memory_space<vmem>> -> memref<1x64x128xf32, #tpu.memory_space<vmem>>
      %dma_wait3A_185 = tpu.memref_squeeze %dma_wait3A_184 : memref<1x64x128xf32, #tpu.memory_space<vmem>> -> memref<64x128xf32, #tpu.memory_space<vmem>>
      %dma_wait3A_186 = arith.constant 0 : i32
      %dma_wait3A_187 = tpu.memref_slice %arg6[%select_n3A_149, %select_n3A_165, %dma_wait3A_186] : memref<2x32x64xi32, #tpu.memory_space<vmem>> -> memref<1x1x64xi32, #tpu.memory_space<vmem>>
      %dma_wait3A_188 = tpu.memref_squeeze %dma_wait3A_187 : memref<1x1x64xi32, #tpu.memory_space<vmem>> -> memref<64xi32, #tpu.memory_space<vmem>>
      %dma_wait3A_189 = arith.constant 0 : i32
      %dma_wait3A_190 = arith.constant 0 : i32
      %dma_wait3A_191 = tpu.memref_slice %arg2[%dma_wait3A_189, %dma_wait3A_190] : memref<10000x128xf32, #tpu.memory_space<hbm>> -> memref<10000x128xf32, #tpu.memory_space<hbm>>
      tpu.wait_indirect_dma semaphore(%arg10 : memref<!tpu.dma_semaphore, #tpu.memory_space<semaphore_mem>>) src(%dma_wait3A_191 : memref<10000x128xf32, #tpu.memory_space<hbm>>) dst(%dma_wait3A_185 : memref<64x128xf32, #tpu.memory_space<vmem>>)
      %dma_start3A_192 = arith.constant 0 : i32
      %dma_start3A_193 = arith.constant 0 : i32
      %dma_start3A_194 = tpu.memref_slice %arg8[%select_n3A_181, %dma_start3A_192, %dma_start3A_193] : memref<4x64x128xf32, #tpu.memory_space<vmem>> -> memref<1x64x128xf32, #tpu.memory_space<vmem>>
      %dma_start3A_195 = tpu.memref_squeeze %dma_start3A_194 : memref<1x64x128xf32, #tpu.memory_space<vmem>> -> memref<64x128xf32, #tpu.memory_space<vmem>>
      %dma_start3A_196 = arith.constant 0 : i32
      %dma_start3A_197 = tpu.memref_slice %arg7[%select_n3A_149, %select_n3A_165, %dma_start3A_196] : memref<2x32x64xi32, #tpu.memory_space<vmem>> -> memref<1x1x64xi32, #tpu.memory_space<vmem>>
      %dma_start3A_198 = tpu.memref_squeeze %dma_start3A_197 : memref<1x1x64xi32, #tpu.memory_space<vmem>> -> memref<64xi32, #tpu.memory_space<vmem>>
      %dma_start3A_199 = arith.constant 0 : i32
      %dma_start3A_200 = arith.constant 0 : i32
      %dma_start3A_201 = tpu.memref_slice %arg9[%dma_start3A_199, %dma_start3A_200] : memref<10112x128xf32, #tpu.memory_space<vmem_shared>> -> memref<10112x128xf32, #tpu.memory_space<vmem_shared>>
      tpu.enqueue_indirect_dma source(%dma_start3A_195 : memref<64x128xf32, #tpu.memory_space<vmem>>) target(%dma_start3A_201 : memref<10112x128xf32, #tpu.memory_space<vmem_shared>>) offsets(%dma_start3A_198 : memref<64xi32, #tpu.memory_space<vmem>>) semaphore(%arg11 : memref<!tpu.dma_semaphore, #tpu.memory_space<semaphore_mem>>) {add = true}
      %ge3A = arith.constant 1 : i32
      %ge3A_202 = arith.cmpi sge, %scan3A_118, %ge3A : i32
      %convert_element_type3A = arith.extui %ge3A_202 : i1 to i32
      %cond3A = arith.constant 0 : i32
      %cond3A_203 = arith.cmpi ne, %convert_element_type3A, %cond3A : i32
      scf.if %cond3A_203 {
        %sub3A_224 = arith.constant 1 : i32
        %sub3A_225 = arith.subi %scan3A_118, %sub3A_224 : i32
        %jit3A_226 = arith.constant 4 : i32
        %eq3A_227 = arith.constant 0 : i32
        %eq3A_228 = arith.cmpi eq, %jit3A_226, %eq3A_227 : i32
        %jit3A_229 = arith.constant 1 : i32
        %select_n3A_230 = arith.select %eq3A_228, %jit3A_229, %jit3A_226 : i32
        %rem3A_231 = arith.remsi %sub3A_225, %select_n3A_230 : i32
        %ne3A_232 = arith.constant 0 : i32
        %ne3A_233 = arith.cmpi ne, %rem3A_231, %ne3A_232 : i32
        %lt3A_234 = arith.constant 0 : i32
        %lt3A_235 = arith.cmpi slt, %rem3A_231, %lt3A_234 : i32
        %lt3A_236 = arith.constant 0 : i32
        %lt3A_237 = arith.cmpi slt, %select_n3A_230, %lt3A_236 : i32
        %ne3A_238 = arith.xori %lt3A_235, %lt3A_237 : i1
        %and3A_239 = arith.andi %ne3A_238, %ne3A_233 : i1
        %add3A_240 = arith.addi %rem3A_231, %select_n3A_230 : i32
        %select_n3A_241 = arith.select %and3A_239, %add3A_240, %rem3A_231 : i32
        %jit3A_242 = arith.constant 32 : i32
        %div3A_243 = arith.divsi %sub3A_225, %jit3A_242 : i32
        %sign3A_244 = arith.constant 0 : i32
        %sign3A_245 = arith.cmpi sgt, %sub3A_225, %sign3A_244 : i32
        %sign3A_246 = arith.extui %sign3A_245 : i1 to i32
        %sign3A_247 = arith.constant 0 : i32
        %sign3A_248 = arith.cmpi slt, %sub3A_225, %sign3A_247 : i32
        %sign3A_249 = arith.extui %sign3A_248 : i1 to i32
        %sign3A_250 = arith.subi %sign3A_246, %sign3A_249 : i32
        %sign3A_251 = arith.constant 0 : i32
        %sign3A_252 = arith.cmpi sgt, %jit3A_242, %sign3A_251 : i32
        %sign3A_253 = arith.extui %sign3A_252 : i1 to i32
        %sign3A_254 = arith.constant 0 : i32
        %sign3A_255 = arith.cmpi slt, %jit3A_242, %sign3A_254 : i32
        %sign3A_256 = arith.extui %sign3A_255 : i1 to i32
        %sign3A_257 = arith.subi %sign3A_253, %sign3A_256 : i32
        %ne3A_258 = arith.cmpi ne, %sign3A_250, %sign3A_257 : i32
        %rem3A_259 = arith.remsi %sub3A_225, %jit3A_242 : i32
        %ne3A_260 = arith.constant 0 : i32
        %ne3A_261 = arith.cmpi ne, %rem3A_259, %ne3A_260 : i32
        %and3A_262 = arith.andi %ne3A_258, %ne3A_261 : i1
        %sub3A_263 = arith.constant 1 : i32
        %sub3A_264 = arith.subi %div3A_243, %sub3A_263 : i32
        %select_n3A_265 = arith.select %and3A_262, %sub3A_264, %div3A_243 : i32
        %jit3A_266 = arith.constant 2 : i32
        %eq3A_267 = arith.constant 0 : i32
        %eq3A_268 = arith.cmpi eq, %jit3A_266, %eq3A_267 : i32
        %jit3A_269 = arith.constant 1 : i32
        %select_n3A_270 = arith.select %eq3A_268, %jit3A_269, %jit3A_266 : i32
        %rem3A_271 = arith.remsi %select_n3A_265, %select_n3A_270 : i32
        %ne3A_272 = arith.constant 0 : i32
        %ne3A_273 = arith.cmpi ne, %rem3A_271, %ne3A_272 : i32
        %lt3A_274 = arith.constant 0 : i32
        %lt3A_275 = arith.cmpi slt, %rem3A_271, %lt3A_274 : i32
        %lt3A_276 = arith.constant 0 : i32
        %lt3A_277 = arith.cmpi slt, %select_n3A_270, %lt3A_276 : i32
        %ne3A_278 = arith.xori %lt3A_275, %lt3A_277 : i1
        %and3A_279 = arith.andi %ne3A_278, %ne3A_273 : i1
        %add3A_280 = arith.addi %rem3A_271, %select_n3A_270 : i32
        %select_n3A_281 = arith.select %and3A_279, %add3A_280, %rem3A_271 : i32
        %jit3A_282 = arith.constant 32 : i32
        %eq3A_283 = arith.constant 0 : i32
        %eq3A_284 = arith.cmpi eq, %jit3A_282, %eq3A_283 : i32
        %jit3A_285 = arith.constant 1 : i32
        %select_n3A_286 = arith.select %eq3A_284, %jit3A_285, %jit3A_282 : i32
        %rem3A_287 = arith.remsi %sub3A_225, %select_n3A_286 : i32
        %ne3A_288 = arith.constant 0 : i32
        %ne3A_289 = arith.cmpi ne, %rem3A_287, %ne3A_288 : i32
        %lt3A_290 = arith.constant 0 : i32
        %lt3A_291 = arith.cmpi slt, %rem3A_287, %lt3A_290 : i32
        %lt3A_292 = arith.constant 0 : i32
        %lt3A_293 = arith.cmpi slt, %select_n3A_286, %lt3A_292 : i32
        %ne3A_294 = arith.xori %lt3A_291, %lt3A_293 : i1
        %and3A_295 = arith.andi %ne3A_294, %ne3A_289 : i1
        %add3A_296 = arith.addi %rem3A_287, %select_n3A_286 : i32
        %select_n3A_297 = arith.select %and3A_295, %add3A_296, %rem3A_287 : i32
        %dma_wait3A_298 = arith.constant 0 : i32
        %dma_wait3A_299 = arith.constant 0 : i32
        %dma_wait3A_300 = tpu.memref_slice %arg8[%select_n3A_241, %dma_wait3A_298, %dma_wait3A_299] : memref<4x64x128xf32, #tpu.memory_space<vmem>> -> memref<1x64x128xf32, #tpu.memory_space<vmem>>
        %dma_wait3A_301 = tpu.memref_squeeze %dma_wait3A_300 : memref<1x64x128xf32, #tpu.memory_space<vmem>> -> memref<64x128xf32, #tpu.memory_space<vmem>>
        %dma_wait3A_302 = arith.constant 0 : i32
        %dma_wait3A_303 = tpu.memref_slice %arg7[%select_n3A_281, %select_n3A_297, %dma_wait3A_302] : memref<2x32x64xi32, #tpu.memory_space<vmem>> -> memref<1x1x64xi32, #tpu.memory_space<vmem>>
        %dma_wait3A_304 = tpu.memref_squeeze %dma_wait3A_303 : memref<1x1x64xi32, #tpu.memory_space<vmem>> -> memref<64xi32, #tpu.memory_space<vmem>>
        %dma_wait3A_305 = arith.constant 0 : i32
        %dma_wait3A_306 = arith.constant 0 : i32
        %dma_wait3A_307 = tpu.memref_slice %arg9[%dma_wait3A_305, %dma_wait3A_306] : memref<10112x128xf32, #tpu.memory_space<vmem_shared>> -> memref<10112x128xf32, #tpu.memory_space<vmem_shared>>
        tpu.wait_indirect_dma semaphore(%arg11 : memref<!tpu.dma_semaphore, #tpu.memory_space<semaphore_mem>>) src(%dma_wait3A_301 : memref<64x128xf32, #tpu.memory_space<vmem>>) dst(%dma_wait3A_307 : memref<10112x128xf32, #tpu.memory_space<vmem_shared>>)
      } else {
      }
      %eq3A_204 = arith.constant 8 : i32
      %eq3A_205 = arith.cmpi eq, %select_n3A_165, %eq3A_204 : i32
      %add3A_206 = arith.constant 1 : i32
      %add3A_207 = arith.addi %select_n3A, %add3A_206 : i32
      %lt3A_208 = arith.constant 5 : i32
      %lt3A_209 = arith.cmpi slt, %add3A_207, %lt3A_208 : i32
      %and3A_210 = arith.andi %eq3A_205, %lt3A_209 : i1
      %convert_element_type3A_211 = arith.extui %and3A_210 : i1 to i32
      %cond3A_212 = arith.constant 0 : i32
      %cond3A_213 = arith.cmpi ne, %convert_element_type3A_211, %cond3A_212 : i32
      scf.if %cond3A_213 {
        %add3A_224 = arith.constant 1 : i32
        %add3A_225 = arith.addi %select_n3A, %add3A_224 : i32
        %mul3A_226 = arith.constant 32 : i32
        %mul3A_227 = arith.muli %add3A_225, %mul3A_226 : i32
        %multiple_of3A = tpu.assume_multiple %mul3A_227, 32 : i32
        %add3A_228 = arith.constant 1 : i32
        %add3A_229 = arith.addi %select_n3A, %add3A_228 : i32
        %jit3A_230 = arith.constant 2 : i32
        %eq3A_231 = arith.constant 0 : i32
        %eq3A_232 = arith.cmpi eq, %jit3A_230, %eq3A_231 : i32
        %jit3A_233 = arith.constant 1 : i32
        %select_n3A_234 = arith.select %eq3A_232, %jit3A_233, %jit3A_230 : i32
        %rem3A_235 = arith.remsi %add3A_229, %select_n3A_234 : i32
        %ne3A_236 = arith.constant 0 : i32
        %ne3A_237 = arith.cmpi ne, %rem3A_235, %ne3A_236 : i32
        %lt3A_238 = arith.constant 0 : i32
        %lt3A_239 = arith.cmpi slt, %rem3A_235, %lt3A_238 : i32
        %lt3A_240 = arith.constant 0 : i32
        %lt3A_241 = arith.cmpi slt, %select_n3A_234, %lt3A_240 : i32
        %ne3A_242 = arith.xori %lt3A_239, %lt3A_241 : i1
        %and3A_243 = arith.andi %ne3A_242, %ne3A_237 : i1
        %add3A_244 = arith.addi %rem3A_235, %select_n3A_234 : i32
        %select_n3A_245 = arith.select %and3A_243, %add3A_244, %rem3A_235 : i32
        "tpu.region"() ({
          %run_scoped3A_264 = tpu.sem_alloc : memref<!tpu.dma_semaphore, #tpu.memory_space<semaphore_mem>>
          %dma_start3A_265 = arith.constant 0 : i32
          %dma_start3A_266 = arith.constant 0 : i32
          %dma_start3A_267 = tpu.memref_slice %arg6[%select_n3A_245, %dma_start3A_265, %dma_start3A_266] : memref<2x32x64xi32, #tpu.memory_space<vmem>> -> memref<1x32x64xi32, #tpu.memory_space<vmem>>
          %dma_start3A_268 = tpu.memref_squeeze %dma_start3A_267 : memref<1x32x64xi32, #tpu.memory_space<vmem>> -> memref<32x64xi32, #tpu.memory_space<vmem>>
          %dma_start3A_269 = arith.constant 0 : i32
          %dma_start3A_270 = tpu.memref_slice %arg3[%arg0, %arg1, %multiple_of3A, %dma_start3A_269] : memref<2x16x160x64xi32, #tpu.memory_space<hbm>> -> memref<1x1x32x64xi32, #tpu.memory_space<hbm>>
          %dma_start3A_271 = tpu.memref_squeeze %dma_start3A_270 : memref<1x1x32x64xi32, #tpu.memory_space<hbm>> -> memref<32x64xi32, #tpu.memory_space<hbm>>
          %dma_start3A_272 = arith.constant 0 : i32
          %dma_start3A_273 = arith.constant 0 : i32
          %dma_start3A_274 = tpu.memref_slice %arg6[%select_n3A_245, %dma_start3A_272, %dma_start3A_273] : memref<2x32x64xi32, #tpu.memory_space<vmem>> -> memref<1x32x64xi32, #tpu.memory_space<vmem>>
          %dma_start3A_275 = tpu.memref_squeeze %dma_start3A_274 : memref<1x32x64xi32, #tpu.memory_space<vmem>> -> memref<32x64xi32, #tpu.memory_space<vmem>>
          %dma_start3A_276 = arith.constant 0 : i32
          %dma_start3A_277 = tpu.memref_slice %arg3[%arg0, %arg1, %multiple_of3A, %dma_start3A_276] : memref<2x16x160x64xi32, #tpu.memory_space<hbm>> -> memref<1x1x32x64xi32, #tpu.memory_space<hbm>>
          %dma_start3A_278 = tpu.memref_squeeze %dma_start3A_277 : memref<1x1x32x64xi32, #tpu.memory_space<hbm>> -> memref<32x64xi32, #tpu.memory_space<hbm>>
          tpu.enqueue_dma source(%dma_start3A_278 : memref<32x64xi32, #tpu.memory_space<hbm>>) target(%dma_start3A_275 : memref<32x64xi32, #tpu.memory_space<vmem>>) target_semaphore(%run_scoped3A_264 : memref<!tpu.dma_semaphore, #tpu.memory_space<semaphore_mem>>)
          %dma_wait3A_279 = arith.constant 0 : i32
          %dma_wait3A_280 = arith.constant 0 : i32
          %dma_wait3A_281 = tpu.memref_slice %arg6[%select_n3A_245, %dma_wait3A_279, %dma_wait3A_280] : memref<2x32x64xi32, #tpu.memory_space<vmem>> -> memref<1x32x64xi32, #tpu.memory_space<vmem>>
          %dma_wait3A_282 = tpu.memref_squeeze %dma_wait3A_281 : memref<1x32x64xi32, #tpu.memory_space<vmem>> -> memref<32x64xi32, #tpu.memory_space<vmem>>
          %dma_wait3A_283 = arith.constant 0 : i32
          %dma_wait3A_284 = tpu.memref_slice %arg3[%arg0, %arg1, %multiple_of3A, %dma_wait3A_283] : memref<2x16x160x64xi32, #tpu.memory_space<hbm>> -> memref<1x1x32x64xi32, #tpu.memory_space<hbm>>
          %dma_wait3A_285 = tpu.memref_squeeze %dma_wait3A_284 : memref<1x1x32x64xi32, #tpu.memory_space<hbm>> -> memref<32x64xi32, #tpu.memory_space<hbm>>
          %dma_wait3A_286 = arith.constant 0 : i32
          %dma_wait3A_287 = arith.constant 0 : i32
          %dma_wait3A_288 = tpu.memref_slice %arg6[%select_n3A_245, %dma_wait3A_286, %dma_wait3A_287] : memref<2x32x64xi32, #tpu.memory_space<vmem>> -> memref<1x32x64xi32, #tpu.memory_space<vmem>>
          %dma_wait3A_289 = tpu.memref_squeeze %dma_wait3A_288 : memref<1x32x64xi32, #tpu.memory_space<vmem>> -> memref<32x64xi32, #tpu.memory_space<vmem>>
          %dma_wait3A_290 = arith.constant 0 : i32
          %dma_wait3A_291 = tpu.memref_slice %arg3[%arg0, %arg1, %multiple_of3A, %dma_wait3A_290] : memref<2x16x160x64xi32, #tpu.memory_space<hbm>> -> memref<1x1x32x64xi32, #tpu.memory_space<hbm>>
          %dma_wait3A_292 = tpu.memref_squeeze %dma_wait3A_291 : memref<1x1x32x64xi32, #tpu.memory_space<hbm>> -> memref<32x64xi32, #tpu.memory_space<hbm>>
          tpu.wait_dma2 semaphore(%run_scoped3A_264 : memref<!tpu.dma_semaphore, #tpu.memory_space<semaphore_mem>>) src(%dma_wait3A_292 : memref<32x64xi32, #tpu.memory_space<hbm>>) dst(%dma_wait3A_289 : memref<32x64xi32, #tpu.memory_space<vmem>>)
          tpu.yield
        }) : () -> ()
        %add3A_246 = arith.constant 1 : i32
        %add3A_247 = arith.addi %select_n3A, %add3A_246 : i32
        %jit3A_248 = arith.constant 2 : i32
        %eq3A_249 = arith.constant 0 : i32
        %eq3A_250 = arith.cmpi eq, %jit3A_248, %eq3A_249 : i32
        %jit3A_251 = arith.constant 1 : i32
        %select_n3A_252 = arith.select %eq3A_250, %jit3A_251, %jit3A_248 : i32
        %rem3A_253 = arith.remsi %add3A_247, %select_n3A_252 : i32
        %ne3A_254 = arith.constant 0 : i32
        %ne3A_255 = arith.cmpi ne, %rem3A_253, %ne3A_254 : i32
        %lt3A_256 = arith.constant 0 : i32
        %lt3A_257 = arith.cmpi slt, %rem3A_253, %lt3A_256 : i32
        %lt3A_258 = arith.constant 0 : i32
        %lt3A_259 = arith.cmpi slt, %select_n3A_252, %lt3A_258 : i32
        %ne3A_260 = arith.xori %lt3A_257, %lt3A_259 : i1
        %and3A_261 = arith.andi %ne3A_260, %ne3A_255 : i1
        %add3A_262 = arith.addi %rem3A_253, %select_n3A_252 : i32
        %select_n3A_263 = arith.select %and3A_261, %add3A_262, %rem3A_253 : i32
        "tpu.region"() ({
          %run_scoped3A_264 = tpu.sem_alloc : memref<!tpu.dma_semaphore, #tpu.memory_space<semaphore_mem>>
          %dma_start3A_265 = arith.constant 0 : i32
          %dma_start3A_266 = arith.constant 0 : i32
          %dma_start3A_267 = tpu.memref_slice %arg7[%select_n3A_263, %dma_start3A_265, %dma_start3A_266] : memref<2x32x64xi32, #tpu.memory_space<vmem>> -> memref<1x32x64xi32, #tpu.memory_space<vmem>>
          %dma_start3A_268 = tpu.memref_squeeze %dma_start3A_267 : memref<1x32x64xi32, #tpu.memory_space<vmem>> -> memref<32x64xi32, #tpu.memory_space<vmem>>
          %dma_start3A_269 = arith.constant 0 : i32
          %dma_start3A_270 = tpu.memref_slice %arg4[%arg0, %arg1, %multiple_of3A, %dma_start3A_269] : memref<2x16x160x64xi32, #tpu.memory_space<hbm>> -> memref<1x1x32x64xi32, #tpu.memory_space<hbm>>
          %dma_start3A_271 = tpu.memref_squeeze %dma_start3A_270 : memref<1x1x32x64xi32, #tpu.memory_space<hbm>> -> memref<32x64xi32, #tpu.memory_space<hbm>>
          %dma_start3A_272 = arith.constant 0 : i32
          %dma_start3A_273 = arith.constant 0 : i32
          %dma_start3A_274 = tpu.memref_slice %arg7[%select_n3A_263, %dma_start3A_272, %dma_start3A_273] : memref<2x32x64xi32, #tpu.memory_space<vmem>> -> memref<1x32x64xi32, #tpu.memory_space<vmem>>
          %dma_start3A_275 = tpu.memref_squeeze %dma_start3A_274 : memref<1x32x64xi32, #tpu.memory_space<vmem>> -> memref<32x64xi32, #tpu.memory_space<vmem>>
          %dma_start3A_276 = arith.constant 0 : i32
          %dma_start3A_277 = tpu.memref_slice %arg4[%arg0, %arg1, %multiple_of3A, %dma_start3A_276] : memref<2x16x160x64xi32, #tpu.memory_space<hbm>> -> memref<1x1x32x64xi32, #tpu.memory_space<hbm>>
          %dma_start3A_278 = tpu.memref_squeeze %dma_start3A_277 : memref<1x1x32x64xi32, #tpu.memory_space<hbm>> -> memref<32x64xi32, #tpu.memory_space<hbm>>
          tpu.enqueue_dma source(%dma_start3A_278 : memref<32x64xi32, #tpu.memory_space<hbm>>) target(%dma_start3A_275 : memref<32x64xi32, #tpu.memory_space<vmem>>) target_semaphore(%run_scoped3A_264 : memref<!tpu.dma_semaphore, #tpu.memory_space<semaphore_mem>>)
          %dma_wait3A_279 = arith.constant 0 : i32
          %dma_wait3A_280 = arith.constant 0 : i32
          %dma_wait3A_281 = tpu.memref_slice %arg7[%select_n3A_263, %dma_wait3A_279, %dma_wait3A_280] : memref<2x32x64xi32, #tpu.memory_space<vmem>> -> memref<1x32x64xi32, #tpu.memory_space<vmem>>
          %dma_wait3A_282 = tpu.memref_squeeze %dma_wait3A_281 : memref<1x32x64xi32, #tpu.memory_space<vmem>> -> memref<32x64xi32, #tpu.memory_space<vmem>>
          %dma_wait3A_283 = arith.constant 0 : i32
          %dma_wait3A_284 = tpu.memref_slice %arg4[%arg0, %arg1, %multiple_of3A, %dma_wait3A_283] : memref<2x16x160x64xi32, #tpu.memory_space<hbm>> -> memref<1x1x32x64xi32, #tpu.memory_space<hbm>>
          %dma_wait3A_285 = tpu.memref_squeeze %dma_wait3A_284 : memref<1x1x32x64xi32, #tpu.memory_space<hbm>> -> memref<32x64xi32, #tpu.memory_space<hbm>>
          %dma_wait3A_286 = arith.constant 0 : i32
          %dma_wait3A_287 = arith.constant 0 : i32
          %dma_wait3A_288 = tpu.memref_slice %arg7[%select_n3A_263, %dma_wait3A_286, %dma_wait3A_287] : memref<2x32x64xi32, #tpu.memory_space<vmem>> -> memref<1x32x64xi32, #tpu.memory_space<vmem>>
          %dma_wait3A_289 = tpu.memref_squeeze %dma_wait3A_288 : memref<1x32x64xi32, #tpu.memory_space<vmem>> -> memref<32x64xi32, #tpu.memory_space<vmem>>
          %dma_wait3A_290 = arith.constant 0 : i32
          %dma_wait3A_291 = tpu.memref_slice %arg4[%arg0, %arg1, %multiple_of3A, %dma_wait3A_290] : memref<2x16x160x64xi32, #tpu.memory_space<hbm>> -> memref<1x1x32x64xi32, #tpu.memory_space<hbm>>
          %dma_wait3A_292 = tpu.memref_squeeze %dma_wait3A_291 : memref<1x1x32x64xi32, #tpu.memory_space<hbm>> -> memref<32x64xi32, #tpu.memory_space<hbm>>
          tpu.wait_dma2 semaphore(%run_scoped3A_264 : memref<!tpu.dma_semaphore, #tpu.memory_space<semaphore_mem>>) src(%dma_wait3A_292 : memref<32x64xi32, #tpu.memory_space<hbm>>) dst(%dma_wait3A_289 : memref<32x64xi32, #tpu.memory_space<vmem>>)
          tpu.yield
        }) : () -> ()
      } else {
      }
      %add3A_214 = arith.constant 4 : i32
      %add3A_215 = arith.addi %scan3A_118, %add3A_214 : i32
      %sub3A_216 = arith.constant 1 : i32
      %sub3A_217 = arith.subi %add3A_215, %sub3A_216 : i32
      %lt3A_218 = arith.constant 160 : i32
      %lt3A_219 = arith.cmpi slt, %sub3A_217, %lt3A_218 : i32
      %convert_element_type3A_220 = arith.extui %lt3A_219 : i1 to i32
      %cond3A_221 = arith.constant 0 : i32
      %cond3A_222 = arith.cmpi ne, %convert_element_type3A_220, %cond3A_221 : i32
      scf.if %cond3A_222 {
        %add3A_224 = arith.constant 4 : i32
        %add3A_225 = arith.addi %scan3A_118, %add3A_224 : i32
        %sub3A_226 = arith.constant 1 : i32
        %sub3A_227 = arith.subi %add3A_225, %sub3A_226 : i32
        %jit3A_228 = arith.constant 32 : i32
        %div3A_229 = arith.divsi %sub3A_227, %jit3A_228 : i32
        %sign3A_230 = arith.constant 0 : i32
        %sign3A_231 = arith.cmpi sgt, %sub3A_227, %sign3A_230 : i32
        %sign3A_232 = arith.extui %sign3A_231 : i1 to i32
        %sign3A_233 = arith.constant 0 : i32
        %sign3A_234 = arith.cmpi slt, %sub3A_227, %sign3A_233 : i32
        %sign3A_235 = arith.extui %sign3A_234 : i1 to i32
        %sign3A_236 = arith.subi %sign3A_232, %sign3A_235 : i32
        %sign3A_237 = arith.constant 0 : i32
        %sign3A_238 = arith.cmpi sgt, %jit3A_228, %sign3A_237 : i32
        %sign3A_239 = arith.extui %sign3A_238 : i1 to i32
        %sign3A_240 = arith.constant 0 : i32
        %sign3A_241 = arith.cmpi slt, %jit3A_228, %sign3A_240 : i32
        %sign3A_242 = arith.extui %sign3A_241 : i1 to i32
        %sign3A_243 = arith.subi %sign3A_239, %sign3A_242 : i32
        %ne3A_244 = arith.cmpi ne, %sign3A_236, %sign3A_243 : i32
        %rem3A_245 = arith.remsi %sub3A_227, %jit3A_228 : i32
        %ne3A_246 = arith.constant 0 : i32
        %ne3A_247 = arith.cmpi ne, %rem3A_245, %ne3A_246 : i32
        %and3A_248 = arith.andi %ne3A_244, %ne3A_247 : i1
        %sub3A_249 = arith.constant 1 : i32
        %sub3A_250 = arith.subi %div3A_229, %sub3A_249 : i32
        %select_n3A_251 = arith.select %and3A_248, %sub3A_250, %div3A_229 : i32
        %jit3A_252 = arith.constant 2 : i32
        %eq3A_253 = arith.constant 0 : i32
        %eq3A_254 = arith.cmpi eq, %jit3A_252, %eq3A_253 : i32
        %jit3A_255 = arith.constant 1 : i32
        %select_n3A_256 = arith.select %eq3A_254, %jit3A_255, %jit3A_252 : i32
        %rem3A_257 = arith.remsi %select_n3A_251, %select_n3A_256 : i32
        %ne3A_258 = arith.constant 0 : i32
        %ne3A_259 = arith.cmpi ne, %rem3A_257, %ne3A_258 : i32
        %lt3A_260 = arith.constant 0 : i32
        %lt3A_261 = arith.cmpi slt, %rem3A_257, %lt3A_260 : i32
        %lt3A_262 = arith.constant 0 : i32
        %lt3A_263 = arith.cmpi slt, %select_n3A_256, %lt3A_262 : i32
        %ne3A_264 = arith.xori %lt3A_261, %lt3A_263 : i1
        %and3A_265 = arith.andi %ne3A_264, %ne3A_259 : i1
        %add3A_266 = arith.addi %rem3A_257, %select_n3A_256 : i32
        %select_n3A_267 = arith.select %and3A_265, %add3A_266, %rem3A_257 : i32
        %jit3A_268 = arith.constant 32 : i32
        %eq3A_269 = arith.constant 0 : i32
        %eq3A_270 = arith.cmpi eq, %jit3A_268, %eq3A_269 : i32
        %jit3A_271 = arith.constant 1 : i32
        %select_n3A_272 = arith.select %eq3A_270, %jit3A_271, %jit3A_268 : i32
        %rem3A_273 = arith.remsi %sub3A_227, %select_n3A_272 : i32
        %ne3A_274 = arith.constant 0 : i32
        %ne3A_275 = arith.cmpi ne, %rem3A_273, %ne3A_274 : i32
        %lt3A_276 = arith.constant 0 : i32
        %lt3A_277 = arith.cmpi slt, %rem3A_273, %lt3A_276 : i32
        %lt3A_278 = arith.constant 0 : i32
        %lt3A_279 = arith.cmpi slt, %select_n3A_272, %lt3A_278 : i32
        %ne3A_280 = arith.xori %lt3A_277, %lt3A_279 : i1
        %and3A_281 = arith.andi %ne3A_280, %ne3A_275 : i1
        %add3A_282 = arith.addi %rem3A_273, %select_n3A_272 : i32
        %select_n3A_283 = arith.select %and3A_281, %add3A_282, %rem3A_273 : i32
        %jit3A_284 = arith.constant 4 : i32
        %eq3A_285 = arith.constant 0 : i32
        %eq3A_286 = arith.cmpi eq, %jit3A_284, %eq3A_285 : i32
        %jit3A_287 = arith.constant 1 : i32
        %select_n3A_288 = arith.select %eq3A_286, %jit3A_287, %jit3A_284 : i32
        %rem3A_289 = arith.remsi %sub3A_227, %select_n3A_288 : i32
        %ne3A_290 = arith.constant 0 : i32
        %ne3A_291 = arith.cmpi ne, %rem3A_289, %ne3A_290 : i32
        %lt3A_292 = arith.constant 0 : i32
        %lt3A_293 = arith.cmpi slt, %rem3A_289, %lt3A_292 : i32
        %lt3A_294 = arith.constant 0 : i32
        %lt3A_295 = arith.cmpi slt, %select_n3A_288, %lt3A_294 : i32
        %ne3A_296 = arith.xori %lt3A_293, %lt3A_295 : i1
        %and3A_297 = arith.andi %ne3A_296, %ne3A_291 : i1
        %add3A_298 = arith.addi %rem3A_289, %select_n3A_288 : i32
        %select_n3A_299 = arith.select %and3A_297, %add3A_298, %rem3A_289 : i32
        %dma_start3A_300 = arith.constant 0 : i32
        %dma_start3A_301 = arith.constant 0 : i32
        %dma_start3A_302 = tpu.memref_slice %arg8[%select_n3A_299, %dma_start3A_300, %dma_start3A_301] : memref<4x64x128xf32, #tpu.memory_space<vmem>> -> memref<1x64x128xf32, #tpu.memory_space<vmem>>
        %dma_start3A_303 = tpu.memref_squeeze %dma_start3A_302 : memref<1x64x128xf32, #tpu.memory_space<vmem>> -> memref<64x128xf32, #tpu.memory_space<vmem>>
        %dma_start3A_304 = arith.constant 0 : i32
        %dma_start3A_305 = tpu.memref_slice %arg6[%select_n3A_267, %select_n3A_283, %dma_start3A_304] : memref<2x32x64xi32, #tpu.memory_space<vmem>> -> memref<1x1x64xi32, #tpu.memory_space<vmem>>
        %dma_start3A_306 = tpu.memref_squeeze %dma_start3A_305 : memref<1x1x64xi32, #tpu.memory_space<vmem>> -> memref<64xi32, #tpu.memory_space<vmem>>
        %dma_start3A_307 = arith.constant 0 : i32
        %dma_start3A_308 = arith.constant 0 : i32
        %dma_start3A_309 = tpu.memref_slice %arg2[%dma_start3A_307, %dma_start3A_308] : memref<10000x128xf32, #tpu.memory_space<hbm>> -> memref<10000x128xf32, #tpu.memory_space<hbm>>
        tpu.enqueue_indirect_dma source(%dma_start3A_309 : memref<10000x128xf32, #tpu.memory_space<hbm>>) target(%dma_start3A_303 : memref<64x128xf32, #tpu.memory_space<vmem>>) offsets(%dma_start3A_306 : memref<64xi32, #tpu.memory_space<vmem>>) semaphore(%arg10 : memref<!tpu.dma_semaphore, #tpu.memory_space<semaphore_mem>>)
      } else {
      }
      %scan3A_223 = arith.constant 0 : i32
      scf.yield %scan3A_223 : i32
    }
    %scan3A_100 = arith.constant 160 : i32
    %dma_wait3A = arith.constant 3 : i32
    %dma_wait3A_101 = arith.constant 0 : i32
    %dma_wait3A_102 = arith.constant 31 : i32
    %dma_wait3A_103 = arith.constant 0 : i32
    %dma_wait3A_104 = arith.constant 0 : i32
    %dma_wait3A_105 = tpu.memref_slice %arg8[%dma_wait3A, %dma_wait3A_103, %dma_wait3A_104] : memref<4x64x128xf32, #tpu.memory_space<vmem>> -> memref<1x64x128xf32, #tpu.memory_space<vmem>>
    %dma_wait3A_106 = tpu.memref_squeeze %dma_wait3A_105 : memref<1x64x128xf32, #tpu.memory_space<vmem>> -> memref<64x128xf32, #tpu.memory_space<vmem>>
    %dma_wait3A_107 = arith.constant 0 : i32
    %dma_wait3A_108 = tpu.memref_slice %arg7[%dma_wait3A_101, %dma_wait3A_102, %dma_wait3A_107] : memref<2x32x64xi32, #tpu.memory_space<vmem>> -> memref<1x1x64xi32, #tpu.memory_space<vmem>>
    %dma_wait3A_109 = tpu.memref_squeeze %dma_wait3A_108 : memref<1x1x64xi32, #tpu.memory_space<vmem>> -> memref<64xi32, #tpu.memory_space<vmem>>
    %dma_wait3A_110 = arith.constant 0 : i32
    %dma_wait3A_111 = arith.constant 0 : i32
    %dma_wait3A_112 = tpu.memref_slice %arg9[%dma_wait3A_110, %dma_wait3A_111] : memref<10112x128xf32, #tpu.memory_space<vmem_shared>> -> memref<10112x128xf32, #tpu.memory_space<vmem_shared>>
    tpu.wait_indirect_dma semaphore(%arg11 : memref<!tpu.dma_semaphore, #tpu.memory_space<semaphore_mem>>) src(%dma_wait3A_106 : memref<64x128xf32, #tpu.memory_space<vmem>>) dst(%dma_wait3A_112 : memref<10112x128xf32, #tpu.memory_space<vmem_shared>>)
    %barrier3A_113 = arith.constant 0 : index
    tpu.barrier barrier_id(%barrier3A_113)
    %mul3A_114 = arith.constant 632 : i32
    %mul3A_115 = arith.muli %arg1, %mul3A_114 : i32
    %mul3A_116 = arith.constant 632 : i32
    %mul3A_117 = arith.muli %arg1, %mul3A_116 : i32
    "tpu.region"() ({
      %run_scoped3A_118 = tpu.sem_alloc : memref<!tpu.dma_semaphore, #tpu.memory_space<semaphore_mem>>
      %dma_start3A_119 = arith.constant 0 : i32
      %dma_start3A_120 = tpu.memref_slice %arg5[%arg0, %mul3A_117, %dma_start3A_119] : memref<2x10112x128xf32, #tpu.memory_space<hbm>> -> memref<1x632x128xf32, #tpu.memory_space<hbm>>
      %dma_start3A_121 = tpu.memref_squeeze %dma_start3A_120 : memref<1x632x128xf32, #tpu.memory_space<hbm>> -> memref<632x128xf32, #tpu.memory_space<hbm>>
      %dma_start3A_122 = arith.constant 0 : i32
      %dma_start3A_123 = tpu.memref_slice %arg9[%mul3A_115, %dma_start3A_122] : memref<10112x128xf32, #tpu.memory_space<vmem_shared>> -> memref<632x128xf32, #tpu.memory_space<vmem_shared>>
      tpu.enqueue_dma source(%dma_start3A_123 : memref<632x128xf32, #tpu.memory_space<vmem_shared>>) target(%dma_start3A_121 : memref<632x128xf32, #tpu.memory_space<hbm>>) target_semaphore(%run_scoped3A_118 : memref<!tpu.dma_semaphore, #tpu.memory_space<semaphore_mem>>)
      %dma_wait3A_124 = arith.constant 0 : i32
      %dma_wait3A_125 = tpu.memref_slice %arg5[%arg0, %mul3A_117, %dma_wait3A_124] : memref<2x10112x128xf32, #tpu.memory_space<hbm>> -> memref<1x632x128xf32, #tpu.memory_space<hbm>>
      %dma_wait3A_126 = tpu.memref_squeeze %dma_wait3A_125 : memref<1x632x128xf32, #tpu.memory_space<hbm>> -> memref<632x128xf32, #tpu.memory_space<hbm>>
      %dma_wait3A_127 = arith.constant 0 : i32
      %dma_wait3A_128 = tpu.memref_slice %arg9[%mul3A_115, %dma_wait3A_127] : memref<10112x128xf32, #tpu.memory_space<vmem_shared>> -> memref<632x128xf32, #tpu.memory_space<vmem_shared>>
      tpu.wait_dma2 semaphore(%run_scoped3A_118 : memref<!tpu.dma_semaphore, #tpu.memory_space<semaphore_mem>>) src(%dma_wait3A_128 : memref<632x128xf32, #tpu.memory_space<vmem_shared>>) dst(%dma_wait3A_126 : memref<632x128xf32, #tpu.memory_space<hbm>>)
      tpu.yield
    }) : () -> ()
    return
  }
}

#map = affine_map<(d0, d1) -> (0, 0)>
#map1 = affine_map<(d0, d1) -> (0, 0, 0, 0)>
#map2 = affine_map<(d0, d1) -> (0, 0, 0)>
module attributes {stable_mosaic.version = 14 : i64} {
  func.func @agg_kernel(%arg0: i32, %arg1: i32, %arg2: memref<10000x128xf32, #tpu.memory_space<hbm>>, %arg3: memref<2x16x160x64xi32, #tpu.memory_space<hbm>>, %arg4: memref<2x16x160x64xi32, #tpu.memory_space<hbm>>, %arg5: memref<2x10112x128xf32, #tpu.memory_space<hbm>>, %arg6: memref<2x32x64xi32, #tpu.memory_space<vmem>>, %arg7: memref<2x32x64xi32, #tpu.memory_space<vmem>>, %arg8: memref<4x64x128xf32, #tpu.memory_space<vmem>>, %arg9: memref<10112x128xf32, #tpu.memory_space<vmem_shared>>, %arg10: memref<!tpu.dma_semaphore, #tpu.memory_space<semaphore_mem>>, %arg11: memref<!tpu.dma_semaphore, #tpu.memory_space<semaphore_mem>>) attributes {dimension_semantics = [#tpu.dimension_semantics<core_parallel>, #tpu.dimension_semantics<subcore_parallel>], iteration_bounds = array<i64: 2, 16>, scalar_prefetch = 0 : i64, scratch_operands = 6 : i64, tpu.core_type = #tpu.core_type<sc_vector_subcore>, window_params = [{transform_indices = #map}, {transform_indices = #map1}, {transform_indices = #map1}, {transform_indices = #map2}]} {
    %run_scoped3A = arith.constant 0 : i32
    "tpu.region"() ({
      %run_scoped3A_118 = tpu.sem_alloc : memref<!tpu.dma_semaphore, #tpu.memory_space<semaphore_mem>>
      %dma_start3A_119 = arith.constant 0 : i32
      %dma_start3A_120 = arith.constant 0 : i32
      %dma_start3A_121 = tpu.memref_slice %arg6[%run_scoped3A, %dma_start3A_119, %dma_start3A_120] : memref<2x32x64xi32, #tpu.memory_space<vmem>> -> memref<1x32x64xi32, #tpu.memory_space<vmem>>
      %dma_start3A_122 = tpu.memref_squeeze %dma_start3A_121 : memref<1x32x64xi32, #tpu.memory_space<vmem>> -> memref<32x64xi32, #tpu.memory_space<vmem>>
      %dma_start3A_123 = arith.constant 0 : i32
      %dma_start3A_124 = arith.constant 0 : i32
      %dma_start3A_125 = tpu.memref_slice %arg3[%arg0, %arg1, %dma_start3A_123, %dma_start3A_124] : memref<2x16x160x64xi32, #tpu.memory_space<hbm>> -> memref<1x1x32x64xi32, #tpu.memory_space<hbm>>
      %dma_start3A_126 = tpu.memref_squeeze %dma_start3A_125 : memref<1x1x32x64xi32, #tpu.memory_space<hbm>> -> memref<32x64xi32, #tpu.memory_space<hbm>>
      %dma_start3A_127 = arith.constant 0 : i32
      %dma_start3A_128 = arith.constant 0 : i32
      %dma_start3A_129 = tpu.memref_slice %arg6[%run_scoped3A, %dma_start3A_127, %dma_start3A_128] : memref<2x32x64xi32, #tpu.memory_space<vmem>> -> memref<1x32x64xi32, #tpu.memory_space<vmem>>
      %dma_start3A_130 = tpu.memref_squeeze %dma_start3A_129 : memref<1x32x64xi32, #tpu.memory_space<vmem>> -> memref<32x64xi32, #tpu.memory_space<vmem>>
      %dma_start3A_131 = arith.constant 0 : i32
      %dma_start3A_132 = arith.constant 0 : i32
      %dma_start3A_133 = tpu.memref_slice %arg3[%arg0, %arg1, %dma_start3A_131, %dma_start3A_132] : memref<2x16x160x64xi32, #tpu.memory_space<hbm>> -> memref<1x1x32x64xi32, #tpu.memory_space<hbm>>
      %dma_start3A_134 = tpu.memref_squeeze %dma_start3A_133 : memref<1x1x32x64xi32, #tpu.memory_space<hbm>> -> memref<32x64xi32, #tpu.memory_space<hbm>>
      tpu.enqueue_dma source(%dma_start3A_134 : memref<32x64xi32, #tpu.memory_space<hbm>>) target(%dma_start3A_130 : memref<32x64xi32, #tpu.memory_space<vmem>>) target_semaphore(%run_scoped3A_118 : memref<!tpu.dma_semaphore, #tpu.memory_space<semaphore_mem>>)
      %dma_wait3A_135 = arith.constant 0 : i32
      %dma_wait3A_136 = arith.constant 0 : i32
      %dma_wait3A_137 = tpu.memref_slice %arg6[%run_scoped3A, %dma_wait3A_135, %dma_wait3A_136] : memref<2x32x64xi32, #tpu.memory_space<vmem>> -> memref<1x32x64xi32, #tpu.memory_space<vmem>>
      %dma_wait3A_138 = tpu.memref_squeeze %dma_wait3A_137 : memref<1x32x64xi32, #tpu.memory_space<vmem>> -> memref<32x64xi32, #tpu.memory_space<vmem>>
      %dma_wait3A_139 = arith.constant 0 : i32
      %dma_wait3A_140 = arith.constant 0 : i32
      %dma_wait3A_141 = tpu.memref_slice %arg3[%arg0, %arg1, %dma_wait3A_139, %dma_wait3A_140] : memref<2x16x160x64xi32, #tpu.memory_space<hbm>> -> memref<1x1x32x64xi32, #tpu.memory_space<hbm>>
      %dma_wait3A_142 = tpu.memref_squeeze %dma_wait3A_141 : memref<1x1x32x64xi32, #tpu.memory_space<hbm>> -> memref<32x64xi32, #tpu.memory_space<hbm>>
      %dma_wait3A_143 = arith.constant 0 : i32
      %dma_wait3A_144 = arith.constant 0 : i32
      %dma_wait3A_145 = tpu.memref_slice %arg6[%run_scoped3A, %dma_wait3A_143, %dma_wait3A_144] : memref<2x32x64xi32, #tpu.memory_space<vmem>> -> memref<1x32x64xi32, #tpu.memory_space<vmem>>
      %dma_wait3A_146 = tpu.memref_squeeze %dma_wait3A_145 : memref<1x32x64xi32, #tpu.memory_space<vmem>> -> memref<32x64xi32, #tpu.memory_space<vmem>>
      %dma_wait3A_147 = arith.constant 0 : i32
      %dma_wait3A_148 = arith.constant 0 : i32
      %dma_wait3A_149 = tpu.memref_slice %arg3[%arg0, %arg1, %dma_wait3A_147, %dma_wait3A_148] : memref<2x16x160x64xi32, #tpu.memory_space<hbm>> -> memref<1x1x32x64xi32, #tpu.memory_space<hbm>>
      %dma_wait3A_150 = tpu.memref_squeeze %dma_wait3A_149 : memref<1x1x32x64xi32, #tpu.memory_space<hbm>> -> memref<32x64xi32, #tpu.memory_space<hbm>>
      tpu.wait_dma2 semaphore(%run_scoped3A_118 : memref<!tpu.dma_semaphore, #tpu.memory_space<semaphore_mem>>) src(%dma_wait3A_150 : memref<32x64xi32, #tpu.memory_space<hbm>>) dst(%dma_wait3A_146 : memref<32x64xi32, #tpu.memory_space<vmem>>)
      tpu.yield
    }) : () -> ()
    %run_scoped3A_0 = arith.constant 0 : i32
    "tpu.region"() ({
      %run_scoped3A_118 = tpu.sem_alloc : memref<!tpu.dma_semaphore, #tpu.memory_space<semaphore_mem>>
      %dma_start3A_119 = arith.constant 0 : i32
      %dma_start3A_120 = arith.constant 0 : i32
      %dma_start3A_121 = tpu.memref_slice %arg7[%run_scoped3A_0, %dma_start3A_119, %dma_start3A_120] : memref<2x32x64xi32, #tpu.memory_space<vmem>> -> memref<1x32x64xi32, #tpu.memory_space<vmem>>
      %dma_start3A_122 = tpu.memref_squeeze %dma_start3A_121 : memref<1x32x64xi32, #tpu.memory_space<vmem>> -> memref<32x64xi32, #tpu.memory_space<vmem>>
      %dma_start3A_123 = arith.constant 0 : i32
      %dma_start3A_124 = arith.constant 0 : i32
      %dma_start3A_125 = tpu.memref_slice %arg4[%arg0, %arg1, %dma_start3A_123, %dma_start3A_124] : memref<2x16x160x64xi32, #tpu.memory_space<hbm>> -> memref<1x1x32x64xi32, #tpu.memory_space<hbm>>
      %dma_start3A_126 = tpu.memref_squeeze %dma_start3A_125 : memref<1x1x32x64xi32, #tpu.memory_space<hbm>> -> memref<32x64xi32, #tpu.memory_space<hbm>>
      %dma_start3A_127 = arith.constant 0 : i32
      %dma_start3A_128 = arith.constant 0 : i32
      %dma_start3A_129 = tpu.memref_slice %arg7[%run_scoped3A_0, %dma_start3A_127, %dma_start3A_128] : memref<2x32x64xi32, #tpu.memory_space<vmem>> -> memref<1x32x64xi32, #tpu.memory_space<vmem>>
      %dma_start3A_130 = tpu.memref_squeeze %dma_start3A_129 : memref<1x32x64xi32, #tpu.memory_space<vmem>> -> memref<32x64xi32, #tpu.memory_space<vmem>>
      %dma_start3A_131 = arith.constant 0 : i32
      %dma_start3A_132 = arith.constant 0 : i32
      %dma_start3A_133 = tpu.memref_slice %arg4[%arg0, %arg1, %dma_start3A_131, %dma_start3A_132] : memref<2x16x160x64xi32, #tpu.memory_space<hbm>> -> memref<1x1x32x64xi32, #tpu.memory_space<hbm>>
      %dma_start3A_134 = tpu.memref_squeeze %dma_start3A_133 : memref<1x1x32x64xi32, #tpu.memory_space<hbm>> -> memref<32x64xi32, #tpu.memory_space<hbm>>
      tpu.enqueue_dma source(%dma_start3A_134 : memref<32x64xi32, #tpu.memory_space<hbm>>) target(%dma_start3A_130 : memref<32x64xi32, #tpu.memory_space<vmem>>) target_semaphore(%run_scoped3A_118 : memref<!tpu.dma_semaphore, #tpu.memory_space<semaphore_mem>>)
      %dma_wait3A_135 = arith.constant 0 : i32
      %dma_wait3A_136 = arith.constant 0 : i32
      %dma_wait3A_137 = tpu.memref_slice %arg7[%run_scoped3A_0, %dma_wait3A_135, %dma_wait3A_136] : memref<2x32x64xi32, #tpu.memory_space<vmem>> -> memref<1x32x64xi32, #tpu.memory_space<vmem>>
      %dma_wait3A_138 = tpu.memref_squeeze %dma_wait3A_137 : memref<1x32x64xi32, #tpu.memory_space<vmem>> -> memref<32x64xi32, #tpu.memory_space<vmem>>
      %dma_wait3A_139 = arith.constant 0 : i32
      %dma_wait3A_140 = arith.constant 0 : i32
      %dma_wait3A_141 = tpu.memref_slice %arg4[%arg0, %arg1, %dma_wait3A_139, %dma_wait3A_140] : memref<2x16x160x64xi32, #tpu.memory_space<hbm>> -> memref<1x1x32x64xi32, #tpu.memory_space<hbm>>
      %dma_wait3A_142 = tpu.memref_squeeze %dma_wait3A_141 : memref<1x1x32x64xi32, #tpu.memory_space<hbm>> -> memref<32x64xi32, #tpu.memory_space<hbm>>
      %dma_wait3A_143 = arith.constant 0 : i32
      %dma_wait3A_144 = arith.constant 0 : i32
      %dma_wait3A_145 = tpu.memref_slice %arg7[%run_scoped3A_0, %dma_wait3A_143, %dma_wait3A_144] : memref<2x32x64xi32, #tpu.memory_space<vmem>> -> memref<1x32x64xi32, #tpu.memory_space<vmem>>
      %dma_wait3A_146 = tpu.memref_squeeze %dma_wait3A_145 : memref<1x32x64xi32, #tpu.memory_space<vmem>> -> memref<32x64xi32, #tpu.memory_space<vmem>>
      %dma_wait3A_147 = arith.constant 0 : i32
      %dma_wait3A_148 = arith.constant 0 : i32
      %dma_wait3A_149 = tpu.memref_slice %arg4[%arg0, %arg1, %dma_wait3A_147, %dma_wait3A_148] : memref<2x16x160x64xi32, #tpu.memory_space<hbm>> -> memref<1x1x32x64xi32, #tpu.memory_space<hbm>>
      %dma_wait3A_150 = tpu.memref_squeeze %dma_wait3A_149 : memref<1x1x32x64xi32, #tpu.memory_space<hbm>> -> memref<32x64xi32, #tpu.memory_space<hbm>>
      tpu.wait_dma2 semaphore(%run_scoped3A_118 : memref<!tpu.dma_semaphore, #tpu.memory_space<semaphore_mem>>) src(%dma_wait3A_150 : memref<32x64xi32, #tpu.memory_space<hbm>>) dst(%dma_wait3A_146 : memref<32x64xi32, #tpu.memory_space<vmem>>)
      tpu.yield
    }) : () -> ()
    %dma_start3A = arith.constant 0 : i32
    %dma_start3A_1 = arith.constant 0 : i32
    %dma_start3A_2 = arith.constant 0 : i32
    %dma_start3A_3 = arith.constant 0 : i32
    %dma_start3A_4 = arith.constant 0 : i32
    %dma_start3A_5 = tpu.memref_slice %arg8[%dma_start3A_2, %dma_start3A_3, %dma_start3A_4] : memref<4x64x128xf32, #tpu.memory_space<vmem>> -> memref<1x64x128xf32, #tpu.memory_space<vmem>>
    %dma_start3A_6 = tpu.memref_squeeze %dma_start3A_5 : memref<1x64x128xf32, #tpu.memory_space<vmem>> -> memref<64x128xf32, #tpu.memory_space<vmem>>
    %dma_start3A_7 = arith.constant 0 : i32
    %dma_start3A_8 = tpu.memref_slice %arg6[%dma_start3A, %dma_start3A_1, %dma_start3A_7] : memref<2x32x64xi32, #tpu.memory_space<vmem>> -> memref<1x1x64xi32, #tpu.memory_space<vmem>>
    %dma_start3A_9 = tpu.memref_squeeze %dma_start3A_8 : memref<1x1x64xi32, #tpu.memory_space<vmem>> -> memref<64xi32, #tpu.memory_space<vmem>>
    %dma_start3A_10 = arith.constant 0 : i32
    %dma_start3A_11 = arith.constant 0 : i32
    %dma_start3A_12 = tpu.memref_slice %arg2[%dma_start3A_10, %dma_start3A_11] : memref<10000x128xf32, #tpu.memory_space<hbm>> -> memref<10000x128xf32, #tpu.memory_space<hbm>>
    tpu.enqueue_indirect_dma source(%dma_start3A_12 : memref<10000x128xf32, #tpu.memory_space<hbm>>) target(%dma_start3A_6 : memref<64x128xf32, #tpu.memory_space<vmem>>) offsets(%dma_start3A_9 : memref<64xi32, #tpu.memory_space<vmem>>) semaphore(%arg10 : memref<!tpu.dma_semaphore, #tpu.memory_space<semaphore_mem>>)
    %dma_start3A_13 = arith.constant 0 : i32
    %dma_start3A_14 = arith.constant 1 : i32
    %dma_start3A_15 = arith.constant 1 : i32
    %dma_start3A_16 = arith.constant 0 : i32
    %dma_start3A_17 = arith.constant 0 : i32
    %dma_start3A_18 = tpu.memref_slice %arg8[%dma_start3A_15, %dma_start3A_16, %dma_start3A_17] : memref<4x64x128xf32, #tpu.memory_space<vmem>> -> memref<1x64x128xf32, #tpu.memory_space<vmem>>
    %dma_start3A_19 = tpu.memref_squeeze %dma_start3A_18 : memref<1x64x128xf32, #tpu.memory_space<vmem>> -> memref<64x128xf32, #tpu.memory_space<vmem>>
    %dma_start3A_20 = arith.constant 0 : i32
    %dma_start3A_21 = tpu.memref_slice %arg6[%dma_start3A_13, %dma_start3A_14, %dma_start3A_20] : memref<2x32x64xi32, #tpu.memory_space<vmem>> -> memref<1x1x64xi32, #tpu.memory_space<vmem>>
    %dma_start3A_22 = tpu.memref_squeeze %dma_start3A_21 : memref<1x1x64xi32, #tpu.memory_space<vmem>> -> memref<64xi32, #tpu.memory_space<vmem>>
    %dma_start3A_23 = arith.constant 0 : i32
    %dma_start3A_24 = arith.constant 0 : i32
    %dma_start3A_25 = tpu.memref_slice %arg2[%dma_start3A_23, %dma_start3A_24] : memref<10000x128xf32, #tpu.memory_space<hbm>> -> memref<10000x128xf32, #tpu.memory_space<hbm>>
    tpu.enqueue_indirect_dma source(%dma_start3A_25 : memref<10000x128xf32, #tpu.memory_space<hbm>>) target(%dma_start3A_19 : memref<64x128xf32, #tpu.memory_space<vmem>>) offsets(%dma_start3A_22 : memref<64xi32, #tpu.memory_space<vmem>>) semaphore(%arg10 : memref<!tpu.dma_semaphore, #tpu.memory_space<semaphore_mem>>)
    %dma_start3A_26 = arith.constant 0 : i32
    %dma_start3A_27 = arith.constant 2 : i32
    %dma_start3A_28 = arith.constant 2 : i32
    %dma_start3A_29 = arith.constant 0 : i32
    %dma_start3A_30 = arith.constant 0 : i32
    %dma_start3A_31 = tpu.memref_slice %arg8[%dma_start3A_28, %dma_start3A_29, %dma_start3A_30] : memref<4x64x128xf32, #tpu.memory_space<vmem>> -> memref<1x64x128xf32, #tpu.memory_space<vmem>>
    %dma_start3A_32 = tpu.memref_squeeze %dma_start3A_31 : memref<1x64x128xf32, #tpu.memory_space<vmem>> -> memref<64x128xf32, #tpu.memory_space<vmem>>
    %dma_start3A_33 = arith.constant 0 : i32
    %dma_start3A_34 = tpu.memref_slice %arg6[%dma_start3A_26, %dma_start3A_27, %dma_start3A_33] : memref<2x32x64xi32, #tpu.memory_space<vmem>> -> memref<1x1x64xi32, #tpu.memory_space<vmem>>
    %dma_start3A_35 = tpu.memref_squeeze %dma_start3A_34 : memref<1x1x64xi32, #tpu.memory_space<vmem>> -> memref<64xi32, #tpu.memory_space<vmem>>
    %dma_start3A_36 = arith.constant 0 : i32
    %dma_start3A_37 = arith.constant 0 : i32
    %dma_start3A_38 = tpu.memref_slice %arg2[%dma_start3A_36, %dma_start3A_37] : memref<10000x128xf32, #tpu.memory_space<hbm>> -> memref<10000x128xf32, #tpu.memory_space<hbm>>
    tpu.enqueue_indirect_dma source(%dma_start3A_38 : memref<10000x128xf32, #tpu.memory_space<hbm>>) target(%dma_start3A_32 : memref<64x128xf32, #tpu.memory_space<vmem>>) offsets(%dma_start3A_35 : memref<64xi32, #tpu.memory_space<vmem>>) semaphore(%arg10 : memref<!tpu.dma_semaphore, #tpu.memory_space<semaphore_mem>>)
    %broadcast_in_dim3A = arith.constant 0.000000e+00 : f32
    %broadcast_in_dim3A_39 = vector.broadcast %broadcast_in_dim3A : f32 to vector<16xf32>
    %scan3A = arith.constant 0 : i32
    %scan3A_40 = arith.constant 0 : i32
    %scan3A_41 = arith.constant 512 : i32
    %scan3A_42 = arith.addi %scan3A_40, %scan3A_41 : i32
    %scan3A_43 = arith.constant 1 : i32
    %scan3A_44 = scf.for %scan3A_118 = %scan3A_40 to %scan3A_42 step %scan3A_43 iter_args(%scan3A_119 = %scan3A) -> (i32)  : i32 {
      %jit3A = arith.constant 8 : i32
      %div3A = arith.divsi %scan3A_118, %jit3A : i32
      %sign3A = arith.constant 0 : i32
      %sign3A_120 = arith.cmpi sgt, %scan3A_118, %sign3A : i32
      %sign3A_121 = arith.extui %sign3A_120 : i1 to i32
      %sign3A_122 = arith.constant 0 : i32
      %sign3A_123 = arith.cmpi slt, %scan3A_118, %sign3A_122 : i32
      %sign3A_124 = arith.extui %sign3A_123 : i1 to i32
      %sign3A_125 = arith.subi %sign3A_121, %sign3A_124 : i32
      %sign3A_126 = arith.constant 0 : i32
      %sign3A_127 = arith.cmpi sgt, %jit3A, %sign3A_126 : i32
      %sign3A_128 = arith.extui %sign3A_127 : i1 to i32
      %sign3A_129 = arith.constant 0 : i32
      %sign3A_130 = arith.cmpi slt, %jit3A, %sign3A_129 : i32
      %sign3A_131 = arith.extui %sign3A_130 : i1 to i32
      %sign3A_132 = arith.subi %sign3A_128, %sign3A_131 : i32
      %ne3A = arith.cmpi ne, %sign3A_125, %sign3A_132 : i32
      %rem3A = arith.remsi %scan3A_118, %jit3A : i32
      %ne3A_133 = arith.constant 0 : i32
      %ne3A_134 = arith.cmpi ne, %rem3A, %ne3A_133 : i32
      %and3A = arith.andi %ne3A, %ne3A_134 : i1
      %sub3A = arith.constant 1 : i32
      %sub3A_135 = arith.subi %div3A, %sub3A : i32
      %select_n3A = arith.select %and3A, %sub3A_135, %div3A : i32
      %jit3A_136 = arith.constant 8 : i32
      %eq3A = arith.constant 0 : i32
      %eq3A_137 = arith.cmpi eq, %jit3A_136, %eq3A : i32
      %jit3A_138 = arith.constant 1 : i32
      %select_n3A_139 = arith.select %eq3A_137, %jit3A_138, %jit3A_136 : i32
      %rem3A_140 = arith.remsi %scan3A_118, %select_n3A_139 : i32
      %ne3A_141 = arith.constant 0 : i32
      %ne3A_142 = arith.cmpi ne, %rem3A_140, %ne3A_141 : i32
      %lt3A = arith.constant 0 : i32
      %lt3A_143 = arith.cmpi slt, %rem3A_140, %lt3A : i32
      %lt3A_144 = arith.constant 0 : i32
      %lt3A_145 = arith.cmpi slt, %select_n3A_139, %lt3A_144 : i32
      %ne3A_146 = arith.xori %lt3A_143, %lt3A_145 : i1
      %and3A_147 = arith.andi %ne3A_146, %ne3A_142 : i1
      %add3A_148 = arith.addi %rem3A_140, %select_n3A_139 : i32
      %select_n3A_149 = arith.select %and3A_147, %add3A_148, %rem3A_140 : i32
      %mul3A_150 = arith.constant 16 : i32
      %mul3A_151 = arith.muli %select_n3A_149, %mul3A_150 : i32
      %swap3A = arith.constant 3 : i32
      %swap3A_152 = arith.index_cast %swap3A : i32 to index
      %swap3A_153 = arith.index_cast %select_n3A : i32 to index
      %swap3A_154 = arith.index_cast %mul3A_151 : i32 to index
      %swap3A_155 = tpu.vector_load %arg8[%swap3A_152, %swap3A_153, %swap3A_154] {strides = array<i32>} : memref<4x64x128xf32, #tpu.memory_space<vmem>>, vector<1x1x16xf32>,
      %swap3A_156 = vector.shape_cast %swap3A_155 : vector<1x1x16xf32> to vector<16xf32>
      %swap3A_157 = vector.shape_cast %broadcast_in_dim3A_39 : vector<16xf32> to vector<1x1x16xf32>
      tpu.vector_store %arg8[%swap3A_152, %swap3A_153, %swap3A_154], %swap3A_157 {strides = array<i32>} : memref<4x64x128xf32, #tpu.memory_space<vmem>>, vector<1x1x16xf32>,
      %scan3A_158 = arith.constant 0 : i32
      scf.yield %scan3A_158 : i32
    }
    %scan3A_45 = arith.constant 512 : i32
    %mul3A = arith.constant 632 : i32
    %mul3A_46 = arith.muli %arg1, %mul3A : i32
    %add3A = arith.constant 0 : i32
    %add3A_47 = arith.addi %mul3A_46, %add3A : i32
    %run_scoped3A_48 = arith.constant 3 : i32
    "tpu.region"() ({
      %run_scoped3A_118 = tpu.sem_alloc : memref<!tpu.dma_semaphore, #tpu.memory_space<semaphore_mem>>
      %dma_start3A_119 = arith.constant 0 : i32
      %dma_start3A_120 = arith.constant 0 : i32
      %dma_start3A_121 = tpu.memref_slice %arg8[%run_scoped3A_48, %dma_start3A_119, %dma_start3A_120] : memref<4x64x128xf32, #tpu.memory_space<vmem>> -> memref<1x64x128xf32, #tpu.memory_space<vmem>>
      %dma_start3A_122 = tpu.memref_squeeze %dma_start3A_121 : memref<1x64x128xf32, #tpu.memory_space<vmem>> -> memref<64x128xf32, #tpu.memory_space<vmem>>
      %dma_start3A_123 = arith.constant 0 : i32
      %dma_start3A_124 = tpu.memref_slice %arg9[%add3A_47, %dma_start3A_123] : memref<10112x128xf32, #tpu.memory_space<vmem_shared>> -> memref<64x128xf32, #tpu.memory_space<vmem_shared>>
      %dma_start3A_125 = arith.constant 0 : i32
      %dma_start3A_126 = tpu.memref_slice %arg9[%add3A_47, %dma_start3A_125] : memref<10112x128xf32, #tpu.memory_space<vmem_shared>> -> memref<64x128xf32, #tpu.memory_space<vmem_shared>>
      %dma_start3A_127 = arith.constant 0 : i32
      %dma_start3A_128 = arith.constant 0 : i32
      %dma_start3A_129 = tpu.memref_slice %arg8[%run_scoped3A_48, %dma_start3A_127, %dma_start3A_128] : memref<4x64x128xf32, #tpu.memory_space<vmem>> -> memref<1x64x128xf32, #tpu.memory_space<vmem>>
      %dma_start3A_130 = tpu.memref_squeeze %dma_start3A_129 : memref<1x64x128xf32, #tpu.memory_space<vmem>> -> memref<64x128xf32, #tpu.memory_space<vmem>>
      tpu.enqueue_dma source(%dma_start3A_130 : memref<64x128xf32, #tpu.memory_space<vmem>>) target(%dma_start3A_126 : memref<64x128xf32, #tpu.memory_space<vmem_shared>>) target_semaphore(%run_scoped3A_118 : memref<!tpu.dma_semaphore, #tpu.memory_space<semaphore_mem>>)
      %dma_wait3A_131 = arith.constant 0 : i32
      %dma_wait3A_132 = arith.constant 0 : i32
      %dma_wait3A_133 = tpu.memref_slice %arg8[%run_scoped3A_48, %dma_wait3A_131, %dma_wait3A_132] : memref<4x64x128xf32, #tpu.memory_space<vmem>> -> memref<1x64x128xf32, #tpu.memory_space<vmem>>
      %dma_wait3A_134 = tpu.memref_squeeze %dma_wait3A_133 : memref<1x64x128xf32, #tpu.memory_space<vmem>> -> memref<64x128xf32, #tpu.memory_space<vmem>>
      %dma_wait3A_135 = arith.constant 0 : i32
      %dma_wait3A_136 = tpu.memref_slice %arg9[%add3A_47, %dma_wait3A_135] : memref<10112x128xf32, #tpu.memory_space<vmem_shared>> -> memref<64x128xf32, #tpu.memory_space<vmem_shared>>
      %dma_wait3A_137 = arith.constant 0 : i32
      %dma_wait3A_138 = tpu.memref_slice %arg9[%add3A_47, %dma_wait3A_137] : memref<10112x128xf32, #tpu.memory_space<vmem_shared>> -> memref<64x128xf32, #tpu.memory_space<vmem_shared>>
      %dma_wait3A_139 = arith.constant 0 : i32
      %dma_wait3A_140 = arith.constant 0 : i32
      %dma_wait3A_141 = tpu.memref_slice %arg8[%run_scoped3A_48, %dma_wait3A_139, %dma_wait3A_140] : memref<4x64x128xf32, #tpu.memory_space<vmem>> -> memref<1x64x128xf32, #tpu.memory_space<vmem>>
      %dma_wait3A_142 = tpu.memref_squeeze %dma_wait3A_141 : memref<1x64x128xf32, #tpu.memory_space<vmem>> -> memref<64x128xf32, #tpu.memory_space<vmem>>
      tpu.wait_dma2 semaphore(%run_scoped3A_118 : memref<!tpu.dma_semaphore, #tpu.memory_space<semaphore_mem>>) src(%dma_wait3A_142 : memref<64x128xf32, #tpu.memory_space<vmem>>) dst(%dma_wait3A_138 : memref<64x128xf32, #tpu.memory_space<vmem_shared>>)
      tpu.yield
    }) : () -> ()
    %mul3A_49 = arith.constant 632 : i32
    %mul3A_50 = arith.muli %arg1, %mul3A_49 : i32
    %add3A_51 = arith.constant 64 : i32
    %add3A_52 = arith.addi %mul3A_50, %add3A_51 : i32
    %run_scoped3A_53 = arith.constant 3 : i32
    "tpu.region"() ({
      %run_scoped3A_118 = tpu.sem_alloc : memref<!tpu.dma_semaphore, #tpu.memory_space<semaphore_mem>>
      %dma_start3A_119 = arith.constant 0 : i32
      %dma_start3A_120 = arith.constant 0 : i32
      %dma_start3A_121 = tpu.memref_slice %arg8[%run_scoped3A_53, %dma_start3A_119, %dma_start3A_120] : memref<4x64x128xf32, #tpu.memory_space<vmem>> -> memref<1x64x128xf32, #tpu.memory_space<vmem>>
      %dma_start3A_122 = tpu.memref_squeeze %dma_start3A_121 : memref<1x64x128xf32, #tpu.memory_space<vmem>> -> memref<64x128xf32, #tpu.memory_space<vmem>>
      %dma_start3A_123 = arith.constant 0 : i32
      %dma_start3A_124 = tpu.memref_slice %arg9[%add3A_52, %dma_start3A_123] : memref<10112x128xf32, #tpu.memory_space<vmem_shared>> -> memref<64x128xf32, #tpu.memory_space<vmem_shared>>
      %dma_start3A_125 = arith.constant 0 : i32
      %dma_start3A_126 = tpu.memref_slice %arg9[%add3A_52, %dma_start3A_125] : memref<10112x128xf32, #tpu.memory_space<vmem_shared>> -> memref<64x128xf32, #tpu.memory_space<vmem_shared>>
      %dma_start3A_127 = arith.constant 0 : i32
      %dma_start3A_128 = arith.constant 0 : i32
      %dma_start3A_129 = tpu.memref_slice %arg8[%run_scoped3A_53, %dma_start3A_127, %dma_start3A_128] : memref<4x64x128xf32, #tpu.memory_space<vmem>> -> memref<1x64x128xf32, #tpu.memory_space<vmem>>
      %dma_start3A_130 = tpu.memref_squeeze %dma_start3A_129 : memref<1x64x128xf32, #tpu.memory_space<vmem>> -> memref<64x128xf32, #tpu.memory_space<vmem>>
      tpu.enqueue_dma source(%dma_start3A_130 : memref<64x128xf32, #tpu.memory_space<vmem>>) target(%dma_start3A_126 : memref<64x128xf32, #tpu.memory_space<vmem_shared>>) target_semaphore(%run_scoped3A_118 : memref<!tpu.dma_semaphore, #tpu.memory_space<semaphore_mem>>)
      %dma_wait3A_131 = arith.constant 0 : i32
      %dma_wait3A_132 = arith.constant 0 : i32
      %dma_wait3A_133 = tpu.memref_slice %arg8[%run_scoped3A_53, %dma_wait3A_131, %dma_wait3A_132] : memref<4x64x128xf32, #tpu.memory_space<vmem>> -> memref<1x64x128xf32, #tpu.memory_space<vmem>>
      %dma_wait3A_134 = tpu.memref_squeeze %dma_wait3A_133 : memref<1x64x128xf32, #tpu.memory_space<vmem>> -> memref<64x128xf32, #tpu.memory_space<vmem>>
      %dma_wait3A_135 = arith.constant 0 : i32
      %dma_wait3A_136 = tpu.memref_slice %arg9[%add3A_52, %dma_wait3A_135] : memref<10112x128xf32, #tpu.memory_space<vmem_shared>> -> memref<64x128xf32, #tpu.memory_space<vmem_shared>>
      %dma_wait3A_137 = arith.constant 0 : i32
      %dma_wait3A_138 = tpu.memref_slice %arg9[%add3A_52, %dma_wait3A_137] : memref<10112x128xf32, #tpu.memory_space<vmem_shared>> -> memref<64x128xf32, #tpu.memory_space<vmem_shared>>
      %dma_wait3A_139 = arith.constant 0 : i32
      %dma_wait3A_140 = arith.constant 0 : i32
      %dma_wait3A_141 = tpu.memref_slice %arg8[%run_scoped3A_53, %dma_wait3A_139, %dma_wait3A_140] : memref<4x64x128xf32, #tpu.memory_space<vmem>> -> memref<1x64x128xf32, #tpu.memory_space<vmem>>
      %dma_wait3A_142 = tpu.memref_squeeze %dma_wait3A_141 : memref<1x64x128xf32, #tpu.memory_space<vmem>> -> memref<64x128xf32, #tpu.memory_space<vmem>>
      tpu.wait_dma2 semaphore(%run_scoped3A_118 : memref<!tpu.dma_semaphore, #tpu.memory_space<semaphore_mem>>) src(%dma_wait3A_142 : memref<64x128xf32, #tpu.memory_space<vmem>>) dst(%dma_wait3A_138 : memref<64x128xf32, #tpu.memory_space<vmem_shared>>)
      tpu.yield
    }) : () -> ()
    %mul3A_54 = arith.constant 632 : i32
    %mul3A_55 = arith.muli %arg1, %mul3A_54 : i32
    %add3A_56 = arith.constant 128 : i32
    %add3A_57 = arith.addi %mul3A_55, %add3A_56 : i32
    %run_scoped3A_58 = arith.constant 3 : i32
    "tpu.region"() ({
      %run_scoped3A_118 = tpu.sem_alloc : memref<!tpu.dma_semaphore, #tpu.memory_space<semaphore_mem>>
      %dma_start3A_119 = arith.constant 0 : i32
      %dma_start3A_120 = arith.constant 0 : i32
      %dma_start3A_121 = tpu.memref_slice %arg8[%run_scoped3A_58, %dma_start3A_119, %dma_start3A_120] : memref<4x64x128xf32, #tpu.memory_space<vmem>> -> memref<1x64x128xf32, #tpu.memory_space<vmem>>
      %dma_start3A_122 = tpu.memref_squeeze %dma_start3A_121 : memref<1x64x128xf32, #tpu.memory_space<vmem>> -> memref<64x128xf32, #tpu.memory_space<vmem>>
      %dma_start3A_123 = arith.constant 0 : i32
      %dma_start3A_124 = tpu.memref_slice %arg9[%add3A_57, %dma_start3A_123] : memref<10112x128xf32, #tpu.memory_space<vmem_shared>> -> memref<64x128xf32, #tpu.memory_space<vmem_shared>>
      %dma_start3A_125 = arith.constant 0 : i32
      %dma_start3A_126 = tpu.memref_slice %arg9[%add3A_57, %dma_start3A_125] : memref<10112x128xf32, #tpu.memory_space<vmem_shared>> -> memref<64x128xf32, #tpu.memory_space<vmem_shared>>
      %dma_start3A_127 = arith.constant 0 : i32
      %dma_start3A_128 = arith.constant 0 : i32
      %dma_start3A_129 = tpu.memref_slice %arg8[%run_scoped3A_58, %dma_start3A_127, %dma_start3A_128] : memref<4x64x128xf32, #tpu.memory_space<vmem>> -> memref<1x64x128xf32, #tpu.memory_space<vmem>>
      %dma_start3A_130 = tpu.memref_squeeze %dma_start3A_129 : memref<1x64x128xf32, #tpu.memory_space<vmem>> -> memref<64x128xf32, #tpu.memory_space<vmem>>
      tpu.enqueue_dma source(%dma_start3A_130 : memref<64x128xf32, #tpu.memory_space<vmem>>) target(%dma_start3A_126 : memref<64x128xf32, #tpu.memory_space<vmem_shared>>) target_semaphore(%run_scoped3A_118 : memref<!tpu.dma_semaphore, #tpu.memory_space<semaphore_mem>>)
      %dma_wait3A_131 = arith.constant 0 : i32
      %dma_wait3A_132 = arith.constant 0 : i32
      %dma_wait3A_133 = tpu.memref_slice %arg8[%run_scoped3A_58, %dma_wait3A_131, %dma_wait3A_132] : memref<4x64x128xf32, #tpu.memory_space<vmem>> -> memref<1x64x128xf32, #tpu.memory_space<vmem>>
      %dma_wait3A_134 = tpu.memref_squeeze %dma_wait3A_133 : memref<1x64x128xf32, #tpu.memory_space<vmem>> -> memref<64x128xf32, #tpu.memory_space<vmem>>
      %dma_wait3A_135 = arith.constant 0 : i32
      %dma_wait3A_136 = tpu.memref_slice %arg9[%add3A_57, %dma_wait3A_135] : memref<10112x128xf32, #tpu.memory_space<vmem_shared>> -> memref<64x128xf32, #tpu.memory_space<vmem_shared>>
      %dma_wait3A_137 = arith.constant 0 : i32
      %dma_wait3A_138 = tpu.memref_slice %arg9[%add3A_57, %dma_wait3A_137] : memref<10112x128xf32, #tpu.memory_space<vmem_shared>> -> memref<64x128xf32, #tpu.memory_space<vmem_shared>>
      %dma_wait3A_139 = arith.constant 0 : i32
      %dma_wait3A_140 = arith.constant 0 : i32
      %dma_wait3A_141 = tpu.memref_slice %arg8[%run_scoped3A_58, %dma_wait3A_139, %dma_wait3A_140] : memref<4x64x128xf32, #tpu.memory_space<vmem>> -> memref<1x64x128xf32, #tpu.memory_space<vmem>>
      %dma_wait3A_142 = tpu.memref_squeeze %dma_wait3A_141 : memref<1x64x128xf32, #tpu.memory_space<vmem>> -> memref<64x128xf32, #tpu.memory_space<vmem>>
      tpu.wait_dma2 semaphore(%run_scoped3A_118 : memref<!tpu.dma_semaphore, #tpu.memory_space<semaphore_mem>>) src(%dma_wait3A_142 : memref<64x128xf32, #tpu.memory_space<vmem>>) dst(%dma_wait3A_138 : memref<64x128xf32, #tpu.memory_space<vmem_shared>>)
      tpu.yield
    }) : () -> ()
    %mul3A_59 = arith.constant 632 : i32
    %mul3A_60 = arith.muli %arg1, %mul3A_59 : i32
    %add3A_61 = arith.constant 192 : i32
    %add3A_62 = arith.addi %mul3A_60, %add3A_61 : i32
    %run_scoped3A_63 = arith.constant 3 : i32
    "tpu.region"() ({
      %run_scoped3A_118 = tpu.sem_alloc : memref<!tpu.dma_semaphore, #tpu.memory_space<semaphore_mem>>
      %dma_start3A_119 = arith.constant 0 : i32
      %dma_start3A_120 = arith.constant 0 : i32
      %dma_start3A_121 = tpu.memref_slice %arg8[%run_scoped3A_63, %dma_start3A_119, %dma_start3A_120] : memref<4x64x128xf32, #tpu.memory_space<vmem>> -> memref<1x64x128xf32, #tpu.memory_space<vmem>>
      %dma_start3A_122 = tpu.memref_squeeze %dma_start3A_121 : memref<1x64x128xf32, #tpu.memory_space<vmem>> -> memref<64x128xf32, #tpu.memory_space<vmem>>
      %dma_start3A_123 = arith.constant 0 : i32
      %dma_start3A_124 = tpu.memref_slice %arg9[%add3A_62, %dma_start3A_123] : memref<10112x128xf32, #tpu.memory_space<vmem_shared>> -> memref<64x128xf32, #tpu.memory_space<vmem_shared>>
      %dma_start3A_125 = arith.constant 0 : i32
      %dma_start3A_126 = tpu.memref_slice %arg9[%add3A_62, %dma_start3A_125] : memref<10112x128xf32, #tpu.memory_space<vmem_shared>> -> memref<64x128xf32, #tpu.memory_space<vmem_shared>>
      %dma_start3A_127 = arith.constant 0 : i32
      %dma_start3A_128 = arith.constant 0 : i32
      %dma_start3A_129 = tpu.memref_slice %arg8[%run_scoped3A_63, %dma_start3A_127, %dma_start3A_128] : memref<4x64x128xf32, #tpu.memory_space<vmem>> -> memref<1x64x128xf32, #tpu.memory_space<vmem>>
      %dma_start3A_130 = tpu.memref_squeeze %dma_start3A_129 : memref<1x64x128xf32, #tpu.memory_space<vmem>> -> memref<64x128xf32, #tpu.memory_space<vmem>>
      tpu.enqueue_dma source(%dma_start3A_130 : memref<64x128xf32, #tpu.memory_space<vmem>>) target(%dma_start3A_126 : memref<64x128xf32, #tpu.memory_space<vmem_shared>>) target_semaphore(%run_scoped3A_118 : memref<!tpu.dma_semaphore, #tpu.memory_space<semaphore_mem>>)
      %dma_wait3A_131 = arith.constant 0 : i32
      %dma_wait3A_132 = arith.constant 0 : i32
      %dma_wait3A_133 = tpu.memref_slice %arg8[%run_scoped3A_63, %dma_wait3A_131, %dma_wait3A_132] : memref<4x64x128xf32, #tpu.memory_space<vmem>> -> memref<1x64x128xf32, #tpu.memory_space<vmem>>
      %dma_wait3A_134 = tpu.memref_squeeze %dma_wait3A_133 : memref<1x64x128xf32, #tpu.memory_space<vmem>> -> memref<64x128xf32, #tpu.memory_space<vmem>>
      %dma_wait3A_135 = arith.constant 0 : i32
      %dma_wait3A_136 = tpu.memref_slice %arg9[%add3A_62, %dma_wait3A_135] : memref<10112x128xf32, #tpu.memory_space<vmem_shared>> -> memref<64x128xf32, #tpu.memory_space<vmem_shared>>
      %dma_wait3A_137 = arith.constant 0 : i32
      %dma_wait3A_138 = tpu.memref_slice %arg9[%add3A_62, %dma_wait3A_137] : memref<10112x128xf32, #tpu.memory_space<vmem_shared>> -> memref<64x128xf32, #tpu.memory_space<vmem_shared>>
      %dma_wait3A_139 = arith.constant 0 : i32
      %dma_wait3A_140 = arith.constant 0 : i32
      %dma_wait3A_141 = tpu.memref_slice %arg8[%run_scoped3A_63, %dma_wait3A_139, %dma_wait3A_140] : memref<4x64x128xf32, #tpu.memory_space<vmem>> -> memref<1x64x128xf32, #tpu.memory_space<vmem>>
      %dma_wait3A_142 = tpu.memref_squeeze %dma_wait3A_141 : memref<1x64x128xf32, #tpu.memory_space<vmem>> -> memref<64x128xf32, #tpu.memory_space<vmem>>
      tpu.wait_dma2 semaphore(%run_scoped3A_118 : memref<!tpu.dma_semaphore, #tpu.memory_space<semaphore_mem>>) src(%dma_wait3A_142 : memref<64x128xf32, #tpu.memory_space<vmem>>) dst(%dma_wait3A_138 : memref<64x128xf32, #tpu.memory_space<vmem_shared>>)
      tpu.yield
    }) : () -> ()
    %mul3A_64 = arith.constant 632 : i32
    %mul3A_65 = arith.muli %arg1, %mul3A_64 : i32
    %add3A_66 = arith.constant 256 : i32
    %add3A_67 = arith.addi %mul3A_65, %add3A_66 : i32
    %run_scoped3A_68 = arith.constant 3 : i32
    "tpu.region"() ({
      %run_scoped3A_118 = tpu.sem_alloc : memref<!tpu.dma_semaphore, #tpu.memory_space<semaphore_mem>>
      %dma_start3A_119 = arith.constant 0 : i32
      %dma_start3A_120 = arith.constant 0 : i32
      %dma_start3A_121 = tpu.memref_slice %arg8[%run_scoped3A_68, %dma_start3A_119, %dma_start3A_120] : memref<4x64x128xf32, #tpu.memory_space<vmem>> -> memref<1x64x128xf32, #tpu.memory_space<vmem>>
      %dma_start3A_122 = tpu.memref_squeeze %dma_start3A_121 : memref<1x64x128xf32, #tpu.memory_space<vmem>> -> memref<64x128xf32, #tpu.memory_space<vmem>>
      %dma_start3A_123 = arith.constant 0 : i32
      %dma_start3A_124 = tpu.memref_slice %arg9[%add3A_67, %dma_start3A_123] : memref<10112x128xf32, #tpu.memory_space<vmem_shared>> -> memref<64x128xf32, #tpu.memory_space<vmem_shared>>
      %dma_start3A_125 = arith.constant 0 : i32
      %dma_start3A_126 = tpu.memref_slice %arg9[%add3A_67, %dma_start3A_125] : memref<10112x128xf32, #tpu.memory_space<vmem_shared>> -> memref<64x128xf32, #tpu.memory_space<vmem_shared>>
      %dma_start3A_127 = arith.constant 0 : i32
      %dma_start3A_128 = arith.constant 0 : i32
      %dma_start3A_129 = tpu.memref_slice %arg8[%run_scoped3A_68, %dma_start3A_127, %dma_start3A_128] : memref<4x64x128xf32, #tpu.memory_space<vmem>> -> memref<1x64x128xf32, #tpu.memory_space<vmem>>
      %dma_start3A_130 = tpu.memref_squeeze %dma_start3A_129 : memref<1x64x128xf32, #tpu.memory_space<vmem>> -> memref<64x128xf32, #tpu.memory_space<vmem>>
      tpu.enqueue_dma source(%dma_start3A_130 : memref<64x128xf32, #tpu.memory_space<vmem>>) target(%dma_start3A_126 : memref<64x128xf32, #tpu.memory_space<vmem_shared>>) target_semaphore(%run_scoped3A_118 : memref<!tpu.dma_semaphore, #tpu.memory_space<semaphore_mem>>)
      %dma_wait3A_131 = arith.constant 0 : i32
      %dma_wait3A_132 = arith.constant 0 : i32
      %dma_wait3A_133 = tpu.memref_slice %arg8[%run_scoped3A_68, %dma_wait3A_131, %dma_wait3A_132] : memref<4x64x128xf32, #tpu.memory_space<vmem>> -> memref<1x64x128xf32, #tpu.memory_space<vmem>>
      %dma_wait3A_134 = tpu.memref_squeeze %dma_wait3A_133 : memref<1x64x128xf32, #tpu.memory_space<vmem>> -> memref<64x128xf32, #tpu.memory_space<vmem>>
      %dma_wait3A_135 = arith.constant 0 : i32
      %dma_wait3A_136 = tpu.memref_slice %arg9[%add3A_67, %dma_wait3A_135] : memref<10112x128xf32, #tpu.memory_space<vmem_shared>> -> memref<64x128xf32, #tpu.memory_space<vmem_shared>>
      %dma_wait3A_137 = arith.constant 0 : i32
      %dma_wait3A_138 = tpu.memref_slice %arg9[%add3A_67, %dma_wait3A_137] : memref<10112x128xf32, #tpu.memory_space<vmem_shared>> -> memref<64x128xf32, #tpu.memory_space<vmem_shared>>
      %dma_wait3A_139 = arith.constant 0 : i32
      %dma_wait3A_140 = arith.constant 0 : i32
      %dma_wait3A_141 = tpu.memref_slice %arg8[%run_scoped3A_68, %dma_wait3A_139, %dma_wait3A_140] : memref<4x64x128xf32, #tpu.memory_space<vmem>> -> memref<1x64x128xf32, #tpu.memory_space<vmem>>
      %dma_wait3A_142 = tpu.memref_squeeze %dma_wait3A_141 : memref<1x64x128xf32, #tpu.memory_space<vmem>> -> memref<64x128xf32, #tpu.memory_space<vmem>>
      tpu.wait_dma2 semaphore(%run_scoped3A_118 : memref<!tpu.dma_semaphore, #tpu.memory_space<semaphore_mem>>) src(%dma_wait3A_142 : memref<64x128xf32, #tpu.memory_space<vmem>>) dst(%dma_wait3A_138 : memref<64x128xf32, #tpu.memory_space<vmem_shared>>)
      tpu.yield
    }) : () -> ()
    %mul3A_69 = arith.constant 632 : i32
    %mul3A_70 = arith.muli %arg1, %mul3A_69 : i32
    %add3A_71 = arith.constant 320 : i32
    %add3A_72 = arith.addi %mul3A_70, %add3A_71 : i32
    %run_scoped3A_73 = arith.constant 3 : i32
    "tpu.region"() ({
      %run_scoped3A_118 = tpu.sem_alloc : memref<!tpu.dma_semaphore, #tpu.memory_space<semaphore_mem>>
      %dma_start3A_119 = arith.constant 0 : i32
      %dma_start3A_120 = arith.constant 0 : i32
      %dma_start3A_121 = tpu.memref_slice %arg8[%run_scoped3A_73, %dma_start3A_119, %dma_start3A_120] : memref<4x64x128xf32, #tpu.memory_space<vmem>> -> memref<1x64x128xf32, #tpu.memory_space<vmem>>
      %dma_start3A_122 = tpu.memref_squeeze %dma_start3A_121 : memref<1x64x128xf32, #tpu.memory_space<vmem>> -> memref<64x128xf32, #tpu.memory_space<vmem>>
      %dma_start3A_123 = arith.constant 0 : i32
      %dma_start3A_124 = tpu.memref_slice %arg9[%add3A_72, %dma_start3A_123] : memref<10112x128xf32, #tpu.memory_space<vmem_shared>> -> memref<64x128xf32, #tpu.memory_space<vmem_shared>>
      %dma_start3A_125 = arith.constant 0 : i32
      %dma_start3A_126 = tpu.memref_slice %arg9[%add3A_72, %dma_start3A_125] : memref<10112x128xf32, #tpu.memory_space<vmem_shared>> -> memref<64x128xf32, #tpu.memory_space<vmem_shared>>
      %dma_start3A_127 = arith.constant 0 : i32
      %dma_start3A_128 = arith.constant 0 : i32
      %dma_start3A_129 = tpu.memref_slice %arg8[%run_scoped3A_73, %dma_start3A_127, %dma_start3A_128] : memref<4x64x128xf32, #tpu.memory_space<vmem>> -> memref<1x64x128xf32, #tpu.memory_space<vmem>>
      %dma_start3A_130 = tpu.memref_squeeze %dma_start3A_129 : memref<1x64x128xf32, #tpu.memory_space<vmem>> -> memref<64x128xf32, #tpu.memory_space<vmem>>
      tpu.enqueue_dma source(%dma_start3A_130 : memref<64x128xf32, #tpu.memory_space<vmem>>) target(%dma_start3A_126 : memref<64x128xf32, #tpu.memory_space<vmem_shared>>) target_semaphore(%run_scoped3A_118 : memref<!tpu.dma_semaphore, #tpu.memory_space<semaphore_mem>>)
      %dma_wait3A_131 = arith.constant 0 : i32
      %dma_wait3A_132 = arith.constant 0 : i32
      %dma_wait3A_133 = tpu.memref_slice %arg8[%run_scoped3A_73, %dma_wait3A_131, %dma_wait3A_132] : memref<4x64x128xf32, #tpu.memory_space<vmem>> -> memref<1x64x128xf32, #tpu.memory_space<vmem>>
      %dma_wait3A_134 = tpu.memref_squeeze %dma_wait3A_133 : memref<1x64x128xf32, #tpu.memory_space<vmem>> -> memref<64x128xf32, #tpu.memory_space<vmem>>
      %dma_wait3A_135 = arith.constant 0 : i32
      %dma_wait3A_136 = tpu.memref_slice %arg9[%add3A_72, %dma_wait3A_135] : memref<10112x128xf32, #tpu.memory_space<vmem_shared>> -> memref<64x128xf32, #tpu.memory_space<vmem_shared>>
      %dma_wait3A_137 = arith.constant 0 : i32
      %dma_wait3A_138 = tpu.memref_slice %arg9[%add3A_72, %dma_wait3A_137] : memref<10112x128xf32, #tpu.memory_space<vmem_shared>> -> memref<64x128xf32, #tpu.memory_space<vmem_shared>>
      %dma_wait3A_139 = arith.constant 0 : i32
      %dma_wait3A_140 = arith.constant 0 : i32
      %dma_wait3A_141 = tpu.memref_slice %arg8[%run_scoped3A_73, %dma_wait3A_139, %dma_wait3A_140] : memref<4x64x128xf32, #tpu.memory_space<vmem>> -> memref<1x64x128xf32, #tpu.memory_space<vmem>>
      %dma_wait3A_142 = tpu.memref_squeeze %dma_wait3A_141 : memref<1x64x128xf32, #tpu.memory_space<vmem>> -> memref<64x128xf32, #tpu.memory_space<vmem>>
      tpu.wait_dma2 semaphore(%run_scoped3A_118 : memref<!tpu.dma_semaphore, #tpu.memory_space<semaphore_mem>>) src(%dma_wait3A_142 : memref<64x128xf32, #tpu.memory_space<vmem>>) dst(%dma_wait3A_138 : memref<64x128xf32, #tpu.memory_space<vmem_shared>>)
      tpu.yield
    }) : () -> ()
    %mul3A_74 = arith.constant 632 : i32
    %mul3A_75 = arith.muli %arg1, %mul3A_74 : i32
    %add3A_76 = arith.constant 384 : i32
    %add3A_77 = arith.addi %mul3A_75, %add3A_76 : i32
    %run_scoped3A_78 = arith.constant 3 : i32
    "tpu.region"() ({
      %run_scoped3A_118 = tpu.sem_alloc : memref<!tpu.dma_semaphore, #tpu.memory_space<semaphore_mem>>
      %dma_start3A_119 = arith.constant 0 : i32
      %dma_start3A_120 = arith.constant 0 : i32
      %dma_start3A_121 = tpu.memref_slice %arg8[%run_scoped3A_78, %dma_start3A_119, %dma_start3A_120] : memref<4x64x128xf32, #tpu.memory_space<vmem>> -> memref<1x64x128xf32, #tpu.memory_space<vmem>>
      %dma_start3A_122 = tpu.memref_squeeze %dma_start3A_121 : memref<1x64x128xf32, #tpu.memory_space<vmem>> -> memref<64x128xf32, #tpu.memory_space<vmem>>
      %dma_start3A_123 = arith.constant 0 : i32
      %dma_start3A_124 = tpu.memref_slice %arg9[%add3A_77, %dma_start3A_123] : memref<10112x128xf32, #tpu.memory_space<vmem_shared>> -> memref<64x128xf32, #tpu.memory_space<vmem_shared>>
      %dma_start3A_125 = arith.constant 0 : i32
      %dma_start3A_126 = tpu.memref_slice %arg9[%add3A_77, %dma_start3A_125] : memref<10112x128xf32, #tpu.memory_space<vmem_shared>> -> memref<64x128xf32, #tpu.memory_space<vmem_shared>>
      %dma_start3A_127 = arith.constant 0 : i32
      %dma_start3A_128 = arith.constant 0 : i32
      %dma_start3A_129 = tpu.memref_slice %arg8[%run_scoped3A_78, %dma_start3A_127, %dma_start3A_128] : memref<4x64x128xf32, #tpu.memory_space<vmem>> -> memref<1x64x128xf32, #tpu.memory_space<vmem>>
      %dma_start3A_130 = tpu.memref_squeeze %dma_start3A_129 : memref<1x64x128xf32, #tpu.memory_space<vmem>> -> memref<64x128xf32, #tpu.memory_space<vmem>>
      tpu.enqueue_dma source(%dma_start3A_130 : memref<64x128xf32, #tpu.memory_space<vmem>>) target(%dma_start3A_126 : memref<64x128xf32, #tpu.memory_space<vmem_shared>>) target_semaphore(%run_scoped3A_118 : memref<!tpu.dma_semaphore, #tpu.memory_space<semaphore_mem>>)
      %dma_wait3A_131 = arith.constant 0 : i32
      %dma_wait3A_132 = arith.constant 0 : i32
      %dma_wait3A_133 = tpu.memref_slice %arg8[%run_scoped3A_78, %dma_wait3A_131, %dma_wait3A_132] : memref<4x64x128xf32, #tpu.memory_space<vmem>> -> memref<1x64x128xf32, #tpu.memory_space<vmem>>
      %dma_wait3A_134 = tpu.memref_squeeze %dma_wait3A_133 : memref<1x64x128xf32, #tpu.memory_space<vmem>> -> memref<64x128xf32, #tpu.memory_space<vmem>>
      %dma_wait3A_135 = arith.constant 0 : i32
      %dma_wait3A_136 = tpu.memref_slice %arg9[%add3A_77, %dma_wait3A_135] : memref<10112x128xf32, #tpu.memory_space<vmem_shared>> -> memref<64x128xf32, #tpu.memory_space<vmem_shared>>
      %dma_wait3A_137 = arith.constant 0 : i32
      %dma_wait3A_138 = tpu.memref_slice %arg9[%add3A_77, %dma_wait3A_137] : memref<10112x128xf32, #tpu.memory_space<vmem_shared>> -> memref<64x128xf32, #tpu.memory_space<vmem_shared>>
      %dma_wait3A_139 = arith.constant 0 : i32
      %dma_wait3A_140 = arith.constant 0 : i32
      %dma_wait3A_141 = tpu.memref_slice %arg8[%run_scoped3A_78, %dma_wait3A_139, %dma_wait3A_140] : memref<4x64x128xf32, #tpu.memory_space<vmem>> -> memref<1x64x128xf32, #tpu.memory_space<vmem>>
      %dma_wait3A_142 = tpu.memref_squeeze %dma_wait3A_141 : memref<1x64x128xf32, #tpu.memory_space<vmem>> -> memref<64x128xf32, #tpu.memory_space<vmem>>
      tpu.wait_dma2 semaphore(%run_scoped3A_118 : memref<!tpu.dma_semaphore, #tpu.memory_space<semaphore_mem>>) src(%dma_wait3A_142 : memref<64x128xf32, #tpu.memory_space<vmem>>) dst(%dma_wait3A_138 : memref<64x128xf32, #tpu.memory_space<vmem_shared>>)
      tpu.yield
    }) : () -> ()
    %mul3A_79 = arith.constant 632 : i32
    %mul3A_80 = arith.muli %arg1, %mul3A_79 : i32
    %add3A_81 = arith.constant 448 : i32
    %add3A_82 = arith.addi %mul3A_80, %add3A_81 : i32
    %run_scoped3A_83 = arith.constant 3 : i32
    "tpu.region"() ({
      %run_scoped3A_118 = tpu.sem_alloc : memref<!tpu.dma_semaphore, #tpu.memory_space<semaphore_mem>>
      %dma_start3A_119 = arith.constant 0 : i32
      %dma_start3A_120 = arith.constant 0 : i32
      %dma_start3A_121 = tpu.memref_slice %arg8[%run_scoped3A_83, %dma_start3A_119, %dma_start3A_120] : memref<4x64x128xf32, #tpu.memory_space<vmem>> -> memref<1x64x128xf32, #tpu.memory_space<vmem>>
      %dma_start3A_122 = tpu.memref_squeeze %dma_start3A_121 : memref<1x64x128xf32, #tpu.memory_space<vmem>> -> memref<64x128xf32, #tpu.memory_space<vmem>>
      %dma_start3A_123 = arith.constant 0 : i32
      %dma_start3A_124 = tpu.memref_slice %arg9[%add3A_82, %dma_start3A_123] : memref<10112x128xf32, #tpu.memory_space<vmem_shared>> -> memref<64x128xf32, #tpu.memory_space<vmem_shared>>
      %dma_start3A_125 = arith.constant 0 : i32
      %dma_start3A_126 = tpu.memref_slice %arg9[%add3A_82, %dma_start3A_125] : memref<10112x128xf32, #tpu.memory_space<vmem_shared>> -> memref<64x128xf32, #tpu.memory_space<vmem_shared>>
      %dma_start3A_127 = arith.constant 0 : i32
      %dma_start3A_128 = arith.constant 0 : i32
      %dma_start3A_129 = tpu.memref_slice %arg8[%run_scoped3A_83, %dma_start3A_127, %dma_start3A_128] : memref<4x64x128xf32, #tpu.memory_space<vmem>> -> memref<1x64x128xf32, #tpu.memory_space<vmem>>
      %dma_start3A_130 = tpu.memref_squeeze %dma_start3A_129 : memref<1x64x128xf32, #tpu.memory_space<vmem>> -> memref<64x128xf32, #tpu.memory_space<vmem>>
      tpu.enqueue_dma source(%dma_start3A_130 : memref<64x128xf32, #tpu.memory_space<vmem>>) target(%dma_start3A_126 : memref<64x128xf32, #tpu.memory_space<vmem_shared>>) target_semaphore(%run_scoped3A_118 : memref<!tpu.dma_semaphore, #tpu.memory_space<semaphore_mem>>)
      %dma_wait3A_131 = arith.constant 0 : i32
      %dma_wait3A_132 = arith.constant 0 : i32
      %dma_wait3A_133 = tpu.memref_slice %arg8[%run_scoped3A_83, %dma_wait3A_131, %dma_wait3A_132] : memref<4x64x128xf32, #tpu.memory_space<vmem>> -> memref<1x64x128xf32, #tpu.memory_space<vmem>>
      %dma_wait3A_134 = tpu.memref_squeeze %dma_wait3A_133 : memref<1x64x128xf32, #tpu.memory_space<vmem>> -> memref<64x128xf32, #tpu.memory_space<vmem>>
      %dma_wait3A_135 = arith.constant 0 : i32
      %dma_wait3A_136 = tpu.memref_slice %arg9[%add3A_82, %dma_wait3A_135] : memref<10112x128xf32, #tpu.memory_space<vmem_shared>> -> memref<64x128xf32, #tpu.memory_space<vmem_shared>>
      %dma_wait3A_137 = arith.constant 0 : i32
      %dma_wait3A_138 = tpu.memref_slice %arg9[%add3A_82, %dma_wait3A_137] : memref<10112x128xf32, #tpu.memory_space<vmem_shared>> -> memref<64x128xf32, #tpu.memory_space<vmem_shared>>
      %dma_wait3A_139 = arith.constant 0 : i32
      %dma_wait3A_140 = arith.constant 0 : i32
      %dma_wait3A_141 = tpu.memref_slice %arg8[%run_scoped3A_83, %dma_wait3A_139, %dma_wait3A_140] : memref<4x64x128xf32, #tpu.memory_space<vmem>> -> memref<1x64x128xf32, #tpu.memory_space<vmem>>
      %dma_wait3A_142 = tpu.memref_squeeze %dma_wait3A_141 : memref<1x64x128xf32, #tpu.memory_space<vmem>> -> memref<64x128xf32, #tpu.memory_space<vmem>>
      tpu.wait_dma2 semaphore(%run_scoped3A_118 : memref<!tpu.dma_semaphore, #tpu.memory_space<semaphore_mem>>) src(%dma_wait3A_142 : memref<64x128xf32, #tpu.memory_space<vmem>>) dst(%dma_wait3A_138 : memref<64x128xf32, #tpu.memory_space<vmem_shared>>)
      tpu.yield
    }) : () -> ()
    %mul3A_84 = arith.constant 632 : i32
    %mul3A_85 = arith.muli %arg1, %mul3A_84 : i32
    %add3A_86 = arith.constant 512 : i32
    %add3A_87 = arith.addi %mul3A_85, %add3A_86 : i32
    %run_scoped3A_88 = arith.constant 3 : i32
    "tpu.region"() ({
      %run_scoped3A_118 = tpu.sem_alloc : memref<!tpu.dma_semaphore, #tpu.memory_space<semaphore_mem>>
      %dma_start3A_119 = arith.constant 0 : i32
      %dma_start3A_120 = arith.constant 0 : i32
      %dma_start3A_121 = tpu.memref_slice %arg8[%run_scoped3A_88, %dma_start3A_119, %dma_start3A_120] : memref<4x64x128xf32, #tpu.memory_space<vmem>> -> memref<1x64x128xf32, #tpu.memory_space<vmem>>
      %dma_start3A_122 = tpu.memref_squeeze %dma_start3A_121 : memref<1x64x128xf32, #tpu.memory_space<vmem>> -> memref<64x128xf32, #tpu.memory_space<vmem>>
      %dma_start3A_123 = arith.constant 0 : i32
      %dma_start3A_124 = tpu.memref_slice %arg9[%add3A_87, %dma_start3A_123] : memref<10112x128xf32, #tpu.memory_space<vmem_shared>> -> memref<64x128xf32, #tpu.memory_space<vmem_shared>>
      %dma_start3A_125 = arith.constant 0 : i32
      %dma_start3A_126 = tpu.memref_slice %arg9[%add3A_87, %dma_start3A_125] : memref<10112x128xf32, #tpu.memory_space<vmem_shared>> -> memref<64x128xf32, #tpu.memory_space<vmem_shared>>
      %dma_start3A_127 = arith.constant 0 : i32
      %dma_start3A_128 = arith.constant 0 : i32
      %dma_start3A_129 = tpu.memref_slice %arg8[%run_scoped3A_88, %dma_start3A_127, %dma_start3A_128] : memref<4x64x128xf32, #tpu.memory_space<vmem>> -> memref<1x64x128xf32, #tpu.memory_space<vmem>>
      %dma_start3A_130 = tpu.memref_squeeze %dma_start3A_129 : memref<1x64x128xf32, #tpu.memory_space<vmem>> -> memref<64x128xf32, #tpu.memory_space<vmem>>
      tpu.enqueue_dma source(%dma_start3A_130 : memref<64x128xf32, #tpu.memory_space<vmem>>) target(%dma_start3A_126 : memref<64x128xf32, #tpu.memory_space<vmem_shared>>) target_semaphore(%run_scoped3A_118 : memref<!tpu.dma_semaphore, #tpu.memory_space<semaphore_mem>>)
      %dma_wait3A_131 = arith.constant 0 : i32
      %dma_wait3A_132 = arith.constant 0 : i32
      %dma_wait3A_133 = tpu.memref_slice %arg8[%run_scoped3A_88, %dma_wait3A_131, %dma_wait3A_132] : memref<4x64x128xf32, #tpu.memory_space<vmem>> -> memref<1x64x128xf32, #tpu.memory_space<vmem>>
      %dma_wait3A_134 = tpu.memref_squeeze %dma_wait3A_133 : memref<1x64x128xf32, #tpu.memory_space<vmem>> -> memref<64x128xf32, #tpu.memory_space<vmem>>
      %dma_wait3A_135 = arith.constant 0 : i32
      %dma_wait3A_136 = tpu.memref_slice %arg9[%add3A_87, %dma_wait3A_135] : memref<10112x128xf32, #tpu.memory_space<vmem_shared>> -> memref<64x128xf32, #tpu.memory_space<vmem_shared>>
      %dma_wait3A_137 = arith.constant 0 : i32
      %dma_wait3A_138 = tpu.memref_slice %arg9[%add3A_87, %dma_wait3A_137] : memref<10112x128xf32, #tpu.memory_space<vmem_shared>> -> memref<64x128xf32, #tpu.memory_space<vmem_shared>>
      %dma_wait3A_139 = arith.constant 0 : i32
      %dma_wait3A_140 = arith.constant 0 : i32
      %dma_wait3A_141 = tpu.memref_slice %arg8[%run_scoped3A_88, %dma_wait3A_139, %dma_wait3A_140] : memref<4x64x128xf32, #tpu.memory_space<vmem>> -> memref<1x64x128xf32, #tpu.memory_space<vmem>>
      %dma_wait3A_142 = tpu.memref_squeeze %dma_wait3A_141 : memref<1x64x128xf32, #tpu.memory_space<vmem>> -> memref<64x128xf32, #tpu.memory_space<vmem>>
      tpu.wait_dma2 semaphore(%run_scoped3A_118 : memref<!tpu.dma_semaphore, #tpu.memory_space<semaphore_mem>>) src(%dma_wait3A_142 : memref<64x128xf32, #tpu.memory_space<vmem>>) dst(%dma_wait3A_138 : memref<64x128xf32, #tpu.memory_space<vmem_shared>>)
      tpu.yield
    }) : () -> ()
    %mul3A_89 = arith.constant 632 : i32
    %mul3A_90 = arith.muli %arg1, %mul3A_89 : i32
    %add3A_91 = arith.constant 576 : i32
    %add3A_92 = arith.addi %mul3A_90, %add3A_91 : i32
    %run_scoped3A_93 = arith.constant 3 : i32
    "tpu.region"() ({
      %run_scoped3A_118 = tpu.sem_alloc : memref<!tpu.dma_semaphore, #tpu.memory_space<semaphore_mem>>
      %dma_start3A_119 = arith.constant 0 : i32
      %dma_start3A_120 = arith.constant 0 : i32
      %dma_start3A_121 = tpu.memref_slice %arg8[%run_scoped3A_93, %dma_start3A_119, %dma_start3A_120] : memref<4x64x128xf32, #tpu.memory_space<vmem>> -> memref<1x56x128xf32, #tpu.memory_space<vmem>>
      %dma_start3A_122 = tpu.memref_squeeze %dma_start3A_121 : memref<1x56x128xf32, #tpu.memory_space<vmem>> -> memref<56x128xf32, #tpu.memory_space<vmem>>
      %dma_start3A_123 = arith.constant 0 : i32
      %dma_start3A_124 = tpu.memref_slice %arg9[%add3A_92, %dma_start3A_123] : memref<10112x128xf32, #tpu.memory_space<vmem_shared>> -> memref<56x128xf32, #tpu.memory_space<vmem_shared>>
      %dma_start3A_125 = arith.constant 0 : i32
      %dma_start3A_126 = tpu.memref_slice %arg9[%add3A_92, %dma_start3A_125] : memref<10112x128xf32, #tpu.memory_space<vmem_shared>> -> memref<56x128xf32, #tpu.memory_space<vmem_shared>>
      %dma_start3A_127 = arith.constant 0 : i32
      %dma_start3A_128 = arith.constant 0 : i32
      %dma_start3A_129 = tpu.memref_slice %arg8[%run_scoped3A_93, %dma_start3A_127, %dma_start3A_128] : memref<4x64x128xf32, #tpu.memory_space<vmem>> -> memref<1x56x128xf32, #tpu.memory_space<vmem>>
      %dma_start3A_130 = tpu.memref_squeeze %dma_start3A_129 : memref<1x56x128xf32, #tpu.memory_space<vmem>> -> memref<56x128xf32, #tpu.memory_space<vmem>>
      tpu.enqueue_dma source(%dma_start3A_130 : memref<56x128xf32, #tpu.memory_space<vmem>>) target(%dma_start3A_126 : memref<56x128xf32, #tpu.memory_space<vmem_shared>>) target_semaphore(%run_scoped3A_118 : memref<!tpu.dma_semaphore, #tpu.memory_space<semaphore_mem>>)
      %dma_wait3A_131 = arith.constant 0 : i32
      %dma_wait3A_132 = arith.constant 0 : i32
      %dma_wait3A_133 = tpu.memref_slice %arg8[%run_scoped3A_93, %dma_wait3A_131, %dma_wait3A_132] : memref<4x64x128xf32, #tpu.memory_space<vmem>> -> memref<1x56x128xf32, #tpu.memory_space<vmem>>
      %dma_wait3A_134 = tpu.memref_squeeze %dma_wait3A_133 : memref<1x56x128xf32, #tpu.memory_space<vmem>> -> memref<56x128xf32, #tpu.memory_space<vmem>>
      %dma_wait3A_135 = arith.constant 0 : i32
      %dma_wait3A_136 = tpu.memref_slice %arg9[%add3A_92, %dma_wait3A_135] : memref<10112x128xf32, #tpu.memory_space<vmem_shared>> -> memref<56x128xf32, #tpu.memory_space<vmem_shared>>
      %dma_wait3A_137 = arith.constant 0 : i32
      %dma_wait3A_138 = tpu.memref_slice %arg9[%add3A_92, %dma_wait3A_137] : memref<10112x128xf32, #tpu.memory_space<vmem_shared>> -> memref<56x128xf32, #tpu.memory_space<vmem_shared>>
      %dma_wait3A_139 = arith.constant 0 : i32
      %dma_wait3A_140 = arith.constant 0 : i32
      %dma_wait3A_141 = tpu.memref_slice %arg8[%run_scoped3A_93, %dma_wait3A_139, %dma_wait3A_140] : memref<4x64x128xf32, #tpu.memory_space<vmem>> -> memref<1x56x128xf32, #tpu.memory_space<vmem>>
      %dma_wait3A_142 = tpu.memref_squeeze %dma_wait3A_141 : memref<1x56x128xf32, #tpu.memory_space<vmem>> -> memref<56x128xf32, #tpu.memory_space<vmem>>
      tpu.wait_dma2 semaphore(%run_scoped3A_118 : memref<!tpu.dma_semaphore, #tpu.memory_space<semaphore_mem>>) src(%dma_wait3A_142 : memref<56x128xf32, #tpu.memory_space<vmem>>) dst(%dma_wait3A_138 : memref<56x128xf32, #tpu.memory_space<vmem_shared>>)
      tpu.yield
    }) : () -> ()
    %barrier3A = arith.constant 0 : index
    tpu.barrier barrier_id(%barrier3A)
    %scan3A_94 = arith.constant 0 : i32
    %scan3A_95 = arith.constant 0 : i32
    %scan3A_96 = arith.constant 160 : i32
    %scan3A_97 = arith.addi %scan3A_95, %scan3A_96 : i32
    %scan3A_98 = arith.constant 1 : i32
    %scan3A_99 = scf.for %scan3A_118 = %scan3A_95 to %scan3A_97 step %scan3A_98 iter_args(%scan3A_119 = %scan3A_94) -> (i32)  : i32 {
      %jit3A = arith.constant 32 : i32
      %div3A = arith.divsi %scan3A_118, %jit3A : i32
      %sign3A = arith.constant 0 : i32
      %sign3A_120 = arith.cmpi sgt, %scan3A_118, %sign3A : i32
      %sign3A_121 = arith.extui %sign3A_120 : i1 to i32
      %sign3A_122 = arith.constant 0 : i32
      %sign3A_123 = arith.cmpi slt, %scan3A_118, %sign3A_122 : i32
      %sign3A_124 = arith.extui %sign3A_123 : i1 to i32
      %sign3A_125 = arith.subi %sign3A_121, %sign3A_124 : i32
      %sign3A_126 = arith.constant 0 : i32
      %sign3A_127 = arith.cmpi sgt, %jit3A, %sign3A_126 : i32
      %sign3A_128 = arith.extui %sign3A_127 : i1 to i32
      %sign3A_129 = arith.constant 0 : i32
      %sign3A_130 = arith.cmpi slt, %jit3A, %sign3A_129 : i32
      %sign3A_131 = arith.extui %sign3A_130 : i1 to i32
      %sign3A_132 = arith.subi %sign3A_128, %sign3A_131 : i32
      %ne3A = arith.cmpi ne, %sign3A_125, %sign3A_132 : i32
      %rem3A = arith.remsi %scan3A_118, %jit3A : i32
      %ne3A_133 = arith.constant 0 : i32
      %ne3A_134 = arith.cmpi ne, %rem3A, %ne3A_133 : i32
      %and3A = arith.andi %ne3A, %ne3A_134 : i1
      %sub3A = arith.constant 1 : i32
      %sub3A_135 = arith.subi %div3A, %sub3A : i32
      %select_n3A = arith.select %and3A, %sub3A_135, %div3A : i32
      %jit3A_136 = arith.constant 2 : i32
      %eq3A = arith.constant 0 : i32
      %eq3A_137 = arith.cmpi eq, %jit3A_136, %eq3A : i32
      %jit3A_138 = arith.constant 1 : i32
      %select_n3A_139 = arith.select %eq3A_137, %jit3A_138, %jit3A_136 : i32
      %rem3A_140 = arith.remsi %select_n3A, %select_n3A_139 : i32
      %ne3A_141 = arith.constant 0 : i32
      %ne3A_142 = arith.cmpi ne, %rem3A_140, %ne3A_141 : i32
      %lt3A = arith.constant 0 : i32
      %lt3A_143 = arith.cmpi slt, %rem3A_140, %lt3A : i32
      %lt3A_144 = arith.constant 0 : i32
      %lt3A_145 = arith.cmpi slt, %select_n3A_139, %lt3A_144 : i32
      %ne3A_146 = arith.xori %lt3A_143, %lt3A_145 : i1
      %and3A_147 = arith.andi %ne3A_146, %ne3A_142 : i1
      %add3A_148 = arith.addi %rem3A_140, %select_n3A_139 : i32
      %select_n3A_149 = arith.select %and3A_147, %add3A_148, %rem3A_140 : i32
      %jit3A_150 = arith.constant 32 : i32
      %eq3A_151 = arith.constant 0 : i32
      %eq3A_152 = arith.cmpi eq, %jit3A_150, %eq3A_151 : i32
      %jit3A_153 = arith.constant 1 : i32
      %select_n3A_154 = arith.select %eq3A_152, %jit3A_153, %jit3A_150 : i32
      %rem3A_155 = arith.remsi %scan3A_118, %select_n3A_154 : i32
      %ne3A_156 = arith.constant 0 : i32
      %ne3A_157 = arith.cmpi ne, %rem3A_155, %ne3A_156 : i32
      %lt3A_158 = arith.constant 0 : i32
      %lt3A_159 = arith.cmpi slt, %rem3A_155, %lt3A_158 : i32
      %lt3A_160 = arith.constant 0 : i32
      %lt3A_161 = arith.cmpi slt, %select_n3A_154, %lt3A_160 : i32
      %ne3A_162 = arith.xori %lt3A_159, %lt3A_161 : i1
      %and3A_163 = arith.andi %ne3A_162, %ne3A_157 : i1
      %add3A_164 = arith.addi %rem3A_155, %select_n3A_154 : i32
      %select_n3A_165 = arith.select %and3A_163, %add3A_164, %rem3A_155 : i32
      %jit3A_166 = arith.constant 4 : i32
      %eq3A_167 = arith.constant 0 : i32
      %eq3A_168 = arith.cmpi eq, %jit3A_166, %eq3A_167 : i32
      %jit3A_169 = arith.constant 1 : i32
      %select_n3A_170 = arith.select %eq3A_168, %jit3A_169, %jit3A_166 : i32
      %rem3A_171 = arith.remsi %scan3A_118, %select_n3A_170 : i32
      %ne3A_172 = arith.constant 0 : i32
      %ne3A_173 = arith.cmpi ne, %rem3A_171, %ne3A_172 : i32
      %lt3A_174 = arith.constant 0 : i32
      %lt3A_175 = arith.cmpi slt, %rem3A_171, %lt3A_174 : i32
      %lt3A_176 = arith.constant 0 : i32
      %lt3A_177 = arith.cmpi slt, %select_n3A_170, %lt3A_176 : i32
      %ne3A_178 = arith.xori %lt3A_175, %lt3A_177 : i1
      %and3A_179 = arith.andi %ne3A_178, %ne3A_173 : i1
      %add3A_180 = arith.addi %rem3A_171, %select_n3A_170 : i32
      %select_n3A_181 = arith.select %and3A_179, %add3A_180, %rem3A_171 : i32
      %dma_wait3A_182 = arith.constant 0 : i32
      %dma_wait3A_183 = arith.constant 0 : i32
      %dma_wait3A_184 = tpu.memref_slice %arg8[%select_n3A_181, %dma_wait3A_182, %dma_wait3A_183] : memref<4x64x128xf32, #tpu.memory_space<vmem>> -> memref<1x64x128xf32, #tpu.memory_space<vmem>>
      %dma_wait3A_185 = tpu.memref_squeeze %dma_wait3A_184 : memref<1x64x128xf32, #tpu.memory_space<vmem>> -> memref<64x128xf32, #tpu.memory_space<vmem>>
      %dma_wait3A_186 = arith.constant 0 : i32
      %dma_wait3A_187 = tpu.memref_slice %arg6[%select_n3A_149, %select_n3A_165, %dma_wait3A_186] : memref<2x32x64xi32, #tpu.memory_space<vmem>> -> memref<1x1x64xi32, #tpu.memory_space<vmem>>
      %dma_wait3A_188 = tpu.memref_squeeze %dma_wait3A_187 : memref<1x1x64xi32, #tpu.memory_space<vmem>> -> memref<64xi32, #tpu.memory_space<vmem>>
      %dma_wait3A_189 = arith.constant 0 : i32
      %dma_wait3A_190 = arith.constant 0 : i32
      %dma_wait3A_191 = tpu.memref_slice %arg2[%dma_wait3A_189, %dma_wait3A_190] : memref<10000x128xf32, #tpu.memory_space<hbm>> -> memref<10000x128xf32, #tpu.memory_space<hbm>>
      tpu.wait_indirect_dma semaphore(%arg10 : memref<!tpu.dma_semaphore, #tpu.memory_space<semaphore_mem>>) src(%dma_wait3A_191 : memref<10000x128xf32, #tpu.memory_space<hbm>>) dst(%dma_wait3A_185 : memref<64x128xf32, #tpu.memory_space<vmem>>)
      %dma_start3A_192 = arith.constant 0 : i32
      %dma_start3A_193 = arith.constant 0 : i32
      %dma_start3A_194 = tpu.memref_slice %arg8[%select_n3A_181, %dma_start3A_192, %dma_start3A_193] : memref<4x64x128xf32, #tpu.memory_space<vmem>> -> memref<1x64x128xf32, #tpu.memory_space<vmem>>
      %dma_start3A_195 = tpu.memref_squeeze %dma_start3A_194 : memref<1x64x128xf32, #tpu.memory_space<vmem>> -> memref<64x128xf32, #tpu.memory_space<vmem>>
      %dma_start3A_196 = arith.constant 0 : i32
      %dma_start3A_197 = tpu.memref_slice %arg7[%select_n3A_149, %select_n3A_165, %dma_start3A_196] : memref<2x32x64xi32, #tpu.memory_space<vmem>> -> memref<1x1x64xi32, #tpu.memory_space<vmem>>
      %dma_start3A_198 = tpu.memref_squeeze %dma_start3A_197 : memref<1x1x64xi32, #tpu.memory_space<vmem>> -> memref<64xi32, #tpu.memory_space<vmem>>
      %dma_start3A_199 = arith.constant 0 : i32
      %dma_start3A_200 = arith.constant 0 : i32
      %dma_start3A_201 = tpu.memref_slice %arg9[%dma_start3A_199, %dma_start3A_200] : memref<10112x128xf32, #tpu.memory_space<vmem_shared>> -> memref<10112x128xf32, #tpu.memory_space<vmem_shared>>
      tpu.enqueue_indirect_dma source(%dma_start3A_195 : memref<64x128xf32, #tpu.memory_space<vmem>>) target(%dma_start3A_201 : memref<10112x128xf32, #tpu.memory_space<vmem_shared>>) offsets(%dma_start3A_198 : memref<64xi32, #tpu.memory_space<vmem>>) semaphore(%arg11 : memref<!tpu.dma_semaphore, #tpu.memory_space<semaphore_mem>>) {add = true}
      %ge3A = arith.constant 1 : i32
      %ge3A_202 = arith.cmpi sge, %scan3A_118, %ge3A : i32
      %convert_element_type3A = arith.extui %ge3A_202 : i1 to i32
      %cond3A = arith.constant 0 : i32
      %cond3A_203 = arith.cmpi ne, %convert_element_type3A, %cond3A : i32
      scf.if %cond3A_203 {
        %sub3A_224 = arith.constant 1 : i32
        %sub3A_225 = arith.subi %scan3A_118, %sub3A_224 : i32
        %jit3A_226 = arith.constant 4 : i32
        %eq3A_227 = arith.constant 0 : i32
        %eq3A_228 = arith.cmpi eq, %jit3A_226, %eq3A_227 : i32
        %jit3A_229 = arith.constant 1 : i32
        %select_n3A_230 = arith.select %eq3A_228, %jit3A_229, %jit3A_226 : i32
        %rem3A_231 = arith.remsi %sub3A_225, %select_n3A_230 : i32
        %ne3A_232 = arith.constant 0 : i32
        %ne3A_233 = arith.cmpi ne, %rem3A_231, %ne3A_232 : i32
        %lt3A_234 = arith.constant 0 : i32
        %lt3A_235 = arith.cmpi slt, %rem3A_231, %lt3A_234 : i32
        %lt3A_236 = arith.constant 0 : i32
        %lt3A_237 = arith.cmpi slt, %select_n3A_230, %lt3A_236 : i32
        %ne3A_238 = arith.xori %lt3A_235, %lt3A_237 : i1
        %and3A_239 = arith.andi %ne3A_238, %ne3A_233 : i1
        %add3A_240 = arith.addi %rem3A_231, %select_n3A_230 : i32
        %select_n3A_241 = arith.select %and3A_239, %add3A_240, %rem3A_231 : i32
        %jit3A_242 = arith.constant 32 : i32
        %div3A_243 = arith.divsi %sub3A_225, %jit3A_242 : i32
        %sign3A_244 = arith.constant 0 : i32
        %sign3A_245 = arith.cmpi sgt, %sub3A_225, %sign3A_244 : i32
        %sign3A_246 = arith.extui %sign3A_245 : i1 to i32
        %sign3A_247 = arith.constant 0 : i32
        %sign3A_248 = arith.cmpi slt, %sub3A_225, %sign3A_247 : i32
        %sign3A_249 = arith.extui %sign3A_248 : i1 to i32
        %sign3A_250 = arith.subi %sign3A_246, %sign3A_249 : i32
        %sign3A_251 = arith.constant 0 : i32
        %sign3A_252 = arith.cmpi sgt, %jit3A_242, %sign3A_251 : i32
        %sign3A_253 = arith.extui %sign3A_252 : i1 to i32
        %sign3A_254 = arith.constant 0 : i32
        %sign3A_255 = arith.cmpi slt, %jit3A_242, %sign3A_254 : i32
        %sign3A_256 = arith.extui %sign3A_255 : i1 to i32
        %sign3A_257 = arith.subi %sign3A_253, %sign3A_256 : i32
        %ne3A_258 = arith.cmpi ne, %sign3A_250, %sign3A_257 : i32
        %rem3A_259 = arith.remsi %sub3A_225, %jit3A_242 : i32
        %ne3A_260 = arith.constant 0 : i32
        %ne3A_261 = arith.cmpi ne, %rem3A_259, %ne3A_260 : i32
        %and3A_262 = arith.andi %ne3A_258, %ne3A_261 : i1
        %sub3A_263 = arith.constant 1 : i32
        %sub3A_264 = arith.subi %div3A_243, %sub3A_263 : i32
        %select_n3A_265 = arith.select %and3A_262, %sub3A_264, %div3A_243 : i32
        %jit3A_266 = arith.constant 2 : i32
        %eq3A_267 = arith.constant 0 : i32
        %eq3A_268 = arith.cmpi eq, %jit3A_266, %eq3A_267 : i32
        %jit3A_269 = arith.constant 1 : i32
        %select_n3A_270 = arith.select %eq3A_268, %jit3A_269, %jit3A_266 : i32
        %rem3A_271 = arith.remsi %select_n3A_265, %select_n3A_270 : i32
        %ne3A_272 = arith.constant 0 : i32
        %ne3A_273 = arith.cmpi ne, %rem3A_271, %ne3A_272 : i32
        %lt3A_274 = arith.constant 0 : i32
        %lt3A_275 = arith.cmpi slt, %rem3A_271, %lt3A_274 : i32
        %lt3A_276 = arith.constant 0 : i32
        %lt3A_277 = arith.cmpi slt, %select_n3A_270, %lt3A_276 : i32
        %ne3A_278 = arith.xori %lt3A_275, %lt3A_277 : i1
        %and3A_279 = arith.andi %ne3A_278, %ne3A_273 : i1
        %add3A_280 = arith.addi %rem3A_271, %select_n3A_270 : i32
        %select_n3A_281 = arith.select %and3A_279, %add3A_280, %rem3A_271 : i32
        %jit3A_282 = arith.constant 32 : i32
        %eq3A_283 = arith.constant 0 : i32
        %eq3A_284 = arith.cmpi eq, %jit3A_282, %eq3A_283 : i32
        %jit3A_285 = arith.constant 1 : i32
        %select_n3A_286 = arith.select %eq3A_284, %jit3A_285, %jit3A_282 : i32
        %rem3A_287 = arith.remsi %sub3A_225, %select_n3A_286 : i32
        %ne3A_288 = arith.constant 0 : i32
        %ne3A_289 = arith.cmpi ne, %rem3A_287, %ne3A_288 : i32
        %lt3A_290 = arith.constant 0 : i32
        %lt3A_291 = arith.cmpi slt, %rem3A_287, %lt3A_290 : i32
        %lt3A_292 = arith.constant 0 : i32
        %lt3A_293 = arith.cmpi slt, %select_n3A_286, %lt3A_292 : i32
        %ne3A_294 = arith.xori %lt3A_291, %lt3A_293 : i1
        %and3A_295 = arith.andi %ne3A_294, %ne3A_289 : i1
        %add3A_296 = arith.addi %rem3A_287, %select_n3A_286 : i32
        %select_n3A_297 = arith.select %and3A_295, %add3A_296, %rem3A_287 : i32
        %dma_wait3A_298 = arith.constant 0 : i32
        %dma_wait3A_299 = arith.constant 0 : i32
        %dma_wait3A_300 = tpu.memref_slice %arg8[%select_n3A_241, %dma_wait3A_298, %dma_wait3A_299] : memref<4x64x128xf32, #tpu.memory_space<vmem>> -> memref<1x64x128xf32, #tpu.memory_space<vmem>>
        %dma_wait3A_301 = tpu.memref_squeeze %dma_wait3A_300 : memref<1x64x128xf32, #tpu.memory_space<vmem>> -> memref<64x128xf32, #tpu.memory_space<vmem>>
        %dma_wait3A_302 = arith.constant 0 : i32
        %dma_wait3A_303 = tpu.memref_slice %arg7[%select_n3A_281, %select_n3A_297, %dma_wait3A_302] : memref<2x32x64xi32, #tpu.memory_space<vmem>> -> memref<1x1x64xi32, #tpu.memory_space<vmem>>
        %dma_wait3A_304 = tpu.memref_squeeze %dma_wait3A_303 : memref<1x1x64xi32, #tpu.memory_space<vmem>> -> memref<64xi32, #tpu.memory_space<vmem>>
        %dma_wait3A_305 = arith.constant 0 : i32
        %dma_wait3A_306 = arith.constant 0 : i32
        %dma_wait3A_307 = tpu.memref_slice %arg9[%dma_wait3A_305, %dma_wait3A_306] : memref<10112x128xf32, #tpu.memory_space<vmem_shared>> -> memref<10112x128xf32, #tpu.memory_space<vmem_shared>>
        tpu.wait_indirect_dma semaphore(%arg11 : memref<!tpu.dma_semaphore, #tpu.memory_space<semaphore_mem>>) src(%dma_wait3A_301 : memref<64x128xf32, #tpu.memory_space<vmem>>) dst(%dma_wait3A_307 : memref<10112x128xf32, #tpu.memory_space<vmem_shared>>)
      } else {
      }
      %eq3A_204 = arith.constant 8 : i32
      %eq3A_205 = arith.cmpi eq, %select_n3A_165, %eq3A_204 : i32
      %add3A_206 = arith.constant 1 : i32
      %add3A_207 = arith.addi %select_n3A, %add3A_206 : i32
      %lt3A_208 = arith.constant 5 : i32
      %lt3A_209 = arith.cmpi slt, %add3A_207, %lt3A_208 : i32
      %and3A_210 = arith.andi %eq3A_205, %lt3A_209 : i1
      %convert_element_type3A_211 = arith.extui %and3A_210 : i1 to i32
      %cond3A_212 = arith.constant 0 : i32
      %cond3A_213 = arith.cmpi ne, %convert_element_type3A_211, %cond3A_212 : i32
      scf.if %cond3A_213 {
        %add3A_224 = arith.constant 1 : i32
        %add3A_225 = arith.addi %select_n3A, %add3A_224 : i32
        %mul3A_226 = arith.constant 32 : i32
        %mul3A_227 = arith.muli %add3A_225, %mul3A_226 : i32
        %multiple_of3A = tpu.assume_multiple %mul3A_227, 32 : i32
        %add3A_228 = arith.constant 1 : i32
        %add3A_229 = arith.addi %select_n3A, %add3A_228 : i32
        %jit3A_230 = arith.constant 2 : i32
        %eq3A_231 = arith.constant 0 : i32
        %eq3A_232 = arith.cmpi eq, %jit3A_230, %eq3A_231 : i32
        %jit3A_233 = arith.constant 1 : i32
        %select_n3A_234 = arith.select %eq3A_232, %jit3A_233, %jit3A_230 : i32
        %rem3A_235 = arith.remsi %add3A_229, %select_n3A_234 : i32
        %ne3A_236 = arith.constant 0 : i32
        %ne3A_237 = arith.cmpi ne, %rem3A_235, %ne3A_236 : i32
        %lt3A_238 = arith.constant 0 : i32
        %lt3A_239 = arith.cmpi slt, %rem3A_235, %lt3A_238 : i32
        %lt3A_240 = arith.constant 0 : i32
        %lt3A_241 = arith.cmpi slt, %select_n3A_234, %lt3A_240 : i32
        %ne3A_242 = arith.xori %lt3A_239, %lt3A_241 : i1
        %and3A_243 = arith.andi %ne3A_242, %ne3A_237 : i1
        %add3A_244 = arith.addi %rem3A_235, %select_n3A_234 : i32
        %select_n3A_245 = arith.select %and3A_243, %add3A_244, %rem3A_235 : i32
        "tpu.region"() ({
          %run_scoped3A_264 = tpu.sem_alloc : memref<!tpu.dma_semaphore, #tpu.memory_space<semaphore_mem>>
          %dma_start3A_265 = arith.constant 0 : i32
          %dma_start3A_266 = arith.constant 0 : i32
          %dma_start3A_267 = tpu.memref_slice %arg6[%select_n3A_245, %dma_start3A_265, %dma_start3A_266] : memref<2x32x64xi32, #tpu.memory_space<vmem>> -> memref<1x32x64xi32, #tpu.memory_space<vmem>>
          %dma_start3A_268 = tpu.memref_squeeze %dma_start3A_267 : memref<1x32x64xi32, #tpu.memory_space<vmem>> -> memref<32x64xi32, #tpu.memory_space<vmem>>
          %dma_start3A_269 = arith.constant 0 : i32
          %dma_start3A_270 = tpu.memref_slice %arg3[%arg0, %arg1, %multiple_of3A, %dma_start3A_269] : memref<2x16x160x64xi32, #tpu.memory_space<hbm>> -> memref<1x1x32x64xi32, #tpu.memory_space<hbm>>
          %dma_start3A_271 = tpu.memref_squeeze %dma_start3A_270 : memref<1x1x32x64xi32, #tpu.memory_space<hbm>> -> memref<32x64xi32, #tpu.memory_space<hbm>>
          %dma_start3A_272 = arith.constant 0 : i32
          %dma_start3A_273 = arith.constant 0 : i32
          %dma_start3A_274 = tpu.memref_slice %arg6[%select_n3A_245, %dma_start3A_272, %dma_start3A_273] : memref<2x32x64xi32, #tpu.memory_space<vmem>> -> memref<1x32x64xi32, #tpu.memory_space<vmem>>
          %dma_start3A_275 = tpu.memref_squeeze %dma_start3A_274 : memref<1x32x64xi32, #tpu.memory_space<vmem>> -> memref<32x64xi32, #tpu.memory_space<vmem>>
          %dma_start3A_276 = arith.constant 0 : i32
          %dma_start3A_277 = tpu.memref_slice %arg3[%arg0, %arg1, %multiple_of3A, %dma_start3A_276] : memref<2x16x160x64xi32, #tpu.memory_space<hbm>> -> memref<1x1x32x64xi32, #tpu.memory_space<hbm>>
          %dma_start3A_278 = tpu.memref_squeeze %dma_start3A_277 : memref<1x1x32x64xi32, #tpu.memory_space<hbm>> -> memref<32x64xi32, #tpu.memory_space<hbm>>
          tpu.enqueue_dma source(%dma_start3A_278 : memref<32x64xi32, #tpu.memory_space<hbm>>) target(%dma_start3A_275 : memref<32x64xi32, #tpu.memory_space<vmem>>) target_semaphore(%run_scoped3A_264 : memref<!tpu.dma_semaphore, #tpu.memory_space<semaphore_mem>>)
          %dma_wait3A_279 = arith.constant 0 : i32
          %dma_wait3A_280 = arith.constant 0 : i32
          %dma_wait3A_281 = tpu.memref_slice %arg6[%select_n3A_245, %dma_wait3A_279, %dma_wait3A_280] : memref<2x32x64xi32, #tpu.memory_space<vmem>> -> memref<1x32x64xi32, #tpu.memory_space<vmem>>
          %dma_wait3A_282 = tpu.memref_squeeze %dma_wait3A_281 : memref<1x32x64xi32, #tpu.memory_space<vmem>> -> memref<32x64xi32, #tpu.memory_space<vmem>>
          %dma_wait3A_283 = arith.constant 0 : i32
          %dma_wait3A_284 = tpu.memref_slice %arg3[%arg0, %arg1, %multiple_of3A, %dma_wait3A_283] : memref<2x16x160x64xi32, #tpu.memory_space<hbm>> -> memref<1x1x32x64xi32, #tpu.memory_space<hbm>>
          %dma_wait3A_285 = tpu.memref_squeeze %dma_wait3A_284 : memref<1x1x32x64xi32, #tpu.memory_space<hbm>> -> memref<32x64xi32, #tpu.memory_space<hbm>>
          %dma_wait3A_286 = arith.constant 0 : i32
          %dma_wait3A_287 = arith.constant 0 : i32
          %dma_wait3A_288 = tpu.memref_slice %arg6[%select_n3A_245, %dma_wait3A_286, %dma_wait3A_287] : memref<2x32x64xi32, #tpu.memory_space<vmem>> -> memref<1x32x64xi32, #tpu.memory_space<vmem>>
          %dma_wait3A_289 = tpu.memref_squeeze %dma_wait3A_288 : memref<1x32x64xi32, #tpu.memory_space<vmem>> -> memref<32x64xi32, #tpu.memory_space<vmem>>
          %dma_wait3A_290 = arith.constant 0 : i32
          %dma_wait3A_291 = tpu.memref_slice %arg3[%arg0, %arg1, %multiple_of3A, %dma_wait3A_290] : memref<2x16x160x64xi32, #tpu.memory_space<hbm>> -> memref<1x1x32x64xi32, #tpu.memory_space<hbm>>
          %dma_wait3A_292 = tpu.memref_squeeze %dma_wait3A_291 : memref<1x1x32x64xi32, #tpu.memory_space<hbm>> -> memref<32x64xi32, #tpu.memory_space<hbm>>
          tpu.wait_dma2 semaphore(%run_scoped3A_264 : memref<!tpu.dma_semaphore, #tpu.memory_space<semaphore_mem>>) src(%dma_wait3A_292 : memref<32x64xi32, #tpu.memory_space<hbm>>) dst(%dma_wait3A_289 : memref<32x64xi32, #tpu.memory_space<vmem>>)
          tpu.yield
        }) : () -> ()
        %add3A_246 = arith.constant 1 : i32
        %add3A_247 = arith.addi %select_n3A, %add3A_246 : i32
        %jit3A_248 = arith.constant 2 : i32
        %eq3A_249 = arith.constant 0 : i32
        %eq3A_250 = arith.cmpi eq, %jit3A_248, %eq3A_249 : i32
        %jit3A_251 = arith.constant 1 : i32
        %select_n3A_252 = arith.select %eq3A_250, %jit3A_251, %jit3A_248 : i32
        %rem3A_253 = arith.remsi %add3A_247, %select_n3A_252 : i32
        %ne3A_254 = arith.constant 0 : i32
        %ne3A_255 = arith.cmpi ne, %rem3A_253, %ne3A_254 : i32
        %lt3A_256 = arith.constant 0 : i32
        %lt3A_257 = arith.cmpi slt, %rem3A_253, %lt3A_256 : i32
        %lt3A_258 = arith.constant 0 : i32
        %lt3A_259 = arith.cmpi slt, %select_n3A_252, %lt3A_258 : i32
        %ne3A_260 = arith.xori %lt3A_257, %lt3A_259 : i1
        %and3A_261 = arith.andi %ne3A_260, %ne3A_255 : i1
        %add3A_262 = arith.addi %rem3A_253, %select_n3A_252 : i32
        %select_n3A_263 = arith.select %and3A_261, %add3A_262, %rem3A_253 : i32
        "tpu.region"() ({
          %run_scoped3A_264 = tpu.sem_alloc : memref<!tpu.dma_semaphore, #tpu.memory_space<semaphore_mem>>
          %dma_start3A_265 = arith.constant 0 : i32
          %dma_start3A_266 = arith.constant 0 : i32
          %dma_start3A_267 = tpu.memref_slice %arg7[%select_n3A_263, %dma_start3A_265, %dma_start3A_266] : memref<2x32x64xi32, #tpu.memory_space<vmem>> -> memref<1x32x64xi32, #tpu.memory_space<vmem>>
          %dma_start3A_268 = tpu.memref_squeeze %dma_start3A_267 : memref<1x32x64xi32, #tpu.memory_space<vmem>> -> memref<32x64xi32, #tpu.memory_space<vmem>>
          %dma_start3A_269 = arith.constant 0 : i32
          %dma_start3A_270 = tpu.memref_slice %arg4[%arg0, %arg1, %multiple_of3A, %dma_start3A_269] : memref<2x16x160x64xi32, #tpu.memory_space<hbm>> -> memref<1x1x32x64xi32, #tpu.memory_space<hbm>>
          %dma_start3A_271 = tpu.memref_squeeze %dma_start3A_270 : memref<1x1x32x64xi32, #tpu.memory_space<hbm>> -> memref<32x64xi32, #tpu.memory_space<hbm>>
          %dma_start3A_272 = arith.constant 0 : i32
          %dma_start3A_273 = arith.constant 0 : i32
          %dma_start3A_274 = tpu.memref_slice %arg7[%select_n3A_263, %dma_start3A_272, %dma_start3A_273] : memref<2x32x64xi32, #tpu.memory_space<vmem>> -> memref<1x32x64xi32, #tpu.memory_space<vmem>>
          %dma_start3A_275 = tpu.memref_squeeze %dma_start3A_274 : memref<1x32x64xi32, #tpu.memory_space<vmem>> -> memref<32x64xi32, #tpu.memory_space<vmem>>
          %dma_start3A_276 = arith.constant 0 : i32
          %dma_start3A_277 = tpu.memref_slice %arg4[%arg0, %arg1, %multiple_of3A, %dma_start3A_276] : memref<2x16x160x64xi32, #tpu.memory_space<hbm>> -> memref<1x1x32x64xi32, #tpu.memory_space<hbm>>
          %dma_start3A_278 = tpu.memref_squeeze %dma_start3A_277 : memref<1x1x32x64xi32, #tpu.memory_space<hbm>> -> memref<32x64xi32, #tpu.memory_space<hbm>>
          tpu.enqueue_dma source(%dma_start3A_278 : memref<32x64xi32, #tpu.memory_space<hbm>>) target(%dma_start3A_275 : memref<32x64xi32, #tpu.memory_space<vmem>>) target_semaphore(%run_scoped3A_264 : memref<!tpu.dma_semaphore, #tpu.memory_space<semaphore_mem>>)
          %dma_wait3A_279 = arith.constant 0 : i32
          %dma_wait3A_280 = arith.constant 0 : i32
          %dma_wait3A_281 = tpu.memref_slice %arg7[%select_n3A_263, %dma_wait3A_279, %dma_wait3A_280] : memref<2x32x64xi32, #tpu.memory_space<vmem>> -> memref<1x32x64xi32, #tpu.memory_space<vmem>>
          %dma_wait3A_282 = tpu.memref_squeeze %dma_wait3A_281 : memref<1x32x64xi32, #tpu.memory_space<vmem>> -> memref<32x64xi32, #tpu.memory_space<vmem>>
          %dma_wait3A_283 = arith.constant 0 : i32
          %dma_wait3A_284 = tpu.memref_slice %arg4[%arg0, %arg1, %multiple_of3A, %dma_wait3A_283] : memref<2x16x160x64xi32, #tpu.memory_space<hbm>> -> memref<1x1x32x64xi32, #tpu.memory_space<hbm>>
          %dma_wait3A_285 = tpu.memref_squeeze %dma_wait3A_284 : memref<1x1x32x64xi32, #tpu.memory_space<hbm>> -> memref<32x64xi32, #tpu.memory_space<hbm>>
          %dma_wait3A_286 = arith.constant 0 : i32
          %dma_wait3A_287 = arith.constant 0 : i32
          %dma_wait3A_288 = tpu.memref_slice %arg7[%select_n3A_263, %dma_wait3A_286, %dma_wait3A_287] : memref<2x32x64xi32, #tpu.memory_space<vmem>> -> memref<1x32x64xi32, #tpu.memory_space<vmem>>
          %dma_wait3A_289 = tpu.memref_squeeze %dma_wait3A_288 : memref<1x32x64xi32, #tpu.memory_space<vmem>> -> memref<32x64xi32, #tpu.memory_space<vmem>>
          %dma_wait3A_290 = arith.constant 0 : i32
          %dma_wait3A_291 = tpu.memref_slice %arg4[%arg0, %arg1, %multiple_of3A, %dma_wait3A_290] : memref<2x16x160x64xi32, #tpu.memory_space<hbm>> -> memref<1x1x32x64xi32, #tpu.memory_space<hbm>>
          %dma_wait3A_292 = tpu.memref_squeeze %dma_wait3A_291 : memref<1x1x32x64xi32, #tpu.memory_space<hbm>> -> memref<32x64xi32, #tpu.memory_space<hbm>>
          tpu.wait_dma2 semaphore(%run_scoped3A_264 : memref<!tpu.dma_semaphore, #tpu.memory_space<semaphore_mem>>) src(%dma_wait3A_292 : memref<32x64xi32, #tpu.memory_space<hbm>>) dst(%dma_wait3A_289 : memref<32x64xi32, #tpu.memory_space<vmem>>)
          tpu.yield
        }) : () -> ()
      } else {
      }
      %add3A_214 = arith.constant 4 : i32
      %add3A_215 = arith.addi %scan3A_118, %add3A_214 : i32
      %sub3A_216 = arith.constant 1 : i32
      %sub3A_217 = arith.subi %add3A_215, %sub3A_216 : i32
      %lt3A_218 = arith.constant 160 : i32
      %lt3A_219 = arith.cmpi slt, %sub3A_217, %lt3A_218 : i32
      %convert_element_type3A_220 = arith.extui %lt3A_219 : i1 to i32
      %cond3A_221 = arith.constant 0 : i32
      %cond3A_222 = arith.cmpi ne, %convert_element_type3A_220, %cond3A_221 : i32
      scf.if %cond3A_222 {
        %add3A_224 = arith.constant 4 : i32
        %add3A_225 = arith.addi %scan3A_118, %add3A_224 : i32
        %sub3A_226 = arith.constant 1 : i32
        %sub3A_227 = arith.subi %add3A_225, %sub3A_226 : i32
        %jit3A_228 = arith.constant 32 : i32
        %div3A_229 = arith.divsi %sub3A_227, %jit3A_228 : i32
        %sign3A_230 = arith.constant 0 : i32
        %sign3A_231 = arith.cmpi sgt, %sub3A_227, %sign3A_230 : i32
        %sign3A_232 = arith.extui %sign3A_231 : i1 to i32
        %sign3A_233 = arith.constant 0 : i32
        %sign3A_234 = arith.cmpi slt, %sub3A_227, %sign3A_233 : i32
        %sign3A_235 = arith.extui %sign3A_234 : i1 to i32
        %sign3A_236 = arith.subi %sign3A_232, %sign3A_235 : i32
        %sign3A_237 = arith.constant 0 : i32
        %sign3A_238 = arith.cmpi sgt, %jit3A_228, %sign3A_237 : i32
        %sign3A_239 = arith.extui %sign3A_238 : i1 to i32
        %sign3A_240 = arith.constant 0 : i32
        %sign3A_241 = arith.cmpi slt, %jit3A_228, %sign3A_240 : i32
        %sign3A_242 = arith.extui %sign3A_241 : i1 to i32
        %sign3A_243 = arith.subi %sign3A_239, %sign3A_242 : i32
        %ne3A_244 = arith.cmpi ne, %sign3A_236, %sign3A_243 : i32
        %rem3A_245 = arith.remsi %sub3A_227, %jit3A_228 : i32
        %ne3A_246 = arith.constant 0 : i32
        %ne3A_247 = arith.cmpi ne, %rem3A_245, %ne3A_246 : i32
        %and3A_248 = arith.andi %ne3A_244, %ne3A_247 : i1
        %sub3A_249 = arith.constant 1 : i32
        %sub3A_250 = arith.subi %div3A_229, %sub3A_249 : i32
        %select_n3A_251 = arith.select %and3A_248, %sub3A_250, %div3A_229 : i32
        %jit3A_252 = arith.constant 2 : i32
        %eq3A_253 = arith.constant 0 : i32
        %eq3A_254 = arith.cmpi eq, %jit3A_252, %eq3A_253 : i32
        %jit3A_255 = arith.constant 1 : i32
        %select_n3A_256 = arith.select %eq3A_254, %jit3A_255, %jit3A_252 : i32
        %rem3A_257 = arith.remsi %select_n3A_251, %select_n3A_256 : i32
        %ne3A_258 = arith.constant 0 : i32
        %ne3A_259 = arith.cmpi ne, %rem3A_257, %ne3A_258 : i32
        %lt3A_260 = arith.constant 0 : i32
        %lt3A_261 = arith.cmpi slt, %rem3A_257, %lt3A_260 : i32
        %lt3A_262 = arith.constant 0 : i32
        %lt3A_263 = arith.cmpi slt, %select_n3A_256, %lt3A_262 : i32
        %ne3A_264 = arith.xori %lt3A_261, %lt3A_263 : i1
        %and3A_265 = arith.andi %ne3A_264, %ne3A_259 : i1
        %add3A_266 = arith.addi %rem3A_257, %select_n3A_256 : i32
        %select_n3A_267 = arith.select %and3A_265, %add3A_266, %rem3A_257 : i32
        %jit3A_268 = arith.constant 32 : i32
        %eq3A_269 = arith.constant 0 : i32
        %eq3A_270 = arith.cmpi eq, %jit3A_268, %eq3A_269 : i32
        %jit3A_271 = arith.constant 1 : i32
        %select_n3A_272 = arith.select %eq3A_270, %jit3A_271, %jit3A_268 : i32
        %rem3A_273 = arith.remsi %sub3A_227, %select_n3A_272 : i32
        %ne3A_274 = arith.constant 0 : i32
        %ne3A_275 = arith.cmpi ne, %rem3A_273, %ne3A_274 : i32
        %lt3A_276 = arith.constant 0 : i32
        %lt3A_277 = arith.cmpi slt, %rem3A_273, %lt3A_276 : i32
        %lt3A_278 = arith.constant 0 : i32
        %lt3A_279 = arith.cmpi slt, %select_n3A_272, %lt3A_278 : i32
        %ne3A_280 = arith.xori %lt3A_277, %lt3A_279 : i1
        %and3A_281 = arith.andi %ne3A_280, %ne3A_275 : i1
        %add3A_282 = arith.addi %rem3A_273, %select_n3A_272 : i32
        %select_n3A_283 = arith.select %and3A_281, %add3A_282, %rem3A_273 : i32
        %jit3A_284 = arith.constant 4 : i32
        %eq3A_285 = arith.constant 0 : i32
        %eq3A_286 = arith.cmpi eq, %jit3A_284, %eq3A_285 : i32
        %jit3A_287 = arith.constant 1 : i32
        %select_n3A_288 = arith.select %eq3A_286, %jit3A_287, %jit3A_284 : i32
        %rem3A_289 = arith.remsi %sub3A_227, %select_n3A_288 : i32
        %ne3A_290 = arith.constant 0 : i32
        %ne3A_291 = arith.cmpi ne, %rem3A_289, %ne3A_290 : i32
        %lt3A_292 = arith.constant 0 : i32
        %lt3A_293 = arith.cmpi slt, %rem3A_289, %lt3A_292 : i32
        %lt3A_294 = arith.constant 0 : i32
        %lt3A_295 = arith.cmpi slt, %select_n3A_288, %lt3A_294 : i32
        %ne3A_296 = arith.xori %lt3A_293, %lt3A_295 : i1
        %and3A_297 = arith.andi %ne3A_296, %ne3A_291 : i1
        %add3A_298 = arith.addi %rem3A_289, %select_n3A_288 : i32
        %select_n3A_299 = arith.select %and3A_297, %add3A_298, %rem3A_289 : i32
        %dma_start3A_300 = arith.constant 0 : i32
        %dma_start3A_301 = arith.constant 0 : i32
        %dma_start3A_302 = tpu.memref_slice %arg8[%select_n3A_299, %dma_start3A_300, %dma_start3A_301] : memref<4x64x128xf32, #tpu.memory_space<vmem>> -> memref<1x64x128xf32, #tpu.memory_space<vmem>>
        %dma_start3A_303 = tpu.memref_squeeze %dma_start3A_302 : memref<1x64x128xf32, #tpu.memory_space<vmem>> -> memref<64x128xf32, #tpu.memory_space<vmem>>
        %dma_start3A_304 = arith.constant 0 : i32
        %dma_start3A_305 = tpu.memref_slice %arg6[%select_n3A_267, %select_n3A_283, %dma_start3A_304] : memref<2x32x64xi32, #tpu.memory_space<vmem>> -> memref<1x1x64xi32, #tpu.memory_space<vmem>>
        %dma_start3A_306 = tpu.memref_squeeze %dma_start3A_305 : memref<1x1x64xi32, #tpu.memory_space<vmem>> -> memref<64xi32, #tpu.memory_space<vmem>>
        %dma_start3A_307 = arith.constant 0 : i32
        %dma_start3A_308 = arith.constant 0 : i32
        %dma_start3A_309 = tpu.memref_slice %arg2[%dma_start3A_307, %dma_start3A_308] : memref<10000x128xf32, #tpu.memory_space<hbm>> -> memref<10000x128xf32, #tpu.memory_space<hbm>>
        tpu.enqueue_indirect_dma source(%dma_start3A_309 : memref<10000x128xf32, #tpu.memory_space<hbm>>) target(%dma_start3A_303 : memref<64x128xf32, #tpu.memory_space<vmem>>) offsets(%dma_start3A_306 : memref<64xi32, #tpu.memory_space<vmem>>) semaphore(%arg10 : memref<!tpu.dma_semaphore, #tpu.memory_space<semaphore_mem>>)
      } else {
      }
      %scan3A_223 = arith.constant 0 : i32
      scf.yield %scan3A_223 : i32
    }
    %scan3A_100 = arith.constant 160 : i32
    %dma_wait3A = arith.constant 3 : i32
    %dma_wait3A_101 = arith.constant 0 : i32
    %dma_wait3A_102 = arith.constant 31 : i32
    %dma_wait3A_103 = arith.constant 0 : i32
    %dma_wait3A_104 = arith.constant 0 : i32
    %dma_wait3A_105 = tpu.memref_slice %arg8[%dma_wait3A, %dma_wait3A_103, %dma_wait3A_104] : memref<4x64x128xf32, #tpu.memory_space<vmem>> -> memref<1x64x128xf32, #tpu.memory_space<vmem>>
    %dma_wait3A_106 = tpu.memref_squeeze %dma_wait3A_105 : memref<1x64x128xf32, #tpu.memory_space<vmem>> -> memref<64x128xf32, #tpu.memory_space<vmem>>
    %dma_wait3A_107 = arith.constant 0 : i32
    %dma_wait3A_108 = tpu.memref_slice %arg7[%dma_wait3A_101, %dma_wait3A_102, %dma_wait3A_107] : memref<2x32x64xi32, #tpu.memory_space<vmem>> -> memref<1x1x64xi32, #tpu.memory_space<vmem>>
    %dma_wait3A_109 = tpu.memref_squeeze %dma_wait3A_108 : memref<1x1x64xi32, #tpu.memory_space<vmem>> -> memref<64xi32, #tpu.memory_space<vmem>>
    %dma_wait3A_110 = arith.constant 0 : i32
    %dma_wait3A_111 = arith.constant 0 : i32
    %dma_wait3A_112 = tpu.memref_slice %arg9[%dma_wait3A_110, %dma_wait3A_111] : memref<10112x128xf32, #tpu.memory_space<vmem_shared>> -> memref<10112x128xf32, #tpu.memory_space<vmem_shared>>
    tpu.wait_indirect_dma semaphore(%arg11 : memref<!tpu.dma_semaphore, #tpu.memory_space<semaphore_mem>>) src(%dma_wait3A_106 : memref<64x128xf32, #tpu.memory_space<vmem>>) dst(%dma_wait3A_112 : memref<10112x128xf32, #tpu.memory_space<vmem_shared>>)
    %barrier3A_113 = arith.constant 0 : index
    tpu.barrier barrier_id(%barrier3A_113)
    %mul3A_114 = arith.constant 632 : i32
    %mul3A_115 = arith.muli %arg1, %mul3A_114 : i32
    %mul3A_116 = arith.constant 632 : i32
    %mul3A_117 = arith.muli %arg1, %mul3A_116 : i32
    "tpu.region"() ({
      %run_scoped3A_118 = tpu.sem_alloc : memref<!tpu.dma_semaphore, #tpu.memory_space<semaphore_mem>>
      %dma_start3A_119 = arith.constant 0 : i32
      %dma_start3A_120 = tpu.memref_slice %arg5[%arg0, %mul3A_117, %dma_start3A_119] : memref<2x10112x128xf32, #tpu.memory_space<hbm>> -> memref<1x632x128xf32, #tpu.memory_space<hbm>>
      %dma_start3A_121 = tpu.memref_squeeze %dma_start3A_120 : memref<1x632x128xf32, #tpu.memory_space<hbm>> -> memref<632x128xf32, #tpu.memory_space<hbm>>
      %dma_start3A_122 = arith.constant 0 : i32
      %dma_start3A_123 = tpu.memref_slice %arg9[%mul3A_115, %dma_start3A_122] : memref<10112x128xf32, #tpu.memory_space<vmem_shared>> -> memref<632x128xf32, #tpu.memory_space<vmem_shared>>
      tpu.enqueue_dma source(%dma_start3A_123 : memref<632x128xf32, #tpu.memory_space<vmem_shared>>) target(%dma_start3A_121 : memref<632x128xf32, #tpu.memory_space<hbm>>) target_semaphore(%run_scoped3A_118 : memref<!tpu.dma_semaphore, #tpu.memory_space<semaphore_mem>>)
      %dma_wait3A_124 = arith.constant 0 : i32
      %dma_wait3A_125 = tpu.memref_slice %arg5[%arg0, %mul3A_117, %dma_wait3A_124] : memref<2x10112x128xf32, #tpu.memory_space<hbm>> -> memref<1x632x128xf32, #tpu.memory_space<hbm>>
      %dma_wait3A_126 = tpu.memref_squeeze %dma_wait3A_125 : memref<1x632x128xf32, #tpu.memory_space<hbm>> -> memref<632x128xf32, #tpu.memory_space<hbm>>
      %dma_wait3A_127 = arith.constant 0 : i32
      %dma_wait3A_128 = tpu.memref_slice %arg9[%mul3A_115, %dma_wait3A_127] : memref<10112x128xf32, #tpu.memory_space<vmem_shared>> -> memref<632x128xf32, #tpu.memory_space<vmem_shared>>
      tpu.wait_dma2 semaphore(%run_scoped3A_118 : memref<!tpu.dma_semaphore, #tpu.memory_space<semaphore_mem>>) src(%dma_wait3A_128 : memref<632x128xf32, #tpu.memory_space<vmem_shared>>) dst(%dma_wait3A_126 : memref<632x128xf32, #tpu.memory_space<hbm>>)
      tpu.yield
    }) : () -> ()
    return
  }
}

module attributes {stable_mosaic.version = 14 : i64} {
  func.func @_mm_body(%arg0: i32, %arg1: memref<2000x128xf32, #tpu.memory_space<vmem>>, %arg2: memref<128x128xf32, #tpu.memory_space<vmem>>, %arg3: memref<2000x128xf32, #tpu.memory_space<vmem>>) attributes {dimension_semantics = [#tpu.dimension_semantics<arbitrary>], iteration_bounds = array<i64: 5>, scalar_prefetch = 0 : i64, scratch_operands = 0 : i64, tpu.core_type = #tpu.core_type<tc>, window_params = [{transform_indices = @transform_0, window_bounds = array<i64: 2000, 128>}, {pipeline_mode = #tpu.pipeline_mode<synchronous>, transform_indices = @transform_1, window_bounds = array<i64: 128, 128>}, {transform_indices = @transform_2, window_bounds = array<i64: 2000, 128>}]} {
    %get3A = arith.constant 0 : index
    %get3A_0 = arith.constant 0 : index
    %get3A_1 = vector.load %arg1[%get3A, %get3A_0] : memref<2000x128xf32, #tpu.memory_space<vmem>>, vector<2000x128xf32>
    %convert_element_type3A = arith.truncf %get3A_1 : vector<2000x128xf32> to vector<2000x128xbf16>
    %get3A_2 = arith.constant 0 : index
    %get3A_3 = arith.constant 0 : index
    %get3A_4 = vector.load %arg2[%get3A_2, %get3A_3] : memref<128x128xf32, #tpu.memory_space<vmem>>, vector<128x128xf32>
    %convert_element_type3A_5 = arith.truncf %get3A_4 : vector<128x128xf32> to vector<128x128xbf16>
    %dot_general3A = arith.constant dense<0.000000e+00> : vector<2000x128xf32>
    %dot_general3A_6 = tpu.matmul %convert_element_type3A, %convert_element_type3A_5, %dot_general3A {dimension_numbers = #tpu.dot_dimension_numbers<[1], [0], [0], [1], [0, 0, 1, 1], [], []>, transpose_lhs_hint = false} : vector<2000x128xbf16>, vector<128x128xbf16>, vector<2000x128xf32> -> vector<2000x128xf32>
    %swap3A = arith.constant 0 : index
    %swap3A_7 = arith.constant 0 : index
    %swap3A_8 = vector.load %arg3[%swap3A, %swap3A_7] : memref<2000x128xf32, #tpu.memory_space<vmem>>, vector<2000x128xf32>
    tpu.vector_store %arg3[%swap3A, %swap3A_7], %dot_general3A_6 {strides = array<i32>} : memref<2000x128xf32, #tpu.memory_space<vmem>>, vector<2000x128xf32>,
    return
  }
  func.func @transform_0(%arg0: i32) -> (i32, i32) {
    %c0_i32 = arith.constant 0 : i32
    %c0_i32_0 = arith.constant 0 : i32
    return %arg0, %c0_i32 : i32, i32
  }
  func.func @transform_1(%arg0: i32) -> (i32, i32) {
    %c0_i32 = arith.constant 0 : i32
    %c0_i32_0 = arith.constant 0 : i32
    %c0_i32_1 = arith.constant 0 : i32
    return %c0_i32, %c0_i32_0 : i32, i32
  }
  func.func @transform_2(%arg0: i32) -> (i32, i32) {
    %c0_i32 = arith.constant 0 : i32
    %c0_i32_0 = arith.constant 0 : i32
    return %arg0, %c0_i32 : i32, i32
  }
}

module attributes {stable_mosaic.version = 14 : i64} {
  func.func @_combine_mm_body(%arg0: i32, %arg1: memref<2000x128xf32, #tpu.memory_space<vmem>>, %arg2: memref<1x2000x128xf32, #tpu.memory_space<vmem>>, %arg3: memref<1x2000x128xf32, #tpu.memory_space<vmem>>, %arg4: memref<1x128xf32, #tpu.memory_space<vmem>>, %arg5: memref<128x128xf32, #tpu.memory_space<vmem>>, %arg6: memref<2000x128xf32, #tpu.memory_space<vmem>>) attributes {dimension_semantics = [#tpu.dimension_semantics<arbitrary>], iteration_bounds = array<i64: 5>, scalar_prefetch = 0 : i64, scratch_operands = 0 : i64, tpu.core_type = #tpu.core_type<tc>, window_params = [{transform_indices = @transform_0, window_bounds = array<i64: 2000, 128>}, {transform_indices = @transform_1, window_bounds = array<i64: 1, 2000, 128>}, {transform_indices = @transform_2, window_bounds = array<i64: 1, 2000, 128>}, {pipeline_mode = #tpu.pipeline_mode<synchronous>, transform_indices = @transform_3, window_bounds = array<i64: 1, 128>}, {pipeline_mode = #tpu.pipeline_mode<synchronous>, transform_indices = @transform_4, window_bounds = array<i64: 128, 128>}, {transform_indices = @transform_5, window_bounds = array<i64: 2000, 128>}]} {
    %get3A = arith.constant 0 : index
    %get3A_0 = arith.constant 0 : index
    %get3A_1 = vector.load %arg1[%get3A, %get3A_0] : memref<2000x128xf32, #tpu.memory_space<vmem>>, vector<2000x128xf32>
    %get3A_2 = arith.constant 0 : index
    %get3A_3 = arith.constant 0 : index
    %get3A_4 = arith.constant 0 : index
    %get3A_5 = vector.load %arg2[%get3A_2, %get3A_3, %get3A_4] : memref<1x2000x128xf32, #tpu.memory_space<vmem>>, vector<1x2000x128xf32>
    %get3A_6 = vector.shape_cast %get3A_5 : vector<1x2000x128xf32> to vector<2000x128xf32>
    %add3A = arith.addf %get3A_1, %get3A_6 : vector<2000x128xf32>
    %get3A_7 = arith.constant 0 : index
    %get3A_8 = arith.constant 0 : index
    %get3A_9 = arith.constant 0 : index
    %get3A_10 = vector.load %arg3[%get3A_7, %get3A_8, %get3A_9] : memref<1x2000x128xf32, #tpu.memory_space<vmem>>, vector<1x2000x128xf32>
    %get3A_11 = vector.shape_cast %get3A_10 : vector<1x2000x128xf32> to vector<2000x128xf32>
    %add3A_12 = arith.addf %add3A, %get3A_11 : vector<2000x128xf32>
    %get3A_13 = arith.constant 0 : index
    %get3A_14 = arith.constant 0 : index
    %get3A_15 = vector.load %arg4[%get3A_13, %get3A_14] : memref<1x128xf32, #tpu.memory_space<vmem>>, vector<1x128xf32>
    %add3A_16 = vector.broadcast %get3A_15 : vector<1x128xf32> to vector<2000x128xf32>
    %add3A_17 = arith.addf %add3A_12, %add3A_16 : vector<2000x128xf32>
    %max3A = arith.constant 0.000000e+00 : f32
    %max3A_18 = vector.broadcast %max3A : f32 to vector<2000x128xf32>
    %max3A_19 = arith.maximumf %add3A_17, %max3A_18 : vector<2000x128xf32>
    %convert_element_type3A = arith.truncf %max3A_19 : vector<2000x128xf32> to vector<2000x128xbf16>
    %get3A_20 = arith.constant 0 : index
    %get3A_21 = arith.constant 0 : index
    %get3A_22 = vector.load %arg5[%get3A_20, %get3A_21] : memref<128x128xf32, #tpu.memory_space<vmem>>, vector<128x128xf32>
    %convert_element_type3A_23 = arith.truncf %get3A_22 : vector<128x128xf32> to vector<128x128xbf16>
    %dot_general3A = arith.constant dense<0.000000e+00> : vector<2000x128xf32>
    %dot_general3A_24 = tpu.matmul %convert_element_type3A, %convert_element_type3A_23, %dot_general3A {dimension_numbers = #tpu.dot_dimension_numbers<[1], [0], [0], [1], [0, 0, 1, 1], [], []>, transpose_lhs_hint = false} : vector<2000x128xbf16>, vector<128x128xbf16>, vector<2000x128xf32> -> vector<2000x128xf32>
    %swap3A = arith.constant 0 : index
    %swap3A_25 = arith.constant 0 : index
    %swap3A_26 = vector.load %arg6[%swap3A, %swap3A_25] : memref<2000x128xf32, #tpu.memory_space<vmem>>, vector<2000x128xf32>
    tpu.vector_store %arg6[%swap3A, %swap3A_25], %dot_general3A_24 {strides = array<i32>} : memref<2000x128xf32, #tpu.memory_space<vmem>>, vector<2000x128xf32>,
    return
  }
  func.func @transform_0(%arg0: i32) -> (i32, i32) {
    %c0_i32 = arith.constant 0 : i32
    %c0_i32_0 = arith.constant 0 : i32
    return %arg0, %c0_i32 : i32, i32
  }
  func.func @transform_1(%arg0: i32) -> (i32, i32, i32) {
    %c0_i32 = arith.constant 0 : i32
    %c0_i32_0 = arith.constant 0 : i32
    %c0_i32_1 = arith.constant 0 : i32
    return %c0_i32, %arg0, %c0_i32_0 : i32, i32, i32
  }
  func.func @transform_2(%arg0: i32) -> (i32, i32, i32) {
    %c1_i32 = arith.constant 1 : i32
    %c0_i32 = arith.constant 0 : i32
    %c0_i32_0 = arith.constant 0 : i32
    return %c1_i32, %arg0, %c0_i32 : i32, i32, i32
  }
  func.func @transform_3(%arg0: i32) -> (i32, i32) {
    %c0_i32 = arith.constant 0 : i32
    %c0_i32_0 = arith.constant 0 : i32
    %c0_i32_1 = arith.constant 0 : i32
    return %c0_i32, %c0_i32_0 : i32, i32
  }
  func.func @transform_4(%arg0: i32) -> (i32, i32) {
    %c0_i32 = arith.constant 0 : i32
    %c0_i32_0 = arith.constant 0 : i32
    %c0_i32_1 = arith.constant 0 : i32
    return %c0_i32, %c0_i32_0 : i32, i32
  }
  func.func @transform_5(%arg0: i32) -> (i32, i32) {
    %c0_i32 = arith.constant 0 : i32
    %c0_i32_0 = arith.constant 0 : i32
    return %arg0, %c0_i32 : i32, i32
  }
}

module attributes {stable_mosaic.version = 14 : i64} {
  func.func @_combine_relu_body(%arg0: i32, %arg1: memref<2000x128xf32, #tpu.memory_space<vmem>>, %arg2: memref<1x2000x128xf32, #tpu.memory_space<vmem>>, %arg3: memref<1x2000x128xf32, #tpu.memory_space<vmem>>, %arg4: memref<1x128xf32, #tpu.memory_space<vmem>>, %arg5: memref<2000x128xf32, #tpu.memory_space<vmem>>) attributes {dimension_semantics = [#tpu.dimension_semantics<arbitrary>], iteration_bounds = array<i64: 5>, scalar_prefetch = 0 : i64, scratch_operands = 0 : i64, tpu.core_type = #tpu.core_type<tc>, window_params = [{transform_indices = @transform_0, window_bounds = array<i64: 2000, 128>}, {transform_indices = @transform_1, window_bounds = array<i64: 1, 2000, 128>}, {transform_indices = @transform_2, window_bounds = array<i64: 1, 2000, 128>}, {pipeline_mode = #tpu.pipeline_mode<synchronous>, transform_indices = @transform_3, window_bounds = array<i64: 1, 128>}, {transform_indices = @transform_4, window_bounds = array<i64: 2000, 128>}]} {
    %get3A = arith.constant 0 : index
    %get3A_0 = arith.constant 0 : index
    %get3A_1 = vector.load %arg1[%get3A, %get3A_0] : memref<2000x128xf32, #tpu.memory_space<vmem>>, vector<2000x128xf32>
    %get3A_2 = arith.constant 0 : index
    %get3A_3 = arith.constant 0 : index
    %get3A_4 = arith.constant 0 : index
    %get3A_5 = vector.load %arg2[%get3A_2, %get3A_3, %get3A_4] : memref<1x2000x128xf32, #tpu.memory_space<vmem>>, vector<1x2000x128xf32>
    %get3A_6 = vector.shape_cast %get3A_5 : vector<1x2000x128xf32> to vector<2000x128xf32>
    %add3A = arith.addf %get3A_1, %get3A_6 : vector<2000x128xf32>
    %get3A_7 = arith.constant 0 : index
    %get3A_8 = arith.constant 0 : index
    %get3A_9 = arith.constant 0 : index
    %get3A_10 = vector.load %arg3[%get3A_7, %get3A_8, %get3A_9] : memref<1x2000x128xf32, #tpu.memory_space<vmem>>, vector<1x2000x128xf32>
    %get3A_11 = vector.shape_cast %get3A_10 : vector<1x2000x128xf32> to vector<2000x128xf32>
    %add3A_12 = arith.addf %add3A, %get3A_11 : vector<2000x128xf32>
    %get3A_13 = arith.constant 0 : index
    %get3A_14 = arith.constant 0 : index
    %get3A_15 = vector.load %arg4[%get3A_13, %get3A_14] : memref<1x128xf32, #tpu.memory_space<vmem>>, vector<1x128xf32>
    %add3A_16 = vector.broadcast %get3A_15 : vector<1x128xf32> to vector<2000x128xf32>
    %add3A_17 = arith.addf %add3A_12, %add3A_16 : vector<2000x128xf32>
    %max3A = arith.constant 0.000000e+00 : f32
    %max3A_18 = vector.broadcast %max3A : f32 to vector<2000x128xf32>
    %max3A_19 = arith.maximumf %add3A_17, %max3A_18 : vector<2000x128xf32>
    %swap3A = arith.constant 0 : index
    %swap3A_20 = arith.constant 0 : index
    %swap3A_21 = vector.load %arg5[%swap3A, %swap3A_20] : memref<2000x128xf32, #tpu.memory_space<vmem>>, vector<2000x128xf32>
    tpu.vector_store %arg5[%swap3A, %swap3A_20], %max3A_19 {strides = array<i32>} : memref<2000x128xf32, #tpu.memory_space<vmem>>, vector<2000x128xf32>,
    return
  }
  func.func @transform_0(%arg0: i32) -> (i32, i32) {
    %c0_i32 = arith.constant 0 : i32
    %c0_i32_0 = arith.constant 0 : i32
    return %arg0, %c0_i32 : i32, i32
  }
  func.func @transform_1(%arg0: i32) -> (i32, i32, i32) {
    %c0_i32 = arith.constant 0 : i32
    %c0_i32_0 = arith.constant 0 : i32
    %c0_i32_1 = arith.constant 0 : i32
    return %c0_i32, %arg0, %c0_i32_0 : i32, i32, i32
  }
  func.func @transform_2(%arg0: i32) -> (i32, i32, i32) {
    %c1_i32 = arith.constant 1 : i32
    %c0_i32 = arith.constant 0 : i32
    %c0_i32_0 = arith.constant 0 : i32
    return %c1_i32, %arg0, %c0_i32 : i32, i32, i32
  }
  func.func @transform_3(%arg0: i32) -> (i32, i32) {
    %c0_i32 = arith.constant 0 : i32
    %c0_i32_0 = arith.constant 0 : i32
    %c0_i32_1 = arith.constant 0 : i32
    return %c0_i32, %c0_i32_0 : i32, i32
  }
  func.func @transform_4(%arg0: i32) -> (i32, i32) {
    %c0_i32 = arith.constant 0 : i32
    %c0_i32_0 = arith.constant 0 : i32
    return %arg0, %c0_i32 : i32, i32
  }
}

module attributes {stable_mosaic.version = 14 : i64} {
  func.func @_final_mm_body(%arg0: i32, %arg1: memref<2000x128xf32, #tpu.memory_space<vmem>>, %arg2: memref<1x2000x128xf32, #tpu.memory_space<vmem>>, %arg3: memref<1x2000x128xf32, #tpu.memory_space<vmem>>, %arg4: memref<128x64xf32, #tpu.memory_space<vmem>>, %arg5: memref<1x64xf32, #tpu.memory_space<vmem>>, %arg6: memref<2000x64xf32, #tpu.memory_space<vmem>>) attributes {dimension_semantics = [#tpu.dimension_semantics<arbitrary>], iteration_bounds = array<i64: 5>, scalar_prefetch = 0 : i64, scratch_operands = 0 : i64, tpu.core_type = #tpu.core_type<tc>, window_params = [{transform_indices = @transform_0, window_bounds = array<i64: 2000, 128>}, {transform_indices = @transform_1, window_bounds = array<i64: 1, 2000, 128>}, {transform_indices = @transform_2, window_bounds = array<i64: 1, 2000, 128>}, {pipeline_mode = #tpu.pipeline_mode<synchronous>, transform_indices = @transform_3, window_bounds = array<i64: 128, 64>}, {pipeline_mode = #tpu.pipeline_mode<synchronous>, transform_indices = @transform_4, window_bounds = array<i64: 1, 64>}, {transform_indices = @transform_5, window_bounds = array<i64: 2000, 64>}]} {
    %get3A = arith.constant 0 : index
    %get3A_0 = arith.constant 0 : index
    %get3A_1 = vector.load %arg1[%get3A, %get3A_0] : memref<2000x128xf32, #tpu.memory_space<vmem>>, vector<2000x128xf32>
    %get3A_2 = arith.constant 0 : index
    %get3A_3 = arith.constant 0 : index
    %get3A_4 = arith.constant 0 : index
    %get3A_5 = vector.load %arg2[%get3A_2, %get3A_3, %get3A_4] : memref<1x2000x128xf32, #tpu.memory_space<vmem>>, vector<1x2000x128xf32>
    %get3A_6 = vector.shape_cast %get3A_5 : vector<1x2000x128xf32> to vector<2000x128xf32>
    %add3A = arith.addf %get3A_1, %get3A_6 : vector<2000x128xf32>
    %get3A_7 = arith.constant 0 : index
    %get3A_8 = arith.constant 0 : index
    %get3A_9 = arith.constant 0 : index
    %get3A_10 = vector.load %arg3[%get3A_7, %get3A_8, %get3A_9] : memref<1x2000x128xf32, #tpu.memory_space<vmem>>, vector<1x2000x128xf32>
    %get3A_11 = vector.shape_cast %get3A_10 : vector<1x2000x128xf32> to vector<2000x128xf32>
    %add3A_12 = arith.addf %add3A, %get3A_11 : vector<2000x128xf32>
    %convert_element_type3A = arith.truncf %add3A_12 : vector<2000x128xf32> to vector<2000x128xbf16>
    %get3A_13 = arith.constant 0 : index
    %get3A_14 = arith.constant 0 : index
    %get3A_15 = vector.load %arg4[%get3A_13, %get3A_14] : memref<128x64xf32, #tpu.memory_space<vmem>>, vector<128x64xf32>
    %convert_element_type3A_16 = arith.truncf %get3A_15 : vector<128x64xf32> to vector<128x64xbf16>
    %dot_general3A = arith.constant dense<0.000000e+00> : vector<2000x64xf32>
    %dot_general3A_17 = tpu.matmul %convert_element_type3A, %convert_element_type3A_16, %dot_general3A {dimension_numbers = #tpu.dot_dimension_numbers<[1], [0], [0], [1], [0, 0, 1, 1], [], []>, transpose_lhs_hint = false} : vector<2000x128xbf16>, vector<128x64xbf16>, vector<2000x64xf32> -> vector<2000x64xf32>
    %get3A_18 = arith.constant 0 : index
    %get3A_19 = arith.constant 0 : index
    %get3A_20 = vector.load %arg5[%get3A_18, %get3A_19] : memref<1x64xf32, #tpu.memory_space<vmem>>, vector<1x64xf32>
    %add3A_21 = vector.broadcast %get3A_20 : vector<1x64xf32> to vector<2000x64xf32>
    %add3A_22 = arith.addf %dot_general3A_17, %add3A_21 : vector<2000x64xf32>
    %swap3A = arith.constant 0 : index
    %swap3A_23 = arith.constant 0 : index
    %swap3A_24 = vector.load %arg6[%swap3A, %swap3A_23] : memref<2000x64xf32, #tpu.memory_space<vmem>>, vector<2000x64xf32>
    tpu.vector_store %arg6[%swap3A, %swap3A_23], %add3A_22 {strides = array<i32>} : memref<2000x64xf32, #tpu.memory_space<vmem>>, vector<2000x64xf32>,
    return
  }
  func.func @transform_0(%arg0: i32) -> (i32, i32) {
    %c0_i32 = arith.constant 0 : i32
    %c0_i32_0 = arith.constant 0 : i32
    return %arg0, %c0_i32 : i32, i32
  }
  func.func @transform_1(%arg0: i32) -> (i32, i32, i32) {
    %c0_i32 = arith.constant 0 : i32
    %c0_i32_0 = arith.constant 0 : i32
    %c0_i32_1 = arith.constant 0 : i32
    return %c0_i32, %arg0, %c0_i32_0 : i32, i32, i32
  }
  func.func @transform_2(%arg0: i32) -> (i32, i32, i32) {
    %c1_i32 = arith.constant 1 : i32
    %c0_i32 = arith.constant 0 : i32
    %c0_i32_0 = arith.constant 0 : i32
    return %c1_i32, %arg0, %c0_i32 : i32, i32, i32
  }
  func.func @transform_3(%arg0: i32) -> (i32, i32) {
    %c0_i32 = arith.constant 0 : i32
    %c0_i32_0 = arith.constant 0 : i32
    %c0_i32_1 = arith.constant 0 : i32
    return %c0_i32, %c0_i32_0 : i32, i32
  }
  func.func @transform_4(%arg0: i32) -> (i32, i32) {
    %c0_i32 = arith.constant 0 : i32
    %c0_i32_0 = arith.constant 0 : i32
    %c0_i32_1 = arith.constant 0 : i32
    return %c0_i32, %c0_i32_0 : i32, i32
  }
  func.func @transform_5(%arg0: i32) -> (i32, i32) {
    %c0_i32 = arith.constant 0 : i32
    %c0_i32_0 = arith.constant 0 : i32
    return %arg0, %c0_i32 : i32, i32
  }
}

</mosaic_0001>

<sc_bundles>
// kernel: kernel.11.cloned.1.call-start
scs
__scs_entry_jumppad:
0x0: {  	(pc) =	sbr.rel $0x88, $3  }
0x1: {  	(tag) =	ssettag $0x0;
	lr =	simm.s32 $0x1  }
0x2: {  	[smem:$0x3F97] =	sst lr;
	_ =	strace $0xD0000000  }
0x3: {  	_ = 	snop  }
0x4: {  	_ = 	snop  }
0x5: {  	_ = 	snop  }
0x6: {  	_ = 	snop  }
0x7: {  	_ = 	snop  }
__scs_overlays_trampoline_lowered:
0x8: {  	[smem:$0x3FA6] =	sst s0  }
0x9: {  	[smem:$0x3FA7] =	sst s1  }
0xa: {  	[smem:$0x3FA8] =	sst s2  }
0xb: {  	[smem:$0x3FA9] =	sst s3  }
0xc: {  	[smem:$0x3FAA] =	sst s4  }
0xd: {  	[smem:$0x3FAB] =	sst s5  }
0xe: {  	[smem:$0x3FAC] =	sst s6  }
0xf: {  	[smem:$0x3FAD] =	sst s7  }
0x10: {  	[smem:$0x3FAE] =	sst s8  }
0x11: {  	[smem:$0x3FAF] =	sst s9;
	s0 =	simm.s32 @!p0 $0x0  }
0x12: {  	s1 =	sld [smem:$0x3F95];
	s0 =	simm.s32 @p0 $0x1  }
0x13: {  	[smem:$0x3FB0] =	sst s0;
	s0 =	simm.s32 @!p1 $0x0  }
0x14: {  	s2 =	sld [smem:$0x3F94];
	s0 =	simm.s32 @p1 $0x1  }
0x15: {  	[smem:$0x3FB1] =	sst s0;
	s0 =	simm.s32 @!p2 $0x0  }
0x16: {  	s3 =	sld [smem:$0x3FDB];
	s0 =	simm.s32 @p2 $0x1  }
0x17: {  	s4 =	simm.s32 $0x1BF5;
	[smem:$0x3FB3] =	sst s0  }
0x18: {  	s0 =	sld [smem:$0x3F96];
	_ =	swait.ge [sflag:s4], $0x0  }
0x19: {  	s7 =	sld [smem:$0x3F97]  }
0x1a: {  	s8 =	sadd.s32 $0xFFFFE003, lr  }
0x1b: {  	s9 =	sadd.s32 $0xFFFFFEF7, lr;
	s5 =	simm.s32 $0xFFFFFFFF;
	p2 =	slt.u32 s8, $0xFFFFF086  }
0x1c: {  	p1 =	slt.u32 s9, $0xF7A;
	s5 =	simm.s32 @!p2 $0x0  }
0x1d: {  	s5 =	simm.s32 @p1 $0x1;
	p0 =	seq.s32 s7, s2  }
0x1e: {  	s7 =	smul.u32 @!p0 $0xF7A, s2;
	p2 =	seq.s32 @!p0 s5, $0x0  }
0x1f: {  	s9 =	smul.u32 $0xF7A, s1;
	s8 =	simm.s32 @!p0 $0x1BF5;
	p2 =	por !p2, p0  }
0x20: {  	[sflag:s8] =	ssyncset.s32 @!p0 $0xFFFFF086;
	s6 =	sadd.s32 @!p0 s3, s7;
	s7 =	simm.s32 @!p0 $0x108  }
0x21: {  	s3 =	sadd.s32 s3, s9;
	s6 =	sadd.s32 @!p0 $0x88, s6;
	s7 =	simm.s32 @p2 $0x1082  }
0x22: {  	[simem:s7], [sflag:s8] =	dma.local @!p0 [hbm:s6], $0xF7A  }
0x23: {  	s9 =	sor.u32 $0xD0000000, s2;
	s6 =	simm.s32 $0x108;
	_ =	swait.ge @!p0 [sflag:s8], $0x0  }
0x24: {  	s3 =	sadd.s32 $0x88, s3;
	s6 =	simm.s32 @!p1 $0x1082;
	[sflag:s4] =	ssyncset.s32 $0xFFFFF086  }
0x25: {  	[simem:s6], [sflag:s4] =	dma.local [hbm:s3], $0xF7A  }
0x26: {  	[smem:$0x3F97] =	sst s1;
	(tag) =	ssettag s2;
	_ =	strace s9  }
0x27: {  	s1 =	sld [smem:$0x3FA7]  }
0x28: {  	s2 =	sld [smem:$0x3FA8]  }
0x29: {  	s4 =	sld [smem:$0x3FAA]  }
0x2a: {  	p0 =	seq.s32 s5, $0x0;
	s5 =	sld [smem:$0x3FAB]  }
0x2b: {  	s6 =	sld [smem:$0x3FAC]  }
0x2c: {  	s7 =	sld [smem:$0x3FAD]  }
0x2d: {  	s3 =	simm.s32 $0x108;
	s8 =	sld [smem:$0x3FAE]  }
0x2e: {  	s3 =	simm.s32 @!p0 $0x1082;
	s9 =	sld [smem:$0x3FAF]  }
0x2f: {  	lr =	sadd.s32 s0, s3;
	s0 =	sld [smem:$0x3FA6]  }
0x30: {  	s3 =	sld [smem:$0x3FA9]  }
0x31: {  	[smem:$0x3FB2] =	sst s10  }
0x32: {  	s10 =	sld [smem:$0x3FB0];
	_ =	sdelay $0x3  }
0x33: {  	p0 =	seq.s32 s10, $0x1;
	s10 =	sld [smem:$0x3FB2];
	_ =	sdelay $0x3  }
0x34: {  	[smem:$0x3FB2] =	sst s10  }
0x35: {  	s10 =	sld [smem:$0x3FB1];
	_ =	sdelay $0x3  }
0x36: {  	p1 =	seq.s32 s10, $0x1;
	s10 =	sld [smem:$0x3FB2];
	_ =	sdelay $0x3  }
0x37: {  	[smem:$0x3FB2] =	sst s10  }
0x38: {  	s10 =	sld [smem:$0x3FB3]  }
0x39: {  	_ = 	snop;
	(pc) =	sbr.ind lr, $3  }
0x3a: {  	_ = 	snop  }
0x3b: {  	_ = 	snop  }
0x3c: {  	p2 =	seq.s32 s10, $0x1;
	s10 =	sld [smem:$0x3FB2]  }
0x3d: {  	_ =	shalt  }
0x3e: {  	_ =	shalt  }
0x3f: {  	_ =	shalt  }
0x40: {  	_ =	shalt  }
0x41: {  	_ =	shalt  }
0x42: {  	_ =	shalt  }
0x43: {  	_ =	shalt  }
0x44: {  	_ =	shalt  }
0x45: {  	_ =	shalt  }
0x46: {  	_ =	shalt  }
0x47: {  	_ =	shalt  }
0x48: {  	_ =	shalt  }
0x49: {  	_ =	shalt  }
0x4a: {  	_ =	shalt  }
0x4b: {  	_ =	shalt  }
0x4c: {  	_ =	shalt  }
0x4d: {  	_ =	shalt  }
0x4e: {  	_ =	shalt  }
0x4f: {  	_ =	shalt  }
0x50: {  	_ =	shalt  }
0x51: {  	_ =	shalt  }
0x52: {  	_ =	shalt  }
0x53: {  	_ =	shalt  }
0x54: {  	_ =	shalt  }
0x55: {  	_ =	shalt  }
0x56: {  	_ =	shalt  }
0x57: {  	_ =	shalt  }
0x58: {  	_ =	shalt  }
0x59: {  	_ =	shalt  }
0x5a: {  	_ =	shalt  }
0x5b: {  	_ =	shalt  }
0x5c: {  	_ =	shalt  }
0x5d: {  	_ =	shalt  }
0x5e: {  	_ =	shalt  }
0x5f: {  	_ =	shalt  }
0x60: {  	_ =	shalt  }
0x61: {  	_ =	shalt  }
0x62: {  	_ =	shalt  }
0x63: {  	_ =	shalt  }
0x64: {  	_ =	shalt  }
0x65: {  	_ =	shalt  }
0x66: {  	_ =	shalt  }
0x67: {  	_ =	shalt  }
0x68: {  	_ =	shalt  }
0x69: {  	_ =	shalt  }
0x6a: {  	_ =	shalt  }
0x6b: {  	_ =	shalt  }
0x6c: {  	_ =	shalt  }
0x6d: {  	_ =	shalt  }
0x6e: {  	_ =	shalt  }
0x6f: {  	_ =	shalt  }
0x70: {  	_ =	shalt  }
0x71: {  	_ =	shalt  }
0x72: {  	_ =	shalt  }
0x73: {  	_ =	shalt  }
0x74: {  	_ =	shalt  }
0x75: {  	_ =	shalt  }
0x76: {  	_ =	shalt  }
0x77: {  	_ =	shalt  }
0x78: {  	_ =	shalt  }
0x79: {  	_ =	shalt  }
0x7a: {  	_ =	shalt  }
0x7b: {  	_ =	shalt  }
0x7c: {  	_ =	shalt  }
0x7d: {  	_ =	shalt  }
0x7e: {  	_ =	shalt  }
0x7f: {  	_ =	shalt  }
0x80: {  	_ =	shalt  }
0x81: {  	_ =	shalt  }
0x82: {  	_ =	shalt  }
0x83: {  	_ =	shalt  }
0x84: {  	_ =	shalt  }
0x85: {  	_ =	shalt  }
0x86: {  	_ =	shalt  }
0x87: {  	_ =	shalt  }
.Lfunc_end0:
.L_simem_size_0:
called_computation_lowered:
.L_overlay_start_0:
0x88: {  	s2 =	sld [smem:$0x3FD9]  }
0x89: {  	s3 =	sld [smem:$0x3FFE];
	_ =	sdelay $0x1  }
0x8a: {  	s1 =	srdreg.scid  }
0x8b: {  	s0 =	sand.u32 $0x1, s1  }
0x8c: {  	s16 =	sshll.u32 s0, $0xA;
	s2 =	sadd.s32 s3, s2  }
0x8d: {  	s2 =	sadd.s32 s2, s16  }
0x8e: {  	[smem:$0x3FBE] =	sst s2  }
0x8f: {  	_ = 	snop  }
0x90: {  	(tm) =	ssettm $0x1  }
0x91: {  	s17 =	sld [smem:$0x3FFB];
	_ =	sdelay $0x3  }
0x92: {  	_ =	strace s17  }
0x93: {  	s2 =	sld [smem:$0x3FFC];
	_ =	sdelay $0x3  }
0x94: {  	_ =	strace s2  }
0x95: {  	s2 =	sld [smem:$0x3FFD];
	_ =	sdelay $0x3  }
0x96: {  	_ =	strace s2  }
0x97: {  	_ =	strace $0x8FFFFFFF  }
0x98: {  	s18 =	sld [smem:$0x3FDB];
	_ =	sdelay $0x1  }
0x99: {  	s19 =	simm.s32 $_scs_section_size  }
0x9a: {  	s4 =	simm.s32 $_size__tile_overlayer_lowered;
	s5 =	simm.s32 $_tile_overlayer_lowered  }
0x9b: {  	s22 =	simm.s32 $0x1BFF;
	s21 =	sshll.u32 s5, $0x1;
	s2 =	sadd.s32 s19, s18  }
0x9c: {  	s6 =	simm.s32 $0x0;
	s20 =	sshll.u32 s4, $0x1;
	s4 =	sadd.s32 s21, s2  }
0x9d: {  	[timem:s6], [sflag:s22] =	dma.local [hbm:s4], s20  }
0x9e: {  	_ =	swait.ge [sflag:s22], s20  }
0x9f: {  	s3 =	ssub.s32 $0x0, s20;
	[sflag:s22] =	ssyncset.done $0x0  }
0xa0: {  	[sflag:s22] =	ssyncadd.s32 s3;
	_ =	sdelay $0x1  }
0xa1: {  	s23 =	simm.s32 $0x1B8B  }
0xa2: {  	_ =	swait.ge [sflag:s23], $0x1  }
0xa3: {  	[sflag:s23] =	ssyncset.done $0x0  }
0xa4: {  	s25 =	simm.s32 $0x1B8E;
	s24 =	sld [smem:$0x3FFE];
	[sflag:s23] =	ssyncadd.s32 $0xFFFFFFFF  }
0xa5: {  	s26 =	simm.s32 $execute0_lowered;
	[smem:$0x3FD2] =	sst s25  }
0xa6: {  	s4 =	sshll.u32 s26, $0x1;
	_ =	strace $0x80000046;
	[dreg:$0x1] =	wrdreg $0xFFFFFFFF  }
0xa7: {  	s28 =	simm.s32 $_size_execute0_lowered;
	s2 =	sadd.s32 s2, s4;
	[dreg:$0x0] =	wrdreg $0x0  }
0xa8: {  	s4 =	sshll.u32 s28, $0x1;
	[dreg:$0x2] =	wrdreg s2  }
0xa9: {  	[dreg:$0x3] =	wrdreg s4  }
0xaa: {  	[dreg:$0x4] =	wrdreg $0xC0  }
0xab: {  	_ =	task [dreg:s6], $0x5FFFF  }
0xac: {  	[dreg:$0x1] =	wrdreg $0xFFFFFFFF  }
0xad: {  	[dreg:$0x0] =	wrdreg $0x60  }
0xae: {  	[dreg:$0x2] =	wrdreg s24  }
0xaf: {  	[dreg:$0x3] =	wrdreg $0xC0000  }
0xb0: {  	[dreg:$0x4] =	wrdreg $0x9  }
0xb1: {  	_ =	task.clear_ibuf [dreg:s6], $0x5FFFF;
	_ =	strace $0x90000046  }
0xb2: {  	s29 =	simm.s32 $0x9;
	_ =	strace $0x80000048  }
0xb3: {  	_ =	swait.ge [sflag:s29], $0x1  }
0xb4: {  	[sflag:s29] =	ssyncadd.s32 $0xFFFFFFFF  }
0xb5: {  	_ =	strace $0x90000048  }
0xb6: {  	_ =	sfence  }
0xb7: {  	s30 =	sld [smem:$0x0];
	_ =	sdelay $0x2  }
0xb8: {  	s31 =	sshll.u32 s1, $0xD;
	s1 =	sshrl.u32 s1, $0x2  }
0xb9: {  	s3 =	sand.u32 $0x4000, s31;
	s1 =	sadd.s32 s1, s30  }
0xba: {  	s0 =	sor.u32 s3, s0;
	s1 =	sshll.u32 s1, $0x11  }
0xbb: {  	s0 =	sor.u32 s1, s0  }
0xbc: {  	s0 =	sadd.s32 $0x8F2B, s0  }
0xbd: {  	[sflag:s0] =	ssyncadd.remote.s32 $0x1  }
0xbe: {  	_ =	sfence.sel $0xFFFF  }
0xbf: {  	[dreg:$0x0] =	wrdreg $0xFFFFFFFF;
	(pc) =	sbr.abs _section_cstart, $3  }
0xc0: {  	[dreg:$0x1] =	wrdreg $0xFFFFFFFF  }
0xc1: {  	_ =	task.clear_ibuf [dreg:s6], $0x2FFFF;
	_ =	strace $0x9FFFFFFF  }
0xc2: {  	(tm) =	ssettm $0x7FFFFFFF  }
0xc3: {  	_ =	shalt  }
tec
execute0_lowered:
.L_overlay_start_1:
0x0: {  	(tag) =	ssettag $0x1  }
0x1: {  	s0 =	rddreg [dreg:$0x0];
	s10 =	stileid.u32  }
0x2: {  	s1 =	rddreg [dreg:$0x1];
	s3 =	simm.s32 $0x0;
	s8 =	smul.u32 $0x13C00, s10  }
0x3: {  	s2 =	srdreg.scid;
	s31 =	simm.s32 $0xA000;
	s19 =	smul.u32 $0x5000, s10  }
0x4: {  	s28 =	simm.s32 $0x0;
	[smem:$0x7FF] =	sst s3;
	s10 =	smul.u32 $0x4F000, s10  }
0x5: {  	s2 =	sand.u32 $0x1, s2;
	s4 =	sadd.s32 $0x2BA00, s0;
	s5 =	sadd.s32 $0x3A00, s0  }
0x6: {  	s6 =	sadd.s32 $0x17A00, s0;
	s7 =	smul.u32 $0x13C000, s2;
	s20 =	sshrl.u32 s10, $0x2  }
0x7: {  	s9 =	smul.u32 $0x50000, s2;
	s2 =	ssub.s32 $0x2, s2;
	s10 =	sadd.s32 s20, s1  }
0x8: {  	_ =	strace $0x80000047;
	s11 =	sshrl.u32 s2, $0x1;
	s22 =	sadd.s32 $0x2000, s10  }
0x9: {  	s7 =	sadd.s32 s8, s7;
	s23 =	sadd.s32 $0x4000, s10;
	[dreg:$0x5] =	wrdreg s22  }
0xa: {  	s2 =	ssub.s32 s2, s11;
	s24 =	sadd.s32 $0x6000, s10;
	[dreg:$0x6] =	wrdreg s23  }
0xb: {  	s7 =	sshrl.u32 s7, $0x3;
	s25 =	sadd.s32 $0x8000, s10;
	[dreg:$0x7] =	wrdreg s24  }
0xc: {  	s26 =	sadd.s32 $0xA000, s10;
	s29 =	sadd.s32 $0xC000, s10;
	[dreg:$0x8] =	wrdreg s25  }
0xd: {  	s30 =	sadd.s32 $0xE000, s10;
	s18 =	sadd.s32 $0x10000, s10;
	[dreg:$0x9] =	wrdreg s26  }
0xe: {  	s0 =	sadd.s32 s7, s0;
	s7 =	sadd.s32 s19, s9;
	[dreg:$0xa] =	wrdreg s29  }
0xf: {  	[dreg:$0xb] =	wrdreg s30;
	s19 =	sadd.s32 $0x12000, s10;
	s22 =	simm.s32 $0x3  }
0x10: {  	s23 =	simm.s32 $0x2000;
	s24 =	simm.s32 $0x40;
	s8 =	sshrl.u32 s7, $0x3  }
0x11: {  	s25 =	simm.s32 $0x4000;
	s26 =	simm.s32 $0x2;
	s21 =	sadd.s32 s5, s8  }
0x12: {  	s20 =	sadd.s32 $0x52C00, s0;
	s8 =	sadd.s32 s6, s8;
	[dreg:$0x3] =	wrdreg s21  }
0x13: {  	v0 =	vimm.f32 $0.0e+00;
	[dreg:$0x4] =	wrdreg s8;
	s21 =	smax.u32 s2, $0x1;
	s2 =	simm.s32 $0x1  }
.LBB2_1:
0x14: {  	s0 =	rddreg [dreg:$0x3]  }
0x15: {  	[tilespmem:s3], [sflag:$0x3] =	stream.linear.gather [hbm4b:s0+s3], $0x1000, $0x38;
	[tilespmem:$0x1FC00] =	vst v63  }
0x16: {  	_ =	swait.ge [sflag:s22], $0x1000  }
0x17: {  	[sflag:s22] =	ssyncset.done $0x0  }
0x18: {  	s14 =	rddreg [dreg:$0x4];
	[sflag:s22] =	ssyncadd.s32 $0xFFFFF000  }
0x19: {  	[tilespmem:s23], [sflag:$0x3] =	stream.linear.gather [hbm4b:s14+s3], $0x1000, $0x38;
	[tilespmem:$0x1FC00] =	vst v63  }
0x1a: {  	_ =	swait.ge [sflag:s22], $0x1000  }
0x1b: {  	s15 =	simm.s32 $0x80;
	s8 =	simm.s32 $0x6000;
	[sflag:s22] =	ssyncset.done $0x0  }
0x1c: {  	s16 =	simm.s32 $0x100;
	s29 =	sand.u32 $0x7E00, s3;
	[sflag:s22] =	ssyncadd.s32 $0xFFFFF000  }
0x1d: {  	[tilespmem:s25], [sflag:$0x1] =	stream.indirect.gather [hbm4b:s4+s24], $0x80, s3, s24, $0xb8;
	[tilespmem:$0x1FC00] =	vst v63  }
0x1e: {  	s17 =	simm.s32 $0x8000;
	s30 =	sand.u32 $0x70, s3;
	s9 =	sshrl.u32 s29, $0x2  }
0x1f: {  	[tilespmem:s8], [sflag:$0x1] =	stream.indirect.gather [hbm4b:s4+s24], $0x80, s15, s24, $0xb8;
	[tilespmem:$0x1FC00] =	vst v63  }
0x20: {  	s0 =	simm.s32 $0x40;
	s9 =	sor.u32 s30, s9;
	s8 =	simm.s32 $0x0  }
0x21: {  	[tilespmem:s17], [sflag:$0x1] =	stream.indirect.gather [hbm4b:s4+s24], $0x80, s16, s24, $0xb8;
	[tilespmem:$0x1FC00] =	vst v63  }
.LBB2_2:
0x22: {  	p0 =	sne.s32 s0, $0x7FC0  }
0x23: {  	[tilespmem:s9+$0xA000] =	vst v0;
	s8 =	sadd.s32 $0x10, s8;
	s9 =	smov.u32 s0;
	s0 =	sadd.s32 $0x40, s0  }
.Ltmp0:
0x24: {  	(pc) =	sbr.rel @p0 .LBB2_2-.Ltmp0, $4  }
0x25: {  	_ = 	snop  }
0x26: {  	s9 =	sand.u32 $0x7E00, s9  }
0x27: {  	s11 =	sand.u32 $0x70, s8;
	s9 =	sshrl.u32 s9, $0x2  }
0x28: {  	s9 =	sor.u32 s11, s9  }
0x29: {  	[tilespmem:s9+$0xA000] =	vst v0  }
0x2a: {  	[spmem:s10] =	stream.linear.scatter [tilespmem:s31], [sflag:$0x3], $0x2000, $0x38;
	[tilespmem:$0x1FC00] =	vst v63  }
0x2b: {  	_ =	swait.ge [sflag:s22], $0x2000  }
0x2c: {  	[sflag:s22] =	ssyncset.done $0x0  }
0x2d: {  	s0 =	rddreg [dreg:$0x5];
	[sflag:s22] =	ssyncadd.s32 $0xFFFFE000  }
0x2e: {  	[spmem:s0] =	stream.linear.scatter [tilespmem:s31], [sflag:$0x3], $0x2000, $0x38;
	[tilespmem:$0x1FC00] =	vst v63  }
0x2f: {  	_ =	swait.ge [sflag:s22], $0x2000  }
0x30: {  	[sflag:s22] =	ssyncset.done $0x0  }
0x31: {  	s8 =	rddreg [dreg:$0x6];
	[sflag:s22] =	ssyncadd.s32 $0xFFFFE000  }
0x32: {  	[spmem:s8] =	stream.linear.scatter [tilespmem:s31], [sflag:$0x3], $0x2000, $0x38;
	[tilespmem:$0x1FC00] =	vst v63  }
0x33: {  	_ =	swait.ge [sflag:s22], $0x2000  }
0x34: {  	[sflag:s22] =	ssyncset.done $0x0  }
0x35: {  	s9 =	rddreg [dreg:$0x7];
	[sflag:s22] =	ssyncadd.s32 $0xFFFFE000  }
0x36: {  	[spmem:s9] =	stream.linear.scatter [tilespmem:s31], [sflag:$0x3], $0x2000, $0x38;
	[tilespmem:$0x1FC00] =	vst v63  }
0x37: {  	_ =	swait.ge [sflag:s22], $0x2000  }
0x38: {  	[sflag:s22] =	ssyncset.done $0x0  }
0x39: {  	s11 =	rddreg [dreg:$0x8];
	[sflag:s22] =	ssyncadd.s32 $0xFFFFE000  }
0x3a: {  	[spmem:s11] =	stream.linear.scatter [tilespmem:s31], [sflag:$0x3], $0x2000, $0x38;
	[tilespmem:$0x1FC00] =	vst v63  }
0x3b: {  	_ =	swait.ge [sflag:s22], $0x2000  }
0x3c: {  	[sflag:s22] =	ssyncset.done $0x0  }
0x3d: {  	s12 =	rddreg [dreg:$0x9];
	[sflag:s22] =	ssyncadd.s32 $0xFFFFE000  }
0x3e: {  	[spmem:s12] =	stream.linear.scatter [tilespmem:s31], [sflag:$0x3], $0x2000, $0x38;
	[tilespmem:$0x1FC00] =	vst v63  }
0x3f: {  	_ =	swait.ge [sflag:s22], $0x2000  }
0x40: {  	[sflag:s22] =	ssyncset.done $0x0  }
0x41: {  	s13 =	rddreg [dreg:$0xa];
	[sflag:s22] =	ssyncadd.s32 $0xFFFFE000  }
0x42: {  	[spmem:s13] =	stream.linear.scatter [tilespmem:s31], [sflag:$0x3], $0x2000, $0x38;
	[tilespmem:$0x1FC00] =	vst v63  }
0x43: {  	_ =	swait.ge [sflag:s22], $0x2000  }
0x44: {  	[sflag:s22] =	ssyncset.done $0x0  }
0x45: {  	s14 =	rddreg [dreg:$0xb];
	[sflag:s22] =	ssyncadd.s32 $0xFFFFE000  }
0x46: {  	[spmem:s14] =	stream.linear.scatter [tilespmem:s31], [sflag:$0x3], $0x2000, $0x38;
	[tilespmem:$0x1FC00] =	vst v63  }
0x47: {  	_ =	swait.ge [sflag:s22], $0x2000  }
0x48: {  	[sflag:s22] =	ssyncset.done $0x0  }
0x49: {  	[sflag:s22] =	ssyncadd.s32 $0xFFFFE000  }
0x4a: {  	[spmem:s18] =	stream.linear.scatter [tilespmem:s31], [sflag:$0x3], $0x2000, $0x38;
	[tilespmem:$0x1FC00] =	vst v63  }
0x4b: {  	_ =	swait.ge [sflag:s22], $0x2000  }
0x4c: {  	[sflag:s22] =	ssyncset.done $0x0  }
0x4d: {  	[sflag:s22] =	ssyncadd.s32 $0xFFFFE000  }
0x4e: {  	[spmem:s19] =	stream.linear.scatter [tilespmem:s31], [sflag:$0x3], $0x1C00, $0x38;
	[tilespmem:$0x1FC00] =	vst v63  }
0x4f: {  	_ =	swait.ge [sflag:s22], $0x1C00  }
0x50: {  	[sflag:s22] =	ssyncset.done $0x0  }
0x51: {  	[sflag:s22] =	ssyncadd.s32 $0xFFFFE400  }
0x52: {  	s29 =	simm.s32 $0x1;
	s16 =	simm.s32 $0x2000;
	[bflag:$0x0] =	sbarrier.arrive $0xFFFF  }
0x53: {  	s15 =	simm.s32 $0x180;
	s0 =	sand.u32 $0x6000, s16;
	_ =	swait.ge [sflag:s29], $0x2000  }
0x54: {  	p1 =	por $0x0, $0x0;
	s0 =	sadd.s32 $0x4000, s0;
	[sflag:s29] =	ssyncset.done $0x0  }
0x55: {  	s8 =	sand.u32 $0x9F, s29;
	s11 =	simm.s32 $0x200;
	[sflag:s29] =	ssyncadd.s32 $0xFFFFE000  }
0x56: {  	[spmem:s1] =	stream.indirect.scatter.add.f32 [tilespmem:s25], [sflag:$0x2], $0x80, s23, s24, $0xb8;
	[tilespmem:$0x1FC00] =	vst v63  }
0x57: {  	p0 =	sne.s32 s8, $0x8;
	s9 =	simm.s32 $0x80;
	s12 =	sand.u32 $0x3E00, s11  }
0x58: {  	[tilespmem:s31], [sflag:$0x1] =	stream.indirect.gather [hbm4b:s4+s24], $0x80, s15, s24, $0xb8;
	[tilespmem:$0x1FC00] =	vst v63  }
0x59: {  	s17 =	sand.u32 $0x1000, s9;
	s12 =	sshrl.u32 s12, $0x2;
	_ =	swait.ge [sflag:s2], $0x2000  }
0x5a: {  	s9 =	sand.u32 @!p0 $0x7FFFB000, s9;
	s8 =	sor.u32 s12, s17;
	[sflag:s2] =	ssyncset.done $0x0  }
0x5b: {  	s12 =	sadd.s32 @!p0 $0x1000, s9;
	s8 =	sor.u32 $0x2000, s8;
	[sflag:s2] =	ssyncadd.s32 $0xFFFFE000  }
0x5c: {  	[spmem:s1] =	stream.indirect.scatter.add.f32 [tilespmem:s0], [sflag:$0x2], $0x80, s8, s24, $0xb8;
	[tilespmem:$0x1FC00] =	vst v63  }
0x5d: {  	s9 =	simm.s32 @!p0 $0x3;
	s0 =	sadd.s32 @!p0 s7, s12;
	_ =	swait.ge [sflag:s26], $0x2000  }
0x5e: {  	s8 =	simm.s32 @!p0 $0x0;
	s0 =	sshrl.u32 @!p0 s0, $0x3;
	[sflag:s26] =	ssyncset.done $0x0  }
0x5f: {  	s12 =	sand.u32 @!p0 $0x1000, s12;
	s13 =	sadd.s32 @!p0 s5, s0;
	[sflag:s26] =	ssyncadd.s32 $0xFFFFE000  }
0x60: {  	[tilespmem:s12], [sflag:$0x3] =	stream.linear.gather @!p0 [hbm4b:s13+s8], $0x1000, $0x38;
	[tilespmem:$0x1FC00] =	vst v63  }
0x61: {  	s30 =	simm.s32 $0x280;
	s14 =	sand.u32 @!p1 $0x1F80, s11;
	_ =	swait.ge @!p0 [sflag:s9], $0x1000  }
0x62: {  	s0 =	sadd.s32 @!p0 s6, s0;
	s13 =	simm.s32 $0x8000;
	[sflag:s9] =	ssyncset.done @!p0 $0x0  }
0x63: {  	s12 =	sor.u32 @!p0 $0x2000, s12;
	s13 =	sand.u32 @!p1 $0x6000, s13;
	[sflag:s9] =	ssyncadd.s32 @!p0 $0xFFFFF000  }
0x64: {  	[tilespmem:s12], [sflag:$0x3] =	stream.linear.gather @!p0 [hbm4b:s0+s8], $0x1000, $0x38;
	[tilespmem:$0x1FC00] =	vst v63  }
0x65: {  	s13 =	sadd.s32 @!p1 $0x4000, s13;
	s0 =	simm.s32 $0x400;
	_ =	swait.ge @!p0 [sflag:s9], $0x1000  }
0x66: {  	s8 =	simm.s32 $0xA000;
	s12 =	simm.s32 @!p1 $0x40;
	[sflag:s9] =	ssyncset.done @!p0 $0x0  }
.LBB2_4:
0x67: {  	[sflag:s9] =	ssyncadd.s32 @!p0 $0xFFFFF000;
	s29 =	sadd.s32 $0x1, s29  }
0x68: {  	s11 =	smov.u32 s30;
	s30 =	sadd.s32 $0x80, s30;
	s15 =	smov.u32 s8  }
0x69: {  	[tilespmem:s13], [sflag:$0x1] =	stream.indirect.gather @!p1 [hbm4b:s4+s12], $0x80, s14, s12, $0xb8;
	[tilespmem:$0x1FC00] =	vst v63  }
0x6a: {  	s9 =	sadd.s32 $0xFFFFA000, s8;
	s12 =	sand.u32 $0x9F, s29;
	_ =	swait.ge [sflag:s2], $0x2000  }
0x6b: {  	s13 =	sadd.s32 $0xFFFFFE80, s11;
	s14 =	sand.u32 $0x3E00, s0;
	p0 =	sne.s32 s12, $0x8  }
0x6c: {  	s12 =	sand.u32 $0x1000, s13;
	s14 =	sshrl.u32 s14, $0x2;
	s13 =	sand.u32 @!p0 $0x7FFFB000, s13  }
0x6d: {  	s12 =	sor.u32 s14, s12;
	s13 =	sadd.s32 @!p0 $0x1000, s13;
	[sflag:s2] =	ssyncset.done $0x0  }
0x6e: {  	s9 =	sand.u32 $0x6000, s9;
	s12 =	sor.u32 $0x2000, s12;
	[sflag:s2] =	ssyncadd.s32 $0xFFFFE000  }
0x6f: {  	s14 =	sadd.s32 $0x4000, s9;
	s9 =	simm.s32 @!p0 $0x3;
	s16 =	sadd.s32 @!p0 s7, s13  }
0x70: {  	[spmem:s1] =	stream.indirect.scatter.add.f32 [tilespmem:s14], [sflag:$0x2], $0x80, s12, s24, $0xb8;
	[tilespmem:$0x1FC00] =	vst v63  }
0x71: {  	s12 =	sshrl.u32 @!p0 s16, $0x3;
	s14 =	simm.s32 @!p0 $0x0;
	_ =	swait.ge [sflag:s26], $0x2000  }
0x72: {  	s13 =	sand.u32 @!p0 $0x1000, s13;
	s16 =	sadd.s32 @!p0 s5, s12;
	[sflag:s26] =	ssyncset.done $0x0  }
0x73: {  	s17 =	sor.u32 @!p0 $0x2000, s13;
	s12 =	sadd.s32 @!p0 s6, s12;
	[sflag:s26] =	ssyncadd.s32 $0xFFFFE000  }
0x74: {  	[tilespmem:s13], [sflag:$0x3] =	stream.linear.gather @!p0 [hbm4b:s16+s14], $0x1000, $0x38;
	[tilespmem:$0x1FC00] =	vst v63  }
0x75: {  	p2 =	sne.s32 s30, $0x5180;
	_ =	swait.ge @!p0 [sflag:s9], $0x1000  }
.Ltmp1:
0x76: {  	s0 =	sadd.s32 $0x200, s0;
	[sflag:s9] =	ssyncset.done @!p0 $0x0;
	(pc) =	sbr.rel @p2 .LBB2_4-.Ltmp1, $4  }
0x77: {  	s8 =	sadd.s32 $0x2000, s8;
	p1 =	sgt.u32 s29, $0x9C;
	[sflag:s9] =	ssyncadd.s32 @!p0 $0xFFFFF000  }
0x78: {  	[tilespmem:s17], [sflag:$0x3] =	stream.linear.gather @!p0 [hbm4b:s12+s14], $0x1000, $0x38;
	[tilespmem:$0x1FC00] =	vst v63  }
0x79: {  	s13 =	sand.u32 @!p1 $0x6000, s15;
	s12 =	simm.s32 @!p1 $0x40;
	_ =	swait.ge @!p0 [sflag:s9], $0x1000  }
0x7a: {  	s13 =	sadd.s32 @!p1 $0x4000, s13;
	s14 =	sand.u32 @!p1 $0x1F80, s11;
	[sflag:s9] =	ssyncset.done @!p0 $0x0  }
0x7b: {  	[sflag:s9] =	ssyncadd.s32 @!p0 $0xFFFFF000  }
0x7c: {  	[tilespmem:s13], [sflag:$0x1] =	stream.indirect.gather @!p1 [hbm4b:s4+s12], $0x80, s14, s12, $0xb8;
	[tilespmem:$0x1FC00] =	vst v63  }
0x7d: {  	s0 =	stileid.u32;
	_ =	swait.ge [sflag:s26], $0x2000  }
0x7e: {  	s8 =	sshrl.u32 s10, $0x3;
	s28 =	sadd.s32 $0x1, s28;
	[sflag:s26] =	ssyncset.done $0x0  }
0x7f: {  	s0 =	sshll.u32 s0, $0x6;
	p0 =	sne.s32 s28, s21;
	[sflag:s26] =	ssyncadd.s32 $0xFFFFE000  }
.Ltmp2:
0x80: {  	s0 =	sor.u32 $0x1C03, s0;
	[bflag:$0x0] =	sbarrier.arrive $0xFFFF;
	(pc) =	sbr.rel @p0 .LBB2_1-.Ltmp2, $4  }
0x81: {  	[hbm:s20], [sflag:s0] =	dma.local [spmem:s8], $0x2780  }
0x82: {  	_ =	swait.ge [sflag:s22], $0x2780  }
0x83: {  	[sflag:s22] =	ssyncset.done $0x0  }
0x84: {  	[sflag:s22] =	ssyncadd.s32 $0xFFFFD880  }
0x85: {  	_ =	sfence.sel $0x180000  }
0x86: {  	[bflag:$0x0] =	sbarrier.arrive $0xFFFF  }
0x87: {  	_ =	strace $0x90000047  }
0x88: {  	s0 =	stileid.u32;
	[bflag:$0x2] =	sbarrier.arrive $0xFFFF  }
0x89: {  	p0 =	sne.s32 s0, $0x0;
	s0 =	rddreg [dreg:$0x2]  }
0x8a: {  	s0 =	sadd.s32 @!p0 $0x100000, s0  }
0x8b: {  	[sflag:s0] =	ssyncadd.tile.s32 @!p0 $0x1;
	_ =	shalt  }
.Lfunc_end2:
_tile_overlayer_lowered:
.L_overlay_start_2:
0x8c: {  	(tag) =	ssettag $0x2  }
0x8d: {  	s0 =	rddreg [dreg:$0x0];
	s2 =	stileid.u32  }
0x8e: {  	s1 =	rddreg [dreg:$0x1];
	p0 =	sne.s32 s2, $0x0  }
0x8f: {  	s3 =	rddreg [dreg:$0x2];
	[bflag:$0x3] =	sbarrier.arrive $0xFFFF;
	s2 =	simm.s32 @!p0 $0x1C03  }
0x90: {  	[timem:s3], [sflag:s2] =	dma.local @!p0 [hbm:s0], s1  }
0x91: {  	s0 =	simm.s32 @!p0 $0x3  }
0x92: {  	_ =	swait.ge @!p0 [sflag:s0], s1  }
0x93: {  	s1 =	ssub.s32 @!p0 $0x0, s1;
	[sflag:s0] =	ssyncset.done @!p0 $0x0  }
0x94: {  	[sflag:s0] =	ssyncadd.s32 @!p0 s1  }
0x95: {  	[bflag:$0x3] =	sbarrier.arrive $0xFFFF  }
0x96: {  	_ =	shalt  }

// kernel: kernel.14.cloned.1.call-start
scs
__scs_entry_jumppad:
0x0: {  	(pc) =	sbr.rel $0x88, $3  }
0x1: {  	(tag) =	ssettag $0x0;
	lr =	simm.s32 $0x1  }
0x2: {  	[smem:$0x3F97] =	sst lr;
	_ =	strace $0xD0000000  }
0x3: {  	_ = 	snop  }
0x4: {  	_ = 	snop  }
0x5: {  	_ = 	snop  }
0x6: {  	_ = 	snop  }
0x7: {  	_ = 	snop  }
__scs_overlays_trampoline_lowered:
0x8: {  	[smem:$0x3FA6] =	sst s0  }
0x9: {  	[smem:$0x3FA7] =	sst s1  }
0xa: {  	[smem:$0x3FA8] =	sst s2  }
0xb: {  	[smem:$0x3FA9] =	sst s3  }
0xc: {  	[smem:$0x3FAA] =	sst s4  }
0xd: {  	[smem:$0x3FAB] =	sst s5  }
0xe: {  	[smem:$0x3FAC] =	sst s6  }
0xf: {  	[smem:$0x3FAD] =	sst s7  }
0x10: {  	[smem:$0x3FAE] =	sst s8  }
0x11: {  	[smem:$0x3FAF] =	sst s9;
	s0 =	simm.s32 @!p0 $0x0  }
0x12: {  	s1 =	sld [smem:$0x3F95];
	s0 =	simm.s32 @p0 $0x1  }
0x13: {  	[smem:$0x3FB0] =	sst s0;
	s0 =	simm.s32 @!p1 $0x0  }
0x14: {  	s2 =	sld [smem:$0x3F94];
	s0 =	simm.s32 @p1 $0x1  }
0x15: {  	[smem:$0x3FB1] =	sst s0;
	s0 =	simm.s32 @!p2 $0x0  }
0x16: {  	s3 =	sld [smem:$0x3FDB];
	s0 =	simm.s32 @p2 $0x1  }
0x17: {  	s4 =	simm.s32 $0x1BF5;
	[smem:$0x3FB3] =	sst s0  }
0x18: {  	s0 =	sld [smem:$0x3F96];
	_ =	swait.ge [sflag:s4], $0x0  }
0x19: {  	s7 =	sld [smem:$0x3F97]  }
0x1a: {  	s8 =	sadd.s32 $0xFFFFE003, lr  }
0x1b: {  	s9 =	sadd.s32 $0xFFFFFEF7, lr;
	s5 =	simm.s32 $0xFFFFFFFF;
	p2 =	slt.u32 s8, $0xFFFFF086  }
0x1c: {  	p1 =	slt.u32 s9, $0xF7A;
	s5 =	simm.s32 @!p2 $0x0  }
0x1d: {  	s5 =	simm.s32 @p1 $0x1;
	p0 =	seq.s32 s7, s2  }
0x1e: {  	s7 =	smul.u32 @!p0 $0xF7A, s2;
	p2 =	seq.s32 @!p0 s5, $0x0  }
0x1f: {  	s9 =	smul.u32 $0xF7A, s1;
	s8 =	simm.s32 @!p0 $0x1BF5;
	p2 =	por !p2, p0  }
0x20: {  	[sflag:s8] =	ssyncset.s32 @!p0 $0xFFFFF086;
	s6 =	sadd.s32 @!p0 s3, s7;
	s7 =	simm.s32 @!p0 $0x108  }
0x21: {  	s3 =	sadd.s32 s3, s9;
	s6 =	sadd.s32 @!p0 $0x88, s6;
	s7 =	simm.s32 @p2 $0x1082  }
0x22: {  	[simem:s7], [sflag:s8] =	dma.local @!p0 [hbm:s6], $0xF7A  }
0x23: {  	s9 =	sor.u32 $0xD0000000, s2;
	s6 =	simm.s32 $0x108;
	_ =	swait.ge @!p0 [sflag:s8], $0x0  }
0x24: {  	s3 =	sadd.s32 $0x88, s3;
	s6 =	simm.s32 @!p1 $0x1082;
	[sflag:s4] =	ssyncset.s32 $0xFFFFF086  }
0x25: {  	[simem:s6], [sflag:s4] =	dma.local [hbm:s3], $0xF7A  }
0x26: {  	[smem:$0x3F97] =	sst s1;
	(tag) =	ssettag s2;
	_ =	strace s9  }
0x27: {  	s1 =	sld [smem:$0x3FA7]  }
0x28: {  	s2 =	sld [smem:$0x3FA8]  }
0x29: {  	s4 =	sld [smem:$0x3FAA]  }
0x2a: {  	p0 =	seq.s32 s5, $0x0;
	s5 =	sld [smem:$0x3FAB]  }
0x2b: {  	s6 =	sld [smem:$0x3FAC]  }
0x2c: {  	s7 =	sld [smem:$0x3FAD]  }
0x2d: {  	s3 =	simm.s32 $0x108;
	s8 =	sld [smem:$0x3FAE]  }
0x2e: {  	s3 =	simm.s32 @!p0 $0x1082;
	s9 =	sld [smem:$0x3FAF]  }
0x2f: {  	lr =	sadd.s32 s0, s3;
	s0 =	sld [smem:$0x3FA6]  }
0x30: {  	s3 =	sld [smem:$0x3FA9]  }
0x31: {  	[smem:$0x3FB2] =	sst s10  }
0x32: {  	s10 =	sld [smem:$0x3FB0];
	_ =	sdelay $0x3  }
0x33: {  	p0 =	seq.s32 s10, $0x1;
	s10 =	sld [smem:$0x3FB2];
	_ =	sdelay $0x3  }
0x34: {  	[smem:$0x3FB2] =	sst s10  }
0x35: {  	s10 =	sld [smem:$0x3FB1];
	_ =	sdelay $0x3  }
0x36: {  	p1 =	seq.s32 s10, $0x1;
	s10 =	sld [smem:$0x3FB2];
	_ =	sdelay $0x3  }
0x37: {  	[smem:$0x3FB2] =	sst s10  }
0x38: {  	s10 =	sld [smem:$0x3FB3]  }
0x39: {  	_ = 	snop;
	(pc) =	sbr.ind lr, $3  }
0x3a: {  	_ = 	snop  }
0x3b: {  	_ = 	snop  }
0x3c: {  	p2 =	seq.s32 s10, $0x1;
	s10 =	sld [smem:$0x3FB2]  }
0x3d: {  	_ =	shalt  }
0x3e: {  	_ =	shalt  }
0x3f: {  	_ =	shalt  }
0x40: {  	_ =	shalt  }
0x41: {  	_ =	shalt  }
0x42: {  	_ =	shalt  }
0x43: {  	_ =	shalt  }
0x44: {  	_ =	shalt  }
0x45: {  	_ =	shalt  }
0x46: {  	_ =	shalt  }
0x47: {  	_ =	shalt  }
0x48: {  	_ =	shalt  }
0x49: {  	_ =	shalt  }
0x4a: {  	_ =	shalt  }
0x4b: {  	_ =	shalt  }
0x4c: {  	_ =	shalt  }
0x4d: {  	_ =	shalt  }
0x4e: {  	_ =	shalt  }
0x4f: {  	_ =	shalt  }
0x50: {  	_ =	shalt  }
0x51: {  	_ =	shalt  }
0x52: {  	_ =	shalt  }
0x53: {  	_ =	shalt  }
0x54: {  	_ =	shalt  }
0x55: {  	_ =	shalt  }
0x56: {  	_ =	shalt  }
0x57: {  	_ =	shalt  }
0x58: {  	_ =	shalt  }
0x59: {  	_ =	shalt  }
0x5a: {  	_ =	shalt  }
0x5b: {  	_ =	shalt  }
0x5c: {  	_ =	shalt  }
0x5d: {  	_ =	shalt  }
0x5e: {  	_ =	shalt  }
0x5f: {  	_ =	shalt  }
0x60: {  	_ =	shalt  }
0x61: {  	_ =	shalt  }
0x62: {  	_ =	shalt  }
0x63: {  	_ =	shalt  }
0x64: {  	_ =	shalt  }
0x65: {  	_ =	shalt  }
0x66: {  	_ =	shalt  }
0x67: {  	_ =	shalt  }
0x68: {  	_ =	shalt  }
0x69: {  	_ =	shalt  }
0x6a: {  	_ =	shalt  }
0x6b: {  	_ =	shalt  }
0x6c: {  	_ =	shalt  }
0x6d: {  	_ =	shalt  }
0x6e: {  	_ =	shalt  }
0x6f: {  	_ =	shalt  }
0x70: {  	_ =	shalt  }
0x71: {  	_ =	shalt  }
0x72: {  	_ =	shalt  }
0x73: {  	_ =	shalt  }
0x74: {  	_ =	shalt  }
0x75: {  	_ =	shalt  }
0x76: {  	_ =	shalt  }
0x77: {  	_ =	shalt  }
0x78: {  	_ =	shalt  }
0x79: {  	_ =	shalt  }
0x7a: {  	_ =	shalt  }
0x7b: {  	_ =	shalt  }
0x7c: {  	_ =	shalt  }
0x7d: {  	_ =	shalt  }
0x7e: {  	_ =	shalt  }
0x7f: {  	_ =	shalt  }
0x80: {  	_ =	shalt  }
0x81: {  	_ =	shalt  }
0x82: {  	_ =	shalt  }
0x83: {  	_ =	shalt  }
0x84: {  	_ =	shalt  }
0x85: {  	_ =	shalt  }
0x86: {  	_ =	shalt  }
0x87: {  	_ =	shalt  }
.Lfunc_end0:
.L_simem_size_0:
called_computation.1_lowered:
.L_overlay_start_0:
0x88: {  	s2 =	sld [smem:$0x3FD9]  }
0x89: {  	s3 =	sld [smem:$0x3FFE];
	_ =	sdelay $0x1  }
0x8a: {  	s1 =	srdreg.scid  }
0x8b: {  	s0 =	sand.u32 $0x1, s1  }
0x8c: {  	s16 =	sshll.u32 s0, $0xA;
	s2 =	sadd.s32 s3, s2  }
0x8d: {  	s2 =	sadd.s32 s2, s16  }
0x8e: {  	[smem:$0x3FBE] =	sst s2  }
0x8f: {  	_ = 	snop  }
0x90: {  	(tm) =	ssettm $0x1  }
0x91: {  	s17 =	sld [smem:$0x3FFB];
	_ =	sdelay $0x3  }
0x92: {  	_ =	strace s17  }
0x93: {  	s2 =	sld [smem:$0x3FFC];
	_ =	sdelay $0x3  }
0x94: {  	_ =	strace s2  }
0x95: {  	s2 =	sld [smem:$0x3FFD];
	_ =	sdelay $0x3  }
0x96: {  	_ =	strace s2  }
0x97: {  	_ =	strace $0x8FFFFFFF  }
0x98: {  	s18 =	sld [smem:$0x3FDB];
	_ =	sdelay $0x1  }
0x99: {  	s19 =	simm.s32 $_scs_section_size  }
0x9a: {  	s4 =	simm.s32 $_size__tile_overlayer_lowered;
	s5 =	simm.s32 $_tile_overlayer_lowered  }
0x9b: {  	s22 =	simm.s32 $0x1BFF;
	s21 =	sshll.u32 s5, $0x1;
	s2 =	sadd.s32 s19, s18  }
0x9c: {  	s6 =	simm.s32 $0x0;
	s20 =	sshll.u32 s4, $0x1;
	s4 =	sadd.s32 s21, s2  }
0x9d: {  	[timem:s6], [sflag:s22] =	dma.local [hbm:s4], s20  }
0x9e: {  	_ =	swait.ge [sflag:s22], s20  }
0x9f: {  	s3 =	ssub.s32 $0x0, s20;
	[sflag:s22] =	ssyncset.done $0x0  }
0xa0: {  	[sflag:s22] =	ssyncadd.s32 s3;
	_ =	sdelay $0x1  }
0xa1: {  	s23 =	simm.s32 $0x1B8B  }
0xa2: {  	_ =	swait.ge [sflag:s23], $0x1  }
0xa3: {  	[sflag:s23] =	ssyncset.done $0x0  }
0xa4: {  	s25 =	simm.s32 $0x1B8E;
	s24 =	sld [smem:$0x3FFE];
	[sflag:s23] =	ssyncadd.s32 $0xFFFFFFFF  }
0xa5: {  	s26 =	simm.s32 $execute0_lowered;
	[smem:$0x3FD2] =	sst s25  }
0xa6: {  	s4 =	sshll.u32 s26, $0x1;
	_ =	strace $0x80000049;
	[dreg:$0x1] =	wrdreg $0xFFFFFFFF  }
0xa7: {  	s28 =	simm.s32 $_size_execute0_lowered;
	s2 =	sadd.s32 s2, s4;
	[dreg:$0x0] =	wrdreg $0x0  }
0xa8: {  	s4 =	sshll.u32 s28, $0x1;
	[dreg:$0x2] =	wrdreg s2  }
0xa9: {  	[dreg:$0x3] =	wrdreg s4  }
0xaa: {  	[dreg:$0x4] =	wrdreg $0xC0  }
0xab: {  	_ =	task [dreg:s6], $0x5FFFF  }
0xac: {  	[dreg:$0x1] =	wrdreg $0xFFFFFFFF  }
0xad: {  	[dreg:$0x0] =	wrdreg $0x60  }
0xae: {  	[dreg:$0x2] =	wrdreg s24  }
0xaf: {  	[dreg:$0x3] =	wrdreg $0xC0000  }
0xb0: {  	[dreg:$0x4] =	wrdreg $0x9  }
0xb1: {  	_ =	task.clear_ibuf [dreg:s6], $0x5FFFF;
	_ =	strace $0x90000049  }
0xb2: {  	s29 =	simm.s32 $0x9;
	_ =	strace $0x8000004B  }
0xb3: {  	_ =	swait.ge [sflag:s29], $0x1  }
0xb4: {  	[sflag:s29] =	ssyncadd.s32 $0xFFFFFFFF  }
0xb5: {  	_ =	strace $0x9000004B  }
0xb6: {  	_ =	sfence  }
0xb7: {  	s30 =	sld [smem:$0x0];
	_ =	sdelay $0x2  }
0xb8: {  	s31 =	sshll.u32 s1, $0xD;
	s1 =	sshrl.u32 s1, $0x2  }
0xb9: {  	s3 =	sand.u32 $0x4000, s31;
	s1 =	sadd.s32 s1, s30  }
0xba: {  	s0 =	sor.u32 s3, s0;
	s1 =	sshll.u32 s1, $0x11  }
0xbb: {  	s0 =	sor.u32 s1, s0  }
0xbc: {  	s0 =	sadd.s32 $0x8F2B, s0  }
0xbd: {  	[sflag:s0] =	ssyncadd.remote.s32 $0x1  }
0xbe: {  	_ =	sfence.sel $0xFFFF  }
0xbf: {  	[dreg:$0x0] =	wrdreg $0xFFFFFFFF;
	(pc) =	sbr.abs _section_cstart, $3  }
0xc0: {  	[dreg:$0x1] =	wrdreg $0xFFFFFFFF  }
0xc1: {  	_ =	task.clear_ibuf [dreg:s6], $0x2FFFF;
	_ =	strace $0x9FFFFFFF  }
0xc2: {  	(tm) =	ssettm $0x7FFFFFFF  }
0xc3: {  	_ =	shalt  }
tec
execute0_lowered:
.L_overlay_start_1:
0x0: {  	(tag) =	ssettag $0x1  }
0x1: {  	s0 =	rddreg [dreg:$0x0];
	s10 =	stileid.u32  }
0x2: {  	s1 =	rddreg [dreg:$0x1];
	s3 =	simm.s32 $0x0;
	s8 =	smul.u32 $0x13C00, s10  }
0x3: {  	s2 =	srdreg.scid;
	s31 =	simm.s32 $0xA000;
	s19 =	smul.u32 $0x5000, s10  }
0x4: {  	s28 =	simm.s32 $0x0;
	[smem:$0x7FF] =	sst s3;
	s10 =	smul.u32 $0x4F000, s10  }
0x5: {  	s2 =	sand.u32 $0x1, s2;
	s4 =	sadd.s32 $0x2BA00, s0;
	s5 =	sadd.s32 $0x3A00, s0  }
0x6: {  	s6 =	sadd.s32 $0x17A00, s0;
	s7 =	smul.u32 $0x13C000, s2;
	s20 =	sshrl.u32 s10, $0x2  }
0x7: {  	s9 =	smul.u32 $0x50000, s2;
	s2 =	ssub.s32 $0x2, s2;
	s10 =	sadd.s32 s20, s1  }
0x8: {  	_ =	strace $0x8000004A;
	s11 =	sshrl.u32 s2, $0x1;
	s22 =	sadd.s32 $0x2000, s10  }
0x9: {  	s7 =	sadd.s32 s8, s7;
	s23 =	sadd.s32 $0x4000, s10;
	[dreg:$0x5] =	wrdreg s22  }
0xa: {  	s2 =	ssub.s32 s2, s11;
	s24 =	sadd.s32 $0x6000, s10;
	[dreg:$0x6] =	wrdreg s23  }
0xb: {  	s7 =	sshrl.u32 s7, $0x3;
	s25 =	sadd.s32 $0x8000, s10;
	[dreg:$0x7] =	wrdreg s24  }
0xc: {  	s26 =	sadd.s32 $0xA000, s10;
	s29 =	sadd.s32 $0xC000, s10;
	[dreg:$0x8] =	wrdreg s25  }
0xd: {  	s30 =	sadd.s32 $0xE000, s10;
	s18 =	sadd.s32 $0x10000, s10;
	[dreg:$0x9] =	wrdreg s26  }
0xe: {  	s0 =	sadd.s32 s7, s0;
	s7 =	sadd.s32 s19, s9;
	[dreg:$0xa] =	wrdreg s29  }
0xf: {  	[dreg:$0xb] =	wrdreg s30;
	s19 =	sadd.s32 $0x12000, s10;
	s22 =	simm.s32 $0x3  }
0x10: {  	s23 =	simm.s32 $0x2000;
	s24 =	simm.s32 $0x40;
	s8 =	sshrl.u32 s7, $0x3  }
0x11: {  	s25 =	simm.s32 $0x4000;
	s26 =	simm.s32 $0x2;
	s21 =	sadd.s32 s5, s8  }
0x12: {  	s20 =	sadd.s32 $0x52C00, s0;
	s8 =	sadd.s32 s6, s8;
	[dreg:$0x3] =	wrdreg s21  }
0x13: {  	v0 =	vimm.f32 $0.0e+00;
	[dreg:$0x4] =	wrdreg s8;
	s21 =	smax.u32 s2, $0x1;
	s2 =	simm.s32 $0x1  }
.LBB2_1:
0x14: {  	s0 =	rddreg [dreg:$0x3]  }
0x15: {  	[tilespmem:s3], [sflag:$0x3] =	stream.linear.gather [hbm4b:s0+s3], $0x1000, $0x38;
	[tilespmem:$0x1FC00] =	vst v63  }
0x16: {  	_ =	swait.ge [sflag:s22], $0x1000  }
0x17: {  	[sflag:s22] =	ssyncset.done $0x0  }
0x18: {  	s14 =	rddreg [dreg:$0x4];
	[sflag:s22] =	ssyncadd.s32 $0xFFFFF000  }
0x19: {  	[tilespmem:s23], [sflag:$0x3] =	stream.linear.gather [hbm4b:s14+s3], $0x1000, $0x38;
	[tilespmem:$0x1FC00] =	vst v63  }
0x1a: {  	_ =	swait.ge [sflag:s22], $0x1000  }
0x1b: {  	s15 =	simm.s32 $0x80;
	s8 =	simm.s32 $0x6000;
	[sflag:s22] =	ssyncset.done $0x0  }
0x1c: {  	s16 =	simm.s32 $0x100;
	s29 =	sand.u32 $0x7E00, s3;
	[sflag:s22] =	ssyncadd.s32 $0xFFFFF000  }
0x1d: {  	[tilespmem:s25], [sflag:$0x1] =	stream.indirect.gather [hbm4b:s4+s24], $0x80, s3, s24, $0xb8;
	[tilespmem:$0x1FC00] =	vst v63  }
0x1e: {  	s17 =	simm.s32 $0x8000;
	s30 =	sand.u32 $0x70, s3;
	s9 =	sshrl.u32 s29, $0x2  }
0x1f: {  	[tilespmem:s8], [sflag:$0x1] =	stream.indirect.gather [hbm4b:s4+s24], $0x80, s15, s24, $0xb8;
	[tilespmem:$0x1FC00] =	vst v63  }
0x20: {  	s0 =	simm.s32 $0x40;
	s9 =	sor.u32 s30, s9;
	s8 =	simm.s32 $0x0  }
0x21: {  	[tilespmem:s17], [sflag:$0x1] =	stream.indirect.gather [hbm4b:s4+s24], $0x80, s16, s24, $0xb8;
	[tilespmem:$0x1FC00] =	vst v63  }
.LBB2_2:
0x22: {  	p0 =	sne.s32 s0, $0x7FC0  }
0x23: {  	[tilespmem:s9+$0xA000] =	vst v0;
	s8 =	sadd.s32 $0x10, s8;
	s9 =	smov.u32 s0;
	s0 =	sadd.s32 $0x40, s0  }
.Ltmp0:
0x24: {  	(pc) =	sbr.rel @p0 .LBB2_2-.Ltmp0, $4  }
0x25: {  	_ = 	snop  }
0x26: {  	s9 =	sand.u32 $0x7E00, s9  }
0x27: {  	s11 =	sand.u32 $0x70, s8;
	s9 =	sshrl.u32 s9, $0x2  }
0x28: {  	s9 =	sor.u32 s11, s9  }
0x29: {  	[tilespmem:s9+$0xA000] =	vst v0  }
0x2a: {  	[spmem:s10] =	stream.linear.scatter [tilespmem:s31], [sflag:$0x3], $0x2000, $0x38;
	[tilespmem:$0x1FC00] =	vst v63  }
0x2b: {  	_ =	swait.ge [sflag:s22], $0x2000  }
0x2c: {  	[sflag:s22] =	ssyncset.done $0x0  }
0x2d: {  	s0 =	rddreg [dreg:$0x5];
	[sflag:s22] =	ssyncadd.s32 $0xFFFFE000  }
0x2e: {  	[spmem:s0] =	stream.linear.scatter [tilespmem:s31], [sflag:$0x3], $0x2000, $0x38;
	[tilespmem:$0x1FC00] =	vst v63  }
0x2f: {  	_ =	swait.ge [sflag:s22], $0x2000  }
0x30: {  	[sflag:s22] =	ssyncset.done $0x0  }
0x31: {  	s8 =	rddreg [dreg:$0x6];
	[sflag:s22] =	ssyncadd.s32 $0xFFFFE000  }
0x32: {  	[spmem:s8] =	stream.linear.scatter [tilespmem:s31], [sflag:$0x3], $0x2000, $0x38;
	[tilespmem:$0x1FC00] =	vst v63  }
0x33: {  	_ =	swait.ge [sflag:s22], $0x2000  }
0x34: {  	[sflag:s22] =	ssyncset.done $0x0  }
0x35: {  	s9 =	rddreg [dreg:$0x7];
	[sflag:s22] =	ssyncadd.s32 $0xFFFFE000  }
0x36: {  	[spmem:s9] =	stream.linear.scatter [tilespmem:s31], [sflag:$0x3], $0x2000, $0x38;
	[tilespmem:$0x1FC00] =	vst v63  }
0x37: {  	_ =	swait.ge [sflag:s22], $0x2000  }
0x38: {  	[sflag:s22] =	ssyncset.done $0x0  }
0x39: {  	s11 =	rddreg [dreg:$0x8];
	[sflag:s22] =	ssyncadd.s32 $0xFFFFE000  }
0x3a: {  	[spmem:s11] =	stream.linear.scatter [tilespmem:s31], [sflag:$0x3], $0x2000, $0x38;
	[tilespmem:$0x1FC00] =	vst v63  }
0x3b: {  	_ =	swait.ge [sflag:s22], $0x2000  }
0x3c: {  	[sflag:s22] =	ssyncset.done $0x0  }
0x3d: {  	s12 =	rddreg [dreg:$0x9];
	[sflag:s22] =	ssyncadd.s32 $0xFFFFE000  }
0x3e: {  	[spmem:s12] =	stream.linear.scatter [tilespmem:s31], [sflag:$0x3], $0x2000, $0x38;
	[tilespmem:$0x1FC00] =	vst v63  }
0x3f: {  	_ =	swait.ge [sflag:s22], $0x2000  }
0x40: {  	[sflag:s22] =	ssyncset.done $0x0  }
0x41: {  	s13 =	rddreg [dreg:$0xa];
	[sflag:s22] =	ssyncadd.s32 $0xFFFFE000  }
0x42: {  	[spmem:s13] =	stream.linear.scatter [tilespmem:s31], [sflag:$0x3], $0x2000, $0x38;
	[tilespmem:$0x1FC00] =	vst v63  }
0x43: {  	_ =	swait.ge [sflag:s22], $0x2000  }
0x44: {  	[sflag:s22] =	ssyncset.done $0x0  }
0x45: {  	s14 =	rddreg [dreg:$0xb];
	[sflag:s22] =	ssyncadd.s32 $0xFFFFE000  }
0x46: {  	[spmem:s14] =	stream.linear.scatter [tilespmem:s31], [sflag:$0x3], $0x2000, $0x38;
	[tilespmem:$0x1FC00] =	vst v63  }
0x47: {  	_ =	swait.ge [sflag:s22], $0x2000  }
0x48: {  	[sflag:s22] =	ssyncset.done $0x0  }
0x49: {  	[sflag:s22] =	ssyncadd.s32 $0xFFFFE000  }
0x4a: {  	[spmem:s18] =	stream.linear.scatter [tilespmem:s31], [sflag:$0x3], $0x2000, $0x38;
	[tilespmem:$0x1FC00] =	vst v63  }
0x4b: {  	_ =	swait.ge [sflag:s22], $0x2000  }
0x4c: {  	[sflag:s22] =	ssyncset.done $0x0  }
0x4d: {  	[sflag:s22] =	ssyncadd.s32 $0xFFFFE000  }
0x4e: {  	[spmem:s19] =	stream.linear.scatter [tilespmem:s31], [sflag:$0x3], $0x1C00, $0x38;
	[tilespmem:$0x1FC00] =	vst v63  }
0x4f: {  	_ =	swait.ge [sflag:s22], $0x1C00  }
0x50: {  	[sflag:s22] =	ssyncset.done $0x0  }
0x51: {  	[sflag:s22] =	ssyncadd.s32 $0xFFFFE400  }
0x52: {  	s29 =	simm.s32 $0x1;
	s16 =	simm.s32 $0x2000;
	[bflag:$0x0] =	sbarrier.arrive $0xFFFF  }
0x53: {  	s15 =	simm.s32 $0x180;
	s0 =	sand.u32 $0x6000, s16;
	_ =	swait.ge [sflag:s29], $0x2000  }
0x54: {  	p1 =	por $0x0, $0x0;
	s0 =	sadd.s32 $0x4000, s0;
	[sflag:s29] =	ssyncset.done $0x0  }
0x55: {  	s8 =	sand.u32 $0x9F, s29;
	s11 =	simm.s32 $0x200;
	[sflag:s29] =	ssyncadd.s32 $0xFFFFE000  }
0x56: {  	[spmem:s1] =	stream.indirect.scatter.add.f32 [tilespmem:s25], [sflag:$0x2], $0x80, s23, s24, $0xb8;
	[tilespmem:$0x1FC00] =	vst v63  }
0x57: {  	p0 =	sne.s32 s8, $0x8;
	s9 =	simm.s32 $0x80;
	s12 =	sand.u32 $0x3E00, s11  }
0x58: {  	[tilespmem:s31], [sflag:$0x1] =	stream.indirect.gather [hbm4b:s4+s24], $0x80, s15, s24, $0xb8;
	[tilespmem:$0x1FC00] =	vst v63  }
0x59: {  	s17 =	sand.u32 $0x1000, s9;
	s12 =	sshrl.u32 s12, $0x2;
	_ =	swait.ge [sflag:s2], $0x2000  }
0x5a: {  	s9 =	sand.u32 @!p0 $0x7FFFB000, s9;
	s8 =	sor.u32 s12, s17;
	[sflag:s2] =	ssyncset.done $0x0  }
0x5b: {  	s12 =	sadd.s32 @!p0 $0x1000, s9;
	s8 =	sor.u32 $0x2000, s8;
	[sflag:s2] =	ssyncadd.s32 $0xFFFFE000  }
0x5c: {  	[spmem:s1] =	stream.indirect.scatter.add.f32 [tilespmem:s0], [sflag:$0x2], $0x80, s8, s24, $0xb8;
	[tilespmem:$0x1FC00] =	vst v63  }
0x5d: {  	s9 =	simm.s32 @!p0 $0x3;
	s0 =	sadd.s32 @!p0 s7, s12;
	_ =	swait.ge [sflag:s26], $0x2000  }
0x5e: {  	s8 =	simm.s32 @!p0 $0x0;
	s0 =	sshrl.u32 @!p0 s0, $0x3;
	[sflag:s26] =	ssyncset.done $0x0  }
0x5f: {  	s12 =	sand.u32 @!p0 $0x1000, s12;
	s13 =	sadd.s32 @!p0 s5, s0;
	[sflag:s26] =	ssyncadd.s32 $0xFFFFE000  }
0x60: {  	[tilespmem:s12], [sflag:$0x3] =	stream.linear.gather @!p0 [hbm4b:s13+s8], $0x1000, $0x38;
	[tilespmem:$0x1FC00] =	vst v63  }
0x61: {  	s30 =	simm.s32 $0x280;
	s14 =	sand.u32 @!p1 $0x1F80, s11;
	_ =	swait.ge @!p0 [sflag:s9], $0x1000  }
0x62: {  	s0 =	sadd.s32 @!p0 s6, s0;
	s13 =	simm.s32 $0x8000;
	[sflag:s9] =	ssyncset.done @!p0 $0x0  }
0x63: {  	s12 =	sor.u32 @!p0 $0x2000, s12;
	s13 =	sand.u32 @!p1 $0x6000, s13;
	[sflag:s9] =	ssyncadd.s32 @!p0 $0xFFFFF000  }
0x64: {  	[tilespmem:s12], [sflag:$0x3] =	stream.linear.gather @!p0 [hbm4b:s0+s8], $0x1000, $0x38;
	[tilespmem:$0x1FC00] =	vst v63  }
0x65: {  	s13 =	sadd.s32 @!p1 $0x4000, s13;
	s0 =	simm.s32 $0x400;
	_ =	swait.ge @!p0 [sflag:s9], $0x1000  }
0x66: {  	s8 =	simm.s32 $0xA000;
	s12 =	simm.s32 @!p1 $0x40;
	[sflag:s9] =	ssyncset.done @!p0 $0x0  }
.LBB2_4:
0x67: {  	[sflag:s9] =	ssyncadd.s32 @!p0 $0xFFFFF000;
	s29 =	sadd.s32 $0x1, s29  }
0x68: {  	s11 =	smov.u32 s30;
	s30 =	sadd.s32 $0x80, s30;
	s15 =	smov.u32 s8  }
0x69: {  	[tilespmem:s13], [sflag:$0x1] =	stream.indirect.gather @!p1 [hbm4b:s4+s12], $0x80, s14, s12, $0xb8;
	[tilespmem:$0x1FC00] =	vst v63  }
0x6a: {  	s9 =	sadd.s32 $0xFFFFA000, s8;
	s12 =	sand.u32 $0x9F, s29;
	_ =	swait.ge [sflag:s2], $0x2000  }
0x6b: {  	s13 =	sadd.s32 $0xFFFFFE80, s11;
	s14 =	sand.u32 $0x3E00, s0;
	p0 =	sne.s32 s12, $0x8  }
0x6c: {  	s12 =	sand.u32 $0x1000, s13;
	s14 =	sshrl.u32 s14, $0x2;
	s13 =	sand.u32 @!p0 $0x7FFFB000, s13  }
0x6d: {  	s12 =	sor.u32 s14, s12;
	s13 =	sadd.s32 @!p0 $0x1000, s13;
	[sflag:s2] =	ssyncset.done $0x0  }
0x6e: {  	s9 =	sand.u32 $0x6000, s9;
	s12 =	sor.u32 $0x2000, s12;
	[sflag:s2] =	ssyncadd.s32 $0xFFFFE000  }
0x6f: {  	s14 =	sadd.s32 $0x4000, s9;
	s9 =	simm.s32 @!p0 $0x3;
	s16 =	sadd.s32 @!p0 s7, s13  }
0x70: {  	[spmem:s1] =	stream.indirect.scatter.add.f32 [tilespmem:s14], [sflag:$0x2], $0x80, s12, s24, $0xb8;
	[tilespmem:$0x1FC00] =	vst v63  }
0x71: {  	s12 =	sshrl.u32 @!p0 s16, $0x3;
	s14 =	simm.s32 @!p0 $0x0;
	_ =	swait.ge [sflag:s26], $0x2000  }
0x72: {  	s13 =	sand.u32 @!p0 $0x1000, s13;
	s16 =	sadd.s32 @!p0 s5, s12;
	[sflag:s26] =	ssyncset.done $0x0  }
0x73: {  	s17 =	sor.u32 @!p0 $0x2000, s13;
	s12 =	sadd.s32 @!p0 s6, s12;
	[sflag:s26] =	ssyncadd.s32 $0xFFFFE000  }
0x74: {  	[tilespmem:s13], [sflag:$0x3] =	stream.linear.gather @!p0 [hbm4b:s16+s14], $0x1000, $0x38;
	[tilespmem:$0x1FC00] =	vst v63  }
0x75: {  	p2 =	sne.s32 s30, $0x5180;
	_ =	swait.ge @!p0 [sflag:s9], $0x1000  }
.Ltmp1:
0x76: {  	s0 =	sadd.s32 $0x200, s0;
	[sflag:s9] =	ssyncset.done @!p0 $0x0;
	(pc) =	sbr.rel @p2 .LBB2_4-.Ltmp1, $4  }
0x77: {  	s8 =	sadd.s32 $0x2000, s8;
	p1 =	sgt.u32 s29, $0x9C;
	[sflag:s9] =	ssyncadd.s32 @!p0 $0xFFFFF000  }
0x78: {  	[tilespmem:s17], [sflag:$0x3] =	stream.linear.gather @!p0 [hbm4b:s12+s14], $0x1000, $0x38;
	[tilespmem:$0x1FC00] =	vst v63  }
0x79: {  	s13 =	sand.u32 @!p1 $0x6000, s15;
	s12 =	simm.s32 @!p1 $0x40;
	_ =	swait.ge @!p0 [sflag:s9], $0x1000  }
0x7a: {  	s13 =	sadd.s32 @!p1 $0x4000, s13;
	s14 =	sand.u32 @!p1 $0x1F80, s11;
	[sflag:s9] =	ssyncset.done @!p0 $0x0  }
0x7b: {  	[sflag:s9] =	ssyncadd.s32 @!p0 $0xFFFFF000  }
0x7c: {  	[tilespmem:s13], [sflag:$0x1] =	stream.indirect.gather @!p1 [hbm4b:s4+s12], $0x80, s14, s12, $0xb8;
	[tilespmem:$0x1FC00] =	vst v63  }
0x7d: {  	s0 =	stileid.u32;
	_ =	swait.ge [sflag:s26], $0x2000  }
0x7e: {  	s8 =	sshrl.u32 s10, $0x3;
	s28 =	sadd.s32 $0x1, s28;
	[sflag:s26] =	ssyncset.done $0x0  }
0x7f: {  	s0 =	sshll.u32 s0, $0x6;
	p0 =	sne.s32 s28, s21;
	[sflag:s26] =	ssyncadd.s32 $0xFFFFE000  }
.Ltmp2:
0x80: {  	s0 =	sor.u32 $0x1C03, s0;
	[bflag:$0x0] =	sbarrier.arrive $0xFFFF;
	(pc) =	sbr.rel @p0 .LBB2_1-.Ltmp2, $4  }
0x81: {  	[hbm:s20], [sflag:s0] =	dma.local [spmem:s8], $0x2780  }
0x82: {  	_ =	swait.ge [sflag:s22], $0x2780  }
0x83: {  	[sflag:s22] =	ssyncset.done $0x0  }
0x84: {  	[sflag:s22] =	ssyncadd.s32 $0xFFFFD880  }
0x85: {  	_ =	sfence.sel $0x180000  }
0x86: {  	[bflag:$0x0] =	sbarrier.arrive $0xFFFF  }
0x87: {  	_ =	strace $0x9000004A  }
0x88: {  	s0 =	stileid.u32;
	[bflag:$0x2] =	sbarrier.arrive $0xFFFF  }
0x89: {  	p0 =	sne.s32 s0, $0x0;
	s0 =	rddreg [dreg:$0x2]  }
0x8a: {  	s0 =	sadd.s32 @!p0 $0x100000, s0  }
0x8b: {  	[sflag:s0] =	ssyncadd.tile.s32 @!p0 $0x1;
	_ =	shalt  }
.Lfunc_end2:
_tile_overlayer_lowered:
.L_overlay_start_2:
0x8c: {  	(tag) =	ssettag $0x2  }
0x8d: {  	s0 =	rddreg [dreg:$0x0];
	s2 =	stileid.u32  }
0x8e: {  	s1 =	rddreg [dreg:$0x1];
	p0 =	sne.s32 s2, $0x0  }
0x8f: {  	s3 =	rddreg [dreg:$0x2];
	[bflag:$0x3] =	sbarrier.arrive $0xFFFF;
	s2 =	simm.s32 @!p0 $0x1C03  }
0x90: {  	[timem:s3], [sflag:s2] =	dma.local @!p0 [hbm:s0], s1  }
0x91: {  	s0 =	simm.s32 @!p0 $0x3  }
0x92: {  	_ =	swait.ge @!p0 [sflag:s0], s1  }
0x93: {  	s1 =	ssub.s32 @!p0 $0x0, s1;
	[sflag:s0] =	ssyncset.done @!p0 $0x0  }
0x94: {  	[sflag:s0] =	ssyncadd.s32 @!p0 s1  }
0x95: {  	[bflag:$0x3] =	sbarrier.arrive $0xFFFF  }
0x96: {  	_ =	shalt  }

// kernel: kernel.17.cloned.1.call-start
scs
__scs_entry_jumppad:
0x0: {  	(pc) =	sbr.rel $0x88, $3  }
0x1: {  	(tag) =	ssettag $0x0;
	lr =	simm.s32 $0x1  }
0x2: {  	[smem:$0x3F97] =	sst lr;
	_ =	strace $0xD0000000  }
0x3: {  	_ = 	snop  }
0x4: {  	_ = 	snop  }
0x5: {  	_ = 	snop  }
0x6: {  	_ = 	snop  }
0x7: {  	_ = 	snop  }
__scs_overlays_trampoline_lowered:
0x8: {  	[smem:$0x3FA6] =	sst s0  }
0x9: {  	[smem:$0x3FA7] =	sst s1  }
0xa: {  	[smem:$0x3FA8] =	sst s2  }
0xb: {  	[smem:$0x3FA9] =	sst s3  }
0xc: {  	[smem:$0x3FAA] =	sst s4  }
0xd: {  	[smem:$0x3FAB] =	sst s5  }
0xe: {  	[smem:$0x3FAC] =	sst s6  }
0xf: {  	[smem:$0x3FAD] =	sst s7  }
0x10: {  	[smem:$0x3FAE] =	sst s8  }
0x11: {  	[smem:$0x3FAF] =	sst s9;
	s0 =	simm.s32 @!p0 $0x0  }
0x12: {  	s1 =	sld [smem:$0x3F95];
	s0 =	simm.s32 @p0 $0x1  }
0x13: {  	[smem:$0x3FB0] =	sst s0;
	s0 =	simm.s32 @!p1 $0x0  }
0x14: {  	s2 =	sld [smem:$0x3F94];
	s0 =	simm.s32 @p1 $0x1  }
0x15: {  	[smem:$0x3FB1] =	sst s0;
	s0 =	simm.s32 @!p2 $0x0  }
0x16: {  	s3 =	sld [smem:$0x3FDB];
	s0 =	simm.s32 @p2 $0x1  }
0x17: {  	s4 =	simm.s32 $0x1BF5;
	[smem:$0x3FB3] =	sst s0  }
0x18: {  	s0 =	sld [smem:$0x3F96];
	_ =	swait.ge [sflag:s4], $0x0  }
0x19: {  	s7 =	sld [smem:$0x3F97]  }
0x1a: {  	s8 =	sadd.s32 $0xFFFFE003, lr  }
0x1b: {  	s9 =	sadd.s32 $0xFFFFFEF7, lr;
	s5 =	simm.s32 $0xFFFFFFFF;
	p2 =	slt.u32 s8, $0xFFFFF086  }
0x1c: {  	p1 =	slt.u32 s9, $0xF7A;
	s5 =	simm.s32 @!p2 $0x0  }
0x1d: {  	s5 =	simm.s32 @p1 $0x1;
	p0 =	seq.s32 s7, s2  }
0x1e: {  	s7 =	smul.u32 @!p0 $0xF7A, s2;
	p2 =	seq.s32 @!p0 s5, $0x0  }
0x1f: {  	s9 =	smul.u32 $0xF7A, s1;
	s8 =	simm.s32 @!p0 $0x1BF5;
	p2 =	por !p2, p0  }
0x20: {  	[sflag:s8] =	ssyncset.s32 @!p0 $0xFFFFF086;
	s6 =	sadd.s32 @!p0 s3, s7;
	s7 =	simm.s32 @!p0 $0x108  }
0x21: {  	s3 =	sadd.s32 s3, s9;
	s6 =	sadd.s32 @!p0 $0x88, s6;
	s7 =	simm.s32 @p2 $0x1082  }
0x22: {  	[simem:s7], [sflag:s8] =	dma.local @!p0 [hbm:s6], $0xF7A  }
0x23: {  	s9 =	sor.u32 $0xD0000000, s2;
	s6 =	simm.s32 $0x108;
	_ =	swait.ge @!p0 [sflag:s8], $0x0  }
0x24: {  	s3 =	sadd.s32 $0x88, s3;
	s6 =	simm.s32 @!p1 $0x1082;
	[sflag:s4] =	ssyncset.s32 $0xFFFFF086  }
0x25: {  	[simem:s6], [sflag:s4] =	dma.local [hbm:s3], $0xF7A  }
0x26: {  	[smem:$0x3F97] =	sst s1;
	(tag) =	ssettag s2;
	_ =	strace s9  }
0x27: {  	s1 =	sld [smem:$0x3FA7]  }
0x28: {  	s2 =	sld [smem:$0x3FA8]  }
0x29: {  	s4 =	sld [smem:$0x3FAA]  }
0x2a: {  	p0 =	seq.s32 s5, $0x0;
	s5 =	sld [smem:$0x3FAB]  }
0x2b: {  	s6 =	sld [smem:$0x3FAC]  }
0x2c: {  	s7 =	sld [smem:$0x3FAD]  }
0x2d: {  	s3 =	simm.s32 $0x108;
	s8 =	sld [smem:$0x3FAE]  }
0x2e: {  	s3 =	simm.s32 @!p0 $0x1082;
	s9 =	sld [smem:$0x3FAF]  }
0x2f: {  	lr =	sadd.s32 s0, s3;
	s0 =	sld [smem:$0x3FA6]  }
0x30: {  	s3 =	sld [smem:$0x3FA9]  }
0x31: {  	[smem:$0x3FB2] =	sst s10  }
0x32: {  	s10 =	sld [smem:$0x3FB0];
	_ =	sdelay $0x3  }
0x33: {  	p0 =	seq.s32 s10, $0x1;
	s10 =	sld [smem:$0x3FB2];
	_ =	sdelay $0x3  }
0x34: {  	[smem:$0x3FB2] =	sst s10  }
0x35: {  	s10 =	sld [smem:$0x3FB1];
	_ =	sdelay $0x3  }
0x36: {  	p1 =	seq.s32 s10, $0x1;
	s10 =	sld [smem:$0x3FB2];
	_ =	sdelay $0x3  }
0x37: {  	[smem:$0x3FB2] =	sst s10  }
0x38: {  	s10 =	sld [smem:$0x3FB3]  }
0x39: {  	_ = 	snop;
	(pc) =	sbr.ind lr, $3  }
0x3a: {  	_ = 	snop  }
0x3b: {  	_ = 	snop  }
0x3c: {  	p2 =	seq.s32 s10, $0x1;
	s10 =	sld [smem:$0x3FB2]  }
0x3d: {  	_ =	shalt  }
0x3e: {  	_ =	shalt  }
0x3f: {  	_ =	shalt  }
0x40: {  	_ =	shalt  }
0x41: {  	_ =	shalt  }
0x42: {  	_ =	shalt  }
0x43: {  	_ =	shalt  }
0x44: {  	_ =	shalt  }
0x45: {  	_ =	shalt  }
0x46: {  	_ =	shalt  }
0x47: {  	_ =	shalt  }
0x48: {  	_ =	shalt  }
0x49: {  	_ =	shalt  }
0x4a: {  	_ =	shalt  }
0x4b: {  	_ =	shalt  }
0x4c: {  	_ =	shalt  }
0x4d: {  	_ =	shalt  }
0x4e: {  	_ =	shalt  }
0x4f: {  	_ =	shalt  }
0x50: {  	_ =	shalt  }
0x51: {  	_ =	shalt  }
0x52: {  	_ =	shalt  }
0x53: {  	_ =	shalt  }
0x54: {  	_ =	shalt  }
0x55: {  	_ =	shalt  }
0x56: {  	_ =	shalt  }
0x57: {  	_ =	shalt  }
0x58: {  	_ =	shalt  }
0x59: {  	_ =	shalt  }
0x5a: {  	_ =	shalt  }
0x5b: {  	_ =	shalt  }
0x5c: {  	_ =	shalt  }
0x5d: {  	_ =	shalt  }
0x5e: {  	_ =	shalt  }
0x5f: {  	_ =	shalt  }
0x60: {  	_ =	shalt  }
0x61: {  	_ =	shalt  }
0x62: {  	_ =	shalt  }
0x63: {  	_ =	shalt  }
0x64: {  	_ =	shalt  }
0x65: {  	_ =	shalt  }
0x66: {  	_ =	shalt  }
0x67: {  	_ =	shalt  }
0x68: {  	_ =	shalt  }
0x69: {  	_ =	shalt  }
0x6a: {  	_ =	shalt  }
0x6b: {  	_ =	shalt  }
0x6c: {  	_ =	shalt  }
0x6d: {  	_ =	shalt  }
0x6e: {  	_ =	shalt  }
0x6f: {  	_ =	shalt  }
0x70: {  	_ =	shalt  }
0x71: {  	_ =	shalt  }
0x72: {  	_ =	shalt  }
0x73: {  	_ =	shalt  }
0x74: {  	_ =	shalt  }
0x75: {  	_ =	shalt  }
0x76: {  	_ =	shalt  }
0x77: {  	_ =	shalt  }
0x78: {  	_ =	shalt  }
0x79: {  	_ =	shalt  }
0x7a: {  	_ =	shalt  }
0x7b: {  	_ =	shalt  }
0x7c: {  	_ =	shalt  }
0x7d: {  	_ =	shalt  }
0x7e: {  	_ =	shalt  }
0x7f: {  	_ =	shalt  }
0x80: {  	_ =	shalt  }
0x81: {  	_ =	shalt  }
0x82: {  	_ =	shalt  }
0x83: {  	_ =	shalt  }
0x84: {  	_ =	shalt  }
0x85: {  	_ =	shalt  }
0x86: {  	_ =	shalt  }
0x87: {  	_ =	shalt  }
.Lfunc_end0:
.L_simem_size_0:
called_computation.2_lowered:
.L_overlay_start_0:
0x88: {  	s2 =	sld [smem:$0x3FD9]  }
0x89: {  	s3 =	sld [smem:$0x3FFE];
	_ =	sdelay $0x1  }
0x8a: {  	s1 =	srdreg.scid  }
0x8b: {  	s0 =	sand.u32 $0x1, s1  }
0x8c: {  	s16 =	sshll.u32 s0, $0xA;
	s2 =	sadd.s32 s3, s2  }
0x8d: {  	s2 =	sadd.s32 s2, s16  }
0x8e: {  	[smem:$0x3FBE] =	sst s2  }
0x8f: {  	_ = 	snop  }
0x90: {  	(tm) =	ssettm $0x1  }
0x91: {  	s17 =	sld [smem:$0x3FFB];
	_ =	sdelay $0x3  }
0x92: {  	_ =	strace s17  }
0x93: {  	s2 =	sld [smem:$0x3FFC];
	_ =	sdelay $0x3  }
0x94: {  	_ =	strace s2  }
0x95: {  	s2 =	sld [smem:$0x3FFD];
	_ =	sdelay $0x3  }
0x96: {  	_ =	strace s2  }
0x97: {  	_ =	strace $0x8FFFFFFF  }
0x98: {  	s18 =	sld [smem:$0x3FDB];
	_ =	sdelay $0x1  }
0x99: {  	s19 =	simm.s32 $_scs_section_size  }
0x9a: {  	s4 =	simm.s32 $_size__tile_overlayer_lowered;
	s5 =	simm.s32 $_tile_overlayer_lowered  }
0x9b: {  	s22 =	simm.s32 $0x1BFF;
	s21 =	sshll.u32 s5, $0x1;
	s2 =	sadd.s32 s19, s18  }
0x9c: {  	s6 =	simm.s32 $0x0;
	s20 =	sshll.u32 s4, $0x1;
	s4 =	sadd.s32 s21, s2  }
0x9d: {  	[timem:s6], [sflag:s22] =	dma.local [hbm:s4], s20  }
0x9e: {  	_ =	swait.ge [sflag:s22], s20  }
0x9f: {  	s3 =	ssub.s32 $0x0, s20;
	[sflag:s22] =	ssyncset.done $0x0  }
0xa0: {  	[sflag:s22] =	ssyncadd.s32 s3;
	_ =	sdelay $0x1  }
0xa1: {  	s23 =	simm.s32 $0x1B8B  }
0xa2: {  	_ =	swait.ge [sflag:s23], $0x1  }
0xa3: {  	[sflag:s23] =	ssyncset.done $0x0  }
0xa4: {  	s25 =	simm.s32 $0x1B8E;
	s24 =	sld [smem:$0x3FFE];
	[sflag:s23] =	ssyncadd.s32 $0xFFFFFFFF  }
0xa5: {  	s26 =	simm.s32 $execute0_lowered;
	[smem:$0x3FD2] =	sst s25  }
0xa6: {  	s4 =	sshll.u32 s26, $0x1;
	_ =	strace $0x8000004C;
	[dreg:$0x1] =	wrdreg $0xFFFFFFFF  }
0xa7: {  	s28 =	simm.s32 $_size_execute0_lowered;
	s2 =	sadd.s32 s2, s4;
	[dreg:$0x0] =	wrdreg $0x0  }
0xa8: {  	s4 =	sshll.u32 s28, $0x1;
	[dreg:$0x2] =	wrdreg s2  }
0xa9: {  	[dreg:$0x3] =	wrdreg s4  }
0xaa: {  	[dreg:$0x4] =	wrdreg $0xC0  }
0xab: {  	_ =	task [dreg:s6], $0x5FFFF  }
0xac: {  	[dreg:$0x1] =	wrdreg $0xFFFFFFFF  }
0xad: {  	[dreg:$0x0] =	wrdreg $0x60  }
0xae: {  	[dreg:$0x2] =	wrdreg s24  }
0xaf: {  	[dreg:$0x3] =	wrdreg $0xC0000  }
0xb0: {  	[dreg:$0x4] =	wrdreg $0x9  }
0xb1: {  	_ =	task.clear_ibuf [dreg:s6], $0x5FFFF;
	_ =	strace $0x9000004C  }
0xb2: {  	s29 =	simm.s32 $0x9;
	_ =	strace $0x8000004E  }
0xb3: {  	_ =	swait.ge [sflag:s29], $0x1  }
0xb4: {  	[sflag:s29] =	ssyncadd.s32 $0xFFFFFFFF  }
0xb5: {  	_ =	strace $0x9000004E  }
0xb6: {  	_ =	sfence  }
0xb7: {  	s30 =	sld [smem:$0x0];
	_ =	sdelay $0x2  }
0xb8: {  	s31 =	sshll.u32 s1, $0xD;
	s1 =	sshrl.u32 s1, $0x2  }
0xb9: {  	s3 =	sand.u32 $0x4000, s31;
	s1 =	sadd.s32 s1, s30  }
0xba: {  	s0 =	sor.u32 s3, s0;
	s1 =	sshll.u32 s1, $0x11  }
0xbb: {  	s0 =	sor.u32 s1, s0  }
0xbc: {  	s0 =	sadd.s32 $0x8F2B, s0  }
0xbd: {  	[sflag:s0] =	ssyncadd.remote.s32 $0x1  }
0xbe: {  	_ =	sfence.sel $0xFFFF  }
0xbf: {  	[dreg:$0x0] =	wrdreg $0xFFFFFFFF;
	(pc) =	sbr.abs _section_cstart, $3  }
0xc0: {  	[dreg:$0x1] =	wrdreg $0xFFFFFFFF  }
0xc1: {  	_ =	task.clear_ibuf [dreg:s6], $0x2FFFF;
	_ =	strace $0x9FFFFFFF  }
0xc2: {  	(tm) =	ssettm $0x7FFFFFFF  }
0xc3: {  	_ =	shalt  }
tec
execute0_lowered:
.L_overlay_start_1:
0x0: {  	(tag) =	ssettag $0x1  }
0x1: {  	s0 =	rddreg [dreg:$0x0];
	s10 =	stileid.u32  }
0x2: {  	s1 =	rddreg [dreg:$0x1];
	s3 =	simm.s32 $0x0;
	s8 =	smul.u32 $0x13C00, s10  }
0x3: {  	s2 =	srdreg.scid;
	s31 =	simm.s32 $0xA000;
	s19 =	smul.u32 $0x5000, s10  }
0x4: {  	s28 =	simm.s32 $0x0;
	[smem:$0x7FF] =	sst s3;
	s10 =	smul.u32 $0x4F000, s10  }
0x5: {  	s2 =	sand.u32 $0x1, s2;
	s4 =	sadd.s32 $0x2BA00, s0;
	s5 =	sadd.s32 $0x3A00, s0  }
0x6: {  	s6 =	sadd.s32 $0x17A00, s0;
	s7 =	smul.u32 $0x13C000, s2;
	s20 =	sshrl.u32 s10, $0x2  }
0x7: {  	s9 =	smul.u32 $0x50000, s2;
	s2 =	ssub.s32 $0x2, s2;
	s10 =	sadd.s32 s20, s1  }
0x8: {  	_ =	strace $0x8000004D;
	s11 =	sshrl.u32 s2, $0x1;
	s22 =	sadd.s32 $0x2000, s10  }
0x9: {  	s7 =	sadd.s32 s8, s7;
	s23 =	sadd.s32 $0x4000, s10;
	[dreg:$0x5] =	wrdreg s22  }
0xa: {  	s2 =	ssub.s32 s2, s11;
	s24 =	sadd.s32 $0x6000, s10;
	[dreg:$0x6] =	wrdreg s23  }
0xb: {  	s7 =	sshrl.u32 s7, $0x3;
	s25 =	sadd.s32 $0x8000, s10;
	[dreg:$0x7] =	wrdreg s24  }
0xc: {  	s26 =	sadd.s32 $0xA000, s10;
	s29 =	sadd.s32 $0xC000, s10;
	[dreg:$0x8] =	wrdreg s25  }
0xd: {  	s30 =	sadd.s32 $0xE000, s10;
	s18 =	sadd.s32 $0x10000, s10;
	[dreg:$0x9] =	wrdreg s26  }
0xe: {  	s0 =	sadd.s32 s7, s0;
	s7 =	sadd.s32 s19, s9;
	[dreg:$0xa] =	wrdreg s29  }
0xf: {  	[dreg:$0xb] =	wrdreg s30;
	s19 =	sadd.s32 $0x12000, s10;
	s22 =	simm.s32 $0x3  }
0x10: {  	s23 =	simm.s32 $0x2000;
	s24 =	simm.s32 $0x40;
	s8 =	sshrl.u32 s7, $0x3  }
0x11: {  	s25 =	simm.s32 $0x4000;
	s26 =	simm.s32 $0x2;
	s21 =	sadd.s32 s5, s8  }
0x12: {  	s20 =	sadd.s32 $0x52C00, s0;
	s8 =	sadd.s32 s6, s8;
	[dreg:$0x3] =	wrdreg s21  }
0x13: {  	v0 =	vimm.f32 $0.0e+00;
	[dreg:$0x4] =	wrdreg s8;
	s21 =	smax.u32 s2, $0x1;
	s2 =	simm.s32 $0x1  }
.LBB2_1:
0x14: {  	s0 =	rddreg [dreg:$0x3]  }
0x15: {  	[tilespmem:s3], [sflag:$0x3] =	stream.linear.gather [hbm4b:s0+s3], $0x1000, $0x38;
	[tilespmem:$0x1FC00] =	vst v63  }
0x16: {  	_ =	swait.ge [sflag:s22], $0x1000  }
0x17: {  	[sflag:s22] =	ssyncset.done $0x0  }
0x18: {  	s14 =	rddreg [dreg:$0x4];
	[sflag:s22] =	ssyncadd.s32 $0xFFFFF000  }
0x19: {  	[tilespmem:s23], [sflag:$0x3] =	stream.linear.gather [hbm4b:s14+s3], $0x1000, $0x38;
	[tilespmem:$0x1FC00] =	vst v63  }
0x1a: {  	_ =	swait.ge [sflag:s22], $0x1000  }
0x1b: {  	s15 =	simm.s32 $0x80;
	s8 =	simm.s32 $0x6000;
	[sflag:s22] =	ssyncset.done $0x0  }
0x1c: {  	s16 =	simm.s32 $0x100;
	s29 =	sand.u32 $0x7E00, s3;
	[sflag:s22] =	ssyncadd.s32 $0xFFFFF000  }
0x1d: {  	[tilespmem:s25], [sflag:$0x1] =	stream.indirect.gather [hbm4b:s4+s24], $0x80, s3, s24, $0xb8;
	[tilespmem:$0x1FC00] =	vst v63  }
0x1e: {  	s17 =	simm.s32 $0x8000;
	s30 =	sand.u32 $0x70, s3;
	s9 =	sshrl.u32 s29, $0x2  }
0x1f: {  	[tilespmem:s8], [sflag:$0x1] =	stream.indirect.gather [hbm4b:s4+s24], $0x80, s15, s24, $0xb8;
	[tilespmem:$0x1FC00] =	vst v63  }
0x20: {  	s0 =	simm.s32 $0x40;
	s9 =	sor.u32 s30, s9;
	s8 =	simm.s32 $0x0  }
0x21: {  	[tilespmem:s17], [sflag:$0x1] =	stream.indirect.gather [hbm4b:s4+s24], $0x80, s16, s24, $0xb8;
	[tilespmem:$0x1FC00] =	vst v63  }
.LBB2_2:
0x22: {  	p0 =	sne.s32 s0, $0x7FC0  }
0x23: {  	[tilespmem:s9+$0xA000] =	vst v0;
	s8 =	sadd.s32 $0x10, s8;
	s9 =	smov.u32 s0;
	s0 =	sadd.s32 $0x40, s0  }
.Ltmp0:
0x24: {  	(pc) =	sbr.rel @p0 .LBB2_2-.Ltmp0, $4  }
0x25: {  	_ = 	snop  }
0x26: {  	s9 =	sand.u32 $0x7E00, s9  }
0x27: {  	s11 =	sand.u32 $0x70, s8;
	s9 =	sshrl.u32 s9, $0x2  }
0x28: {  	s9 =	sor.u32 s11, s9  }
0x29: {  	[tilespmem:s9+$0xA000] =	vst v0  }
0x2a: {  	[spmem:s10] =	stream.linear.scatter [tilespmem:s31], [sflag:$0x3], $0x2000, $0x38;
	[tilespmem:$0x1FC00] =	vst v63  }
0x2b: {  	_ =	swait.ge [sflag:s22], $0x2000  }
0x2c: {  	[sflag:s22] =	ssyncset.done $0x0  }
0x2d: {  	s0 =	rddreg [dreg:$0x5];
	[sflag:s22] =	ssyncadd.s32 $0xFFFFE000  }
0x2e: {  	[spmem:s0] =	stream.linear.scatter [tilespmem:s31], [sflag:$0x3], $0x2000, $0x38;
	[tilespmem:$0x1FC00] =	vst v63  }
0x2f: {  	_ =	swait.ge [sflag:s22], $0x2000  }
0x30: {  	[sflag:s22] =	ssyncset.done $0x0  }
0x31: {  	s8 =	rddreg [dreg:$0x6];
	[sflag:s22] =	ssyncadd.s32 $0xFFFFE000  }
0x32: {  	[spmem:s8] =	stream.linear.scatter [tilespmem:s31], [sflag:$0x3], $0x2000, $0x38;
	[tilespmem:$0x1FC00] =	vst v63  }
0x33: {  	_ =	swait.ge [sflag:s22], $0x2000  }
0x34: {  	[sflag:s22] =	ssyncset.done $0x0  }
0x35: {  	s9 =	rddreg [dreg:$0x7];
	[sflag:s22] =	ssyncadd.s32 $0xFFFFE000  }
0x36: {  	[spmem:s9] =	stream.linear.scatter [tilespmem:s31], [sflag:$0x3], $0x2000, $0x38;
	[tilespmem:$0x1FC00] =	vst v63  }
0x37: {  	_ =	swait.ge [sflag:s22], $0x2000  }
0x38: {  	[sflag:s22] =	ssyncset.done $0x0  }
0x39: {  	s11 =	rddreg [dreg:$0x8];
	[sflag:s22] =	ssyncadd.s32 $0xFFFFE000  }
0x3a: {  	[spmem:s11] =	stream.linear.scatter [tilespmem:s31], [sflag:$0x3], $0x2000, $0x38;
	[tilespmem:$0x1FC00] =	vst v63  }
0x3b: {  	_ =	swait.ge [sflag:s22], $0x2000  }
0x3c: {  	[sflag:s22] =	ssyncset.done $0x0  }
0x3d: {  	s12 =	rddreg [dreg:$0x9];
	[sflag:s22] =	ssyncadd.s32 $0xFFFFE000  }
0x3e: {  	[spmem:s12] =	stream.linear.scatter [tilespmem:s31], [sflag:$0x3], $0x2000, $0x38;
	[tilespmem:$0x1FC00] =	vst v63  }
0x3f: {  	_ =	swait.ge [sflag:s22], $0x2000  }
0x40: {  	[sflag:s22] =	ssyncset.done $0x0  }
0x41: {  	s13 =	rddreg [dreg:$0xa];
	[sflag:s22] =	ssyncadd.s32 $0xFFFFE000  }
0x42: {  	[spmem:s13] =	stream.linear.scatter [tilespmem:s31], [sflag:$0x3], $0x2000, $0x38;
	[tilespmem:$0x1FC00] =	vst v63  }
0x43: {  	_ =	swait.ge [sflag:s22], $0x2000  }
0x44: {  	[sflag:s22] =	ssyncset.done $0x0  }
0x45: {  	s14 =	rddreg [dreg:$0xb];
	[sflag:s22] =	ssyncadd.s32 $0xFFFFE000  }
0x46: {  	[spmem:s14] =	stream.linear.scatter [tilespmem:s31], [sflag:$0x3], $0x2000, $0x38;
	[tilespmem:$0x1FC00] =	vst v63  }
0x47: {  	_ =	swait.ge [sflag:s22], $0x2000  }
0x48: {  	[sflag:s22] =	ssyncset.done $0x0  }
0x49: {  	[sflag:s22] =	ssyncadd.s32 $0xFFFFE000  }
0x4a: {  	[spmem:s18] =	stream.linear.scatter [tilespmem:s31], [sflag:$0x3], $0x2000, $0x38;
	[tilespmem:$0x1FC00] =	vst v63  }
0x4b: {  	_ =	swait.ge [sflag:s22], $0x2000  }
0x4c: {  	[sflag:s22] =	ssyncset.done $0x0  }
0x4d: {  	[sflag:s22] =	ssyncadd.s32 $0xFFFFE000  }
0x4e: {  	[spmem:s19] =	stream.linear.scatter [tilespmem:s31], [sflag:$0x3], $0x1C00, $0x38;
	[tilespmem:$0x1FC00] =	vst v63  }
0x4f: {  	_ =	swait.ge [sflag:s22], $0x1C00  }
0x50: {  	[sflag:s22] =	ssyncset.done $0x0  }
0x51: {  	[sflag:s22] =	ssyncadd.s32 $0xFFFFE400  }
0x52: {  	s29 =	simm.s32 $0x1;
	s16 =	simm.s32 $0x2000;
	[bflag:$0x0] =	sbarrier.arrive $0xFFFF  }
0x53: {  	s15 =	simm.s32 $0x180;
	s0 =	sand.u32 $0x6000, s16;
	_ =	swait.ge [sflag:s29], $0x2000  }
0x54: {  	p1 =	por $0x0, $0x0;
	s0 =	sadd.s32 $0x4000, s0;
	[sflag:s29] =	ssyncset.done $0x0  }
0x55: {  	s8 =	sand.u32 $0x9F, s29;
	s11 =	simm.s32 $0x200;
	[sflag:s29] =	ssyncadd.s32 $0xFFFFE000  }
0x56: {  	[spmem:s1] =	stream.indirect.scatter.add.f32 [tilespmem:s25], [sflag:$0x2], $0x80, s23, s24, $0xb8;
	[tilespmem:$0x1FC00] =	vst v63  }
0x57: {  	p0 =	sne.s32 s8, $0x8;
	s9 =	simm.s32 $0x80;
	s12 =	sand.u32 $0x3E00, s11  }
0x58: {  	[tilespmem:s31], [sflag:$0x1] =	stream.indirect.gather [hbm4b:s4+s24], $0x80, s15, s24, $0xb8;
	[tilespmem:$0x1FC00] =	vst v63  }
0x59: {  	s17 =	sand.u32 $0x1000, s9;
	s12 =	sshrl.u32 s12, $0x2;
	_ =	swait.ge [sflag:s2], $0x2000  }
0x5a: {  	s9 =	sand.u32 @!p0 $0x7FFFB000, s9;
	s8 =	sor.u32 s12, s17;
	[sflag:s2] =	ssyncset.done $0x0  }
0x5b: {  	s12 =	sadd.s32 @!p0 $0x1000, s9;
	s8 =	sor.u32 $0x2000, s8;
	[sflag:s2] =	ssyncadd.s32 $0xFFFFE000  }
0x5c: {  	[spmem:s1] =	stream.indirect.scatter.add.f32 [tilespmem:s0], [sflag:$0x2], $0x80, s8, s24, $0xb8;
	[tilespmem:$0x1FC00] =	vst v63  }
0x5d: {  	s9 =	simm.s32 @!p0 $0x3;
	s0 =	sadd.s32 @!p0 s7, s12;
	_ =	swait.ge [sflag:s26], $0x2000  }
0x5e: {  	s8 =	simm.s32 @!p0 $0x0;
	s0 =	sshrl.u32 @!p0 s0, $0x3;
	[sflag:s26] =	ssyncset.done $0x0  }
0x5f: {  	s12 =	sand.u32 @!p0 $0x1000, s12;
	s13 =	sadd.s32 @!p0 s5, s0;
	[sflag:s26] =	ssyncadd.s32 $0xFFFFE000  }
0x60: {  	[tilespmem:s12], [sflag:$0x3] =	stream.linear.gather @!p0 [hbm4b:s13+s8], $0x1000, $0x38;
	[tilespmem:$0x1FC00] =	vst v63  }
0x61: {  	s30 =	simm.s32 $0x280;
	s14 =	sand.u32 @!p1 $0x1F80, s11;
	_ =	swait.ge @!p0 [sflag:s9], $0x1000  }
0x62: {  	s0 =	sadd.s32 @!p0 s6, s0;
	s13 =	simm.s32 $0x8000;
	[sflag:s9] =	ssyncset.done @!p0 $0x0  }
0x63: {  	s12 =	sor.u32 @!p0 $0x2000, s12;
	s13 =	sand.u32 @!p1 $0x6000, s13;
	[sflag:s9] =	ssyncadd.s32 @!p0 $0xFFFFF000  }
0x64: {  	[tilespmem:s12], [sflag:$0x3] =	stream.linear.gather @!p0 [hbm4b:s0+s8], $0x1000, $0x38;
	[tilespmem:$0x1FC00] =	vst v63  }
0x65: {  	s13 =	sadd.s32 @!p1 $0x4000, s13;
	s0 =	simm.s32 $0x400;
	_ =	swait.ge @!p0 [sflag:s9], $0x1000  }
0x66: {  	s8 =	simm.s32 $0xA000;
	s12 =	simm.s32 @!p1 $0x40;
	[sflag:s9] =	ssyncset.done @!p0 $0x0  }
.LBB2_4:
0x67: {  	[sflag:s9] =	ssyncadd.s32 @!p0 $0xFFFFF000;
	s29 =	sadd.s32 $0x1, s29  }
0x68: {  	s11 =	smov.u32 s30;
	s30 =	sadd.s32 $0x80, s30;
	s15 =	smov.u32 s8  }
0x69: {  	[tilespmem:s13], [sflag:$0x1] =	stream.indirect.gather @!p1 [hbm4b:s4+s12], $0x80, s14, s12, $0xb8;
	[tilespmem:$0x1FC00] =	vst v63  }
0x6a: {  	s9 =	sadd.s32 $0xFFFFA000, s8;
	s12 =	sand.u32 $0x9F, s29;
	_ =	swait.ge [sflag:s2], $0x2000  }
0x6b: {  	s13 =	sadd.s32 $0xFFFFFE80, s11;
	s14 =	sand.u32 $0x3E00, s0;
	p0 =	sne.s32 s12, $0x8  }
0x6c: {  	s12 =	sand.u32 $0x1000, s13;
	s14 =	sshrl.u32 s14, $0x2;
	s13 =	sand.u32 @!p0 $0x7FFFB000, s13  }
0x6d: {  	s12 =	sor.u32 s14, s12;
	s13 =	sadd.s32 @!p0 $0x1000, s13;
	[sflag:s2] =	ssyncset.done $0x0  }
0x6e: {  	s9 =	sand.u32 $0x6000, s9;
	s12 =	sor.u32 $0x2000, s12;
	[sflag:s2] =	ssyncadd.s32 $0xFFFFE000  }
0x6f: {  	s14 =	sadd.s32 $0x4000, s9;
	s9 =	simm.s32 @!p0 $0x3;
	s16 =	sadd.s32 @!p0 s7, s13  }
0x70: {  	[spmem:s1] =	stream.indirect.scatter.add.f32 [tilespmem:s14], [sflag:$0x2], $0x80, s12, s24, $0xb8;
	[tilespmem:$0x1FC00] =	vst v63  }
0x71: {  	s12 =	sshrl.u32 @!p0 s16, $0x3;
	s14 =	simm.s32 @!p0 $0x0;
	_ =	swait.ge [sflag:s26], $0x2000  }
0x72: {  	s13 =	sand.u32 @!p0 $0x1000, s13;
	s16 =	sadd.s32 @!p0 s5, s12;
	[sflag:s26] =	ssyncset.done $0x0  }
0x73: {  	s17 =	sor.u32 @!p0 $0x2000, s13;
	s12 =	sadd.s32 @!p0 s6, s12;
	[sflag:s26] =	ssyncadd.s32 $0xFFFFE000  }
0x74: {  	[tilespmem:s13], [sflag:$0x3] =	stream.linear.gather @!p0 [hbm4b:s16+s14], $0x1000, $0x38;
	[tilespmem:$0x1FC00] =	vst v63  }
0x75: {  	p2 =	sne.s32 s30, $0x5180;
	_ =	swait.ge @!p0 [sflag:s9], $0x1000  }
.Ltmp1:
0x76: {  	s0 =	sadd.s32 $0x200, s0;
	[sflag:s9] =	ssyncset.done @!p0 $0x0;
	(pc) =	sbr.rel @p2 .LBB2_4-.Ltmp1, $4  }
0x77: {  	s8 =	sadd.s32 $0x2000, s8;
	p1 =	sgt.u32 s29, $0x9C;
	[sflag:s9] =	ssyncadd.s32 @!p0 $0xFFFFF000  }
0x78: {  	[tilespmem:s17], [sflag:$0x3] =	stream.linear.gather @!p0 [hbm4b:s12+s14], $0x1000, $0x38;
	[tilespmem:$0x1FC00] =	vst v63  }
0x79: {  	s13 =	sand.u32 @!p1 $0x6000, s15;
	s12 =	simm.s32 @!p1 $0x40;
	_ =	swait.ge @!p0 [sflag:s9], $0x1000  }
0x7a: {  	s13 =	sadd.s32 @!p1 $0x4000, s13;
	s14 =	sand.u32 @!p1 $0x1F80, s11;
	[sflag:s9] =	ssyncset.done @!p0 $0x0  }
0x7b: {  	[sflag:s9] =	ssyncadd.s32 @!p0 $0xFFFFF000  }
0x7c: {  	[tilespmem:s13], [sflag:$0x1] =	stream.indirect.gather @!p1 [hbm4b:s4+s12], $0x80, s14, s12, $0xb8;
	[tilespmem:$0x1FC00] =	vst v63  }
0x7d: {  	s0 =	stileid.u32;
	_ =	swait.ge [sflag:s26], $0x2000  }
0x7e: {  	s8 =	sshrl.u32 s10, $0x3;
	s28 =	sadd.s32 $0x1, s28;
	[sflag:s26] =	ssyncset.done $0x0  }
0x7f: {  	s0 =	sshll.u32 s0, $0x6;
	p0 =	sne.s32 s28, s21;
	[sflag:s26] =	ssyncadd.s32 $0xFFFFE000  }
.Ltmp2:
0x80: {  	s0 =	sor.u32 $0x1C03, s0;
	[bflag:$0x0] =	sbarrier.arrive $0xFFFF;
	(pc) =	sbr.rel @p0 .LBB2_1-.Ltmp2, $4  }
0x81: {  	[hbm:s20], [sflag:s0] =	dma.local [spmem:s8], $0x2780  }
0x82: {  	_ =	swait.ge [sflag:s22], $0x2780  }
0x83: {  	[sflag:s22] =	ssyncset.done $0x0  }
0x84: {  	[sflag:s22] =	ssyncadd.s32 $0xFFFFD880  }
0x85: {  	_ =	sfence.sel $0x180000  }
0x86: {  	[bflag:$0x0] =	sbarrier.arrive $0xFFFF  }
0x87: {  	_ =	strace $0x9000004D  }
0x88: {  	s0 =	stileid.u32;
	[bflag:$0x2] =	sbarrier.arrive $0xFFFF  }
0x89: {  	p0 =	sne.s32 s0, $0x0;
	s0 =	rddreg [dreg:$0x2]  }
0x8a: {  	s0 =	sadd.s32 @!p0 $0x100000, s0  }
0x8b: {  	[sflag:s0] =	ssyncadd.tile.s32 @!p0 $0x1;
	_ =	shalt  }
.Lfunc_end2:
_tile_overlayer_lowered:
.L_overlay_start_2:
0x8c: {  	(tag) =	ssettag $0x2  }
0x8d: {  	s0 =	rddreg [dreg:$0x0];
	s2 =	stileid.u32  }
0x8e: {  	s1 =	rddreg [dreg:$0x1];
	p0 =	sne.s32 s2, $0x0  }
0x8f: {  	s3 =	rddreg [dreg:$0x2];
	[bflag:$0x3] =	sbarrier.arrive $0xFFFF;
	s2 =	simm.s32 @!p0 $0x1C03  }
0x90: {  	[timem:s3], [sflag:s2] =	dma.local @!p0 [hbm:s0], s1  }
0x91: {  	s0 =	simm.s32 @!p0 $0x3  }
0x92: {  	_ =	swait.ge @!p0 [sflag:s0], s1  }
0x93: {  	s1 =	ssub.s32 @!p0 $0x0, s1;
	[sflag:s0] =	ssyncset.done @!p0 $0x0  }
0x94: {  	[sflag:s0] =	ssyncadd.s32 @!p0 s1  }
0x95: {  	[bflag:$0x3] =	sbarrier.arrive $0xFFFF  }
0x96: {  	_ =	shalt  }

// kernel: kernel.20.cloned.1.call-start
scs
__scs_entry_jumppad:
0x0: {  	(pc) =	sbr.rel $0x88, $3  }
0x1: {  	(tag) =	ssettag $0x0;
	lr =	simm.s32 $0x1  }
0x2: {  	[smem:$0x3F97] =	sst lr;
	_ =	strace $0xD0000000  }
0x3: {  	_ = 	snop  }
0x4: {  	_ = 	snop  }
0x5: {  	_ = 	snop  }
0x6: {  	_ = 	snop  }
0x7: {  	_ = 	snop  }
__scs_overlays_trampoline_lowered:
0x8: {  	[smem:$0x3FA6] =	sst s0  }
0x9: {  	[smem:$0x3FA7] =	sst s1  }
0xa: {  	[smem:$0x3FA8] =	sst s2  }
0xb: {  	[smem:$0x3FA9] =	sst s3  }
0xc: {  	[smem:$0x3FAA] =	sst s4  }
0xd: {  	[smem:$0x3FAB] =	sst s5  }
0xe: {  	[smem:$0x3FAC] =	sst s6  }
0xf: {  	[smem:$0x3FAD] =	sst s7  }
0x10: {  	[smem:$0x3FAE] =	sst s8  }
0x11: {  	[smem:$0x3FAF] =	sst s9;
	s0 =	simm.s32 @!p0 $0x0  }
0x12: {  	s1 =	sld [smem:$0x3F95];
	s0 =	simm.s32 @p0 $0x1  }
0x13: {  	[smem:$0x3FB0] =	sst s0;
	s0 =	simm.s32 @!p1 $0x0  }
0x14: {  	s2 =	sld [smem:$0x3F94];
	s0 =	simm.s32 @p1 $0x1  }
0x15: {  	[smem:$0x3FB1] =	sst s0;
	s0 =	simm.s32 @!p2 $0x0  }
0x16: {  	s3 =	sld [smem:$0x3FDB];
	s0 =	simm.s32 @p2 $0x1  }
0x17: {  	s4 =	simm.s32 $0x1BF5;
	[smem:$0x3FB3] =	sst s0  }
0x18: {  	s0 =	sld [smem:$0x3F96];
	_ =	swait.ge [sflag:s4], $0x0  }
0x19: {  	s7 =	sld [smem:$0x3F97]  }
0x1a: {  	s8 =	sadd.s32 $0xFFFFE003, lr  }
0x1b: {  	s9 =	sadd.s32 $0xFFFFFEF7, lr;
	s5 =	simm.s32 $0xFFFFFFFF;
	p2 =	slt.u32 s8, $0xFFFFF086  }
0x1c: {  	p1 =	slt.u32 s9, $0xF7A;
	s5 =	simm.s32 @!p2 $0x0  }
0x1d: {  	s5 =	simm.s32 @p1 $0x1;
	p0 =	seq.s32 s7, s2  }
0x1e: {  	s7 =	smul.u32 @!p0 $0xF7A, s2;
	p2 =	seq.s32 @!p0 s5, $0x0  }
0x1f: {  	s9 =	smul.u32 $0xF7A, s1;
	s8 =	simm.s32 @!p0 $0x1BF5;
	p2 =	por !p2, p0  }
0x20: {  	[sflag:s8] =	ssyncset.s32 @!p0 $0xFFFFF086;
	s6 =	sadd.s32 @!p0 s3, s7;
	s7 =	simm.s32 @!p0 $0x108  }
0x21: {  	s3 =	sadd.s32 s3, s9;
	s6 =	sadd.s32 @!p0 $0x88, s6;
	s7 =	simm.s32 @p2 $0x1082  }
0x22: {  	[simem:s7], [sflag:s8] =	dma.local @!p0 [hbm:s6], $0xF7A  }
0x23: {  	s9 =	sor.u32 $0xD0000000, s2;
	s6 =	simm.s32 $0x108;
	_ =	swait.ge @!p0 [sflag:s8], $0x0  }
0x24: {  	s3 =	sadd.s32 $0x88, s3;
	s6 =	simm.s32 @!p1 $0x1082;
	[sflag:s4] =	ssyncset.s32 $0xFFFFF086  }
0x25: {  	[simem:s6], [sflag:s4] =	dma.local [hbm:s3], $0xF7A  }
0x26: {  	[smem:$0x3F97] =	sst s1;
	(tag) =	ssettag s2;
	_ =	strace s9  }
0x27: {  	s1 =	sld [smem:$0x3FA7]  }
0x28: {  	s2 =	sld [smem:$0x3FA8]  }
0x29: {  	s4 =	sld [smem:$0x3FAA]  }
0x2a: {  	p0 =	seq.s32 s5, $0x0;
	s5 =	sld [smem:$0x3FAB]  }
0x2b: {  	s6 =	sld [smem:$0x3FAC]  }
0x2c: {  	s7 =	sld [smem:$0x3FAD]  }
0x2d: {  	s3 =	simm.s32 $0x108;
	s8 =	sld [smem:$0x3FAE]  }
0x2e: {  	s3 =	simm.s32 @!p0 $0x1082;
	s9 =	sld [smem:$0x3FAF]  }
0x2f: {  	lr =	sadd.s32 s0, s3;
	s0 =	sld [smem:$0x3FA6]  }
0x30: {  	s3 =	sld [smem:$0x3FA9]  }
0x31: {  	[smem:$0x3FB2] =	sst s10  }
0x32: {  	s10 =	sld [smem:$0x3FB0];
	_ =	sdelay $0x3  }
0x33: {  	p0 =	seq.s32 s10, $0x1;
	s10 =	sld [smem:$0x3FB2];
	_ =	sdelay $0x3  }
0x34: {  	[smem:$0x3FB2] =	sst s10  }
0x35: {  	s10 =	sld [smem:$0x3FB1];
	_ =	sdelay $0x3  }
0x36: {  	p1 =	seq.s32 s10, $0x1;
	s10 =	sld [smem:$0x3FB2];
	_ =	sdelay $0x3  }
0x37: {  	[smem:$0x3FB2] =	sst s10  }
0x38: {  	s10 =	sld [smem:$0x3FB3]  }
0x39: {  	_ = 	snop;
	(pc) =	sbr.ind lr, $3  }
0x3a: {  	_ = 	snop  }
0x3b: {  	_ = 	snop  }
0x3c: {  	p2 =	seq.s32 s10, $0x1;
	s10 =	sld [smem:$0x3FB2]  }
0x3d: {  	_ =	shalt  }
0x3e: {  	_ =	shalt  }
0x3f: {  	_ =	shalt  }
0x40: {  	_ =	shalt  }
0x41: {  	_ =	shalt  }
0x42: {  	_ =	shalt  }
0x43: {  	_ =	shalt  }
0x44: {  	_ =	shalt  }
0x45: {  	_ =	shalt  }
0x46: {  	_ =	shalt  }
0x47: {  	_ =	shalt  }
0x48: {  	_ =	shalt  }
0x49: {  	_ =	shalt  }
0x4a: {  	_ =	shalt  }
0x4b: {  	_ =	shalt  }
0x4c: {  	_ =	shalt  }
0x4d: {  	_ =	shalt  }
0x4e: {  	_ =	shalt  }
0x4f: {  	_ =	shalt  }
0x50: {  	_ =	shalt  }
0x51: {  	_ =	shalt  }
0x52: {  	_ =	shalt  }
0x53: {  	_ =	shalt  }
0x54: {  	_ =	shalt  }
0x55: {  	_ =	shalt  }
0x56: {  	_ =	shalt  }
0x57: {  	_ =	shalt  }
0x58: {  	_ =	shalt  }
0x59: {  	_ =	shalt  }
0x5a: {  	_ =	shalt  }
0x5b: {  	_ =	shalt  }
0x5c: {  	_ =	shalt  }
0x5d: {  	_ =	shalt  }
0x5e: {  	_ =	shalt  }
0x5f: {  	_ =	shalt  }
0x60: {  	_ =	shalt  }
0x61: {  	_ =	shalt  }
0x62: {  	_ =	shalt  }
0x63: {  	_ =	shalt  }
0x64: {  	_ =	shalt  }
0x65: {  	_ =	shalt  }
0x66: {  	_ =	shalt  }
0x67: {  	_ =	shalt  }
0x68: {  	_ =	shalt  }
0x69: {  	_ =	shalt  }
0x6a: {  	_ =	shalt  }
0x6b: {  	_ =	shalt  }
0x6c: {  	_ =	shalt  }
0x6d: {  	_ =	shalt  }
0x6e: {  	_ =	shalt  }
0x6f: {  	_ =	shalt  }
0x70: {  	_ =	shalt  }
0x71: {  	_ =	shalt  }
0x72: {  	_ =	shalt  }
0x73: {  	_ =	shalt  }
0x74: {  	_ =	shalt  }
0x75: {  	_ =	shalt  }
0x76: {  	_ =	shalt  }
0x77: {  	_ =	shalt  }
0x78: {  	_ =	shalt  }
0x79: {  	_ =	shalt  }
0x7a: {  	_ =	shalt  }
0x7b: {  	_ =	shalt  }
0x7c: {  	_ =	shalt  }
0x7d: {  	_ =	shalt  }
0x7e: {  	_ =	shalt  }
0x7f: {  	_ =	shalt  }
0x80: {  	_ =	shalt  }
0x81: {  	_ =	shalt  }
0x82: {  	_ =	shalt  }
0x83: {  	_ =	shalt  }
0x84: {  	_ =	shalt  }
0x85: {  	_ =	shalt  }
0x86: {  	_ =	shalt  }
0x87: {  	_ =	shalt  }
.Lfunc_end0:
.L_simem_size_0:
called_computation.3_lowered:
.L_overlay_start_0:
0x88: {  	s2 =	sld [smem:$0x3FD9]  }
0x89: {  	s3 =	sld [smem:$0x3FFE];
	_ =	sdelay $0x1  }
0x8a: {  	s1 =	srdreg.scid  }
0x8b: {  	s0 =	sand.u32 $0x1, s1  }
0x8c: {  	s16 =	sshll.u32 s0, $0xA;
	s2 =	sadd.s32 s3, s2  }
0x8d: {  	s2 =	sadd.s32 s2, s16  }
0x8e: {  	[smem:$0x3FBE] =	sst s2  }
0x8f: {  	_ = 	snop  }
0x90: {  	(tm) =	ssettm $0x1  }
0x91: {  	s17 =	sld [smem:$0x3FFB];
	_ =	sdelay $0x3  }
0x92: {  	_ =	strace s17  }
0x93: {  	s2 =	sld [smem:$0x3FFC];
	_ =	sdelay $0x3  }
0x94: {  	_ =	strace s2  }
0x95: {  	s2 =	sld [smem:$0x3FFD];
	_ =	sdelay $0x3  }
0x96: {  	_ =	strace s2  }
0x97: {  	_ =	strace $0x8FFFFFFF  }
0x98: {  	s18 =	sld [smem:$0x3FDB];
	_ =	sdelay $0x1  }
0x99: {  	s19 =	simm.s32 $_scs_section_size  }
0x9a: {  	s4 =	simm.s32 $_size__tile_overlayer_lowered;
	s5 =	simm.s32 $_tile_overlayer_lowered  }
0x9b: {  	s22 =	simm.s32 $0x1BFF;
	s21 =	sshll.u32 s5, $0x1;
	s2 =	sadd.s32 s19, s18  }
0x9c: {  	s6 =	simm.s32 $0x0;
	s20 =	sshll.u32 s4, $0x1;
	s4 =	sadd.s32 s21, s2  }
0x9d: {  	[timem:s6], [sflag:s22] =	dma.local [hbm:s4], s20  }
0x9e: {  	_ =	swait.ge [sflag:s22], s20  }
0x9f: {  	s3 =	ssub.s32 $0x0, s20;
	[sflag:s22] =	ssyncset.done $0x0  }
0xa0: {  	[sflag:s22] =	ssyncadd.s32 s3;
	_ =	sdelay $0x1  }
0xa1: {  	s23 =	simm.s32 $0x1B8B  }
0xa2: {  	_ =	swait.ge [sflag:s23], $0x1  }
0xa3: {  	[sflag:s23] =	ssyncset.done $0x0  }
0xa4: {  	s25 =	simm.s32 $0x1B8E;
	s24 =	sld [smem:$0x3FFE];
	[sflag:s23] =	ssyncadd.s32 $0xFFFFFFFF  }
0xa5: {  	s26 =	simm.s32 $execute0_lowered;
	[smem:$0x3FD2] =	sst s25  }
0xa6: {  	s4 =	sshll.u32 s26, $0x1;
	_ =	strace $0x8000004F;
	[dreg:$0x1] =	wrdreg $0xFFFFFFFF  }
0xa7: {  	s28 =	simm.s32 $_size_execute0_lowered;
	s2 =	sadd.s32 s2, s4;
	[dreg:$0x0] =	wrdreg $0x0  }
0xa8: {  	s4 =	sshll.u32 s28, $0x1;
	[dreg:$0x2] =	wrdreg s2  }
0xa9: {  	[dreg:$0x3] =	wrdreg s4  }
0xaa: {  	[dreg:$0x4] =	wrdreg $0xC0  }
0xab: {  	_ =	task [dreg:s6], $0x5FFFF  }
0xac: {  	[dreg:$0x1] =	wrdreg $0xFFFFFFFF  }
0xad: {  	[dreg:$0x0] =	wrdreg $0x60  }
0xae: {  	[dreg:$0x2] =	wrdreg s24  }
0xaf: {  	[dreg:$0x3] =	wrdreg $0xC0000  }
0xb0: {  	[dreg:$0x4] =	wrdreg $0x9  }
0xb1: {  	_ =	task.clear_ibuf [dreg:s6], $0x5FFFF;
	_ =	strace $0x9000004F  }
0xb2: {  	s29 =	simm.s32 $0x9;
	_ =	strace $0x80000051  }
0xb3: {  	_ =	swait.ge [sflag:s29], $0x1  }
0xb4: {  	[sflag:s29] =	ssyncadd.s32 $0xFFFFFFFF  }
0xb5: {  	_ =	strace $0x90000051  }
0xb6: {  	_ =	sfence  }
0xb7: {  	s30 =	sld [smem:$0x0];
	_ =	sdelay $0x2  }
0xb8: {  	s31 =	sshll.u32 s1, $0xD;
	s1 =	sshrl.u32 s1, $0x2  }
0xb9: {  	s3 =	sand.u32 $0x4000, s31;
	s1 =	sadd.s32 s1, s30  }
0xba: {  	s0 =	sor.u32 s3, s0;
	s1 =	sshll.u32 s1, $0x11  }
0xbb: {  	s0 =	sor.u32 s1, s0  }
0xbc: {  	s0 =	sadd.s32 $0x8F2B, s0  }
0xbd: {  	[sflag:s0] =	ssyncadd.remote.s32 $0x1  }
0xbe: {  	_ =	sfence.sel $0xFFFF  }
0xbf: {  	[dreg:$0x0] =	wrdreg $0xFFFFFFFF;
	(pc) =	sbr.abs _section_cstart, $3  }
0xc0: {  	[dreg:$0x1] =	wrdreg $0xFFFFFFFF  }
0xc1: {  	_ =	task.clear_ibuf [dreg:s6], $0x2FFFF;
	_ =	strace $0x9FFFFFFF  }
0xc2: {  	(tm) =	ssettm $0x7FFFFFFF  }
0xc3: {  	_ =	shalt  }
tec
execute0_lowered:
.L_overlay_start_1:
0x0: {  	(tag) =	ssettag $0x1  }
0x1: {  	s0 =	rddreg [dreg:$0x0];
	s10 =	stileid.u32  }
0x2: {  	s1 =	rddreg [dreg:$0x1];
	s3 =	simm.s32 $0x0;
	s8 =	smul.u32 $0x13C00, s10  }
0x3: {  	s2 =	srdreg.scid;
	s31 =	simm.s32 $0xA000;
	s19 =	smul.u32 $0x5000, s10  }
0x4: {  	s28 =	simm.s32 $0x0;
	[smem:$0x7FF] =	sst s3;
	s10 =	smul.u32 $0x4F000, s10  }
0x5: {  	s2 =	sand.u32 $0x1, s2;
	s4 =	sadd.s32 $0x2BA00, s0;
	s5 =	sadd.s32 $0x3A00, s0  }
0x6: {  	s6 =	sadd.s32 $0x17A00, s0;
	s7 =	smul.u32 $0x13C000, s2;
	s20 =	sshrl.u32 s10, $0x2  }
0x7: {  	s9 =	smul.u32 $0x50000, s2;
	s2 =	ssub.s32 $0x2, s2;
	s10 =	sadd.s32 s20, s1  }
0x8: {  	_ =	strace $0x80000050;
	s11 =	sshrl.u32 s2, $0x1;
	s22 =	sadd.s32 $0x2000, s10  }
0x9: {  	s7 =	sadd.s32 s8, s7;
	s23 =	sadd.s32 $0x4000, s10;
	[dreg:$0x5] =	wrdreg s22  }
0xa: {  	s2 =	ssub.s32 s2, s11;
	s24 =	sadd.s32 $0x6000, s10;
	[dreg:$0x6] =	wrdreg s23  }
0xb: {  	s7 =	sshrl.u32 s7, $0x3;
	s25 =	sadd.s32 $0x8000, s10;
	[dreg:$0x7] =	wrdreg s24  }
0xc: {  	s26 =	sadd.s32 $0xA000, s10;
	s29 =	sadd.s32 $0xC000, s10;
	[dreg:$0x8] =	wrdreg s25  }
0xd: {  	s30 =	sadd.s32 $0xE000, s10;
	s18 =	sadd.s32 $0x10000, s10;
	[dreg:$0x9] =	wrdreg s26  }
0xe: {  	s0 =	sadd.s32 s7, s0;
	s7 =	sadd.s32 s19, s9;
	[dreg:$0xa] =	wrdreg s29  }
0xf: {  	[dreg:$0xb] =	wrdreg s30;
	s19 =	sadd.s32 $0x12000, s10;
	s22 =	simm.s32 $0x3  }
0x10: {  	s23 =	simm.s32 $0x2000;
	s24 =	simm.s32 $0x40;
	s8 =	sshrl.u32 s7, $0x3  }
0x11: {  	s25 =	simm.s32 $0x4000;
	s26 =	simm.s32 $0x2;
	s21 =	sadd.s32 s5, s8  }
0x12: {  	s20 =	sadd.s32 $0x52C00, s0;
	s8 =	sadd.s32 s6, s8;
	[dreg:$0x3] =	wrdreg s21  }
0x13: {  	v0 =	vimm.f32 $0.0e+00;
	[dreg:$0x4] =	wrdreg s8;
	s21 =	smax.u32 s2, $0x1;
	s2 =	simm.s32 $0x1  }
.LBB2_1:
0x14: {  	s0 =	rddreg [dreg:$0x3]  }
0x15: {  	[tilespmem:s3], [sflag:$0x3] =	stream.linear.gather [hbm4b:s0+s3], $0x1000, $0x38;
	[tilespmem:$0x1FC00] =	vst v63  }
0x16: {  	_ =	swait.ge [sflag:s22], $0x1000  }
0x17: {  	[sflag:s22] =	ssyncset.done $0x0  }
0x18: {  	s14 =	rddreg [dreg:$0x4];
	[sflag:s22] =	ssyncadd.s32 $0xFFFFF000  }
0x19: {  	[tilespmem:s23], [sflag:$0x3] =	stream.linear.gather [hbm4b:s14+s3], $0x1000, $0x38;
	[tilespmem:$0x1FC00] =	vst v63  }
0x1a: {  	_ =	swait.ge [sflag:s22], $0x1000  }
0x1b: {  	s15 =	simm.s32 $0x80;
	s8 =	simm.s32 $0x6000;
	[sflag:s22] =	ssyncset.done $0x0  }
0x1c: {  	s16 =	simm.s32 $0x100;
	s29 =	sand.u32 $0x7E00, s3;
	[sflag:s22] =	ssyncadd.s32 $0xFFFFF000  }
0x1d: {  	[tilespmem:s25], [sflag:$0x1] =	stream.indirect.gather [hbm4b:s4+s24], $0x80, s3, s24, $0xb8;
	[tilespmem:$0x1FC00] =	vst v63  }
0x1e: {  	s17 =	simm.s32 $0x8000;
	s30 =	sand.u32 $0x70, s3;
	s9 =	sshrl.u32 s29, $0x2  }
0x1f: {  	[tilespmem:s8], [sflag:$0x1] =	stream.indirect.gather [hbm4b:s4+s24], $0x80, s15, s24, $0xb8;
	[tilespmem:$0x1FC00] =	vst v63  }
0x20: {  	s0 =	simm.s32 $0x40;
	s9 =	sor.u32 s30, s9;
	s8 =	simm.s32 $0x0  }
0x21: {  	[tilespmem:s17], [sflag:$0x1] =	stream.indirect.gather [hbm4b:s4+s24], $0x80, s16, s24, $0xb8;
	[tilespmem:$0x1FC00] =	vst v63  }
.LBB2_2:
0x22: {  	p0 =	sne.s32 s0, $0x7FC0  }
0x23: {  	[tilespmem:s9+$0xA000] =	vst v0;
	s8 =	sadd.s32 $0x10, s8;
	s9 =	smov.u32 s0;
	s0 =	sadd.s32 $0x40, s0  }
.Ltmp0:
0x24: {  	(pc) =	sbr.rel @p0 .LBB2_2-.Ltmp0, $4  }
0x25: {  	_ = 	snop  }
0x26: {  	s9 =	sand.u32 $0x7E00, s9  }
0x27: {  	s11 =	sand.u32 $0x70, s8;
	s9 =	sshrl.u32 s9, $0x2  }
0x28: {  	s9 =	sor.u32 s11, s9  }
0x29: {  	[tilespmem:s9+$0xA000] =	vst v0  }
0x2a: {  	[spmem:s10] =	stream.linear.scatter [tilespmem:s31], [sflag:$0x3], $0x2000, $0x38;
	[tilespmem:$0x1FC00] =	vst v63  }
0x2b: {  	_ =	swait.ge [sflag:s22], $0x2000  }
0x2c: {  	[sflag:s22] =	ssyncset.done $0x0  }
0x2d: {  	s0 =	rddreg [dreg:$0x5];
	[sflag:s22] =	ssyncadd.s32 $0xFFFFE000  }
0x2e: {  	[spmem:s0] =	stream.linear.scatter [tilespmem:s31], [sflag:$0x3], $0x2000, $0x38;
	[tilespmem:$0x1FC00] =	vst v63  }
0x2f: {  	_ =	swait.ge [sflag:s22], $0x2000  }
0x30: {  	[sflag:s22] =	ssyncset.done $0x0  }
0x31: {  	s8 =	rddreg [dreg:$0x6];
	[sflag:s22] =	ssyncadd.s32 $0xFFFFE000  }
0x32: {  	[spmem:s8] =	stream.linear.scatter [tilespmem:s31], [sflag:$0x3], $0x2000, $0x38;
	[tilespmem:$0x1FC00] =	vst v63  }
0x33: {  	_ =	swait.ge [sflag:s22], $0x2000  }
0x34: {  	[sflag:s22] =	ssyncset.done $0x0  }
0x35: {  	s9 =	rddreg [dreg:$0x7];
	[sflag:s22] =	ssyncadd.s32 $0xFFFFE000  }
0x36: {  	[spmem:s9] =	stream.linear.scatter [tilespmem:s31], [sflag:$0x3], $0x2000, $0x38;
	[tilespmem:$0x1FC00] =	vst v63  }
0x37: {  	_ =	swait.ge [sflag:s22], $0x2000  }
0x38: {  	[sflag:s22] =	ssyncset.done $0x0  }
0x39: {  	s11 =	rddreg [dreg:$0x8];
	[sflag:s22] =	ssyncadd.s32 $0xFFFFE000  }
0x3a: {  	[spmem:s11] =	stream.linear.scatter [tilespmem:s31], [sflag:$0x3], $0x2000, $0x38;
	[tilespmem:$0x1FC00] =	vst v63  }
0x3b: {  	_ =	swait.ge [sflag:s22], $0x2000  }
0x3c: {  	[sflag:s22] =	ssyncset.done $0x0  }
0x3d: {  	s12 =	rddreg [dreg:$0x9];
	[sflag:s22] =	ssyncadd.s32 $0xFFFFE000  }
0x3e: {  	[spmem:s12] =	stream.linear.scatter [tilespmem:s31], [sflag:$0x3], $0x2000, $0x38;
	[tilespmem:$0x1FC00] =	vst v63  }
0x3f: {  	_ =	swait.ge [sflag:s22], $0x2000  }
0x40: {  	[sflag:s22] =	ssyncset.done $0x0  }
0x41: {  	s13 =	rddreg [dreg:$0xa];
	[sflag:s22] =	ssyncadd.s32 $0xFFFFE000  }
0x42: {  	[spmem:s13] =	stream.linear.scatter [tilespmem:s31], [sflag:$0x3], $0x2000, $0x38;
	[tilespmem:$0x1FC00] =	vst v63  }
0x43: {  	_ =	swait.ge [sflag:s22], $0x2000  }
0x44: {  	[sflag:s22] =	ssyncset.done $0x0  }
0x45: {  	s14 =	rddreg [dreg:$0xb];
	[sflag:s22] =	ssyncadd.s32 $0xFFFFE000  }
0x46: {  	[spmem:s14] =	stream.linear.scatter [tilespmem:s31], [sflag:$0x3], $0x2000, $0x38;
	[tilespmem:$0x1FC00] =	vst v63  }
0x47: {  	_ =	swait.ge [sflag:s22], $0x2000  }
0x48: {  	[sflag:s22] =	ssyncset.done $0x0  }
0x49: {  	[sflag:s22] =	ssyncadd.s32 $0xFFFFE000  }
0x4a: {  	[spmem:s18] =	stream.linear.scatter [tilespmem:s31], [sflag:$0x3], $0x2000, $0x38;
	[tilespmem:$0x1FC00] =	vst v63  }
0x4b: {  	_ =	swait.ge [sflag:s22], $0x2000  }
0x4c: {  	[sflag:s22] =	ssyncset.done $0x0  }
0x4d: {  	[sflag:s22] =	ssyncadd.s32 $0xFFFFE000  }
0x4e: {  	[spmem:s19] =	stream.linear.scatter [tilespmem:s31], [sflag:$0x3], $0x1C00, $0x38;
	[tilespmem:$0x1FC00] =	vst v63  }
0x4f: {  	_ =	swait.ge [sflag:s22], $0x1C00  }
0x50: {  	[sflag:s22] =	ssyncset.done $0x0  }
0x51: {  	[sflag:s22] =	ssyncadd.s32 $0xFFFFE400  }
0x52: {  	s29 =	simm.s32 $0x1;
	s16 =	simm.s32 $0x2000;
	[bflag:$0x0] =	sbarrier.arrive $0xFFFF  }
0x53: {  	s15 =	simm.s32 $0x180;
	s0 =	sand.u32 $0x6000, s16;
	_ =	swait.ge [sflag:s29], $0x2000  }
0x54: {  	p1 =	por $0x0, $0x0;
	s0 =	sadd.s32 $0x4000, s0;
	[sflag:s29] =	ssyncset.done $0x0  }
0x55: {  	s8 =	sand.u32 $0x9F, s29;
	s11 =	simm.s32 $0x200;
	[sflag:s29] =	ssyncadd.s32 $0xFFFFE000  }
0x56: {  	[spmem:s1] =	stream.indirect.scatter.add.f32 [tilespmem:s25], [sflag:$0x2], $0x80, s23, s24, $0xb8;
	[tilespmem:$0x1FC00] =	vst v63  }
0x57: {  	p0 =	sne.s32 s8, $0x8;
	s9 =	simm.s32 $0x80;
	s12 =	sand.u32 $0x3E00, s11  }
0x58: {  	[tilespmem:s31], [sflag:$0x1] =	stream.indirect.gather [hbm4b:s4+s24], $0x80, s15, s24, $0xb8;
	[tilespmem:$0x1FC00] =	vst v63  }
0x59: {  	s17 =	sand.u32 $0x1000, s9;
	s12 =	sshrl.u32 s12, $0x2;
	_ =	swait.ge [sflag:s2], $0x2000  }
0x5a: {  	s9 =	sand.u32 @!p0 $0x7FFFB000, s9;
	s8 =	sor.u32 s12, s17;
	[sflag:s2] =	ssyncset.done $0x0  }
0x5b: {  	s12 =	sadd.s32 @!p0 $0x1000, s9;
	s8 =	sor.u32 $0x2000, s8;
	[sflag:s2] =	ssyncadd.s32 $0xFFFFE000  }
0x5c: {  	[spmem:s1] =	stream.indirect.scatter.add.f32 [tilespmem:s0], [sflag:$0x2], $0x80, s8, s24, $0xb8;
	[tilespmem:$0x1FC00] =	vst v63  }
0x5d: {  	s9 =	simm.s32 @!p0 $0x3;
	s0 =	sadd.s32 @!p0 s7, s12;
	_ =	swait.ge [sflag:s26], $0x2000  }
0x5e: {  	s8 =	simm.s32 @!p0 $0x0;
	s0 =	sshrl.u32 @!p0 s0, $0x3;
	[sflag:s26] =	ssyncset.done $0x0  }
0x5f: {  	s12 =	sand.u32 @!p0 $0x1000, s12;
	s13 =	sadd.s32 @!p0 s5, s0;
	[sflag:s26] =	ssyncadd.s32 $0xFFFFE000  }
0x60: {  	[tilespmem:s12], [sflag:$0x3] =	stream.linear.gather @!p0 [hbm4b:s13+s8], $0x1000, $0x38;
	[tilespmem:$0x1FC00] =	vst v63  }
0x61: {  	s30 =	simm.s32 $0x280;
	s14 =	sand.u32 @!p1 $0x1F80, s11;
	_ =	swait.ge @!p0 [sflag:s9], $0x1000  }
0x62: {  	s0 =	sadd.s32 @!p0 s6, s0;
	s13 =	simm.s32 $0x8000;
	[sflag:s9] =	ssyncset.done @!p0 $0x0  }
0x63: {  	s12 =	sor.u32 @!p0 $0x2000, s12;
	s13 =	sand.u32 @!p1 $0x6000, s13;
	[sflag:s9] =	ssyncadd.s32 @!p0 $0xFFFFF000  }
0x64: {  	[tilespmem:s12], [sflag:$0x3] =	stream.linear.gather @!p0 [hbm4b:s0+s8], $0x1000, $0x38;
	[tilespmem:$0x1FC00] =	vst v63  }
0x65: {  	s13 =	sadd.s32 @!p1 $0x4000, s13;
	s0 =	simm.s32 $0x400;
	_ =	swait.ge @!p0 [sflag:s9], $0x1000  }
0x66: {  	s8 =	simm.s32 $0xA000;
	s12 =	simm.s32 @!p1 $0x40;
	[sflag:s9] =	ssyncset.done @!p0 $0x0  }
.LBB2_4:
0x67: {  	[sflag:s9] =	ssyncadd.s32 @!p0 $0xFFFFF000;
	s29 =	sadd.s32 $0x1, s29  }
0x68: {  	s11 =	smov.u32 s30;
	s30 =	sadd.s32 $0x80, s30;
	s15 =	smov.u32 s8  }
0x69: {  	[tilespmem:s13], [sflag:$0x1] =	stream.indirect.gather @!p1 [hbm4b:s4+s12], $0x80, s14, s12, $0xb8;
	[tilespmem:$0x1FC00] =	vst v63  }
0x6a: {  	s9 =	sadd.s32 $0xFFFFA000, s8;
	s12 =	sand.u32 $0x9F, s29;
	_ =	swait.ge [sflag:s2], $0x2000  }
0x6b: {  	s13 =	sadd.s32 $0xFFFFFE80, s11;
	s14 =	sand.u32 $0x3E00, s0;
	p0 =	sne.s32 s12, $0x8  }
0x6c: {  	s12 =	sand.u32 $0x1000, s13;
	s14 =	sshrl.u32 s14, $0x2;
	s13 =	sand.u32 @!p0 $0x7FFFB000, s13  }
0x6d: {  	s12 =	sor.u32 s14, s12;
	s13 =	sadd.s32 @!p0 $0x1000, s13;
	[sflag:s2] =	ssyncset.done $0x0  }
0x6e: {  	s9 =	sand.u32 $0x6000, s9;
	s12 =	sor.u32 $0x2000, s12;
	[sflag:s2] =	ssyncadd.s32 $0xFFFFE000  }
0x6f: {  	s14 =	sadd.s32 $0x4000, s9;
	s9 =	simm.s32 @!p0 $0x3;
	s16 =	sadd.s32 @!p0 s7, s13  }
0x70: {  	[spmem:s1] =	stream.indirect.scatter.add.f32 [tilespmem:s14], [sflag:$0x2], $0x80, s12, s24, $0xb8;
	[tilespmem:$0x1FC00] =	vst v63  }
0x71: {  	s12 =	sshrl.u32 @!p0 s16, $0x3;
	s14 =	simm.s32 @!p0 $0x0;
	_ =	swait.ge [sflag:s26], $0x2000  }
0x72: {  	s13 =	sand.u32 @!p0 $0x1000, s13;
	s16 =	sadd.s32 @!p0 s5, s12;
	[sflag:s26] =	ssyncset.done $0x0  }
0x73: {  	s17 =	sor.u32 @!p0 $0x2000, s13;
	s12 =	sadd.s32 @!p0 s6, s12;
	[sflag:s26] =	ssyncadd.s32 $0xFFFFE000  }
0x74: {  	[tilespmem:s13], [sflag:$0x3] =	stream.linear.gather @!p0 [hbm4b:s16+s14], $0x1000, $0x38;
	[tilespmem:$0x1FC00] =	vst v63  }
0x75: {  	p2 =	sne.s32 s30, $0x5180;
	_ =	swait.ge @!p0 [sflag:s9], $0x1000  }
.Ltmp1:
0x76: {  	s0 =	sadd.s32 $0x200, s0;
	[sflag:s9] =	ssyncset.done @!p0 $0x0;
	(pc) =	sbr.rel @p2 .LBB2_4-.Ltmp1, $4  }
0x77: {  	s8 =	sadd.s32 $0x2000, s8;
	p1 =	sgt.u32 s29, $0x9C;
	[sflag:s9] =	ssyncadd.s32 @!p0 $0xFFFFF000  }
0x78: {  	[tilespmem:s17], [sflag:$0x3] =	stream.linear.gather @!p0 [hbm4b:s12+s14], $0x1000, $0x38;
	[tilespmem:$0x1FC00] =	vst v63  }
0x79: {  	s13 =	sand.u32 @!p1 $0x6000, s15;
	s12 =	simm.s32 @!p1 $0x40;
	_ =	swait.ge @!p0 [sflag:s9], $0x1000  }
0x7a: {  	s13 =	sadd.s32 @!p1 $0x4000, s13;
	s14 =	sand.u32 @!p1 $0x1F80, s11;
	[sflag:s9] =	ssyncset.done @!p0 $0x0  }
0x7b: {  	[sflag:s9] =	ssyncadd.s32 @!p0 $0xFFFFF000  }
0x7c: {  	[tilespmem:s13], [sflag:$0x1] =	stream.indirect.gather @!p1 [hbm4b:s4+s12], $0x80, s14, s12, $0xb8;
	[tilespmem:$0x1FC00] =	vst v63  }
0x7d: {  	s0 =	stileid.u32;
	_ =	swait.ge [sflag:s26], $0x2000  }
0x7e: {  	s8 =	sshrl.u32 s10, $0x3;
	s28 =	sadd.s32 $0x1, s28;
	[sflag:s26] =	ssyncset.done $0x0  }
0x7f: {  	s0 =	sshll.u32 s0, $0x6;
	p0 =	sne.s32 s28, s21;
	[sflag:s26] =	ssyncadd.s32 $0xFFFFE000  }
.Ltmp2:
0x80: {  	s0 =	sor.u32 $0x1C03, s0;
	[bflag:$0x0] =	sbarrier.arrive $0xFFFF;
	(pc) =	sbr.rel @p0 .LBB2_1-.Ltmp2, $4  }
0x81: {  	[hbm:s20], [sflag:s0] =	dma.local [spmem:s8], $0x2780  }
0x82: {  	_ =	swait.ge [sflag:s22], $0x2780  }
0x83: {  	[sflag:s22] =	ssyncset.done $0x0  }
0x84: {  	[sflag:s22] =	ssyncadd.s32 $0xFFFFD880  }
0x85: {  	_ =	sfence.sel $0x180000  }
0x86: {  	[bflag:$0x0] =	sbarrier.arrive $0xFFFF  }
0x87: {  	_ =	strace $0x90000050  }
0x88: {  	s0 =	stileid.u32;
	[bflag:$0x2] =	sbarrier.arrive $0xFFFF  }
0x89: {  	p0 =	sne.s32 s0, $0x0;
	s0 =	rddreg [dreg:$0x2]  }
0x8a: {  	s0 =	sadd.s32 @!p0 $0x100000, s0  }
0x8b: {  	[sflag:s0] =	ssyncadd.tile.s32 @!p0 $0x1;
	_ =	shalt  }
.Lfunc_end2:
_tile_overlayer_lowered:
.L_overlay_start_2:
0x8c: {  	(tag) =	ssettag $0x2  }
0x8d: {  	s0 =	rddreg [dreg:$0x0];
	s2 =	stileid.u32  }
0x8e: {  	s1 =	rddreg [dreg:$0x1];
	p0 =	sne.s32 s2, $0x0  }
0x8f: {  	s3 =	rddreg [dreg:$0x2];
	[bflag:$0x3] =	sbarrier.arrive $0xFFFF;
	s2 =	simm.s32 @!p0 $0x1C03  }
0x90: {  	[timem:s3], [sflag:s2] =	dma.local @!p0 [hbm:s0], s1  }
0x91: {  	s0 =	simm.s32 @!p0 $0x3  }
0x92: {  	_ =	swait.ge @!p0 [sflag:s0], s1  }
0x93: {  	s1 =	ssub.s32 @!p0 $0x0, s1;
	[sflag:s0] =	ssyncset.done @!p0 $0x0  }
0x94: {  	[sflag:s0] =	ssyncadd.s32 @!p0 s1  }
0x95: {  	[bflag:$0x3] =	sbarrier.arrive $0xFFFF  }
0x96: {  	_ =	shalt  }

</sc_bundles>
